<compile_context>
chip_gen: v7x
topology: tpu7x:2x2x1
jax: 0.10.2.dev20260603
libtpu: 0.0.44.dev20260713+nightly
codegen_flags: <defaults>
</compile_context>

<pallas_src>
import functools

import jax
import jax.numpy as jnp
from jax import lax
from jax.experimental import pallas as pl
from jax.experimental.pallas import tpu as pltpu
from jax.experimental.pallas import tpu_sc as plsc

_NC = 2
_NS = 16
_NW = _NC * _NS
_C = 128
_LANES = 16


def _sc_partials(x, row, col, w, n_chunks, e_per_w, n_pad):
    n, d = x.shape
    rows_per_tile = n_pad // _NS
    n_pairs = n_chunks // 2
    mesh = plsc.VectorSubcoreMesh(core_axis_name="c", subcore_axis_name="s",
                                  num_cores=_NC, num_subcores=_NS)

    def body(x_hbm, row_hbm, col_hbm, w_hbm, out_hbm,
             acc, col0, col1, row0, row1, w0, w1, g0, g1,
             sem0, sem1, ssem0, ssem1, esem):
        cid = lax.axis_index("c")
        sid = lax.axis_index("s")
        wid = sid * _NC + cid
        ebase = wid * e_per_w

        zero = jnp.zeros((_LANES,), jnp.float32)

        @pl.loop(0, _C)
        def _zero_buf(i):
            for j in range(d // _LANES):
                g0[i, pl.ds(j * _LANES, _LANES)] = zero

        rbase = sid * rows_per_tile
        nfull = rows_per_tile // _C
        rem = rows_per_tile - nfull * _C
        for k in range(nfull):
            pltpu.sync_copy(g0, acc.at[pl.ds(rbase + k * _C, _C)])
        if rem:
            pltpu.sync_copy(g0.at[pl.ds(0, rem)],
                            acc.at[pl.ds(rbase + nfull * _C, rem)])
        plsc.subcore_barrier()

        def load_issue(ci, colb, rowb, wb, gb, sem, esem):
            eb = ebase + ci * _C
            pltpu.async_copy(row_hbm.at[pl.ds(eb, _C)], rowb, esem)
            pltpu.async_copy(col_hbm.at[pl.ds(eb, _C)], colb, esem)
            pltpu.async_copy(w_hbm.at[pl.ds(eb, _C)], wb, esem)
            pltpu.make_async_copy(row_hbm.at[pl.ds(eb, _C)], rowb, esem).wait()
            pltpu.make_async_copy(col_hbm.at[pl.ds(eb, _C)], colb, esem).wait()
            pltpu.make_async_copy(w_hbm.at[pl.ds(eb, _C)], wb, esem).wait()
            pltpu.async_copy(x_hbm.at[colb], gb, sem)

        def process(colb, rowb, wb, gb, sem, ssem):
            pltpu.make_async_copy(x_hbm.at[colb], gb, sem).wait()

            @plsc.parallel_loop(0, _C // _LANES, unroll=2)
            def _scale(g):
                wvec = wb[pl.ds(g * _LANES, _LANES)]
                for k in range(_LANES):
                    e = g * _LANES + k
                    wv = wvec[k]
                    for j in range(d // _LANES):
                        sl = pl.ds(j * _LANES, _LANES)
                        gb[e, sl] = gb[e, sl] * wv

            pltpu.async_copy(gb, acc.at[rowb], sem=ssem, add=True)

        def drain(gb, rowb, ssem):
            pltpu.make_async_copy(gb, acc.at[rowb], ssem).wait()

        load_issue(0, col0, row0, w0, g0, sem0, esem)

        @pl.loop(0, n_pairs)
        def _main(p):
            @pl.when(p > 0)
            def _():
                drain(g1, row1, ssem1)

            load_issue(2 * p + 1, col1, row1, w1, g1, sem1, esem)
            process(col0, row0, w0, g0, sem0, ssem0)

            @pl.when(p < n_pairs - 1)
            def _():
                drain(g0, row0, ssem0)
                load_issue(2 * p + 2, col0, row0, w0, g0, sem0, esem)

            process(col1, row1, w1, g1, sem1, ssem1)

        drain(g0, row0, ssem0)
        drain(g1, row1, ssem1)
        plsc.subcore_barrier()
        pltpu.sync_copy(acc.at[pl.ds(rbase, rows_per_tile)],
                        out_hbm.at[cid, pl.ds(rbase, rows_per_tile)])

    kern = pl.kernel(
        body,
        out_type=jax.ShapeDtypeStruct((_NC, n_pad, d), jnp.float32),
        mesh=mesh,
        scratch_types=[
            pltpu.VMEM_SHARED((n_pad, d), jnp.float32),
            pltpu.VMEM((_C,), jnp.int32), pltpu.VMEM((_C,), jnp.int32),
            pltpu.VMEM((_C,), jnp.int32), pltpu.VMEM((_C,), jnp.int32),
            pltpu.VMEM((_C,), jnp.float32), pltpu.VMEM((_C,), jnp.float32),
            pltpu.VMEM((_C, d), jnp.float32), pltpu.VMEM((_C, d), jnp.float32),
            pltpu.SemaphoreType.DMA, pltpu.SemaphoreType.DMA,
            pltpu.SemaphoreType.DMA, pltpu.SemaphoreType.DMA,
            pltpu.SemaphoreType.DMA,
        ],
    )
    return kern(x, row, col, w)


def _tc_reduce(partials):
    _, n, d = partials.shape
    br = n // _NS

    def add_body(p_ref, o_ref):
        o_ref[...] = p_ref[0] + p_ref[1]

    return pl.pallas_call(
        add_body,
        grid=(n // br,),
        in_specs=[pl.BlockSpec((_NC, br, d), lambda i: (0, i, 0))],
        out_specs=pl.BlockSpec((br, d), lambda i: (i, 0)),
        out_shape=jax.ShapeDtypeStruct((n, d), jnp.float32),
    )(partials)


def kernel(x, edge_index, edge_weight, idx):
    del idx
    e = edge_weight.shape[0]
    e_per_w = -(-e // (_NW * 2 * _C)) * (2 * _C)
    e_pad = _NW * e_per_w
    pad = e_pad - e
    row = edge_index[0]
    col = edge_index[1]
    if pad:
        zi = jnp.zeros((pad,), row.dtype)
        row = jnp.concatenate([row, zi])
        col = jnp.concatenate([col, zi])
        edge_weight = jnp.concatenate(
            [edge_weight, jnp.zeros((pad,), edge_weight.dtype)])
    n = x.shape[0]
    n_pad = -(-n // (_NS * 8)) * (_NS * 8)
    partials = _sc_partials(x, row, col, edge_weight,
                            e_per_w // _C, e_per_w, n_pad)
    return _tc_reduce(partials)[:n]

# --- scband reference (transcript-rebuilt; emitter-appended) ---
"""Pipeline reference for scband-op-46806553592381 (READ-ONLY COPY).

The authoritative reference and input builder live on the scoring server;
editing this copy changes nothing except your own understanding.
"""

import jax, jax.numpy as jnp
import numpy as np


def setup_inputs(seed: int = 0) -> dict:
    key = jax.random.key(seed)
    k1, k2, k3 = jax.random.split(key, 3)
    N, E, D = 10000, 320000, 128
    x = jax.random.normal(k1, (N, D), dtype=jnp.float32)
    # adjs is a list of sparse [N, N] adjacency matrices in the torch module;
    # we model the selected one (adjs[idx]) in COO form: edge_index + edge_weight.
    edge_index = jax.random.randint(k2, (2, E), 0, N, dtype=jnp.int32)
    edge_weight = jax.random.uniform(k3, (E,), dtype=jnp.float32)
    idx = 0
    return {"x": x, "edge_index": edge_index, "edge_weight": edge_weight, "idx": idx}


def reference(x, edge_index, edge_weight, idx):
    # torch.spmm(adjs[idx], x) where adjs[idx] is sparse COO [N, N].
    # out[r] = sum_{e: row[e]==r} weight[e] * x[col[e]]
    row = edge_index[0]
    col = edge_index[1]
    gathered = x[col] * edge_weight[:, None]          # gather (SparseCore)
    out = jnp.zeros(x.shape, dtype=x.dtype).at[row].add(gathered)  # scatter-add
    return out

if __name__ == "__main__":
    import jax
    _d = setup_inputs()
    print(jax.jit(kernel)(*tuple(_d.values())))

</pallas_src>

<mosaic_0001>
#map = affine_map<(d0, d1) -> (0, 0)>
#map1 = affine_map<(d0, d1) -> (0)>
#map2 = affine_map<(d0, d1) -> (0, 0, 0)>
module attributes {stable_mosaic.version = 14 : i64} {
  func.func @body(%arg0: i32, %arg1: i32, %arg2: memref<10000x128xf32, #tpu.memory_space<hbm>>, %arg3: memref<327680xi32, #tpu.memory_space<hbm>>, %arg4: memref<327680xi32, #tpu.memory_space<hbm>>, %arg5: memref<327680xf32, #tpu.memory_space<hbm>>, %arg6: memref<2x10112x128xf32, #tpu.memory_space<hbm>>, %arg7: memref<10112x128xf32, #tpu.memory_space<vmem_shared>>, %arg8: memref<128xi32, #tpu.memory_space<vmem>>, %arg9: memref<128xi32, #tpu.memory_space<vmem>>, %arg10: memref<128xi32, #tpu.memory_space<vmem>>, %arg11: memref<128xi32, #tpu.memory_space<vmem>>, %arg12: memref<128xf32, #tpu.memory_space<vmem>>, %arg13: memref<128xf32, #tpu.memory_space<vmem>>, %arg14: memref<128x128xf32, #tpu.memory_space<vmem>>, %arg15: memref<128x128xf32, #tpu.memory_space<vmem>>, %arg16: memref<!tpu.dma_semaphore, #tpu.memory_space<semaphore_mem>>, %arg17: memref<!tpu.dma_semaphore, #tpu.memory_space<semaphore_mem>>, %arg18: memref<!tpu.dma_semaphore, #tpu.memory_space<semaphore_mem>>, %arg19: memref<!tpu.dma_semaphore, #tpu.memory_space<semaphore_mem>>, %arg20: memref<!tpu.dma_semaphore, #tpu.memory_space<semaphore_mem>>) attributes {dimension_semantics = [#tpu.dimension_semantics<core_parallel>, #tpu.dimension_semantics<subcore_parallel>], iteration_bounds = array<i64: 2, 16>, scalar_prefetch = 0 : i64, scratch_operands = 14 : i64, tpu.core_type = #tpu.core_type<sc_vector_subcore>, window_params = [{transform_indices = #map}, {transform_indices = #map1}, {transform_indices = #map1}, {transform_indices = #map1}, {transform_indices = #map2}]} {
    %mul3A = arith.constant 2 : i32
    %mul3A_0 = arith.muli %arg1, %mul3A : i32
    %add3A = arith.addi %mul3A_0, %arg0 : i32
    %mul3A_1 = arith.constant 10240 : i32
    %mul3A_2 = arith.muli %add3A, %mul3A_1 : i32
    %broadcast_in_dim3A = arith.constant 0.000000e+00 : f32
    %broadcast_in_dim3A_3 = vector.broadcast %broadcast_in_dim3A : f32 to vector<16xf32>
    %scan3A = arith.constant 0 : i32
    %scan3A_4 = arith.constant 128 : i32
    %scan3A_5 = arith.addi %scan3A, %scan3A_4 : i32
    %scan3A_6 = arith.constant 1 : i32
    scf.for %scan3A_47 = %scan3A to %scan3A_5 step %scan3A_6  : i32 {
      %mul3A_48 = arith.constant 1 : i32
      %mul3A_49 = arith.muli %scan3A_47, %mul3A_48 : i32
      %add3A_50 = arith.constant 0 : i32
      %add3A_51 = arith.addi %add3A_50, %mul3A_49 : i32
      %swap3A = arith.index_cast %add3A_51 : i32 to index
      %swap3A_52 = arith.constant 0 : index
      %swap3A_53 = tpu.vector_load %arg14[%swap3A, %swap3A_52] {strides = array<i32>} : memref<128x128xf32, #tpu.memory_space<vmem>>, vector<1x16xf32>,
      %swap3A_54 = vector.shape_cast %swap3A_53 : vector<1x16xf32> to vector<16xf32>
      %swap3A_55 = vector.shape_cast %broadcast_in_dim3A_3 : vector<16xf32> to vector<1x16xf32>
      tpu.vector_store %arg14[%swap3A, %swap3A_52], %swap3A_55 {strides = array<i32>} : memref<128x128xf32, #tpu.memory_space<vmem>>, vector<1x16xf32>,
      %swap3A_56 = arith.index_cast %add3A_51 : i32 to index
      %swap3A_57 = arith.constant 16 : index
      %swap3A_58 = tpu.vector_load %arg14[%swap3A_56, %swap3A_57] {strides = array<i32>} : memref<128x128xf32, #tpu.memory_space<vmem>>, vector<1x16xf32>,
      %swap3A_59 = vector.shape_cast %swap3A_58 : vector<1x16xf32> to vector<16xf32>
      %swap3A_60 = vector.shape_cast %broadcast_in_dim3A_3 : vector<16xf32> to vector<1x16xf32>
      tpu.vector_store %arg14[%swap3A_56, %swap3A_57], %swap3A_60 {strides = array<i32>} : memref<128x128xf32, #tpu.memory_space<vmem>>, vector<1x16xf32>,
      %swap3A_61 = arith.index_cast %add3A_51 : i32 to index
      %swap3A_62 = arith.constant 32 : index
      %swap3A_63 = tpu.vector_load %arg14[%swap3A_61, %swap3A_62] {strides = array<i32>} : memref<128x128xf32, #tpu.memory_space<vmem>>, vector<1x16xf32>,
      %swap3A_64 = vector.shape_cast %swap3A_63 : vector<1x16xf32> to vector<16xf32>
      %swap3A_65 = vector.shape_cast %broadcast_in_dim3A_3 : vector<16xf32> to vector<1x16xf32>
      tpu.vector_store %arg14[%swap3A_61, %swap3A_62], %swap3A_65 {strides = array<i32>} : memref<128x128xf32, #tpu.memory_space<vmem>>, vector<1x16xf32>,
      %swap3A_66 = arith.index_cast %add3A_51 : i32 to index
      %swap3A_67 = arith.constant 48 : index
      %swap3A_68 = tpu.vector_load %arg14[%swap3A_66, %swap3A_67] {strides = array<i32>} : memref<128x128xf32, #tpu.memory_space<vmem>>, vector<1x16xf32>,
      %swap3A_69 = vector.shape_cast %swap3A_68 : vector<1x16xf32> to vector<16xf32>
      %swap3A_70 = vector.shape_cast %broadcast_in_dim3A_3 : vector<16xf32> to vector<1x16xf32>
      tpu.vector_store %arg14[%swap3A_66, %swap3A_67], %swap3A_70 {strides = array<i32>} : memref<128x128xf32, #tpu.memory_space<vmem>>, vector<1x16xf32>,
      %swap3A_71 = arith.index_cast %add3A_51 : i32 to index
      %swap3A_72 = arith.constant 64 : index
      %swap3A_73 = tpu.vector_load %arg14[%swap3A_71, %swap3A_72] {strides = array<i32>} : memref<128x128xf32, #tpu.memory_space<vmem>>, vector<1x16xf32>,
      %swap3A_74 = vector.shape_cast %swap3A_73 : vector<1x16xf32> to vector<16xf32>
      %swap3A_75 = vector.shape_cast %broadcast_in_dim3A_3 : vector<16xf32> to vector<1x16xf32>
      tpu.vector_store %arg14[%swap3A_71, %swap3A_72], %swap3A_75 {strides = array<i32>} : memref<128x128xf32, #tpu.memory_space<vmem>>, vector<1x16xf32>,
      %swap3A_76 = arith.index_cast %add3A_51 : i32 to index
      %swap3A_77 = arith.constant 80 : index
      %swap3A_78 = tpu.vector_load %arg14[%swap3A_76, %swap3A_77] {strides = array<i32>} : memref<128x128xf32, #tpu.memory_space<vmem>>, vector<1x16xf32>,
      %swap3A_79 = vector.shape_cast %swap3A_78 : vector<1x16xf32> to vector<16xf32>
      %swap3A_80 = vector.shape_cast %broadcast_in_dim3A_3 : vector<16xf32> to vector<1x16xf32>
      tpu.vector_store %arg14[%swap3A_76, %swap3A_77], %swap3A_80 {strides = array<i32>} : memref<128x128xf32, #tpu.memory_space<vmem>>, vector<1x16xf32>,
      %swap3A_81 = arith.index_cast %add3A_51 : i32 to index
      %swap3A_82 = arith.constant 96 : index
      %swap3A_83 = tpu.vector_load %arg14[%swap3A_81, %swap3A_82] {strides = array<i32>} : memref<128x128xf32, #tpu.memory_space<vmem>>, vector<1x16xf32>,
      %swap3A_84 = vector.shape_cast %swap3A_83 : vector<1x16xf32> to vector<16xf32>
      %swap3A_85 = vector.shape_cast %broadcast_in_dim3A_3 : vector<16xf32> to vector<1x16xf32>
      tpu.vector_store %arg14[%swap3A_81, %swap3A_82], %swap3A_85 {strides = array<i32>} : memref<128x128xf32, #tpu.memory_space<vmem>>, vector<1x16xf32>,
      %swap3A_86 = arith.index_cast %add3A_51 : i32 to index
      %swap3A_87 = arith.constant 112 : index
      %swap3A_88 = tpu.vector_load %arg14[%swap3A_86, %swap3A_87] {strides = array<i32>} : memref<128x128xf32, #tpu.memory_space<vmem>>, vector<1x16xf32>,
      %swap3A_89 = vector.shape_cast %swap3A_88 : vector<1x16xf32> to vector<16xf32>
      %swap3A_90 = vector.shape_cast %broadcast_in_dim3A_3 : vector<16xf32> to vector<1x16xf32>
      tpu.vector_store %arg14[%swap3A_86, %swap3A_87], %swap3A_90 {strides = array<i32>} : memref<128x128xf32, #tpu.memory_space<vmem>>, vector<1x16xf32>,
    }
    %scan3A_7 = arith.constant 128 : i32
    %mul3A_8 = arith.constant 632 : i32
    %mul3A_9 = arith.muli %arg1, %mul3A_8 : i32
    %add3A_10 = arith.constant 0 : i32
    %add3A_11 = arith.addi %mul3A_9, %add3A_10 : i32
    "tpu.region"() ({
      %run_scoped3A = tpu.sem_alloc : memref<!tpu.dma_semaphore, #tpu.memory_space<semaphore_mem>>
      %dma_start3A_47 = arith.constant 0 : i32
      %dma_start3A_48 = tpu.memref_slice %arg7[%add3A_11, %dma_start3A_47] : memref<10112x128xf32, #tpu.memory_space<vmem_shared>> -> memref<128x128xf32, #tpu.memory_space<vmem_shared>>
      %dma_start3A_49 = arith.constant 0 : i32
      %dma_start3A_50 = tpu.memref_slice %arg7[%add3A_11, %dma_start3A_49] : memref<10112x128xf32, #tpu.memory_space<vmem_shared>> -> memref<128x128xf32, #tpu.memory_space<vmem_shared>>
      tpu.enqueue_dma source(%arg14 : memref<128x128xf32, #tpu.memory_space<vmem>>) target(%dma_start3A_50 : memref<128x128xf32, #tpu.memory_space<vmem_shared>>) target_semaphore(%run_scoped3A : memref<!tpu.dma_semaphore, #tpu.memory_space<semaphore_mem>>)
      %dma_wait3A_51 = arith.constant 0 : i32
      %dma_wait3A_52 = tpu.memref_slice %arg7[%add3A_11, %dma_wait3A_51] : memref<10112x128xf32, #tpu.memory_space<vmem_shared>> -> memref<128x128xf32, #tpu.memory_space<vmem_shared>>
      %dma_wait3A_53 = arith.constant 0 : i32
      %dma_wait3A_54 = tpu.memref_slice %arg7[%add3A_11, %dma_wait3A_53] : memref<10112x128xf32, #tpu.memory_space<vmem_shared>> -> memref<128x128xf32, #tpu.memory_space<vmem_shared>>
      tpu.wait_dma2 semaphore(%run_scoped3A : memref<!tpu.dma_semaphore, #tpu.memory_space<semaphore_mem>>) src(%arg14 : memref<128x128xf32, #tpu.memory_space<vmem>>) dst(%dma_wait3A_54 : memref<128x128xf32, #tpu.memory_space<vmem_shared>>)
      tpu.yield
    }) : () -> ()
    %add3A_12 = arith.constant 128 : i32
    %add3A_13 = arith.addi %mul3A_9, %add3A_12 : i32
    "tpu.region"() ({
      %run_scoped3A = tpu.sem_alloc : memref<!tpu.dma_semaphore, #tpu.memory_space<semaphore_mem>>
      %dma_start3A_47 = arith.constant 0 : i32
      %dma_start3A_48 = tpu.memref_slice %arg7[%add3A_13, %dma_start3A_47] : memref<10112x128xf32, #tpu.memory_space<vmem_shared>> -> memref<128x128xf32, #tpu.memory_space<vmem_shared>>
      %dma_start3A_49 = arith.constant 0 : i32
      %dma_start3A_50 = tpu.memref_slice %arg7[%add3A_13, %dma_start3A_49] : memref<10112x128xf32, #tpu.memory_space<vmem_shared>> -> memref<128x128xf32, #tpu.memory_space<vmem_shared>>
      tpu.enqueue_dma source(%arg14 : memref<128x128xf32, #tpu.memory_space<vmem>>) target(%dma_start3A_50 : memref<128x128xf32, #tpu.memory_space<vmem_shared>>) target_semaphore(%run_scoped3A : memref<!tpu.dma_semaphore, #tpu.memory_space<semaphore_mem>>)
      %dma_wait3A_51 = arith.constant 0 : i32
      %dma_wait3A_52 = tpu.memref_slice %arg7[%add3A_13, %dma_wait3A_51] : memref<10112x128xf32, #tpu.memory_space<vmem_shared>> -> memref<128x128xf32, #tpu.memory_space<vmem_shared>>
      %dma_wait3A_53 = arith.constant 0 : i32
      %dma_wait3A_54 = tpu.memref_slice %arg7[%add3A_13, %dma_wait3A_53] : memref<10112x128xf32, #tpu.memory_space<vmem_shared>> -> memref<128x128xf32, #tpu.memory_space<vmem_shared>>
      tpu.wait_dma2 semaphore(%run_scoped3A : memref<!tpu.dma_semaphore, #tpu.memory_space<semaphore_mem>>) src(%arg14 : memref<128x128xf32, #tpu.memory_space<vmem>>) dst(%dma_wait3A_54 : memref<128x128xf32, #tpu.memory_space<vmem_shared>>)
      tpu.yield
    }) : () -> ()
    %add3A_14 = arith.constant 256 : i32
    %add3A_15 = arith.addi %mul3A_9, %add3A_14 : i32
    "tpu.region"() ({
      %run_scoped3A = tpu.sem_alloc : memref<!tpu.dma_semaphore, #tpu.memory_space<semaphore_mem>>
      %dma_start3A_47 = arith.constant 0 : i32
      %dma_start3A_48 = tpu.memref_slice %arg7[%add3A_15, %dma_start3A_47] : memref<10112x128xf32, #tpu.memory_space<vmem_shared>> -> memref<128x128xf32, #tpu.memory_space<vmem_shared>>
      %dma_start3A_49 = arith.constant 0 : i32
      %dma_start3A_50 = tpu.memref_slice %arg7[%add3A_15, %dma_start3A_49] : memref<10112x128xf32, #tpu.memory_space<vmem_shared>> -> memref<128x128xf32, #tpu.memory_space<vmem_shared>>
      tpu.enqueue_dma source(%arg14 : memref<128x128xf32, #tpu.memory_space<vmem>>) target(%dma_start3A_50 : memref<128x128xf32, #tpu.memory_space<vmem_shared>>) target_semaphore(%run_scoped3A : memref<!tpu.dma_semaphore, #tpu.memory_space<semaphore_mem>>)
      %dma_wait3A_51 = arith.constant 0 : i32
      %dma_wait3A_52 = tpu.memref_slice %arg7[%add3A_15, %dma_wait3A_51] : memref<10112x128xf32, #tpu.memory_space<vmem_shared>> -> memref<128x128xf32, #tpu.memory_space<vmem_shared>>
      %dma_wait3A_53 = arith.constant 0 : i32
      %dma_wait3A_54 = tpu.memref_slice %arg7[%add3A_15, %dma_wait3A_53] : memref<10112x128xf32, #tpu.memory_space<vmem_shared>> -> memref<128x128xf32, #tpu.memory_space<vmem_shared>>
      tpu.wait_dma2 semaphore(%run_scoped3A : memref<!tpu.dma_semaphore, #tpu.memory_space<semaphore_mem>>) src(%arg14 : memref<128x128xf32, #tpu.memory_space<vmem>>) dst(%dma_wait3A_54 : memref<128x128xf32, #tpu.memory_space<vmem_shared>>)
      tpu.yield
    }) : () -> ()
    %add3A_16 = arith.constant 384 : i32
    %add3A_17 = arith.addi %mul3A_9, %add3A_16 : i32
    "tpu.region"() ({
      %run_scoped3A = tpu.sem_alloc : memref<!tpu.dma_semaphore, #tpu.memory_space<semaphore_mem>>
      %dma_start3A_47 = arith.constant 0 : i32
      %dma_start3A_48 = tpu.memref_slice %arg7[%add3A_17, %dma_start3A_47] : memref<10112x128xf32, #tpu.memory_space<vmem_shared>> -> memref<128x128xf32, #tpu.memory_space<vmem_shared>>
      %dma_start3A_49 = arith.constant 0 : i32
      %dma_start3A_50 = tpu.memref_slice %arg7[%add3A_17, %dma_start3A_49] : memref<10112x128xf32, #tpu.memory_space<vmem_shared>> -> memref<128x128xf32, #tpu.memory_space<vmem_shared>>
      tpu.enqueue_dma source(%arg14 : memref<128x128xf32, #tpu.memory_space<vmem>>) target(%dma_start3A_50 : memref<128x128xf32, #tpu.memory_space<vmem_shared>>) target_semaphore(%run_scoped3A : memref<!tpu.dma_semaphore, #tpu.memory_space<semaphore_mem>>)
      %dma_wait3A_51 = arith.constant 0 : i32
      %dma_wait3A_52 = tpu.memref_slice %arg7[%add3A_17, %dma_wait3A_51] : memref<10112x128xf32, #tpu.memory_space<vmem_shared>> -> memref<128x128xf32, #tpu.memory_space<vmem_shared>>
      %dma_wait3A_53 = arith.constant 0 : i32
      %dma_wait3A_54 = tpu.memref_slice %arg7[%add3A_17, %dma_wait3A_53] : memref<10112x128xf32, #tpu.memory_space<vmem_shared>> -> memref<128x128xf32, #tpu.memory_space<vmem_shared>>
      tpu.wait_dma2 semaphore(%run_scoped3A : memref<!tpu.dma_semaphore, #tpu.memory_space<semaphore_mem>>) src(%arg14 : memref<128x128xf32, #tpu.memory_space<vmem>>) dst(%dma_wait3A_54 : memref<128x128xf32, #tpu.memory_space<vmem_shared>>)
      tpu.yield
    }) : () -> ()
    %add3A_18 = arith.constant 512 : i32
    %add3A_19 = arith.addi %mul3A_9, %add3A_18 : i32
    "tpu.region"() ({
      %run_scoped3A = tpu.sem_alloc : memref<!tpu.dma_semaphore, #tpu.memory_space<semaphore_mem>>
      %dma_start3A_47 = arith.constant 0 : i32
      %dma_start3A_48 = arith.constant 0 : i32
      %dma_start3A_49 = tpu.memref_slice %arg14[%dma_start3A_47, %dma_start3A_48] : memref<128x128xf32, #tpu.memory_space<vmem>> -> memref<120x128xf32, #tpu.memory_space<vmem>>
      %dma_start3A_50 = arith.constant 0 : i32
      %dma_start3A_51 = tpu.memref_slice %arg7[%add3A_19, %dma_start3A_50] : memref<10112x128xf32, #tpu.memory_space<vmem_shared>> -> memref<120x128xf32, #tpu.memory_space<vmem_shared>>
      %dma_start3A_52 = arith.constant 0 : i32
      %dma_start3A_53 = tpu.memref_slice %arg7[%add3A_19, %dma_start3A_52] : memref<10112x128xf32, #tpu.memory_space<vmem_shared>> -> memref<120x128xf32, #tpu.memory_space<vmem_shared>>
      %dma_start3A_54 = arith.constant 0 : i32
      %dma_start3A_55 = arith.constant 0 : i32
      %dma_start3A_56 = tpu.memref_slice %arg14[%dma_start3A_54, %dma_start3A_55] : memref<128x128xf32, #tpu.memory_space<vmem>> -> memref<120x128xf32, #tpu.memory_space<vmem>>
      tpu.enqueue_dma source(%dma_start3A_56 : memref<120x128xf32, #tpu.memory_space<vmem>>) target(%dma_start3A_53 : memref<120x128xf32, #tpu.memory_space<vmem_shared>>) target_semaphore(%run_scoped3A : memref<!tpu.dma_semaphore, #tpu.memory_space<semaphore_mem>>)
      %dma_wait3A_57 = arith.constant 0 : i32
      %dma_wait3A_58 = arith.constant 0 : i32
      %dma_wait3A_59 = tpu.memref_slice %arg14[%dma_wait3A_57, %dma_wait3A_58] : memref<128x128xf32, #tpu.memory_space<vmem>> -> memref<120x128xf32, #tpu.memory_space<vmem>>
      %dma_wait3A_60 = arith.constant 0 : i32
      %dma_wait3A_61 = tpu.memref_slice %arg7[%add3A_19, %dma_wait3A_60] : memref<10112x128xf32, #tpu.memory_space<vmem_shared>> -> memref<120x128xf32, #tpu.memory_space<vmem_shared>>
      %dma_wait3A_62 = arith.constant 0 : i32
      %dma_wait3A_63 = tpu.memref_slice %arg7[%add3A_19, %dma_wait3A_62] : memref<10112x128xf32, #tpu.memory_space<vmem_shared>> -> memref<120x128xf32, #tpu.memory_space<vmem_shared>>
      %dma_wait3A_64 = arith.constant 0 : i32
      %dma_wait3A_65 = arith.constant 0 : i32
      %dma_wait3A_66 = tpu.memref_slice %arg14[%dma_wait3A_64, %dma_wait3A_65] : memref<128x128xf32, #tpu.memory_space<vmem>> -> memref<120x128xf32, #tpu.memory_space<vmem>>
      tpu.wait_dma2 semaphore(%run_scoped3A : memref<!tpu.dma_semaphore, #tpu.memory_space<semaphore_mem>>) src(%dma_wait3A_66 : memref<120x128xf32, #tpu.memory_space<vmem>>) dst(%dma_wait3A_63 : memref<120x128xf32, #tpu.memory_space<vmem_shared>>)
      tpu.yield
    }) : () -> ()
    %barrier3A = arith.constant 0 : index
    tpu.barrier barrier_id(%barrier3A)
    %add3A_20 = arith.constant 0 : i32
    %add3A_21 = arith.addi %mul3A_2, %add3A_20 : i32
    %dma_start3A = tpu.memref_slice %arg3[%add3A_21] : memref<327680xi32, #tpu.memory_space<hbm>> -> memref<128xi32, #tpu.memory_space<hbm>>
    %dma_start3A_22 = tpu.memref_slice %arg3[%add3A_21] : memref<327680xi32, #tpu.memory_space<hbm>> -> memref<128xi32, #tpu.memory_space<hbm>>
    tpu.enqueue_dma source(%dma_start3A_22 : memref<128xi32, #tpu.memory_space<hbm>>) target(%arg10 : memref<128xi32, #tpu.memory_space<vmem>>) target_semaphore(%arg20 : memref<!tpu.dma_semaphore, #tpu.memory_space<semaphore_mem>>)
    %dma_start3A_23 = tpu.memref_slice %arg4[%add3A_21] : memref<327680xi32, #tpu.memory_space<hbm>> -> memref<128xi32, #tpu.memory_space<hbm>>
    %dma_start3A_24 = tpu.memref_slice %arg4[%add3A_21] : memref<327680xi32, #tpu.memory_space<hbm>> -> memref<128xi32, #tpu.memory_space<hbm>>
    tpu.enqueue_dma source(%dma_start3A_24 : memref<128xi32, #tpu.memory_space<hbm>>) target(%arg8 : memref<128xi32, #tpu.memory_space<vmem>>) target_semaphore(%arg20 : memref<!tpu.dma_semaphore, #tpu.memory_space<semaphore_mem>>)
    %dma_start3A_25 = tpu.memref_slice %arg5[%add3A_21] : memref<327680xf32, #tpu.memory_space<hbm>> -> memref<128xf32, #tpu.memory_space<hbm>>
    %dma_start3A_26 = tpu.memref_slice %arg5[%add3A_21] : memref<327680xf32, #tpu.memory_space<hbm>> -> memref<128xf32, #tpu.memory_space<hbm>>
    tpu.enqueue_dma source(%dma_start3A_26 : memref<128xf32, #tpu.memory_space<hbm>>) target(%arg12 : memref<128xf32, #tpu.memory_space<vmem>>) target_semaphore(%arg20 : memref<!tpu.dma_semaphore, #tpu.memory_space<semaphore_mem>>)
    %dma_wait3A = tpu.memref_slice %arg3[%add3A_21] : memref<327680xi32, #tpu.memory_space<hbm>> -> memref<128xi32, #tpu.memory_space<hbm>>
    %dma_wait3A_27 = tpu.memref_slice %arg3[%add3A_21] : memref<327680xi32, #tpu.memory_space<hbm>> -> memref<128xi32, #tpu.memory_space<hbm>>
    tpu.wait_dma2 semaphore(%arg20 : memref<!tpu.dma_semaphore, #tpu.memory_space<semaphore_mem>>) src(%dma_wait3A_27 : memref<128xi32, #tpu.memory_space<hbm>>) dst(%arg10 : memref<128xi32, #tpu.memory_space<vmem>>)
    %dma_wait3A_28 = tpu.memref_slice %arg4[%add3A_21] : memref<327680xi32, #tpu.memory_space<hbm>> -> memref<128xi32, #tpu.memory_space<hbm>>
    %dma_wait3A_29 = tpu.memref_slice %arg4[%add3A_21] : memref<327680xi32, #tpu.memory_space<hbm>> -> memref<128xi32, #tpu.memory_space<hbm>>
    tpu.wait_dma2 semaphore(%arg20 : memref<!tpu.dma_semaphore, #tpu.memory_space<semaphore_mem>>) src(%dma_wait3A_29 : memref<128xi32, #tpu.memory_space<hbm>>) dst(%arg8 : memref<128xi32, #tpu.memory_space<vmem>>)
    %dma_wait3A_30 = tpu.memref_slice %arg5[%add3A_21] : memref<327680xf32, #tpu.memory_space<hbm>> -> memref<128xf32, #tpu.memory_space<hbm>>
    %dma_wait3A_31 = tpu.memref_slice %arg5[%add3A_21] : memref<327680xf32, #tpu.memory_space<hbm>> -> memref<128xf32, #tpu.memory_space<hbm>>
    tpu.wait_dma2 semaphore(%arg20 : memref<!tpu.dma_semaphore, #tpu.memory_space<semaphore_mem>>) src(%dma_wait3A_31 : memref<128xf32, #tpu.memory_space<hbm>>) dst(%arg12 : memref<128xf32, #tpu.memory_space<vmem>>)
    %dma_start3A_32 = arith.constant 0 : i32
    %dma_start3A_33 = arith.constant 0 : i32
    %dma_start3A_34 = tpu.memref_slice %arg2[%dma_start3A_32, %dma_start3A_33] : memref<10000x128xf32, #tpu.memory_space<hbm>> -> memref<10000x128xf32, #tpu.memory_space<hbm>>
    tpu.enqueue_indirect_dma source(%dma_start3A_34 : memref<10000x128xf32, #tpu.memory_space<hbm>>) target(%arg14 : memref<128x128xf32, #tpu.memory_space<vmem>>) offsets(%arg8 : memref<128xi32, #tpu.memory_space<vmem>>) semaphore(%arg16 : memref<!tpu.dma_semaphore, #tpu.memory_space<semaphore_mem>>)
    %scan3A_35 = arith.constant 0 : i32
    %scan3A_36 = arith.constant 40 : i32
    %scan3A_37 = arith.addi %scan3A_35, %scan3A_36 : i32
    %scan3A_38 = arith.constant 1 : i32
    scf.for %scan3A_47 = %scan3A_35 to %scan3A_37 step %scan3A_38  : i32 {
      %mul3A_48 = arith.constant 1 : i32
      %mul3A_49 = arith.muli %scan3A_47, %mul3A_48 : i32
      %add3A_50 = arith.constant 0 : i32
      %add3A_51 = arith.addi %add3A_50, %mul3A_49 : i32
      %gt3A = arith.constant 0 : i32
      %gt3A_52 = arith.cmpi sgt, %add3A_51, %gt3A : i32
      %convert_element_type3A = arith.extui %gt3A_52 : i1 to i32
      %cond3A = arith.constant 0 : i32
      %cond3A_53 = arith.cmpi ne, %convert_element_type3A, %cond3A : i32
      scf.if %cond3A_53 {
        %dma_wait3A_97 = arith.constant 0 : i32
        %dma_wait3A_98 = arith.constant 0 : i32
        %dma_wait3A_99 = tpu.memref_slice %arg7[%dma_wait3A_97, %dma_wait3A_98] : memref<10112x128xf32, #tpu.memory_space<vmem_shared>> -> memref<10112x128xf32, #tpu.memory_space<vmem_shared>>
        tpu.wait_indirect_dma semaphore(%arg19 : memref<!tpu.dma_semaphore, #tpu.memory_space<semaphore_mem>>) src(%arg15 : memref<128x128xf32, #tpu.memory_space<vmem>>) dst(%dma_wait3A_99 : memref<10112x128xf32, #tpu.memory_space<vmem_shared>>)
      } else {
      }
      %mul3A_54 = arith.constant 2 : i32
      %mul3A_55 = arith.muli %mul3A_54, %add3A_51 : i32
      %add3A_56 = arith.constant 1 : i32
      %add3A_57 = arith.addi %mul3A_55, %add3A_56 : i32
      %mul3A_58 = arith.constant 128 : i32
      %mul3A_59 = arith.muli %add3A_57, %mul3A_58 : i32
      %add3A_60 = arith.addi %mul3A_2, %mul3A_59 : i32
      %dma_start3A_61 = tpu.memref_slice %arg3[%add3A_60] : memref<327680xi32, #tpu.memory_space<hbm>> -> memref<128xi32, #tpu.memory_space<hbm>>
      %dma_start3A_62 = tpu.memref_slice %arg3[%add3A_60] : memref<327680xi32, #tpu.memory_space<hbm>> -> memref<128xi32, #tpu.memory_space<hbm>>
      tpu.enqueue_dma source(%dma_start3A_62 : memref<128xi32, #tpu.memory_space<hbm>>) target(%arg11 : memref<128xi32, #tpu.memory_space<vmem>>) target_semaphore(%arg20 : memref<!tpu.dma_semaphore, #tpu.memory_space<semaphore_mem>>)
      %dma_start3A_63 = tpu.memref_slice %arg4[%add3A_60] : memref<327680xi32, #tpu.memory_space<hbm>> -> memref<128xi32, #tpu.memory_space<hbm>>
      %dma_start3A_64 = tpu.memref_slice %arg4[%add3A_60] : memref<327680xi32, #tpu.memory_space<hbm>> -> memref<128xi32, #tpu.memory_space<hbm>>
      tpu.enqueue_dma source(%dma_start3A_64 : memref<128xi32, #tpu.memory_space<hbm>>) target(%arg9 : memref<128xi32, #tpu.memory_space<vmem>>) target_semaphore(%arg20 : memref<!tpu.dma_semaphore, #tpu.memory_space<semaphore_mem>>)
      %dma_start3A_65 = tpu.memref_slice %arg5[%add3A_60] : memref<327680xf32, #tpu.memory_space<hbm>> -> memref<128xf32, #tpu.memory_space<hbm>>
      %dma_start3A_66 = tpu.memref_slice %arg5[%add3A_60] : memref<327680xf32, #tpu.memory_space<hbm>> -> memref<128xf32, #tpu.memory_space<hbm>>
      tpu.enqueue_dma source(%dma_start3A_66 : memref<128xf32, #tpu.memory_space<hbm>>) target(%arg13 : memref<128xf32, #tpu.memory_space<vmem>>) target_semaphore(%arg20 : memref<!tpu.dma_semaphore, #tpu.memory_space<semaphore_mem>>)
      %dma_wait3A_67 = tpu.memref_slice %arg3[%add3A_60] : memref<327680xi32, #tpu.memory_space<hbm>> -> memref<128xi32, #tpu.memory_space<hbm>>
      %dma_wait3A_68 = tpu.memref_slice %arg3[%add3A_60] : memref<327680xi32, #tpu.memory_space<hbm>> -> memref<128xi32, #tpu.memory_space<hbm>>
      tpu.wait_dma2 semaphore(%arg20 : memref<!tpu.dma_semaphore, #tpu.memory_space<semaphore_mem>>) src(%dma_wait3A_68 : memref<128xi32, #tpu.memory_space<hbm>>) dst(%arg11 : memref<128xi32, #tpu.memory_space<vmem>>)
      %dma_wait3A_69 = tpu.memref_slice %arg4[%add3A_60] : memref<327680xi32, #tpu.memory_space<hbm>> -> memref<128xi32, #tpu.memory_space<hbm>>
      %dma_wait3A_70 = tpu.memref_slice %arg4[%add3A_60] : memref<327680xi32, #tpu.memory_space<hbm>> -> memref<128xi32, #tpu.memory_space<hbm>>
      tpu.wait_dma2 semaphore(%arg20 : memref<!tpu.dma_semaphore, #tpu.memory_space<semaphore_mem>>) src(%dma_wait3A_70 : memref<128xi32, #tpu.memory_space<hbm>>) dst(%arg9 : memref<128xi32, #tpu.memory_space<vmem>>)
      %dma_wait3A_71 = tpu.memref_slice %arg5[%add3A_60] : memref<327680xf32, #tpu.memory_space<hbm>> -> memref<128xf32, #tpu.memory_space<hbm>>
      %dma_wait3A_72 = tpu.memref_slice %arg5[%add3A_60] : memref<327680xf32, #tpu.memory_space<hbm>> -> memref<128xf32, #tpu.memory_space<hbm>>
      tpu.wait_dma2 semaphore(%arg20 : memref<!tpu.dma_semaphore, #tpu.memory_space<semaphore_mem>>) src(%dma_wait3A_72 : memref<128xf32, #tpu.memory_space<hbm>>) dst(%arg13 : memref<128xf32, #tpu.memory_space<vmem>>)
      %dma_start3A_73 = arith.constant 0 : i32
      %dma_start3A_74 = arith.constant 0 : i32
      %dma_start3A_75 = tpu.memref_slice %arg2[%dma_start3A_73, %dma_start3A_74] : memref<10000x128xf32, #tpu.memory_space<hbm>> -> memref<10000x128xf32, #tpu.memory_space<hbm>>
      tpu.enqueue_indirect_dma source(%dma_start3A_75 : memref<10000x128xf32, #tpu.memory_space<hbm>>) target(%arg15 : memref<128x128xf32, #tpu.memory_space<vmem>>) offsets(%arg9 : memref<128xi32, #tpu.memory_space<vmem>>) semaphore(%arg17 : memref<!tpu.dma_semaphore, #tpu.memory_space<semaphore_mem>>)
      %dma_wait3A_76 = arith.constant 0 : i32
      %dma_wait3A_77 = arith.constant 0 : i32
      %dma_wait3A_78 = tpu.memref_slice %arg2[%dma_wait3A_76, %dma_wait3A_77] : memref<10000x128xf32, #tpu.memory_space<hbm>> -> memref<10000x128xf32, #tpu.memory_space<hbm>>
      tpu.wait_indirect_dma semaphore(%arg16 : memref<!tpu.dma_semaphore, #tpu.memory_space<semaphore_mem>>) src(%dma_wait3A_78 : memref<10000x128xf32, #tpu.memory_space<hbm>>) dst(%arg14 : memref<128x128xf32, #tpu.memory_space<vmem>>)
      %parallel_loop3A = arith.constant 0 : i32
      %parallel_loop3A_79 = arith.constant 8 : i32
      %parallel_loop3A_80 = arith.constant 1 : i32
      scf.for %parallel_loop3A_97 = %parallel_loop3A to %parallel_loop3A_79 step %parallel_loop3A_80  : i32 {
        %parallel_loop3A_98 = arith.constant 16 : i32
        %parallel_loop3A_99 = arith.muli %parallel_loop3A_97, %parallel_loop3A_98 : i32
        %parallel_loop3A_100 = arith.index_cast %parallel_loop3A_99 : i32 to index
        %parallel_loop3A_101 = tpu.vector_load %arg12[%parallel_loop3A_100] {strides = array<i32>} : memref<128xf32, #tpu.memory_space<vmem>>, vector<16xf32>,
        %parallel_loop3A_102 = vector.shape_cast %parallel_loop3A_101 : vector<16xf32> to vector<16xf32>
        %parallel_loop3A_103 = arith.constant 16 : i32
        %parallel_loop3A_104 = arith.muli %parallel_loop3A_97, %parallel_loop3A_103 : i32
        %parallel_loop3A_105 = arith.constant 0 : i32
        %parallel_loop3A_106 = arith.addi %parallel_loop3A_104, %parallel_loop3A_105 : i32
        %parallel_loop3A_107 = vector.extract_strided_slice %parallel_loop3A_102 {offsets = [0], sizes = [1], strides = [1]} : vector<16xf32> to vector<1xf32>
        %parallel_loop3A_108 = vector.extract %parallel_loop3A_107[0] : f32 from vector<1xf32>
        %parallel_loop3A_109 = arith.index_cast %parallel_loop3A_106 : i32 to index
        %parallel_loop3A_110 = arith.constant 0 : index
        %parallel_loop3A_111 = tpu.vector_load %arg14[%parallel_loop3A_109, %parallel_loop3A_110] {strides = array<i32>} : memref<128x128xf32, #tpu.memory_space<vmem>>, vector<1x16xf32>,
        %parallel_loop3A_112 = vector.shape_cast %parallel_loop3A_111 : vector<1x16xf32> to vector<16xf32>
        %parallel_loop3A_113 = vector.broadcast %parallel_loop3A_108 : f32 to vector<16xf32>
        %parallel_loop3A_114 = arith.mulf %parallel_loop3A_112, %parallel_loop3A_113 : vector<16xf32>
        %parallel_loop3A_115 = arith.index_cast %parallel_loop3A_106 : i32 to index
        %parallel_loop3A_116 = arith.constant 0 : index
        %parallel_loop3A_117 = tpu.vector_load %arg14[%parallel_loop3A_115, %parallel_loop3A_116] {strides = array<i32>} : memref<128x128xf32, #tpu.memory_space<vmem>>, vector<1x16xf32>,
        %parallel_loop3A_118 = vector.shape_cast %parallel_loop3A_117 : vector<1x16xf32> to vector<16xf32>
        %parallel_loop3A_119 = vector.shape_cast %parallel_loop3A_114 : vector<16xf32> to vector<1x16xf32>
        tpu.vector_store %arg14[%parallel_loop3A_115, %parallel_loop3A_116], %parallel_loop3A_119 {strides = array<i32>} : memref<128x128xf32, #tpu.memory_space<vmem>>, vector<1x16xf32>,
        %parallel_loop3A_120 = arith.index_cast %parallel_loop3A_106 : i32 to index
        %parallel_loop3A_121 = arith.constant 16 : index
        %parallel_loop3A_122 = tpu.vector_load %arg14[%parallel_loop3A_120, %parallel_loop3A_121] {strides = array<i32>} : memref<128x128xf32, #tpu.memory_space<vmem>>, vector<1x16xf32>,
        %parallel_loop3A_123 = vector.shape_cast %parallel_loop3A_122 : vector<1x16xf32> to vector<16xf32>
        %parallel_loop3A_124 = vector.broadcast %parallel_loop3A_108 : f32 to vector<16xf32>
        %parallel_loop3A_125 = arith.mulf %parallel_loop3A_123, %parallel_loop3A_124 : vector<16xf32>
        %parallel_loop3A_126 = arith.index_cast %parallel_loop3A_106 : i32 to index
        %parallel_loop3A_127 = arith.constant 16 : index
        %parallel_loop3A_128 = tpu.vector_load %arg14[%parallel_loop3A_126, %parallel_loop3A_127] {strides = array<i32>} : memref<128x128xf32, #tpu.memory_space<vmem>>, vector<1x16xf32>,
        %parallel_loop3A_129 = vector.shape_cast %parallel_loop3A_128 : vector<1x16xf32> to vector<16xf32>
        %parallel_loop3A_130 = vector.shape_cast %parallel_loop3A_125 : vector<16xf32> to vector<1x16xf32>
        tpu.vector_store %arg14[%parallel_loop3A_126, %parallel_loop3A_127], %parallel_loop3A_130 {strides = array<i32>} : memref<128x128xf32, #tpu.memory_space<vmem>>, vector<1x16xf32>,
        %parallel_loop3A_131 = arith.index_cast %parallel_loop3A_106 : i32 to index
        %parallel_loop3A_132 = arith.constant 32 : index
        %parallel_loop3A_133 = tpu.vector_load %arg14[%parallel_loop3A_131, %parallel_loop3A_132] {strides = array<i32>} : memref<128x128xf32, #tpu.memory_space<vmem>>, vector<1x16xf32>,
        %parallel_loop3A_134 = vector.shape_cast %parallel_loop3A_133 : vector<1x16xf32> to vector<16xf32>
        %parallel_loop3A_135 = vector.broadcast %parallel_loop3A_108 : f32 to vector<16xf32>
        %parallel_loop3A_136 = arith.mulf %parallel_loop3A_134, %parallel_loop3A_135 : vector<16xf32>
        %parallel_loop3A_137 = arith.index_cast %parallel_loop3A_106 : i32 to index
        %parallel_loop3A_138 = arith.constant 32 : index
        %parallel_loop3A_139 = tpu.vector_load %arg14[%parallel_loop3A_137, %parallel_loop3A_138] {strides = array<i32>} : memref<128x128xf32, #tpu.memory_space<vmem>>, vector<1x16xf32>,
        %parallel_loop3A_140 = vector.shape_cast %parallel_loop3A_139 : vector<1x16xf32> to vector<16xf32>
        %parallel_loop3A_141 = vector.shape_cast %parallel_loop3A_136 : vector<16xf32> to vector<1x16xf32>
        tpu.vector_store %arg14[%parallel_loop3A_137, %parallel_loop3A_138], %parallel_loop3A_141 {strides = array<i32>} : memref<128x128xf32, #tpu.memory_space<vmem>>, vector<1x16xf32>,
        %parallel_loop3A_142 = arith.index_cast %parallel_loop3A_106 : i32 to index
        %parallel_loop3A_143 = arith.constant 48 : index
        %parallel_loop3A_144 = tpu.vector_load %arg14[%parallel_loop3A_142, %parallel_loop3A_143] {strides = array<i32>} : memref<128x128xf32, #tpu.memory_space<vmem>>, vector<1x16xf32>,
        %parallel_loop3A_145 = vector.shape_cast %parallel_loop3A_144 : vector<1x16xf32> to vector<16xf32>
        %parallel_loop3A_146 = vector.broadcast %parallel_loop3A_108 : f32 to vector<16xf32>
        %parallel_loop3A_147 = arith.mulf %parallel_loop3A_145, %parallel_loop3A_146 : vector<16xf32>
        %parallel_loop3A_148 = arith.index_cast %parallel_loop3A_106 : i32 to index
        %parallel_loop3A_149 = arith.constant 48 : index
        %parallel_loop3A_150 = tpu.vector_load %arg14[%parallel_loop3A_148, %parallel_loop3A_149] {strides = array<i32>} : memref<128x128xf32, #tpu.memory_space<vmem>>, vector<1x16xf32>,
        %parallel_loop3A_151 = vector.shape_cast %parallel_loop3A_150 : vector<1x16xf32> to vector<16xf32>
        %parallel_loop3A_152 = vector.shape_cast %parallel_loop3A_147 : vector<16xf32> to vector<1x16xf32>
        tpu.vector_store %arg14[%parallel_loop3A_148, %parallel_loop3A_149], %parallel_loop3A_152 {strides = array<i32>} : memref<128x128xf32, #tpu.memory_space<vmem>>, vector<1x16xf32>,
        %parallel_loop3A_153 = arith.index_cast %parallel_loop3A_106 : i32 to index
        %parallel_loop3A_154 = arith.constant 64 : index
        %parallel_loop3A_155 = tpu.vector_load %arg14[%parallel_loop3A_153, %parallel_loop3A_154] {strides = array<i32>} : memref<128x128xf32, #tpu.memory_space<vmem>>, vector<1x16xf32>,
        %parallel_loop3A_156 = vector.shape_cast %parallel_loop3A_155 : vector<1x16xf32> to vector<16xf32>
        %parallel_loop3A_157 = vector.broadcast %parallel_loop3A_108 : f32 to vector<16xf32>
        %parallel_loop3A_158 = arith.mulf %parallel_loop3A_156, %parallel_loop3A_157 : vector<16xf32>
        %parallel_loop3A_159 = arith.index_cast %parallel_loop3A_106 : i32 to index
        %parallel_loop3A_160 = arith.constant 64 : index
        %parallel_loop3A_161 = tpu.vector_load %arg14[%parallel_loop3A_159, %parallel_loop3A_160] {strides = array<i32>} : memref<128x128xf32, #tpu.memory_space<vmem>>, vector<1x16xf32>,
        %parallel_loop3A_162 = vector.shape_cast %parallel_loop3A_161 : vector<1x16xf32> to vector<16xf32>
        %parallel_loop3A_163 = vector.shape_cast %parallel_loop3A_158 : vector<16xf32> to vector<1x16xf32>
        tpu.vector_store %arg14[%parallel_loop3A_159, %parallel_loop3A_160], %parallel_loop3A_163 {strides = array<i32>} : memref<128x128xf32, #tpu.memory_space<vmem>>, vector<1x16xf32>,
        %parallel_loop3A_164 = arith.index_cast %parallel_loop3A_106 : i32 to index
        %parallel_loop3A_165 = arith.constant 80 : index
        %parallel_loop3A_166 = tpu.vector_load %arg14[%parallel_loop3A_164, %parallel_loop3A_165] {strides = array<i32>} : memref<128x128xf32, #tpu.memory_space<vmem>>, vector<1x16xf32>,
        %parallel_loop3A_167 = vector.shape_cast %parallel_loop3A_166 : vector<1x16xf32> to vector<16xf32>
        %parallel_loop3A_168 = vector.broadcast %parallel_loop3A_108 : f32 to vector<16xf32>
        %parallel_loop3A_169 = arith.mulf %parallel_loop3A_167, %parallel_loop3A_168 : vector<16xf32>
        %parallel_loop3A_170 = arith.index_cast %parallel_loop3A_106 : i32 to index
        %parallel_loop3A_171 = arith.constant 80 : index
        %parallel_loop3A_172 = tpu.vector_load %arg14[%parallel_loop3A_170, %parallel_loop3A_171] {strides = array<i32>} : memref<128x128xf32, #tpu.memory_space<vmem>>, vector<1x16xf32>,
        %parallel_loop3A_173 = vector.shape_cast %parallel_loop3A_172 : vector<1x16xf32> to vector<16xf32>
        %parallel_loop3A_174 = vector.shape_cast %parallel_loop3A_169 : vector<16xf32> to vector<1x16xf32>
        tpu.vector_store %arg14[%parallel_loop3A_170, %parallel_loop3A_171], %parallel_loop3A_174 {strides = array<i32>} : memref<128x128xf32, #tpu.memory_space<vmem>>, vector<1x16xf32>,
        %parallel_loop3A_175 = arith.index_cast %parallel_loop3A_106 : i32 to index
        %parallel_loop3A_176 = arith.constant 96 : index
        %parallel_loop3A_177 = tpu.vector_load %arg14[%parallel_loop3A_175, %parallel_loop3A_176] {strides = array<i32>} : memref<128x128xf32, #tpu.memory_space<vmem>>, vector<1x16xf32>,
        %parallel_loop3A_178 = vector.shape_cast %parallel_loop3A_177 : vector<1x16xf32> to vector<16xf32>
        %parallel_loop3A_179 = vector.broadcast %parallel_loop3A_108 : f32 to vector<16xf32>
        %parallel_loop3A_180 = arith.mulf %parallel_loop3A_178, %parallel_loop3A_179 : vector<16xf32>
        %parallel_loop3A_181 = arith.index_cast %parallel_loop3A_106 : i32 to index
        %parallel_loop3A_182 = arith.constant 96 : index
        %parallel_loop3A_183 = tpu.vector_load %arg14[%parallel_loop3A_181, %parallel_loop3A_182] {strides = array<i32>} : memref<128x128xf32, #tpu.memory_space<vmem>>, vector<1x16xf32>,
        %parallel_loop3A_184 = vector.shape_cast %parallel_loop3A_183 : vector<1x16xf32> to vector<16xf32>
        %parallel_loop3A_185 = vector.shape_cast %parallel_loop3A_180 : vector<16xf32> to vector<1x16xf32>
        tpu.vector_store %arg14[%parallel_loop3A_181, %parallel_loop3A_182], %parallel_loop3A_185 {strides = array<i32>} : memref<128x128xf32, #tpu.memory_space<vmem>>, vector<1x16xf32>,
        %parallel_loop3A_186 = arith.index_cast %parallel_loop3A_106 : i32 to index
        %parallel_loop3A_187 = arith.constant 112 : index
        %parallel_loop3A_188 = tpu.vector_load %arg14[%parallel_loop3A_186, %parallel_loop3A_187] {strides = array<i32>} : memref<128x128xf32, #tpu.memory_space<vmem>>, vector<1x16xf32>,
        %parallel_loop3A_189 = vector.shape_cast %parallel_loop3A_188 : vector<1x16xf32> to vector<16xf32>
        %parallel_loop3A_190 = vector.broadcast %parallel_loop3A_108 : f32 to vector<16xf32>
        %parallel_loop3A_191 = arith.mulf %parallel_loop3A_189, %parallel_loop3A_190 : vector<16xf32>
        %parallel_loop3A_192 = arith.index_cast %parallel_loop3A_106 : i32 to index
        %parallel_loop3A_193 = arith.constant 112 : index
        %parallel_loop3A_194 = tpu.vector_load %arg14[%parallel_loop3A_192, %parallel_loop3A_193] {strides = array<i32>} : memref<128x128xf32, #tpu.memory_space<vmem>>, vector<1x16xf32>,
        %parallel_loop3A_195 = vector.shape_cast %parallel_loop3A_194 : vector<1x16xf32> to vector<16xf32>
        %parallel_loop3A_196 = vector.shape_cast %parallel_loop3A_191 : vector<16xf32> to vector<1x16xf32>
        tpu.vector_store %arg14[%parallel_loop3A_192, %parallel_loop3A_193], %parallel_loop3A_196 {strides = array<i32>} : memref<128x128xf32, #tpu.memory_space<vmem>>, vector<1x16xf32>,
        %parallel_loop3A_197 = arith.constant 16 : i32
        %parallel_loop3A_198 = arith.muli %parallel_loop3A_97, %parallel_loop3A_197 : i32
        %parallel_loop3A_199 = arith.constant 1 : i32
        %parallel_loop3A_200 = arith.addi %parallel_loop3A_198, %parallel_loop3A_199 : i32
        %parallel_loop3A_201 = vector.extract_strided_slice %parallel_loop3A_102 {offsets = [1], sizes = [1], strides = [1]} : vector<16xf32> to vector<1xf32>
        %parallel_loop3A_202 = vector.extract %parallel_loop3A_201[0] : f32 from vector<1xf32>
        %parallel_loop3A_203 = arith.index_cast %parallel_loop3A_200 : i32 to index
        %parallel_loop3A_204 = arith.constant 0 : index
        %parallel_loop3A_205 = tpu.vector_load %arg14[%parallel_loop3A_203, %parallel_loop3A_204] {strides = array<i32>} : memref<128x128xf32, #tpu.memory_space<vmem>>, vector<1x16xf32>,
        %parallel_loop3A_206 = vector.shape_cast %parallel_loop3A_205 : vector<1x16xf32> to vector<16xf32>
        %parallel_loop3A_207 = vector.broadcast %parallel_loop3A_202 : f32 to vector<16xf32>
        %parallel_loop3A_208 = arith.mulf %parallel_loop3A_206, %parallel_loop3A_207 : vector<16xf32>
        %parallel_loop3A_209 = arith.index_cast %parallel_loop3A_200 : i32 to index
        %parallel_loop3A_210 = arith.constant 0 : index
        %parallel_loop3A_211 = tpu.vector_load %arg14[%parallel_loop3A_209, %parallel_loop3A_210] {strides = array<i32>} : memref<128x128xf32, #tpu.memory_space<vmem>>, vector<1x16xf32>,
        %parallel_loop3A_212 = vector.shape_cast %parallel_loop3A_211 : vector<1x16xf32> to vector<16xf32>
        %parallel_loop3A_213 = vector.shape_cast %parallel_loop3A_208 : vector<16xf32> to vector<1x16xf32>
        tpu.vector_store %arg14[%parallel_loop3A_209, %parallel_loop3A_210], %parallel_loop3A_213 {strides = array<i32>} : memref<128x128xf32, #tpu.memory_space<vmem>>, vector<1x16xf32>,
        %parallel_loop3A_214 = arith.index_cast %parallel_loop3A_200 : i32 to index
        %parallel_loop3A_215 = arith.constant 16 : index
        %parallel_loop3A_216 = tpu.vector_load %arg14[%parallel_loop3A_214, %parallel_loop3A_215] {strides = array<i32>} : memref<128x128xf32, #tpu.memory_space<vmem>>, vector<1x16xf32>,
        %parallel_loop3A_217 = vector.shape_cast %parallel_loop3A_216 : vector<1x16xf32> to vector<16xf32>
        %parallel_loop3A_218 = vector.broadcast %parallel_loop3A_202 : f32 to vector<16xf32>
        %parallel_loop3A_219 = arith.mulf %parallel_loop3A_217, %parallel_loop3A_218 : vector<16xf32>
        %parallel_loop3A_220 = arith.index_cast %parallel_loop3A_200 : i32 to index
        %parallel_loop3A_221 = arith.constant 16 : index
        %parallel_loop3A_222 = tpu.vector_load %arg14[%parallel_loop3A_220, %parallel_loop3A_221] {strides = array<i32>} : memref<128x128xf32, #tpu.memory_space<vmem>>, vector<1x16xf32>,
        %parallel_loop3A_223 = vector.shape_cast %parallel_loop3A_222 : vector<1x16xf32> to vector<16xf32>
        %parallel_loop3A_224 = vector.shape_cast %parallel_loop3A_219 : vector<16xf32> to vector<1x16xf32>
        tpu.vector_store %arg14[%parallel_loop3A_220, %parallel_loop3A_221], %parallel_loop3A_224 {strides = array<i32>} : memref<128x128xf32, #tpu.memory_space<vmem>>, vector<1x16xf32>,
        %parallel_loop3A_225 = arith.index_cast %parallel_loop3A_200 : i32 to index
        %parallel_loop3A_226 = arith.constant 32 : index
        %parallel_loop3A_227 = tpu.vector_load %arg14[%parallel_loop3A_225, %parallel_loop3A_226] {strides = array<i32>} : memref<128x128xf32, #tpu.memory_space<vmem>>, vector<1x16xf32>,
        %parallel_loop3A_228 = vector.shape_cast %parallel_loop3A_227 : vector<1x16xf32> to vector<16xf32>
        %parallel_loop3A_229 = vector.broadcast %parallel_loop3A_202 : f32 to vector<16xf32>
        %parallel_loop3A_230 = arith.mulf %parallel_loop3A_228, %parallel_loop3A_229 : vector<16xf32>
        %parallel_loop3A_231 = arith.index_cast %parallel_loop3A_200 : i32 to index
        %parallel_loop3A_232 = arith.constant 32 : index
        %parallel_loop3A_233 = tpu.vector_load %arg14[%parallel_loop3A_231, %parallel_loop3A_232] {strides = array<i32>} : memref<128x128xf32, #tpu.memory_space<vmem>>, vector<1x16xf32>,
        %parallel_loop3A_234 = vector.shape_cast %parallel_loop3A_233 : vector<1x16xf32> to vector<16xf32>
        %parallel_loop3A_235 = vector.shape_cast %parallel_loop3A_230 : vector<16xf32> to vector<1x16xf32>
        tpu.vector_store %arg14[%parallel_loop3A_231, %parallel_loop3A_232], %parallel_loop3A_235 {strides = array<i32>} : memref<128x128xf32, #tpu.memory_space<vmem>>, vector<1x16xf32>,
        %parallel_loop3A_236 = arith.index_cast %parallel_loop3A_200 : i32 to index
        %parallel_loop3A_237 = arith.constant 48 : index
        %parallel_loop3A_238 = tpu.vector_load %arg14[%parallel_loop3A_236, %parallel_loop3A_237] {strides = array<i32>} : memref<128x128xf32, #tpu.memory_space<vmem>>, vector<1x16xf32>,
        %parallel_loop3A_239 = vector.shape_cast %parallel_loop3A_238 : vector<1x16xf32> to vector<16xf32>
        %parallel_loop3A_240 = vector.broadcast %parallel_loop3A_202 : f32 to vector<16xf32>
        %parallel_loop3A_241 = arith.mulf %parallel_loop3A_239, %parallel_loop3A_240 : vector<16xf32>
        %parallel_loop3A_242 = arith.index_cast %parallel_loop3A_200 : i32 to index
        %parallel_loop3A_243 = arith.constant 48 : index
        %parallel_loop3A_244 = tpu.vector_load %arg14[%parallel_loop3A_242, %parallel_loop3A_243] {strides = array<i32>} : memref<128x128xf32, #tpu.memory_space<vmem>>, vector<1x16xf32>,
        %parallel_loop3A_245 = vector.shape_cast %parallel_loop3A_244 : vector<1x16xf32> to vector<16xf32>
        %parallel_loop3A_246 = vector.shape_cast %parallel_loop3A_241 : vector<16xf32> to vector<1x16xf32>
        tpu.vector_store %arg14[%parallel_loop3A_242, %parallel_loop3A_243], %parallel_loop3A_246 {strides = array<i32>} : memref<128x128xf32, #tpu.memory_space<vmem>>, vector<1x16xf32>,
        %parallel_loop3A_247 = arith.index_cast %parallel_loop3A_200 : i32 to index
        %parallel_loop3A_248 = arith.constant 64 : index
        %parallel_loop3A_249 = tpu.vector_load %arg14[%parallel_loop3A_247, %parallel_loop3A_248] {strides = array<i32>} : memref<128x128xf32, #tpu.memory_space<vmem>>, vector<1x16xf32>,
        %parallel_loop3A_250 = vector.shape_cast %parallel_loop3A_249 : vector<1x16xf32> to vector<16xf32>
        %parallel_loop3A_251 = vector.broadcast %parallel_loop3A_202 : f32 to vector<16xf32>
        %parallel_loop3A_252 = arith.mulf %parallel_loop3A_250, %parallel_loop3A_251 : vector<16xf32>
        %parallel_loop3A_253 = arith.index_cast %parallel_loop3A_200 : i32 to index
        %parallel_loop3A_254 = arith.constant 64 : index
        %parallel_loop3A_255 = tpu.vector_load %arg14[%parallel_loop3A_253, %parallel_loop3A_254] {strides = array<i32>} : memref<128x128xf32, #tpu.memory_space<vmem>>, vector<1x16xf32>,
        %parallel_loop3A_256 = vector.shape_cast %parallel_loop3A_255 : vector<1x16xf32> to vector<16xf32>
        %parallel_loop3A_257 = vector.shape_cast %parallel_loop3A_252 : vector<16xf32> to vector<1x16xf32>
        tpu.vector_store %arg14[%parallel_loop3A_253, %parallel_loop3A_254], %parallel_loop3A_257 {strides = array<i32>} : memref<128x128xf32, #tpu.memory_space<vmem>>, vector<1x16xf32>,
        %parallel_loop3A_258 = arith.index_cast %parallel_loop3A_200 : i32 to index
        %parallel_loop3A_259 = arith.constant 80 : index
        %parallel_loop3A_260 = tpu.vector_load %arg14[%parallel_loop3A_258, %parallel_loop3A_259] {strides = array<i32>} : memref<128x128xf32, #tpu.memory_space<vmem>>, vector<1x16xf32>,
        %parallel_loop3A_261 = vector.shape_cast %parallel_loop3A_260 : vector<1x16xf32> to vector<16xf32>
        %parallel_loop3A_262 = vector.broadcast %parallel_loop3A_202 : f32 to vector<16xf32>
        %parallel_loop3A_263 = arith.mulf %parallel_loop3A_261, %parallel_loop3A_262 : vector<16xf32>
        %parallel_loop3A_264 = arith.index_cast %parallel_loop3A_200 : i32 to index
        %parallel_loop3A_265 = arith.constant 80 : index
        %parallel_loop3A_266 = tpu.vector_load %arg14[%parallel_loop3A_264, %parallel_loop3A_265] {strides = array<i32>} : memref<128x128xf32, #tpu.memory_space<vmem>>, vector<1x16xf32>,
        %parallel_loop3A_267 = vector.shape_cast %parallel_loop3A_266 : vector<1x16xf32> to vector<16xf32>
        %parallel_loop3A_268 = vector.shape_cast %parallel_loop3A_263 : vector<16xf32> to vector<1x16xf32>
        tpu.vector_store %arg14[%parallel_loop3A_264, %parallel_loop3A_265], %parallel_loop3A_268 {strides = array<i32>} : memref<128x128xf32, #tpu.memory_space<vmem>>, vector<1x16xf32>,
        %parallel_loop3A_269 = arith.index_cast %parallel_loop3A_200 : i32 to index
        %parallel_loop3A_270 = arith.constant 96 : index
        %parallel_loop3A_271 = tpu.vector_load %arg14[%parallel_loop3A_269, %parallel_loop3A_270] {strides = array<i32>} : memref<128x128xf32, #tpu.memory_space<vmem>>, vector<1x16xf32>,
        %parallel_loop3A_272 = vector.shape_cast %parallel_loop3A_271 : vector<1x16xf32> to vector<16xf32>
        %parallel_loop3A_273 = vector.broadcast %parallel_loop3A_202 : f32 to vector<16xf32>
        %parallel_loop3A_274 = arith.mulf %parallel_loop3A_272, %parallel_loop3A_273 : vector<16xf32>
        %parallel_loop3A_275 = arith.index_cast %parallel_loop3A_200 : i32 to index
        %parallel_loop3A_276 = arith.constant 96 : index
        %parallel_loop3A_277 = tpu.vector_load %arg14[%parallel_loop3A_275, %parallel_loop3A_276] {strides = array<i32>} : memref<128x128xf32, #tpu.memory_space<vmem>>, vector<1x16xf32>,
        %parallel_loop3A_278 = vector.shape_cast %parallel_loop3A_277 : vector<1x16xf32> to vector<16xf32>
        %parallel_loop3A_279 = vector.shape_cast %parallel_loop3A_274 : vector<16xf32> to vector<1x16xf32>
        tpu.vector_store %arg14[%parallel_loop3A_275, %parallel_loop3A_276], %parallel_loop3A_279 {strides = array<i32>} : memref<128x128xf32, #tpu.memory_space<vmem>>, vector<1x16xf32>,
        %parallel_loop3A_280 = arith.index_cast %parallel_loop3A_200 : i32 to index
        %parallel_loop3A_281 = arith.constant 112 : index
        %parallel_loop3A_282 = tpu.vector_load %arg14[%parallel_loop3A_280, %parallel_loop3A_281] {strides = array<i32>} : memref<128x128xf32, #tpu.memory_space<vmem>>, vector<1x16xf32>,
        %parallel_loop3A_283 = vector.shape_cast %parallel_loop3A_282 : vector<1x16xf32> to vector<16xf32>
        %parallel_loop3A_284 = vector.broadcast %parallel_loop3A_202 : f32 to vector<16xf32>
        %parallel_loop3A_285 = arith.mulf %parallel_loop3A_283, %parallel_loop3A_284 : vector<16xf32>
        %parallel_loop3A_286 = arith.index_cast %parallel_loop3A_200 : i32 to index
        %parallel_loop3A_287 = arith.constant 112 : index
        %parallel_loop3A_288 = tpu.vector_load %arg14[%parallel_loop3A_286, %parallel_loop3A_287] {strides = array<i32>} : memref<128x128xf32, #tpu.memory_space<vmem>>, vector<1x16xf32>,
        %parallel_loop3A_289 = vector.shape_cast %parallel_loop3A_288 : vector<1x16xf32> to vector<16xf32>
        %parallel_loop3A_290 = vector.shape_cast %parallel_loop3A_285 : vector<16xf32> to vector<1x16xf32>
        tpu.vector_store %arg14[%parallel_loop3A_286, %parallel_loop3A_287], %parallel_loop3A_290 {strides = array<i32>} : memref<128x128xf32, #tpu.memory_space<vmem>>, vector<1x16xf32>,
        %parallel_loop3A_291 = arith.constant 16 : i32
        %parallel_loop3A_292 = arith.muli %parallel_loop3A_97, %parallel_loop3A_291 : i32
        %parallel_loop3A_293 = arith.constant 2 : i32
        %parallel_loop3A_294 = arith.addi %parallel_loop3A_292, %parallel_loop3A_293 : i32
        %parallel_loop3A_295 = vector.extract_strided_slice %parallel_loop3A_102 {offsets = [2], sizes = [1], strides = [1]} : vector<16xf32> to vector<1xf32>
        %parallel_loop3A_296 = vector.extract %parallel_loop3A_295[0] : f32 from vector<1xf32>
        %parallel_loop3A_297 = arith.index_cast %parallel_loop3A_294 : i32 to index
        %parallel_loop3A_298 = arith.constant 0 : index
        %parallel_loop3A_299 = tpu.vector_load %arg14[%parallel_loop3A_297, %parallel_loop3A_298] {strides = array<i32>} : memref<128x128xf32, #tpu.memory_space<vmem>>, vector<1x16xf32>,
        %parallel_loop3A_300 = vector.shape_cast %parallel_loop3A_299 : vector<1x16xf32> to vector<16xf32>
        %parallel_loop3A_301 = vector.broadcast %parallel_loop3A_296 : f32 to vector<16xf32>
        %parallel_loop3A_302 = arith.mulf %parallel_loop3A_300, %parallel_loop3A_301 : vector<16xf32>
        %parallel_loop3A_303 = arith.index_cast %parallel_loop3A_294 : i32 to index
        %parallel_loop3A_304 = arith.constant 0 : index
        %parallel_loop3A_305 = tpu.vector_load %arg14[%parallel_loop3A_303, %parallel_loop3A_304] {strides = array<i32>} : memref<128x128xf32, #tpu.memory_space<vmem>>, vector<1x16xf32>,
        %parallel_loop3A_306 = vector.shape_cast %parallel_loop3A_305 : vector<1x16xf32> to vector<16xf32>
        %parallel_loop3A_307 = vector.shape_cast %parallel_loop3A_302 : vector<16xf32> to vector<1x16xf32>
        tpu.vector_store %arg14[%parallel_loop3A_303, %parallel_loop3A_304], %parallel_loop3A_307 {strides = array<i32>} : memref<128x128xf32, #tpu.memory_space<vmem>>, vector<1x16xf32>,
        %parallel_loop3A_308 = arith.index_cast %parallel_loop3A_294 : i32 to index
        %parallel_loop3A_309 = arith.constant 16 : index
        %parallel_loop3A_310 = tpu.vector_load %arg14[%parallel_loop3A_308, %parallel_loop3A_309] {strides = array<i32>} : memref<128x128xf32, #tpu.memory_space<vmem>>, vector<1x16xf32>,
        %parallel_loop3A_311 = vector.shape_cast %parallel_loop3A_310 : vector<1x16xf32> to vector<16xf32>
        %parallel_loop3A_312 = vector.broadcast %parallel_loop3A_296 : f32 to vector<16xf32>
        %parallel_loop3A_313 = arith.mulf %parallel_loop3A_311, %parallel_loop3A_312 : vector<16xf32>
        %parallel_loop3A_314 = arith.index_cast %parallel_loop3A_294 : i32 to index
        %parallel_loop3A_315 = arith.constant 16 : index
        %parallel_loop3A_316 = tpu.vector_load %arg14[%parallel_loop3A_314, %parallel_loop3A_315] {strides = array<i32>} : memref<128x128xf32, #tpu.memory_space<vmem>>, vector<1x16xf32>,
        %parallel_loop3A_317 = vector.shape_cast %parallel_loop3A_316 : vector<1x16xf32> to vector<16xf32>
        %parallel_loop3A_318 = vector.shape_cast %parallel_loop3A_313 : vector<16xf32> to vector<1x16xf32>
        tpu.vector_store %arg14[%parallel_loop3A_314, %parallel_loop3A_315], %parallel_loop3A_318 {strides = array<i32>} : memref<128x128xf32, #tpu.memory_space<vmem>>, vector<1x16xf32>,
        %parallel_loop3A_319 = arith.index_cast %parallel_loop3A_294 : i32 to index
        %parallel_loop3A_320 = arith.constant 32 : index
        %parallel_loop3A_321 = tpu.vector_load %arg14[%parallel_loop3A_319, %parallel_loop3A_320] {strides = array<i32>} : memref<128x128xf32, #tpu.memory_space<vmem>>, vector<1x16xf32>,
        %parallel_loop3A_322 = vector.shape_cast %parallel_loop3A_321 : vector<1x16xf32> to vector<16xf32>
        %parallel_loop3A_323 = vector.broadcast %parallel_loop3A_296 : f32 to vector<16xf32>
        %parallel_loop3A_324 = arith.mulf %parallel_loop3A_322, %parallel_loop3A_323 : vector<16xf32>
        %parallel_loop3A_325 = arith.index_cast %parallel_loop3A_294 : i32 to index
        %parallel_loop3A_326 = arith.constant 32 : index
        %parallel_loop3A_327 = tpu.vector_load %arg14[%parallel_loop3A_325, %parallel_loop3A_326] {strides = array<i32>} : memref<128x128xf32, #tpu.memory_space<vmem>>, vector<1x16xf32>,
        %parallel_loop3A_328 = vector.shape_cast %parallel_loop3A_327 : vector<1x16xf32> to vector<16xf32>
        %parallel_loop3A_329 = vector.shape_cast %parallel_loop3A_324 : vector<16xf32> to vector<1x16xf32>
        tpu.vector_store %arg14[%parallel_loop3A_325, %parallel_loop3A_326], %parallel_loop3A_329 {strides = array<i32>} : memref<128x128xf32, #tpu.memory_space<vmem>>, vector<1x16xf32>,
        %parallel_loop3A_330 = arith.index_cast %parallel_loop3A_294 : i32 to index
        %parallel_loop3A_331 = arith.constant 48 : index
        %parallel_loop3A_332 = tpu.vector_load %arg14[%parallel_loop3A_330, %parallel_loop3A_331] {strides = array<i32>} : memref<128x128xf32, #tpu.memory_space<vmem>>, vector<1x16xf32>,
        %parallel_loop3A_333 = vector.shape_cast %parallel_loop3A_332 : vector<1x16xf32> to vector<16xf32>
        %parallel_loop3A_334 = vector.broadcast %parallel_loop3A_296 : f32 to vector<16xf32>
        %parallel_loop3A_335 = arith.mulf %parallel_loop3A_333, %parallel_loop3A_334 : vector<16xf32>
        %parallel_loop3A_336 = arith.index_cast %parallel_loop3A_294 : i32 to index
        %parallel_loop3A_337 = arith.constant 48 : index
        %parallel_loop3A_338 = tpu.vector_load %arg14[%parallel_loop3A_336, %parallel_loop3A_337] {strides = array<i32>} : memref<128x128xf32, #tpu.memory_space<vmem>>, vector<1x16xf32>,
        %parallel_loop3A_339 = vector.shape_cast %parallel_loop3A_338 : vector<1x16xf32> to vector<16xf32>
        %parallel_loop3A_340 = vector.shape_cast %parallel_loop3A_335 : vector<16xf32> to vector<1x16xf32>
        tpu.vector_store %arg14[%parallel_loop3A_336, %parallel_loop3A_337], %parallel_loop3A_340 {strides = array<i32>} : memref<128x128xf32, #tpu.memory_space<vmem>>, vector<1x16xf32>,
        %parallel_loop3A_341 = arith.index_cast %parallel_loop3A_294 : i32 to index
        %parallel_loop3A_342 = arith.constant 64 : index
        %parallel_loop3A_343 = tpu.vector_load %arg14[%parallel_loop3A_341, %parallel_loop3A_342] {strides = array<i32>} : memref<128x128xf32, #tpu.memory_space<vmem>>, vector<1x16xf32>,
        %parallel_loop3A_344 = vector.shape_cast %parallel_loop3A_343 : vector<1x16xf32> to vector<16xf32>
        %parallel_loop3A_345 = vector.broadcast %parallel_loop3A_296 : f32 to vector<16xf32>
        %parallel_loop3A_346 = arith.mulf %parallel_loop3A_344, %parallel_loop3A_345 : vector<16xf32>
        %parallel_loop3A_347 = arith.index_cast %parallel_loop3A_294 : i32 to index
        %parallel_loop3A_348 = arith.constant 64 : index
        %parallel_loop3A_349 = tpu.vector_load %arg14[%parallel_loop3A_347, %parallel_loop3A_348] {strides = array<i32>} : memref<128x128xf32, #tpu.memory_space<vmem>>, vector<1x16xf32>,
        %parallel_loop3A_350 = vector.shape_cast %parallel_loop3A_349 : vector<1x16xf32> to vector<16xf32>
        %parallel_loop3A_351 = vector.shape_cast %parallel_loop3A_346 : vector<16xf32> to vector<1x16xf32>
        tpu.vector_store %arg14[%parallel_loop3A_347, %parallel_loop3A_348], %parallel_loop3A_351 {strides = array<i32>} : memref<128x128xf32, #tpu.memory_space<vmem>>, vector<1x16xf32>,
        %parallel_loop3A_352 = arith.index_cast %parallel_loop3A_294 : i32 to index
        %parallel_loop3A_353 = arith.constant 80 : index
        %parallel_loop3A_354 = tpu.vector_load %arg14[%parallel_loop3A_352, %parallel_loop3A_353] {strides = array<i32>} : memref<128x128xf32, #tpu.memory_space<vmem>>, vector<1x16xf32>,
        %parallel_loop3A_355 = vector.shape_cast %parallel_loop3A_354 : vector<1x16xf32> to vector<16xf32>
        %parallel_loop3A_356 = vector.broadcast %parallel_loop3A_296 : f32 to vector<16xf32>
        %parallel_loop3A_357 = arith.mulf %parallel_loop3A_355, %parallel_loop3A_356 : vector<16xf32>
        %parallel_loop3A_358 = arith.index_cast %parallel_loop3A_294 : i32 to index
        %parallel_loop3A_359 = arith.constant 80 : index
        %parallel_loop3A_360 = tpu.vector_load %arg14[%parallel_loop3A_358, %parallel_loop3A_359] {strides = array<i32>} : memref<128x128xf32, #tpu.memory_space<vmem>>, vector<1x16xf32>,
        %parallel_loop3A_361 = vector.shape_cast %parallel_loop3A_360 : vector<1x16xf32> to vector<16xf32>
        %parallel_loop3A_362 = vector.shape_cast %parallel_loop3A_357 : vector<16xf32> to vector<1x16xf32>
        tpu.vector_store %arg14[%parallel_loop3A_358, %parallel_loop3A_359], %parallel_loop3A_362 {strides = array<i32>} : memref<128x128xf32, #tpu.memory_space<vmem>>, vector<1x16xf32>,
        %parallel_loop3A_363 = arith.index_cast %parallel_loop3A_294 : i32 to index
        %parallel_loop3A_364 = arith.constant 96 : index
        %parallel_loop3A_365 = tpu.vector_load %arg14[%parallel_loop3A_363, %parallel_loop3A_364] {strides = array<i32>} : memref<128x128xf32, #tpu.memory_space<vmem>>, vector<1x16xf32>,
        %parallel_loop3A_366 = vector.shape_cast %parallel_loop3A_365 : vector<1x16xf32> to vector<16xf32>
        %parallel_loop3A_367 = vector.broadcast %parallel_loop3A_296 : f32 to vector<16xf32>
        %parallel_loop3A_368 = arith.mulf %parallel_loop3A_366, %parallel_loop3A_367 : vector<16xf32>
        %parallel_loop3A_369 = arith.index_cast %parallel_loop3A_294 : i32 to index
        %parallel_loop3A_370 = arith.constant 96 : index
        %parallel_loop3A_371 = tpu.vector_load %arg14[%parallel_loop3A_369, %parallel_loop3A_370] {strides = array<i32>} : memref<128x128xf32, #tpu.memory_space<vmem>>, vector<1x16xf32>,
        %parallel_loop3A_372 = vector.shape_cast %parallel_loop3A_371 : vector<1x16xf32> to vector<16xf32>
        %parallel_loop3A_373 = vector.shape_cast %parallel_loop3A_368 : vector<16xf32> to vector<1x16xf32>
        tpu.vector_store %arg14[%parallel_loop3A_369, %parallel_loop3A_370], %parallel_loop3A_373 {strides = array<i32>} : memref<128x128xf32, #tpu.memory_space<vmem>>, vector<1x16xf32>,
        %parallel_loop3A_374 = arith.index_cast %parallel_loop3A_294 : i32 to index
        %parallel_loop3A_375 = arith.constant 112 : index
        %parallel_loop3A_376 = tpu.vector_load %arg14[%parallel_loop3A_374, %parallel_loop3A_375] {strides = array<i32>} : memref<128x128xf32, #tpu.memory_space<vmem>>, vector<1x16xf32>,
        %parallel_loop3A_377 = vector.shape_cast %parallel_loop3A_376 : vector<1x16xf32> to vector<16xf32>
        %parallel_loop3A_378 = vector.broadcast %parallel_loop3A_296 : f32 to vector<16xf32>
        %parallel_loop3A_379 = arith.mulf %parallel_loop3A_377, %parallel_loop3A_378 : vector<16xf32>
        %parallel_loop3A_380 = arith.index_cast %parallel_loop3A_294 : i32 to index
        %parallel_loop3A_381 = arith.constant 112 : index
        %parallel_loop3A_382 = tpu.vector_load %arg14[%parallel_loop3A_380, %parallel_loop3A_381] {strides = array<i32>} : memref<128x128xf32, #tpu.memory_space<vmem>>, vector<1x16xf32>,
        %parallel_loop3A_383 = vector.shape_cast %parallel_loop3A_382 : vector<1x16xf32> to vector<16xf32>
        %parallel_loop3A_384 = vector.shape_cast %parallel_loop3A_379 : vector<16xf32> to vector<1x16xf32>
        tpu.vector_store %arg14[%parallel_loop3A_380, %parallel_loop3A_381], %parallel_loop3A_384 {strides = array<i32>} : memref<128x128xf32, #tpu.memory_space<vmem>>, vector<1x16xf32>,
        %parallel_loop3A_385 = arith.constant 16 : i32
        %parallel_loop3A_386 = arith.muli %parallel_loop3A_97, %parallel_loop3A_385 : i32
        %parallel_loop3A_387 = arith.constant 3 : i32
        %parallel_loop3A_388 = arith.addi %parallel_loop3A_386, %parallel_loop3A_387 : i32
        %parallel_loop3A_389 = vector.extract_strided_slice %parallel_loop3A_102 {offsets = [3], sizes = [1], strides = [1]} : vector<16xf32> to vector<1xf32>
        %parallel_loop3A_390 = vector.extract %parallel_loop3A_389[0] : f32 from vector<1xf32>
        %parallel_loop3A_391 = arith.index_cast %parallel_loop3A_388 : i32 to index
        %parallel_loop3A_392 = arith.constant 0 : index
        %parallel_loop3A_393 = tpu.vector_load %arg14[%parallel_loop3A_391, %parallel_loop3A_392] {strides = array<i32>} : memref<128x128xf32, #tpu.memory_space<vmem>>, vector<1x16xf32>,
        %parallel_loop3A_394 = vector.shape_cast %parallel_loop3A_393 : vector<1x16xf32> to vector<16xf32>
        %parallel_loop3A_395 = vector.broadcast %parallel_loop3A_390 : f32 to vector<16xf32>
        %parallel_loop3A_396 = arith.mulf %parallel_loop3A_394, %parallel_loop3A_395 : vector<16xf32>
        %parallel_loop3A_397 = arith.index_cast %parallel_loop3A_388 : i32 to index
        %parallel_loop3A_398 = arith.constant 0 : index
        %parallel_loop3A_399 = tpu.vector_load %arg14[%parallel_loop3A_397, %parallel_loop3A_398] {strides = array<i32>} : memref<128x128xf32, #tpu.memory_space<vmem>>, vector<1x16xf32>,
        %parallel_loop3A_400 = vector.shape_cast %parallel_loop3A_399 : vector<1x16xf32> to vector<16xf32>
        %parallel_loop3A_401 = vector.shape_cast %parallel_loop3A_396 : vector<16xf32> to vector<1x16xf32>
        tpu.vector_store %arg14[%parallel_loop3A_397, %parallel_loop3A_398], %parallel_loop3A_401 {strides = array<i32>} : memref<128x128xf32, #tpu.memory_space<vmem>>, vector<1x16xf32>,
        %parallel_loop3A_402 = arith.index_cast %parallel_loop3A_388 : i32 to index
        %parallel_loop3A_403 = arith.constant 16 : index
        %parallel_loop3A_404 = tpu.vector_load %arg14[%parallel_loop3A_402, %parallel_loop3A_403] {strides = array<i32>} : memref<128x128xf32, #tpu.memory_space<vmem>>, vector<1x16xf32>,
        %parallel_loop3A_405 = vector.shape_cast %parallel_loop3A_404 : vector<1x16xf32> to vector<16xf32>
        %parallel_loop3A_406 = vector.broadcast %parallel_loop3A_390 : f32 to vector<16xf32>
        %parallel_loop3A_407 = arith.mulf %parallel_loop3A_405, %parallel_loop3A_406 : vector<16xf32>
        %parallel_loop3A_408 = arith.index_cast %parallel_loop3A_388 : i32 to index
        %parallel_loop3A_409 = arith.constant 16 : index
        %parallel_loop3A_410 = tpu.vector_load %arg14[%parallel_loop3A_408, %parallel_loop3A_409] {strides = array<i32>} : memref<128x128xf32, #tpu.memory_space<vmem>>, vector<1x16xf32>,
        %parallel_loop3A_411 = vector.shape_cast %parallel_loop3A_410 : vector<1x16xf32> to vector<16xf32>
        %parallel_loop3A_412 = vector.shape_cast %parallel_loop3A_407 : vector<16xf32> to vector<1x16xf32>
        tpu.vector_store %arg14[%parallel_loop3A_408, %parallel_loop3A_409], %parallel_loop3A_412 {strides = array<i32>} : memref<128x128xf32, #tpu.memory_space<vmem>>, vector<1x16xf32>,
        %parallel_loop3A_413 = arith.index_cast %parallel_loop3A_388 : i32 to index
        %parallel_loop3A_414 = arith.constant 32 : index
        %parallel_loop3A_415 = tpu.vector_load %arg14[%parallel_loop3A_413, %parallel_loop3A_414] {strides = array<i32>} : memref<128x128xf32, #tpu.memory_space<vmem>>, vector<1x16xf32>,
        %parallel_loop3A_416 = vector.shape_cast %parallel_loop3A_415 : vector<1x16xf32> to vector<16xf32>
        %parallel_loop3A_417 = vector.broadcast %parallel_loop3A_390 : f32 to vector<16xf32>
        %parallel_loop3A_418 = arith.mulf %parallel_loop3A_416, %parallel_loop3A_417 : vector<16xf32>
        %parallel_loop3A_419 = arith.index_cast %parallel_loop3A_388 : i32 to index
        %parallel_loop3A_420 = arith.constant 32 : index
        %parallel_loop3A_421 = tpu.vector_load %arg14[%parallel_loop3A_419, %parallel_loop3A_420] {strides = array<i32>} : memref<128x128xf32, #tpu.memory_space<vmem>>, vector<1x16xf32>,
        %parallel_loop3A_422 = vector.shape_cast %parallel_loop3A_421 : vector<1x16xf32> to vector<16xf32>
        %parallel_loop3A_423 = vector.shape_cast %parallel_loop3A_418 : vector<16xf32> to vector<1x16xf32>
        tpu.vector_store %arg14[%parallel_loop3A_419, %parallel_loop3A_420], %parallel_loop3A_423 {strides = array<i32>} : memref<128x128xf32, #tpu.memory_space<vmem>>, vector<1x16xf32>,
        %parallel_loop3A_424 = arith.index_cast %parallel_loop3A_388 : i32 to index
        %parallel_loop3A_425 = arith.constant 48 : index
        %parallel_loop3A_426 = tpu.vector_load %arg14[%parallel_loop3A_424, %parallel_loop3A_425] {strides = array<i32>} : memref<128x128xf32, #tpu.memory_space<vmem>>, vector<1x16xf32>,
        %parallel_loop3A_427 = vector.shape_cast %parallel_loop3A_426 : vector<1x16xf32> to vector<16xf32>
        %parallel_loop3A_428 = vector.broadcast %parallel_loop3A_390 : f32 to vector<16xf32>
        %parallel_loop3A_429 = arith.mulf %parallel_loop3A_427, %parallel_loop3A_428 : vector<16xf32>
        %parallel_loop3A_430 = arith.index_cast %parallel_loop3A_388 : i32 to index
        %parallel_loop3A_431 = arith.constant 48 : index
        %parallel_loop3A_432 = tpu.vector_load %arg14[%parallel_loop3A_430, %parallel_loop3A_431] {strides = array<i32>} : memref<128x128xf32, #tpu.memory_space<vmem>>, vector<1x16xf32>,
        %parallel_loop3A_433 = vector.shape_cast %parallel_loop3A_432 : vector<1x16xf32> to vector<16xf32>
        %parallel_loop3A_434 = vector.shape_cast %parallel_loop3A_429 : vector<16xf32> to vector<1x16xf32>
        tpu.vector_store %arg14[%parallel_loop3A_430, %parallel_loop3A_431], %parallel_loop3A_434 {strides = array<i32>} : memref<128x128xf32, #tpu.memory_space<vmem>>, vector<1x16xf32>,
        %parallel_loop3A_435 = arith.index_cast %parallel_loop3A_388 : i32 to index
        %parallel_loop3A_436 = arith.constant 64 : index
        %parallel_loop3A_437 = tpu.vector_load %arg14[%parallel_loop3A_435, %parallel_loop3A_436] {strides = array<i32>} : memref<128x128xf32, #tpu.memory_space<vmem>>, vector<1x16xf32>,
        %parallel_loop3A_438 = vector.shape_cast %parallel_loop3A_437 : vector<1x16xf32> to vector<16xf32>
        %parallel_loop3A_439 = vector.broadcast %parallel_loop3A_390 : f32 to vector<16xf32>
        %parallel_loop3A_440 = arith.mulf %parallel_loop3A_438, %parallel_loop3A_439 : vector<16xf32>
        %parallel_loop3A_441 = arith.index_cast %parallel_loop3A_388 : i32 to index
        %parallel_loop3A_442 = arith.constant 64 : index
        %parallel_loop3A_443 = tpu.vector_load %arg14[%parallel_loop3A_441, %parallel_loop3A_442] {strides = array<i32>} : memref<128x128xf32, #tpu.memory_space<vmem>>, vector<1x16xf32>,
        %parallel_loop3A_444 = vector.shape_cast %parallel_loop3A_443 : vector<1x16xf32> to vector<16xf32>
        %parallel_loop3A_445 = vector.shape_cast %parallel_loop3A_440 : vector<16xf32> to vector<1x16xf32>
        tpu.vector_store %arg14[%parallel_loop3A_441, %parallel_loop3A_442], %parallel_loop3A_445 {strides = array<i32>} : memref<128x128xf32, #tpu.memory_space<vmem>>, vector<1x16xf32>,
        %parallel_loop3A_446 = arith.index_cast %parallel_loop3A_388 : i32 to index
        %parallel_loop3A_447 = arith.constant 80 : index
        %parallel_loop3A_448 = tpu.vector_load %arg14[%parallel_loop3A_446, %parallel_loop3A_447] {strides = array<i32>} : memref<128x128xf32, #tpu.memory_space<vmem>>, vector<1x16xf32>,
        %parallel_loop3A_449 = vector.shape_cast %parallel_loop3A_448 : vector<1x16xf32> to vector<16xf32>
        %parallel_loop3A_450 = vector.broadcast %parallel_loop3A_390 : f32 to vector<16xf32>
        %parallel_loop3A_451 = arith.mulf %parallel_loop3A_449, %parallel_loop3A_450 : vector<16xf32>
        %parallel_loop3A_452 = arith.index_cast %parallel_loop3A_388 : i32 to index
        %parallel_loop3A_453 = arith.constant 80 : index
        %parallel_loop3A_454 = tpu.vector_load %arg14[%parallel_loop3A_452, %parallel_loop3A_453] {strides = array<i32>} : memref<128x128xf32, #tpu.memory_space<vmem>>, vector<1x16xf32>,
        %parallel_loop3A_455 = vector.shape_cast %parallel_loop3A_454 : vector<1x16xf32> to vector<16xf32>
        %parallel_loop3A_456 = vector.shape_cast %parallel_loop3A_451 : vector<16xf32> to vector<1x16xf32>
        tpu.vector_store %arg14[%parallel_loop3A_452, %parallel_loop3A_453], %parallel_loop3A_456 {strides = array<i32>} : memref<128x128xf32, #tpu.memory_space<vmem>>, vector<1x16xf32>,
        %parallel_loop3A_457 = arith.index_cast %parallel_loop3A_388 : i32 to index
        %parallel_loop3A_458 = arith.constant 96 : index
        %parallel_loop3A_459 = tpu.vector_load %arg14[%parallel_loop3A_457, %parallel_loop3A_458] {strides = array<i32>} : memref<128x128xf32, #tpu.memory_space<vmem>>, vector<1x16xf32>,
        %parallel_loop3A_460 = vector.shape_cast %parallel_loop3A_459 : vector<1x16xf32> to vector<16xf32>
        %parallel_loop3A_461 = vector.broadcast %parallel_loop3A_390 : f32 to vector<16xf32>
        %parallel_loop3A_462 = arith.mulf %parallel_loop3A_460, %parallel_loop3A_461 : vector<16xf32>
        %parallel_loop3A_463 = arith.index_cast %parallel_loop3A_388 : i32 to index
        %parallel_loop3A_464 = arith.constant 96 : index
        %parallel_loop3A_465 = tpu.vector_load %arg14[%parallel_loop3A_463, %parallel_loop3A_464] {strides = array<i32>} : memref<128x128xf32, #tpu.memory_space<vmem>>, vector<1x16xf32>,
        %parallel_loop3A_466 = vector.shape_cast %parallel_loop3A_465 : vector<1x16xf32> to vector<16xf32>
        %parallel_loop3A_467 = vector.shape_cast %parallel_loop3A_462 : vector<16xf32> to vector<1x16xf32>
        tpu.vector_store %arg14[%parallel_loop3A_463, %parallel_loop3A_464], %parallel_loop3A_467 {strides = array<i32>} : memref<128x128xf32, #tpu.memory_space<vmem>>, vector<1x16xf32>,
        %parallel_loop3A_468 = arith.index_cast %parallel_loop3A_388 : i32 to index
        %parallel_loop3A_469 = arith.constant 112 : index
        %parallel_loop3A_470 = tpu.vector_load %arg14[%parallel_loop3A_468, %parallel_loop3A_469] {strides = array<i32>} : memref<128x128xf32, #tpu.memory_space<vmem>>, vector<1x16xf32>,
        %parallel_loop3A_471 = vector.shape_cast %parallel_loop3A_470 : vector<1x16xf32> to vector<16xf32>
        %parallel_loop3A_472 = vector.broadcast %parallel_loop3A_390 : f32 to vector<16xf32>
        %parallel_loop3A_473 = arith.mulf %parallel_loop3A_471, %parallel_loop3A_472 : vector<16xf32>
        %parallel_loop3A_474 = arith.index_cast %parallel_loop3A_388 : i32 to index
        %parallel_loop3A_475 = arith.constant 112 : index
        %parallel_loop3A_476 = tpu.vector_load %arg14[%parallel_loop3A_474, %parallel_loop3A_475] {strides = array<i32>} : memref<128x128xf32, #tpu.memory_space<vmem>>, vector<1x16xf32>,
        %parallel_loop3A_477 = vector.shape_cast %parallel_loop3A_476 : vector<1x16xf32> to vector<16xf32>
        %parallel_loop3A_478 = vector.shape_cast %parallel_loop3A_473 : vector<16xf32> to vector<1x16xf32>
        tpu.vector_store %arg14[%parallel_loop3A_474, %parallel_loop3A_475], %parallel_loop3A_478 {strides = array<i32>} : memref<128x128xf32, #tpu.memory_space<vmem>>, vector<1x16xf32>,
        %parallel_loop3A_479 = arith.constant 16 : i32
        %parallel_loop3A_480 = arith.muli %parallel_loop3A_97, %parallel_loop3A_479 : i32
        %parallel_loop3A_481 = arith.constant 4 : i32
        %parallel_loop3A_482 = arith.addi %parallel_loop3A_480, %parallel_loop3A_481 : i32
        %parallel_loop3A_483 = vector.extract_strided_slice %parallel_loop3A_102 {offsets = [4], sizes = [1], strides = [1]} : vector<16xf32> to vector<1xf32>
        %parallel_loop3A_484 = vector.extract %parallel_loop3A_483[0] : f32 from vector<1xf32>
        %parallel_loop3A_485 = arith.index_cast %parallel_loop3A_482 : i32 to index
        %parallel_loop3A_486 = arith.constant 0 : index
        %parallel_loop3A_487 = tpu.vector_load %arg14[%parallel_loop3A_485, %parallel_loop3A_486] {strides = array<i32>} : memref<128x128xf32, #tpu.memory_space<vmem>>, vector<1x16xf32>,
        %parallel_loop3A_488 = vector.shape_cast %parallel_loop3A_487 : vector<1x16xf32> to vector<16xf32>
        %parallel_loop3A_489 = vector.broadcast %parallel_loop3A_484 : f32 to vector<16xf32>
        %parallel_loop3A_490 = arith.mulf %parallel_loop3A_488, %parallel_loop3A_489 : vector<16xf32>
        %parallel_loop3A_491 = arith.index_cast %parallel_loop3A_482 : i32 to index
        %parallel_loop3A_492 = arith.constant 0 : index
        %parallel_loop3A_493 = tpu.vector_load %arg14[%parallel_loop3A_491, %parallel_loop3A_492] {strides = array<i32>} : memref<128x128xf32, #tpu.memory_space<vmem>>, vector<1x16xf32>,
        %parallel_loop3A_494 = vector.shape_cast %parallel_loop3A_493 : vector<1x16xf32> to vector<16xf32>
        %parallel_loop3A_495 = vector.shape_cast %parallel_loop3A_490 : vector<16xf32> to vector<1x16xf32>
        tpu.vector_store %arg14[%parallel_loop3A_491, %parallel_loop3A_492], %parallel_loop3A_495 {strides = array<i32>} : memref<128x128xf32, #tpu.memory_space<vmem>>, vector<1x16xf32>,
        %parallel_loop3A_496 = arith.index_cast %parallel_loop3A_482 : i32 to index
        %parallel_loop3A_497 = arith.constant 16 : index
        %parallel_loop3A_498 = tpu.vector_load %arg14[%parallel_loop3A_496, %parallel_loop3A_497] {strides = array<i32>} : memref<128x128xf32, #tpu.memory_space<vmem>>, vector<1x16xf32>,
        %parallel_loop3A_499 = vector.shape_cast %parallel_loop3A_498 : vector<1x16xf32> to vector<16xf32>
        %parallel_loop3A_500 = vector.broadcast %parallel_loop3A_484 : f32 to vector<16xf32>
        %parallel_loop3A_501 = arith.mulf %parallel_loop3A_499, %parallel_loop3A_500 : vector<16xf32>
        %parallel_loop3A_502 = arith.index_cast %parallel_loop3A_482 : i32 to index
        %parallel_loop3A_503 = arith.constant 16 : index
        %parallel_loop3A_504 = tpu.vector_load %arg14[%parallel_loop3A_502, %parallel_loop3A_503] {strides = array<i32>} : memref<128x128xf32, #tpu.memory_space<vmem>>, vector<1x16xf32>,
        %parallel_loop3A_505 = vector.shape_cast %parallel_loop3A_504 : vector<1x16xf32> to vector<16xf32>
        %parallel_loop3A_506 = vector.shape_cast %parallel_loop3A_501 : vector<16xf32> to vector<1x16xf32>
        tpu.vector_store %arg14[%parallel_loop3A_502, %parallel_loop3A_503], %parallel_loop3A_506 {strides = array<i32>} : memref<128x128xf32, #tpu.memory_space<vmem>>, vector<1x16xf32>,
        %parallel_loop3A_507 = arith.index_cast %parallel_loop3A_482 : i32 to index
        %parallel_loop3A_508 = arith.constant 32 : index
        %parallel_loop3A_509 = tpu.vector_load %arg14[%parallel_loop3A_507, %parallel_loop3A_508] {strides = array<i32>} : memref<128x128xf32, #tpu.memory_space<vmem>>, vector<1x16xf32>,
        %parallel_loop3A_510 = vector.shape_cast %parallel_loop3A_509 : vector<1x16xf32> to vector<16xf32>
        %parallel_loop3A_511 = vector.broadcast %parallel_loop3A_484 : f32 to vector<16xf32>
        %parallel_loop3A_512 = arith.mulf %parallel_loop3A_510, %parallel_loop3A_511 : vector<16xf32>
        %parallel_loop3A_513 = arith.index_cast %parallel_loop3A_482 : i32 to index
        %parallel_loop3A_514 = arith.constant 32 : index
        %parallel_loop3A_515 = tpu.vector_load %arg14[%parallel_loop3A_513, %parallel_loop3A_514] {strides = array<i32>} : memref<128x128xf32, #tpu.memory_space<vmem>>, vector<1x16xf32>,
        %parallel_loop3A_516 = vector.shape_cast %parallel_loop3A_515 : vector<1x16xf32> to vector<16xf32>
        %parallel_loop3A_517 = vector.shape_cast %parallel_loop3A_512 : vector<16xf32> to vector<1x16xf32>
        tpu.vector_store %arg14[%parallel_loop3A_513, %parallel_loop3A_514], %parallel_loop3A_517 {strides = array<i32>} : memref<128x128xf32, #tpu.memory_space<vmem>>, vector<1x16xf32>,
        %parallel_loop3A_518 = arith.index_cast %parallel_loop3A_482 : i32 to index
        %parallel_loop3A_519 = arith.constant 48 : index
        %parallel_loop3A_520 = tpu.vector_load %arg14[%parallel_loop3A_518, %parallel_loop3A_519] {strides = array<i32>} : memref<128x128xf32, #tpu.memory_space<vmem>>, vector<1x16xf32>,
        %parallel_loop3A_521 = vector.shape_cast %parallel_loop3A_520 : vector<1x16xf32> to vector<16xf32>
        %parallel_loop3A_522 = vector.broadcast %parallel_loop3A_484 : f32 to vector<16xf32>
        %parallel_loop3A_523 = arith.mulf %parallel_loop3A_521, %parallel_loop3A_522 : vector<16xf32>
        %parallel_loop3A_524 = arith.index_cast %parallel_loop3A_482 : i32 to index
        %parallel_loop3A_525 = arith.constant 48 : index
        %parallel_loop3A_526 = tpu.vector_load %arg14[%parallel_loop3A_524, %parallel_loop3A_525] {strides = array<i32>} : memref<128x128xf32, #tpu.memory_space<vmem>>, vector<1x16xf32>,
        %parallel_loop3A_527 = vector.shape_cast %parallel_loop3A_526 : vector<1x16xf32> to vector<16xf32>
        %parallel_loop3A_528 = vector.shape_cast %parallel_loop3A_523 : vector<16xf32> to vector<1x16xf32>
        tpu.vector_store %arg14[%parallel_loop3A_524, %parallel_loop3A_525], %parallel_loop3A_528 {strides = array<i32>} : memref<128x128xf32, #tpu.memory_space<vmem>>, vector<1x16xf32>,
        %parallel_loop3A_529 = arith.index_cast %parallel_loop3A_482 : i32 to index
        %parallel_loop3A_530 = arith.constant 64 : index
        %parallel_loop3A_531 = tpu.vector_load %arg14[%parallel_loop3A_529, %parallel_loop3A_530] {strides = array<i32>} : memref<128x128xf32, #tpu.memory_space<vmem>>, vector<1x16xf32>,
        %parallel_loop3A_532 = vector.shape_cast %parallel_loop3A_531 : vector<1x16xf32> to vector<16xf32>
        %parallel_loop3A_533 = vector.broadcast %parallel_loop3A_484 : f32 to vector<16xf32>
        %parallel_loop3A_534 = arith.mulf %parallel_loop3A_532, %parallel_loop3A_533 : vector<16xf32>
        %parallel_loop3A_535 = arith.index_cast %parallel_loop3A_482 : i32 to index
        %parallel_loop3A_536 = arith.constant 64 : index
        %parallel_loop3A_537 = tpu.vector_load %arg14[%parallel_loop3A_535, %parallel_loop3A_536] {strides = array<i32>} : memref<128x128xf32, #tpu.memory_space<vmem>>, vector<1x16xf32>,
        %parallel_loop3A_538 = vector.shape_cast %parallel_loop3A_537 : vector<1x16xf32> to vector<16xf32>
        %parallel_loop3A_539 = vector.shape_cast %parallel_loop3A_534 : vector<16xf32> to vector<1x16xf32>
        tpu.vector_store %arg14[%parallel_loop3A_535, %parallel_loop3A_536], %parallel_loop3A_539 {strides = array<i32>} : memref<128x128xf32, #tpu.memory_space<vmem>>, vector<1x16xf32>,
        %parallel_loop3A_540 = arith.index_cast %parallel_loop3A_482 : i32 to index
        %parallel_loop3A_541 = arith.constant 80 : index
        %parallel_loop3A_542 = tpu.vector_load %arg14[%parallel_loop3A_540, %parallel_loop3A_541] {strides = array<i32>} : memref<128x128xf32, #tpu.memory_space<vmem>>, vector<1x16xf32>,
        %parallel_loop3A_543 = vector.shape_cast %parallel_loop3A_542 : vector<1x16xf32> to vector<16xf32>
        %parallel_loop3A_544 = vector.broadcast %parallel_loop3A_484 : f32 to vector<16xf32>
        %parallel_loop3A_545 = arith.mulf %parallel_loop3A_543, %parallel_loop3A_544 : vector<16xf32>
        %parallel_loop3A_546 = arith.index_cast %parallel_loop3A_482 : i32 to index
        %parallel_loop3A_547 = arith.constant 80 : index
        %parallel_loop3A_548 = tpu.vector_load %arg14[%parallel_loop3A_546, %parallel_loop3A_547] {strides = array<i32>} : memref<128x128xf32, #tpu.memory_space<vmem>>, vector<1x16xf32>,
        %parallel_loop3A_549 = vector.shape_cast %parallel_loop3A_548 : vector<1x16xf32> to vector<16xf32>
        %parallel_loop3A_550 = vector.shape_cast %parallel_loop3A_545 : vector<16xf32> to vector<1x16xf32>
        tpu.vector_store %arg14[%parallel_loop3A_546, %parallel_loop3A_547], %parallel_loop3A_550 {strides = array<i32>} : memref<128x128xf32, #tpu.memory_space<vmem>>, vector<1x16xf32>,
        %parallel_loop3A_551 = arith.index_cast %parallel_loop3A_482 : i32 to index
        %parallel_loop3A_552 = arith.constant 96 : index
        %parallel_loop3A_553 = tpu.vector_load %arg14[%parallel_loop3A_551, %parallel_loop3A_552] {strides = array<i32>} : memref<128x128xf32, #tpu.memory_space<vmem>>, vector<1x16xf32>,
        %parallel_loop3A_554 = vector.shape_cast %parallel_loop3A_553 : vector<1x16xf32> to vector<16xf32>
        %parallel_loop3A_555 = vector.broadcast %parallel_loop3A_484 : f32 to vector<16xf32>
        %parallel_loop3A_556 = arith.mulf %parallel_loop3A_554, %parallel_loop3A_555 : vector<16xf32>
        %parallel_loop3A_557 = arith.index_cast %parallel_loop3A_482 : i32 to index
        %parallel_loop3A_558 = arith.constant 96 : index
        %parallel_loop3A_559 = tpu.vector_load %arg14[%parallel_loop3A_557, %parallel_loop3A_558] {strides = array<i32>} : memref<128x128xf32, #tpu.memory_space<vmem>>, vector<1x16xf32>,
        %parallel_loop3A_560 = vector.shape_cast %parallel_loop3A_559 : vector<1x16xf32> to vector<16xf32>
        %parallel_loop3A_561 = vector.shape_cast %parallel_loop3A_556 : vector<16xf32> to vector<1x16xf32>
        tpu.vector_store %arg14[%parallel_loop3A_557, %parallel_loop3A_558], %parallel_loop3A_561 {strides = array<i32>} : memref<128x128xf32, #tpu.memory_space<vmem>>, vector<1x16xf32>,
        %parallel_loop3A_562 = arith.index_cast %parallel_loop3A_482 : i32 to index
        %parallel_loop3A_563 = arith.constant 112 : index
        %parallel_loop3A_564 = tpu.vector_load %arg14[%parallel_loop3A_562, %parallel_loop3A_563] {strides = array<i32>} : memref<128x128xf32, #tpu.memory_space<vmem>>, vector<1x16xf32>,
        %parallel_loop3A_565 = vector.shape_cast %parallel_loop3A_564 : vector<1x16xf32> to vector<16xf32>
        %parallel_loop3A_566 = vector.broadcast %parallel_loop3A_484 : f32 to vector<16xf32>
        %parallel_loop3A_567 = arith.mulf %parallel_loop3A_565, %parallel_loop3A_566 : vector<16xf32>
        %parallel_loop3A_568 = arith.index_cast %parallel_loop3A_482 : i32 to index
        %parallel_loop3A_569 = arith.constant 112 : index
        %parallel_loop3A_570 = tpu.vector_load %arg14[%parallel_loop3A_568, %parallel_loop3A_569] {strides = array<i32>} : memref<128x128xf32, #tpu.memory_space<vmem>>, vector<1x16xf32>,
        %parallel_loop3A_571 = vector.shape_cast %parallel_loop3A_570 : vector<1x16xf32> to vector<16xf32>
        %parallel_loop3A_572 = vector.shape_cast %parallel_loop3A_567 : vector<16xf32> to vector<1x16xf32>
        tpu.vector_store %arg14[%parallel_loop3A_568, %parallel_loop3A_569], %parallel_loop3A_572 {strides = array<i32>} : memref<128x128xf32, #tpu.memory_space<vmem>>, vector<1x16xf32>,
        %parallel_loop3A_573 = arith.constant 16 : i32
        %parallel_loop3A_574 = arith.muli %parallel_loop3A_97, %parallel_loop3A_573 : i32
        %parallel_loop3A_575 = arith.constant 5 : i32
        %parallel_loop3A_576 = arith.addi %parallel_loop3A_574, %parallel_loop3A_575 : i32
        %parallel_loop3A_577 = vector.extract_strided_slice %parallel_loop3A_102 {offsets = [5], sizes = [1], strides = [1]} : vector<16xf32> to vector<1xf32>
        %parallel_loop3A_578 = vector.extract %parallel_loop3A_577[0] : f32 from vector<1xf32>
        %parallel_loop3A_579 = arith.index_cast %parallel_loop3A_576 : i32 to index
        %parallel_loop3A_580 = arith.constant 0 : index
        %parallel_loop3A_581 = tpu.vector_load %arg14[%parallel_loop3A_579, %parallel_loop3A_580] {strides = array<i32>} : memref<128x128xf32, #tpu.memory_space<vmem>>, vector<1x16xf32>,
        %parallel_loop3A_582 = vector.shape_cast %parallel_loop3A_581 : vector<1x16xf32> to vector<16xf32>
        %parallel_loop3A_583 = vector.broadcast %parallel_loop3A_578 : f32 to vector<16xf32>
        %parallel_loop3A_584 = arith.mulf %parallel_loop3A_582, %parallel_loop3A_583 : vector<16xf32>
        %parallel_loop3A_585 = arith.index_cast %parallel_loop3A_576 : i32 to index
        %parallel_loop3A_586 = arith.constant 0 : index
        %parallel_loop3A_587 = tpu.vector_load %arg14[%parallel_loop3A_585, %parallel_loop3A_586] {strides = array<i32>} : memref<128x128xf32, #tpu.memory_space<vmem>>, vector<1x16xf32>,
        %parallel_loop3A_588 = vector.shape_cast %parallel_loop3A_587 : vector<1x16xf32> to vector<16xf32>
        %parallel_loop3A_589 = vector.shape_cast %parallel_loop3A_584 : vector<16xf32> to vector<1x16xf32>
        tpu.vector_store %arg14[%parallel_loop3A_585, %parallel_loop3A_586], %parallel_loop3A_589 {strides = array<i32>} : memref<128x128xf32, #tpu.memory_space<vmem>>, vector<1x16xf32>,
        %parallel_loop3A_590 = arith.index_cast %parallel_loop3A_576 : i32 to index
        %parallel_loop3A_591 = arith.constant 16 : index
        %parallel_loop3A_592 = tpu.vector_load %arg14[%parallel_loop3A_590, %parallel_loop3A_591] {strides = array<i32>} : memref<128x128xf32, #tpu.memory_space<vmem>>, vector<1x16xf32>,
        %parallel_loop3A_593 = vector.shape_cast %parallel_loop3A_592 : vector<1x16xf32> to vector<16xf32>
        %parallel_loop3A_594 = vector.broadcast %parallel_loop3A_578 : f32 to vector<16xf32>
        %parallel_loop3A_595 = arith.mulf %parallel_loop3A_593, %parallel_loop3A_594 : vector<16xf32>
        %parallel_loop3A_596 = arith.index_cast %parallel_loop3A_576 : i32 to index
        %parallel_loop3A_597 = arith.constant 16 : index
        %parallel_loop3A_598 = tpu.vector_load %arg14[%parallel_loop3A_596, %parallel_loop3A_597] {strides = array<i32>} : memref<128x128xf32, #tpu.memory_space<vmem>>, vector<1x16xf32>,
        %parallel_loop3A_599 = vector.shape_cast %parallel_loop3A_598 : vector<1x16xf32> to vector<16xf32>
        %parallel_loop3A_600 = vector.shape_cast %parallel_loop3A_595 : vector<16xf32> to vector<1x16xf32>
        tpu.vector_store %arg14[%parallel_loop3A_596, %parallel_loop3A_597], %parallel_loop3A_600 {strides = array<i32>} : memref<128x128xf32, #tpu.memory_space<vmem>>, vector<1x16xf32>,
        %parallel_loop3A_601 = arith.index_cast %parallel_loop3A_576 : i32 to index
        %parallel_loop3A_602 = arith.constant 32 : index
        %parallel_loop3A_603 = tpu.vector_load %arg14[%parallel_loop3A_601, %parallel_loop3A_602] {strides = array<i32>} : memref<128x128xf32, #tpu.memory_space<vmem>>, vector<1x16xf32>,
        %parallel_loop3A_604 = vector.shape_cast %parallel_loop3A_603 : vector<1x16xf32> to vector<16xf32>
        %parallel_loop3A_605 = vector.broadcast %parallel_loop3A_578 : f32 to vector<16xf32>
        %parallel_loop3A_606 = arith.mulf %parallel_loop3A_604, %parallel_loop3A_605 : vector<16xf32>
        %parallel_loop3A_607 = arith.index_cast %parallel_loop3A_576 : i32 to index
        %parallel_loop3A_608 = arith.constant 32 : index
        %parallel_loop3A_609 = tpu.vector_load %arg14[%parallel_loop3A_607, %parallel_loop3A_608] {strides = array<i32>} : memref<128x128xf32, #tpu.memory_space<vmem>>, vector<1x16xf32>,
        %parallel_loop3A_610 = vector.shape_cast %parallel_loop3A_609 : vector<1x16xf32> to vector<16xf32>
        %parallel_loop3A_611 = vector.shape_cast %parallel_loop3A_606 : vector<16xf32> to vector<1x16xf32>
        tpu.vector_store %arg14[%parallel_loop3A_607, %parallel_loop3A_608], %parallel_loop3A_611 {strides = array<i32>} : memref<128x128xf32, #tpu.memory_space<vmem>>, vector<1x16xf32>,
        %parallel_loop3A_612 = arith.index_cast %parallel_loop3A_576 : i32 to index
        %parallel_loop3A_613 = arith.constant 48 : index
        %parallel_loop3A_614 = tpu.vector_load %arg14[%parallel_loop3A_612, %parallel_loop3A_613] {strides = array<i32>} : memref<128x128xf32, #tpu.memory_space<vmem>>, vector<1x16xf32>,
        %parallel_loop3A_615 = vector.shape_cast %parallel_loop3A_614 : vector<1x16xf32> to vector<16xf32>
        %parallel_loop3A_616 = vector.broadcast %parallel_loop3A_578 : f32 to vector<16xf32>
        %parallel_loop3A_617 = arith.mulf %parallel_loop3A_615, %parallel_loop3A_616 : vector<16xf32>
        %parallel_loop3A_618 = arith.index_cast %parallel_loop3A_576 : i32 to index
        %parallel_loop3A_619 = arith.constant 48 : index
        %parallel_loop3A_620 = tpu.vector_load %arg14[%parallel_loop3A_618, %parallel_loop3A_619] {strides = array<i32>} : memref<128x128xf32, #tpu.memory_space<vmem>>, vector<1x16xf32>,
        %parallel_loop3A_621 = vector.shape_cast %parallel_loop3A_620 : vector<1x16xf32> to vector<16xf32>
        %parallel_loop3A_622 = vector.shape_cast %parallel_loop3A_617 : vector<16xf32> to vector<1x16xf32>
        tpu.vector_store %arg14[%parallel_loop3A_618, %parallel_loop3A_619], %parallel_loop3A_622 {strides = array<i32>} : memref<128x128xf32, #tpu.memory_space<vmem>>, vector<1x16xf32>,
        %parallel_loop3A_623 = arith.index_cast %parallel_loop3A_576 : i32 to index
        %parallel_loop3A_624 = arith.constant 64 : index
        %parallel_loop3A_625 = tpu.vector_load %arg14[%parallel_loop3A_623, %parallel_loop3A_624] {strides = array<i32>} : memref<128x128xf32, #tpu.memory_space<vmem>>, vector<1x16xf32>,
        %parallel_loop3A_626 = vector.shape_cast %parallel_loop3A_625 : vector<1x16xf32> to vector<16xf32>
        %parallel_loop3A_627 = vector.broadcast %parallel_loop3A_578 : f32 to vector<16xf32>
        %parallel_loop3A_628 = arith.mulf %parallel_loop3A_626, %parallel_loop3A_627 : vector<16xf32>
        %parallel_loop3A_629 = arith.index_cast %parallel_loop3A_576 : i32 to index
        %parallel_loop3A_630 = arith.constant 64 : index
        %parallel_loop3A_631 = tpu.vector_load %arg14[%parallel_loop3A_629, %parallel_loop3A_630] {strides = array<i32>} : memref<128x128xf32, #tpu.memory_space<vmem>>, vector<1x16xf32>,
        %parallel_loop3A_632 = vector.shape_cast %parallel_loop3A_631 : vector<1x16xf32> to vector<16xf32>
        %parallel_loop3A_633 = vector.shape_cast %parallel_loop3A_628 : vector<16xf32> to vector<1x16xf32>
        tpu.vector_store %arg14[%parallel_loop3A_629, %parallel_loop3A_630], %parallel_loop3A_633 {strides = array<i32>} : memref<128x128xf32, #tpu.memory_space<vmem>>, vector<1x16xf32>,
        %parallel_loop3A_634 = arith.index_cast %parallel_loop3A_576 : i32 to index
        %parallel_loop3A_635 = arith.constant 80 : index
        %parallel_loop3A_636 = tpu.vector_load %arg14[%parallel_loop3A_634, %parallel_loop3A_635] {strides = array<i32>} : memref<128x128xf32, #tpu.memory_space<vmem>>, vector<1x16xf32>,
        %parallel_loop3A_637 = vector.shape_cast %parallel_loop3A_636 : vector<1x16xf32> to vector<16xf32>
        %parallel_loop3A_638 = vector.broadcast %parallel_loop3A_578 : f32 to vector<16xf32>
        %parallel_loop3A_639 = arith.mulf %parallel_loop3A_637, %parallel_loop3A_638 : vector<16xf32>
        %parallel_loop3A_640 = arith.index_cast %parallel_loop3A_576 : i32 to index
        %parallel_loop3A_641 = arith.constant 80 : index
        %parallel_loop3A_642 = tpu.vector_load %arg14[%parallel_loop3A_640, %parallel_loop3A_641] {strides = array<i32>} : memref<128x128xf32, #tpu.memory_space<vmem>>, vector<1x16xf32>,
        %parallel_loop3A_643 = vector.shape_cast %parallel_loop3A_642 : vector<1x16xf32> to vector<16xf32>
        %parallel_loop3A_644 = vector.shape_cast %parallel_loop3A_639 : vector<16xf32> to vector<1x16xf32>
        tpu.vector_store %arg14[%parallel_loop3A_640, %parallel_loop3A_641], %parallel_loop3A_644 {strides = array<i32>} : memref<128x128xf32, #tpu.memory_space<vmem>>, vector<1x16xf32>,
        %parallel_loop3A_645 = arith.index_cast %parallel_loop3A_576 : i32 to index
        %parallel_loop3A_646 = arith.constant 96 : index
        %parallel_loop3A_647 = tpu.vector_load %arg14[%parallel_loop3A_645, %parallel_loop3A_646] {strides = array<i32>} : memref<128x128xf32, #tpu.memory_space<vmem>>, vector<1x16xf32>,
        %parallel_loop3A_648 = vector.shape_cast %parallel_loop3A_647 : vector<1x16xf32> to vector<16xf32>
        %parallel_loop3A_649 = vector.broadcast %parallel_loop3A_578 : f32 to vector<16xf32>
        %parallel_loop3A_650 = arith.mulf %parallel_loop3A_648, %parallel_loop3A_649 : vector<16xf32>
        %parallel_loop3A_651 = arith.index_cast %parallel_loop3A_576 : i32 to index
        %parallel_loop3A_652 = arith.constant 96 : index
        %parallel_loop3A_653 = tpu.vector_load %arg14[%parallel_loop3A_651, %parallel_loop3A_652] {strides = array<i32>} : memref<128x128xf32, #tpu.memory_space<vmem>>, vector<1x16xf32>,
        %parallel_loop3A_654 = vector.shape_cast %parallel_loop3A_653 : vector<1x16xf32> to vector<16xf32>
        %parallel_loop3A_655 = vector.shape_cast %parallel_loop3A_650 : vector<16xf32> to vector<1x16xf32>
        tpu.vector_store %arg14[%parallel_loop3A_651, %parallel_loop3A_652], %parallel_loop3A_655 {strides = array<i32>} : memref<128x128xf32, #tpu.memory_space<vmem>>, vector<1x16xf32>,
        %parallel_loop3A_656 = arith.index_cast %parallel_loop3A_576 : i32 to index
        %parallel_loop3A_657 = arith.constant 112 : index
        %parallel_loop3A_658 = tpu.vector_load %arg14[%parallel_loop3A_656, %parallel_loop3A_657] {strides = array<i32>} : memref<128x128xf32, #tpu.memory_space<vmem>>, vector<1x16xf32>,
        %parallel_loop3A_659 = vector.shape_cast %parallel_loop3A_658 : vector<1x16xf32> to vector<16xf32>
        %parallel_loop3A_660 = vector.broadcast %parallel_loop3A_578 : f32 to vector<16xf32>
        %parallel_loop3A_661 = arith.mulf %parallel_loop3A_659, %parallel_loop3A_660 : vector<16xf32>
        %parallel_loop3A_662 = arith.index_cast %parallel_loop3A_576 : i32 to index
        %parallel_loop3A_663 = arith.constant 112 : index
        %parallel_loop3A_664 = tpu.vector_load %arg14[%parallel_loop3A_662, %parallel_loop3A_663] {strides = array<i32>} : memref<128x128xf32, #tpu.memory_space<vmem>>, vector<1x16xf32>,
        %parallel_loop3A_665 = vector.shape_cast %parallel_loop3A_664 : vector<1x16xf32> to vector<16xf32>
        %parallel_loop3A_666 = vector.shape_cast %parallel_loop3A_661 : vector<16xf32> to vector<1x16xf32>
        tpu.vector_store %arg14[%parallel_loop3A_662, %parallel_loop3A_663], %parallel_loop3A_666 {strides = array<i32>} : memref<128x128xf32, #tpu.memory_space<vmem>>, vector<1x16xf32>,
        %parallel_loop3A_667 = arith.constant 16 : i32
        %parallel_loop3A_668 = arith.muli %parallel_loop3A_97, %parallel_loop3A_667 : i32
        %parallel_loop3A_669 = arith.constant 6 : i32
        %parallel_loop3A_670 = arith.addi %parallel_loop3A_668, %parallel_loop3A_669 : i32
        %parallel_loop3A_671 = vector.extract_strided_slice %parallel_loop3A_102 {offsets = [6], sizes = [1], strides = [1]} : vector<16xf32> to vector<1xf32>
        %parallel_loop3A_672 = vector.extract %parallel_loop3A_671[0] : f32 from vector<1xf32>
        %parallel_loop3A_673 = arith.index_cast %parallel_loop3A_670 : i32 to index
        %parallel_loop3A_674 = arith.constant 0 : index
        %parallel_loop3A_675 = tpu.vector_load %arg14[%parallel_loop3A_673, %parallel_loop3A_674] {strides = array<i32>} : memref<128x128xf32, #tpu.memory_space<vmem>>, vector<1x16xf32>,
        %parallel_loop3A_676 = vector.shape_cast %parallel_loop3A_675 : vector<1x16xf32> to vector<16xf32>
        %parallel_loop3A_677 = vector.broadcast %parallel_loop3A_672 : f32 to vector<16xf32>
        %parallel_loop3A_678 = arith.mulf %parallel_loop3A_676, %parallel_loop3A_677 : vector<16xf32>
        %parallel_loop3A_679 = arith.index_cast %parallel_loop3A_670 : i32 to index
        %parallel_loop3A_680 = arith.constant 0 : index
        %parallel_loop3A_681 = tpu.vector_load %arg14[%parallel_loop3A_679, %parallel_loop3A_680] {strides = array<i32>} : memref<128x128xf32, #tpu.memory_space<vmem>>, vector<1x16xf32>,
        %parallel_loop3A_682 = vector.shape_cast %parallel_loop3A_681 : vector<1x16xf32> to vector<16xf32>
        %parallel_loop3A_683 = vector.shape_cast %parallel_loop3A_678 : vector<16xf32> to vector<1x16xf32>
        tpu.vector_store %arg14[%parallel_loop3A_679, %parallel_loop3A_680], %parallel_loop3A_683 {strides = array<i32>} : memref<128x128xf32, #tpu.memory_space<vmem>>, vector<1x16xf32>,
        %parallel_loop3A_684 = arith.index_cast %parallel_loop3A_670 : i32 to index
        %parallel_loop3A_685 = arith.constant 16 : index
        %parallel_loop3A_686 = tpu.vector_load %arg14[%parallel_loop3A_684, %parallel_loop3A_685] {strides = array<i32>} : memref<128x128xf32, #tpu.memory_space<vmem>>, vector<1x16xf32>,
        %parallel_loop3A_687 = vector.shape_cast %parallel_loop3A_686 : vector<1x16xf32> to vector<16xf32>
        %parallel_loop3A_688 = vector.broadcast %parallel_loop3A_672 : f32 to vector<16xf32>
        %parallel_loop3A_689 = arith.mulf %parallel_loop3A_687, %parallel_loop3A_688 : vector<16xf32>
        %parallel_loop3A_690 = arith.index_cast %parallel_loop3A_670 : i32 to index
        %parallel_loop3A_691 = arith.constant 16 : index
        %parallel_loop3A_692 = tpu.vector_load %arg14[%parallel_loop3A_690, %parallel_loop3A_691] {strides = array<i32>} : memref<128x128xf32, #tpu.memory_space<vmem>>, vector<1x16xf32>,
        %parallel_loop3A_693 = vector.shape_cast %parallel_loop3A_692 : vector<1x16xf32> to vector<16xf32>
        %parallel_loop3A_694 = vector.shape_cast %parallel_loop3A_689 : vector<16xf32> to vector<1x16xf32>
        tpu.vector_store %arg14[%parallel_loop3A_690, %parallel_loop3A_691], %parallel_loop3A_694 {strides = array<i32>} : memref<128x128xf32, #tpu.memory_space<vmem>>, vector<1x16xf32>,
        %parallel_loop3A_695 = arith.index_cast %parallel_loop3A_670 : i32 to index
        %parallel_loop3A_696 = arith.constant 32 : index
        %parallel_loop3A_697 = tpu.vector_load %arg14[%parallel_loop3A_695, %parallel_loop3A_696] {strides = array<i32>} : memref<128x128xf32, #tpu.memory_space<vmem>>, vector<1x16xf32>,
        %parallel_loop3A_698 = vector.shape_cast %parallel_loop3A_697 : vector<1x16xf32> to vector<16xf32>
        %parallel_loop3A_699 = vector.broadcast %parallel_loop3A_672 : f32 to vector<16xf32>
        %parallel_loop3A_700 = arith.mulf %parallel_loop3A_698, %parallel_loop3A_699 : vector<16xf32>
        %parallel_loop3A_701 = arith.index_cast %parallel_loop3A_670 : i32 to index
        %parallel_loop3A_702 = arith.constant 32 : index
        %parallel_loop3A_703 = tpu.vector_load %arg14[%parallel_loop3A_701, %parallel_loop3A_702] {strides = array<i32>} : memref<128x128xf32, #tpu.memory_space<vmem>>, vector<1x16xf32>,
        %parallel_loop3A_704 = vector.shape_cast %parallel_loop3A_703 : vector<1x16xf32> to vector<16xf32>
        %parallel_loop3A_705 = vector.shape_cast %parallel_loop3A_700 : vector<16xf32> to vector<1x16xf32>
        tpu.vector_store %arg14[%parallel_loop3A_701, %parallel_loop3A_702], %parallel_loop3A_705 {strides = array<i32>} : memref<128x128xf32, #tpu.memory_space<vmem>>, vector<1x16xf32>,
        %parallel_loop3A_706 = arith.index_cast %parallel_loop3A_670 : i32 to index
        %parallel_loop3A_707 = arith.constant 48 : index
        %parallel_loop3A_708 = tpu.vector_load %arg14[%parallel_loop3A_706, %parallel_loop3A_707] {strides = array<i32>} : memref<128x128xf32, #tpu.memory_space<vmem>>, vector<1x16xf32>,
        %parallel_loop3A_709 = vector.shape_cast %parallel_loop3A_708 : vector<1x16xf32> to vector<16xf32>
        %parallel_loop3A_710 = vector.broadcast %parallel_loop3A_672 : f32 to vector<16xf32>
        %parallel_loop3A_711 = arith.mulf %parallel_loop3A_709, %parallel_loop3A_710 : vector<16xf32>
        %parallel_loop3A_712 = arith.index_cast %parallel_loop3A_670 : i32 to index
        %parallel_loop3A_713 = arith.constant 48 : index
        %parallel_loop3A_714 = tpu.vector_load %arg14[%parallel_loop3A_712, %parallel_loop3A_713] {strides = array<i32>} : memref<128x128xf32, #tpu.memory_space<vmem>>, vector<1x16xf32>,
        %parallel_loop3A_715 = vector.shape_cast %parallel_loop3A_714 : vector<1x16xf32> to vector<16xf32>
        %parallel_loop3A_716 = vector.shape_cast %parallel_loop3A_711 : vector<16xf32> to vector<1x16xf32>
        tpu.vector_store %arg14[%parallel_loop3A_712, %parallel_loop3A_713], %parallel_loop3A_716 {strides = array<i32>} : memref<128x128xf32, #tpu.memory_space<vmem>>, vector<1x16xf32>,
        %parallel_loop3A_717 = arith.index_cast %parallel_loop3A_670 : i32 to index
        %parallel_loop3A_718 = arith.constant 64 : index
        %parallel_loop3A_719 = tpu.vector_load %arg14[%parallel_loop3A_717, %parallel_loop3A_718] {strides = array<i32>} : memref<128x128xf32, #tpu.memory_space<vmem>>, vector<1x16xf32>,
        %parallel_loop3A_720 = vector.shape_cast %parallel_loop3A_719 : vector<1x16xf32> to vector<16xf32>
        %parallel_loop3A_721 = vector.broadcast %parallel_loop3A_672 : f32 to vector<16xf32>
        %parallel_loop3A_722 = arith.mulf %parallel_loop3A_720, %parallel_loop3A_721 : vector<16xf32>
        %parallel_loop3A_723 = arith.index_cast %parallel_loop3A_670 : i32 to index
        %parallel_loop3A_724 = arith.constant 64 : index
        %parallel_loop3A_725 = tpu.vector_load %arg14[%parallel_loop3A_723, %parallel_loop3A_724] {strides = array<i32>} : memref<128x128xf32, #tpu.memory_space<vmem>>, vector<1x16xf32>,
        %parallel_loop3A_726 = vector.shape_cast %parallel_loop3A_725 : vector<1x16xf32> to vector<16xf32>
        %parallel_loop3A_727 = vector.shape_cast %parallel_loop3A_722 : vector<16xf32> to vector<1x16xf32>
        tpu.vector_store %arg14[%parallel_loop3A_723, %parallel_loop3A_724], %parallel_loop3A_727 {strides = array<i32>} : memref<128x128xf32, #tpu.memory_space<vmem>>, vector<1x16xf32>,
        %parallel_loop3A_728 = arith.index_cast %parallel_loop3A_670 : i32 to index
        %parallel_loop3A_729 = arith.constant 80 : index
        %parallel_loop3A_730 = tpu.vector_load %arg14[%parallel_loop3A_728, %parallel_loop3A_729] {strides = array<i32>} : memref<128x128xf32, #tpu.memory_space<vmem>>, vector<1x16xf32>,
        %parallel_loop3A_731 = vector.shape_cast %parallel_loop3A_730 : vector<1x16xf32> to vector<16xf32>
        %parallel_loop3A_732 = vector.broadcast %parallel_loop3A_672 : f32 to vector<16xf32>
        %parallel_loop3A_733 = arith.mulf %parallel_loop3A_731, %parallel_loop3A_732 : vector<16xf32>
        %parallel_loop3A_734 = arith.index_cast %parallel_loop3A_670 : i32 to index
        %parallel_loop3A_735 = arith.constant 80 : index
        %parallel_loop3A_736 = tpu.vector_load %arg14[%parallel_loop3A_734, %parallel_loop3A_735] {strides = array<i32>} : memref<128x128xf32, #tpu.memory_space<vmem>>, vector<1x16xf32>,
        %parallel_loop3A_737 = vector.shape_cast %parallel_loop3A_736 : vector<1x16xf32> to vector<16xf32>
        %parallel_loop3A_738 = vector.shape_cast %parallel_loop3A_733 : vector<16xf32> to vector<1x16xf32>
        tpu.vector_store %arg14[%parallel_loop3A_734, %parallel_loop3A_735], %parallel_loop3A_738 {strides = array<i32>} : memref<128x128xf32, #tpu.memory_space<vmem>>, vector<1x16xf32>,
        %parallel_loop3A_739 = arith.index_cast %parallel_loop3A_670 : i32 to index
        %parallel_loop3A_740 = arith.constant 96 : index
        %parallel_loop3A_741 = tpu.vector_load %arg14[%parallel_loop3A_739, %parallel_loop3A_740] {strides = array<i32>} : memref<128x128xf32, #tpu.memory_space<vmem>>, vector<1x16xf32>,
        %parallel_loop3A_742 = vector.shape_cast %parallel_loop3A_741 : vector<1x16xf32> to vector<16xf32>
        %parallel_loop3A_743 = vector.broadcast %parallel_loop3A_672 : f32 to vector<16xf32>
        %parallel_loop3A_744 = arith.mulf %parallel_loop3A_742, %parallel_loop3A_743 : vector<16xf32>
        %parallel_loop3A_745 = arith.index_cast %parallel_loop3A_670 : i32 to index
        %parallel_loop3A_746 = arith.constant 96 : index
        %parallel_loop3A_747 = tpu.vector_load %arg14[%parallel_loop3A_745, %parallel_loop3A_746] {strides = array<i32>} : memref<128x128xf32, #tpu.memory_space<vmem>>, vector<1x16xf32>,
        %parallel_loop3A_748 = vector.shape_cast %parallel_loop3A_747 : vector<1x16xf32> to vector<16xf32>
        %parallel_loop3A_749 = vector.shape_cast %parallel_loop3A_744 : vector<16xf32> to vector<1x16xf32>
        tpu.vector_store %arg14[%parallel_loop3A_745, %parallel_loop3A_746], %parallel_loop3A_749 {strides = array<i32>} : memref<128x128xf32, #tpu.memory_space<vmem>>, vector<1x16xf32>,
        %parallel_loop3A_750 = arith.index_cast %parallel_loop3A_670 : i32 to index
        %parallel_loop3A_751 = arith.constant 112 : index
        %parallel_loop3A_752 = tpu.vector_load %arg14[%parallel_loop3A_750, %parallel_loop3A_751] {strides = array<i32>} : memref<128x128xf32, #tpu.memory_space<vmem>>, vector<1x16xf32>,
        %parallel_loop3A_753 = vector.shape_cast %parallel_loop3A_752 : vector<1x16xf32> to vector<16xf32>
        %parallel_loop3A_754 = vector.broadcast %parallel_loop3A_672 : f32 to vector<16xf32>
        %parallel_loop3A_755 = arith.mulf %parallel_loop3A_753, %parallel_loop3A_754 : vector<16xf32>
        %parallel_loop3A_756 = arith.index_cast %parallel_loop3A_670 : i32 to index
        %parallel_loop3A_757 = arith.constant 112 : index
        %parallel_loop3A_758 = tpu.vector_load %arg14[%parallel_loop3A_756, %parallel_loop3A_757] {strides = array<i32>} : memref<128x128xf32, #tpu.memory_space<vmem>>, vector<1x16xf32>,
        %parallel_loop3A_759 = vector.shape_cast %parallel_loop3A_758 : vector<1x16xf32> to vector<16xf32>
        %parallel_loop3A_760 = vector.shape_cast %parallel_loop3A_755 : vector<16xf32> to vector<1x16xf32>
        tpu.vector_store %arg14[%parallel_loop3A_756, %parallel_loop3A_757], %parallel_loop3A_760 {strides = array<i32>} : memref<128x128xf32, #tpu.memory_space<vmem>>, vector<1x16xf32>,
        %parallel_loop3A_761 = arith.constant 16 : i32
        %parallel_loop3A_762 = arith.muli %parallel_loop3A_97, %parallel_loop3A_761 : i32
        %parallel_loop3A_763 = arith.constant 7 : i32
        %parallel_loop3A_764 = arith.addi %parallel_loop3A_762, %parallel_loop3A_763 : i32
        %parallel_loop3A_765 = vector.extract_strided_slice %parallel_loop3A_102 {offsets = [7], sizes = [1], strides = [1]} : vector<16xf32> to vector<1xf32>
        %parallel_loop3A_766 = vector.extract %parallel_loop3A_765[0] : f32 from vector<1xf32>
        %parallel_loop3A_767 = arith.index_cast %parallel_loop3A_764 : i32 to index
        %parallel_loop3A_768 = arith.constant 0 : index
        %parallel_loop3A_769 = tpu.vector_load %arg14[%parallel_loop3A_767, %parallel_loop3A_768] {strides = array<i32>} : memref<128x128xf32, #tpu.memory_space<vmem>>, vector<1x16xf32>,
        %parallel_loop3A_770 = vector.shape_cast %parallel_loop3A_769 : vector<1x16xf32> to vector<16xf32>
        %parallel_loop3A_771 = vector.broadcast %parallel_loop3A_766 : f32 to vector<16xf32>
        %parallel_loop3A_772 = arith.mulf %parallel_loop3A_770, %parallel_loop3A_771 : vector<16xf32>
        %parallel_loop3A_773 = arith.index_cast %parallel_loop3A_764 : i32 to index
        %parallel_loop3A_774 = arith.constant 0 : index
        %parallel_loop3A_775 = tpu.vector_load %arg14[%parallel_loop3A_773, %parallel_loop3A_774] {strides = array<i32>} : memref<128x128xf32, #tpu.memory_space<vmem>>, vector<1x16xf32>,
        %parallel_loop3A_776 = vector.shape_cast %parallel_loop3A_775 : vector<1x16xf32> to vector<16xf32>
        %parallel_loop3A_777 = vector.shape_cast %parallel_loop3A_772 : vector<16xf32> to vector<1x16xf32>
        tpu.vector_store %arg14[%parallel_loop3A_773, %parallel_loop3A_774], %parallel_loop3A_777 {strides = array<i32>} : memref<128x128xf32, #tpu.memory_space<vmem>>, vector<1x16xf32>,
        %parallel_loop3A_778 = arith.index_cast %parallel_loop3A_764 : i32 to index
        %parallel_loop3A_779 = arith.constant 16 : index
        %parallel_loop3A_780 = tpu.vector_load %arg14[%parallel_loop3A_778, %parallel_loop3A_779] {strides = array<i32>} : memref<128x128xf32, #tpu.memory_space<vmem>>, vector<1x16xf32>,
        %parallel_loop3A_781 = vector.shape_cast %parallel_loop3A_780 : vector<1x16xf32> to vector<16xf32>
        %parallel_loop3A_782 = vector.broadcast %parallel_loop3A_766 : f32 to vector<16xf32>
        %parallel_loop3A_783 = arith.mulf %parallel_loop3A_781, %parallel_loop3A_782 : vector<16xf32>
        %parallel_loop3A_784 = arith.index_cast %parallel_loop3A_764 : i32 to index
        %parallel_loop3A_785 = arith.constant 16 : index
        %parallel_loop3A_786 = tpu.vector_load %arg14[%parallel_loop3A_784, %parallel_loop3A_785] {strides = array<i32>} : memref<128x128xf32, #tpu.memory_space<vmem>>, vector<1x16xf32>,
        %parallel_loop3A_787 = vector.shape_cast %parallel_loop3A_786 : vector<1x16xf32> to vector<16xf32>
        %parallel_loop3A_788 = vector.shape_cast %parallel_loop3A_783 : vector<16xf32> to vector<1x16xf32>
        tpu.vector_store %arg14[%parallel_loop3A_784, %parallel_loop3A_785], %parallel_loop3A_788 {strides = array<i32>} : memref<128x128xf32, #tpu.memory_space<vmem>>, vector<1x16xf32>,
        %parallel_loop3A_789 = arith.index_cast %parallel_loop3A_764 : i32 to index
        %parallel_loop3A_790 = arith.constant 32 : index
        %parallel_loop3A_791 = tpu.vector_load %arg14[%parallel_loop3A_789, %parallel_loop3A_790] {strides = array<i32>} : memref<128x128xf32, #tpu.memory_space<vmem>>, vector<1x16xf32>,
        %parallel_loop3A_792 = vector.shape_cast %parallel_loop3A_791 : vector<1x16xf32> to vector<16xf32>
        %parallel_loop3A_793 = vector.broadcast %parallel_loop3A_766 : f32 to vector<16xf32>
        %parallel_loop3A_794 = arith.mulf %parallel_loop3A_792, %parallel_loop3A_793 : vector<16xf32>
        %parallel_loop3A_795 = arith.index_cast %parallel_loop3A_764 : i32 to index
        %parallel_loop3A_796 = arith.constant 32 : index
        %parallel_loop3A_797 = tpu.vector_load %arg14[%parallel_loop3A_795, %parallel_loop3A_796] {strides = array<i32>} : memref<128x128xf32, #tpu.memory_space<vmem>>, vector<1x16xf32>,
        %parallel_loop3A_798 = vector.shape_cast %parallel_loop3A_797 : vector<1x16xf32> to vector<16xf32>
        %parallel_loop3A_799 = vector.shape_cast %parallel_loop3A_794 : vector<16xf32> to vector<1x16xf32>
        tpu.vector_store %arg14[%parallel_loop3A_795, %parallel_loop3A_796], %parallel_loop3A_799 {strides = array<i32>} : memref<128x128xf32, #tpu.memory_space<vmem>>, vector<1x16xf32>,
        %parallel_loop3A_800 = arith.index_cast %parallel_loop3A_764 : i32 to index
        %parallel_loop3A_801 = arith.constant 48 : index
        %parallel_loop3A_802 = tpu.vector_load %arg14[%parallel_loop3A_800, %parallel_loop3A_801] {strides = array<i32>} : memref<128x128xf32, #tpu.memory_space<vmem>>, vector<1x16xf32>,
        %parallel_loop3A_803 = vector.shape_cast %parallel_loop3A_802 : vector<1x16xf32> to vector<16xf32>
        %parallel_loop3A_804 = vector.broadcast %parallel_loop3A_766 : f32 to vector<16xf32>
        %parallel_loop3A_805 = arith.mulf %parallel_loop3A_803, %parallel_loop3A_804 : vector<16xf32>
        %parallel_loop3A_806 = arith.index_cast %parallel_loop3A_764 : i32 to index
        %parallel_loop3A_807 = arith.constant 48 : index
        %parallel_loop3A_808 = tpu.vector_load %arg14[%parallel_loop3A_806, %parallel_loop3A_807] {strides = array<i32>} : memref<128x128xf32, #tpu.memory_space<vmem>>, vector<1x16xf32>,
        %parallel_loop3A_809 = vector.shape_cast %parallel_loop3A_808 : vector<1x16xf32> to vector<16xf32>
        %parallel_loop3A_810 = vector.shape_cast %parallel_loop3A_805 : vector<16xf32> to vector<1x16xf32>
        tpu.vector_store %arg14[%parallel_loop3A_806, %parallel_loop3A_807], %parallel_loop3A_810 {strides = array<i32>} : memref<128x128xf32, #tpu.memory_space<vmem>>, vector<1x16xf32>,
        %parallel_loop3A_811 = arith.index_cast %parallel_loop3A_764 : i32 to index
        %parallel_loop3A_812 = arith.constant 64 : index
        %parallel_loop3A_813 = tpu.vector_load %arg14[%parallel_loop3A_811, %parallel_loop3A_812] {strides = array<i32>} : memref<128x128xf32, #tpu.memory_space<vmem>>, vector<1x16xf32>,
        %parallel_loop3A_814 = vector.shape_cast %parallel_loop3A_813 : vector<1x16xf32> to vector<16xf32>
        %parallel_loop3A_815 = vector.broadcast %parallel_loop3A_766 : f32 to vector<16xf32>
        %parallel_loop3A_816 = arith.mulf %parallel_loop3A_814, %parallel_loop3A_815 : vector<16xf32>
        %parallel_loop3A_817 = arith.index_cast %parallel_loop3A_764 : i32 to index
        %parallel_loop3A_818 = arith.constant 64 : index
        %parallel_loop3A_819 = tpu.vector_load %arg14[%parallel_loop3A_817, %parallel_loop3A_818] {strides = array<i32>} : memref<128x128xf32, #tpu.memory_space<vmem>>, vector<1x16xf32>,
        %parallel_loop3A_820 = vector.shape_cast %parallel_loop3A_819 : vector<1x16xf32> to vector<16xf32>
        %parallel_loop3A_821 = vector.shape_cast %parallel_loop3A_816 : vector<16xf32> to vector<1x16xf32>
        tpu.vector_store %arg14[%parallel_loop3A_817, %parallel_loop3A_818], %parallel_loop3A_821 {strides = array<i32>} : memref<128x128xf32, #tpu.memory_space<vmem>>, vector<1x16xf32>,
        %parallel_loop3A_822 = arith.index_cast %parallel_loop3A_764 : i32 to index
        %parallel_loop3A_823 = arith.constant 80 : index
        %parallel_loop3A_824 = tpu.vector_load %arg14[%parallel_loop3A_822, %parallel_loop3A_823] {strides = array<i32>} : memref<128x128xf32, #tpu.memory_space<vmem>>, vector<1x16xf32>,
        %parallel_loop3A_825 = vector.shape_cast %parallel_loop3A_824 : vector<1x16xf32> to vector<16xf32>
        %parallel_loop3A_826 = vector.broadcast %parallel_loop3A_766 : f32 to vector<16xf32>
        %parallel_loop3A_827 = arith.mulf %parallel_loop3A_825, %parallel_loop3A_826 : vector<16xf32>
        %parallel_loop3A_828 = arith.index_cast %parallel_loop3A_764 : i32 to index
        %parallel_loop3A_829 = arith.constant 80 : index
        %parallel_loop3A_830 = tpu.vector_load %arg14[%parallel_loop3A_828, %parallel_loop3A_829] {strides = array<i32>} : memref<128x128xf32, #tpu.memory_space<vmem>>, vector<1x16xf32>,
        %parallel_loop3A_831 = vector.shape_cast %parallel_loop3A_830 : vector<1x16xf32> to vector<16xf32>
        %parallel_loop3A_832 = vector.shape_cast %parallel_loop3A_827 : vector<16xf32> to vector<1x16xf32>
        tpu.vector_store %arg14[%parallel_loop3A_828, %parallel_loop3A_829], %parallel_loop3A_832 {strides = array<i32>} : memref<128x128xf32, #tpu.memory_space<vmem>>, vector<1x16xf32>,
        %parallel_loop3A_833 = arith.index_cast %parallel_loop3A_764 : i32 to index
        %parallel_loop3A_834 = arith.constant 96 : index
        %parallel_loop3A_835 = tpu.vector_load %arg14[%parallel_loop3A_833, %parallel_loop3A_834] {strides = array<i32>} : memref<128x128xf32, #tpu.memory_space<vmem>>, vector<1x16xf32>,
        %parallel_loop3A_836 = vector.shape_cast %parallel_loop3A_835 : vector<1x16xf32> to vector<16xf32>
        %parallel_loop3A_837 = vector.broadcast %parallel_loop3A_766 : f32 to vector<16xf32>
        %parallel_loop3A_838 = arith.mulf %parallel_loop3A_836, %parallel_loop3A_837 : vector<16xf32>
        %parallel_loop3A_839 = arith.index_cast %parallel_loop3A_764 : i32 to index
        %parallel_loop3A_840 = arith.constant 96 : index
        %parallel_loop3A_841 = tpu.vector_load %arg14[%parallel_loop3A_839, %parallel_loop3A_840] {strides = array<i32>} : memref<128x128xf32, #tpu.memory_space<vmem>>, vector<1x16xf32>,
        %parallel_loop3A_842 = vector.shape_cast %parallel_loop3A_841 : vector<1x16xf32> to vector<16xf32>
        %parallel_loop3A_843 = vector.shape_cast %parallel_loop3A_838 : vector<16xf32> to vector<1x16xf32>
        tpu.vector_store %arg14[%parallel_loop3A_839, %parallel_loop3A_840], %parallel_loop3A_843 {strides = array<i32>} : memref<128x128xf32, #tpu.memory_space<vmem>>, vector<1x16xf32>,
        %parallel_loop3A_844 = arith.index_cast %parallel_loop3A_764 : i32 to index
        %parallel_loop3A_845 = arith.constant 112 : index
        %parallel_loop3A_846 = tpu.vector_load %arg14[%parallel_loop3A_844, %parallel_loop3A_845] {strides = array<i32>} : memref<128x128xf32, #tpu.memory_space<vmem>>, vector<1x16xf32>,
        %parallel_loop3A_847 = vector.shape_cast %parallel_loop3A_846 : vector<1x16xf32> to vector<16xf32>
        %parallel_loop3A_848 = vector.broadcast %parallel_loop3A_766 : f32 to vector<16xf32>
        %parallel_loop3A_849 = arith.mulf %parallel_loop3A_847, %parallel_loop3A_848 : vector<16xf32>
        %parallel_loop3A_850 = arith.index_cast %parallel_loop3A_764 : i32 to index
        %parallel_loop3A_851 = arith.constant 112 : index
        %parallel_loop3A_852 = tpu.vector_load %arg14[%parallel_loop3A_850, %parallel_loop3A_851] {strides = array<i32>} : memref<128x128xf32, #tpu.memory_space<vmem>>, vector<1x16xf32>,
        %parallel_loop3A_853 = vector.shape_cast %parallel_loop3A_852 : vector<1x16xf32> to vector<16xf32>
        %parallel_loop3A_854 = vector.shape_cast %parallel_loop3A_849 : vector<16xf32> to vector<1x16xf32>
        tpu.vector_store %arg14[%parallel_loop3A_850, %parallel_loop3A_851], %parallel_loop3A_854 {strides = array<i32>} : memref<128x128xf32, #tpu.memory_space<vmem>>, vector<1x16xf32>,
        %parallel_loop3A_855 = arith.constant 16 : i32
        %parallel_loop3A_856 = arith.muli %parallel_loop3A_97, %parallel_loop3A_855 : i32
        %parallel_loop3A_857 = arith.constant 8 : i32
        %parallel_loop3A_858 = arith.addi %parallel_loop3A_856, %parallel_loop3A_857 : i32
        %parallel_loop3A_859 = vector.extract_strided_slice %parallel_loop3A_102 {offsets = [8], sizes = [1], strides = [1]} : vector<16xf32> to vector<1xf32>
        %parallel_loop3A_860 = vector.extract %parallel_loop3A_859[0] : f32 from vector<1xf32>
        %parallel_loop3A_861 = arith.index_cast %parallel_loop3A_858 : i32 to index
        %parallel_loop3A_862 = arith.constant 0 : index
        %parallel_loop3A_863 = tpu.vector_load %arg14[%parallel_loop3A_861, %parallel_loop3A_862] {strides = array<i32>} : memref<128x128xf32, #tpu.memory_space<vmem>>, vector<1x16xf32>,
        %parallel_loop3A_864 = vector.shape_cast %parallel_loop3A_863 : vector<1x16xf32> to vector<16xf32>
        %parallel_loop3A_865 = vector.broadcast %parallel_loop3A_860 : f32 to vector<16xf32>
        %parallel_loop3A_866 = arith.mulf %parallel_loop3A_864, %parallel_loop3A_865 : vector<16xf32>
        %parallel_loop3A_867 = arith.index_cast %parallel_loop3A_858 : i32 to index
        %parallel_loop3A_868 = arith.constant 0 : index
        %parallel_loop3A_869 = tpu.vector_load %arg14[%parallel_loop3A_867, %parallel_loop3A_868] {strides = array<i32>} : memref<128x128xf32, #tpu.memory_space<vmem>>, vector<1x16xf32>,
        %parallel_loop3A_870 = vector.shape_cast %parallel_loop3A_869 : vector<1x16xf32> to vector<16xf32>
        %parallel_loop3A_871 = vector.shape_cast %parallel_loop3A_866 : vector<16xf32> to vector<1x16xf32>
        tpu.vector_store %arg14[%parallel_loop3A_867, %parallel_loop3A_868], %parallel_loop3A_871 {strides = array<i32>} : memref<128x128xf32, #tpu.memory_space<vmem>>, vector<1x16xf32>,
        %parallel_loop3A_872 = arith.index_cast %parallel_loop3A_858 : i32 to index
        %parallel_loop3A_873 = arith.constant 16 : index
        %parallel_loop3A_874 = tpu.vector_load %arg14[%parallel_loop3A_872, %parallel_loop3A_873] {strides = array<i32>} : memref<128x128xf32, #tpu.memory_space<vmem>>, vector<1x16xf32>,
        %parallel_loop3A_875 = vector.shape_cast %parallel_loop3A_874 : vector<1x16xf32> to vector<16xf32>
        %parallel_loop3A_876 = vector.broadcast %parallel_loop3A_860 : f32 to vector<16xf32>
        %parallel_loop3A_877 = arith.mulf %parallel_loop3A_875, %parallel_loop3A_876 : vector<16xf32>
        %parallel_loop3A_878 = arith.index_cast %parallel_loop3A_858 : i32 to index
        %parallel_loop3A_879 = arith.constant 16 : index
        %parallel_loop3A_880 = tpu.vector_load %arg14[%parallel_loop3A_878, %parallel_loop3A_879] {strides = array<i32>} : memref<128x128xf32, #tpu.memory_space<vmem>>, vector<1x16xf32>,
        %parallel_loop3A_881 = vector.shape_cast %parallel_loop3A_880 : vector<1x16xf32> to vector<16xf32>
        %parallel_loop3A_882 = vector.shape_cast %parallel_loop3A_877 : vector<16xf32> to vector<1x16xf32>
        tpu.vector_store %arg14[%parallel_loop3A_878, %parallel_loop3A_879], %parallel_loop3A_882 {strides = array<i32>} : memref<128x128xf32, #tpu.memory_space<vmem>>, vector<1x16xf32>,
        %parallel_loop3A_883 = arith.index_cast %parallel_loop3A_858 : i32 to index
        %parallel_loop3A_884 = arith.constant 32 : index
        %parallel_loop3A_885 = tpu.vector_load %arg14[%parallel_loop3A_883, %parallel_loop3A_884] {strides = array<i32>} : memref<128x128xf32, #tpu.memory_space<vmem>>, vector<1x16xf32>,
        %parallel_loop3A_886 = vector.shape_cast %parallel_loop3A_885 : vector<1x16xf32> to vector<16xf32>
        %parallel_loop3A_887 = vector.broadcast %parallel_loop3A_860 : f32 to vector<16xf32>
        %parallel_loop3A_888 = arith.mulf %parallel_loop3A_886, %parallel_loop3A_887 : vector<16xf32>
        %parallel_loop3A_889 = arith.index_cast %parallel_loop3A_858 : i32 to index
        %parallel_loop3A_890 = arith.constant 32 : index
        %parallel_loop3A_891 = tpu.vector_load %arg14[%parallel_loop3A_889, %parallel_loop3A_890] {strides = array<i32>} : memref<128x128xf32, #tpu.memory_space<vmem>>, vector<1x16xf32>,
        %parallel_loop3A_892 = vector.shape_cast %parallel_loop3A_891 : vector<1x16xf32> to vector<16xf32>
        %parallel_loop3A_893 = vector.shape_cast %parallel_loop3A_888 : vector<16xf32> to vector<1x16xf32>
        tpu.vector_store %arg14[%parallel_loop3A_889, %parallel_loop3A_890], %parallel_loop3A_893 {strides = array<i32>} : memref<128x128xf32, #tpu.memory_space<vmem>>, vector<1x16xf32>,
        %parallel_loop3A_894 = arith.index_cast %parallel_loop3A_858 : i32 to index
        %parallel_loop3A_895 = arith.constant 48 : index
        %parallel_loop3A_896 = tpu.vector_load %arg14[%parallel_loop3A_894, %parallel_loop3A_895] {strides = array<i32>} : memref<128x128xf32, #tpu.memory_space<vmem>>, vector<1x16xf32>,
        %parallel_loop3A_897 = vector.shape_cast %parallel_loop3A_896 : vector<1x16xf32> to vector<16xf32>
        %parallel_loop3A_898 = vector.broadcast %parallel_loop3A_860 : f32 to vector<16xf32>
        %parallel_loop3A_899 = arith.mulf %parallel_loop3A_897, %parallel_loop3A_898 : vector<16xf32>
        %parallel_loop3A_900 = arith.index_cast %parallel_loop3A_858 : i32 to index
        %parallel_loop3A_901 = arith.constant 48 : index
        %parallel_loop3A_902 = tpu.vector_load %arg14[%parallel_loop3A_900, %parallel_loop3A_901] {strides = array<i32>} : memref<128x128xf32, #tpu.memory_space<vmem>>, vector<1x16xf32>,
        %parallel_loop3A_903 = vector.shape_cast %parallel_loop3A_902 : vector<1x16xf32> to vector<16xf32>
        %parallel_loop3A_904 = vector.shape_cast %parallel_loop3A_899 : vector<16xf32> to vector<1x16xf32>
        tpu.vector_store %arg14[%parallel_loop3A_900, %parallel_loop3A_901], %parallel_loop3A_904 {strides = array<i32>} : memref<128x128xf32, #tpu.memory_space<vmem>>, vector<1x16xf32>,
        %parallel_loop3A_905 = arith.index_cast %parallel_loop3A_858 : i32 to index
        %parallel_loop3A_906 = arith.constant 64 : index
        %parallel_loop3A_907 = tpu.vector_load %arg14[%parallel_loop3A_905, %parallel_loop3A_906] {strides = array<i32>} : memref<128x128xf32, #tpu.memory_space<vmem>>, vector<1x16xf32>,
        %parallel_loop3A_908 = vector.shape_cast %parallel_loop3A_907 : vector<1x16xf32> to vector<16xf32>
        %parallel_loop3A_909 = vector.broadcast %parallel_loop3A_860 : f32 to vector<16xf32>
        %parallel_loop3A_910 = arith.mulf %parallel_loop3A_908, %parallel_loop3A_909 : vector<16xf32>
        %parallel_loop3A_911 = arith.index_cast %parallel_loop3A_858 : i32 to index
        %parallel_loop3A_912 = arith.constant 64 : index
        %parallel_loop3A_913 = tpu.vector_load %arg14[%parallel_loop3A_911, %parallel_loop3A_912] {strides = array<i32>} : memref<128x128xf32, #tpu.memory_space<vmem>>, vector<1x16xf32>,
        %parallel_loop3A_914 = vector.shape_cast %parallel_loop3A_913 : vector<1x16xf32> to vector<16xf32>
        %parallel_loop3A_915 = vector.shape_cast %parallel_loop3A_910 : vector<16xf32> to vector<1x16xf32>
        tpu.vector_store %arg14[%parallel_loop3A_911, %parallel_loop3A_912], %parallel_loop3A_915 {strides = array<i32>} : memref<128x128xf32, #tpu.memory_space<vmem>>, vector<1x16xf32>,
        %parallel_loop3A_916 = arith.index_cast %parallel_loop3A_858 : i32 to index
        %parallel_loop3A_917 = arith.constant 80 : index
        %parallel_loop3A_918 = tpu.vector_load %arg14[%parallel_loop3A_916, %parallel_loop3A_917] {strides = array<i32>} : memref<128x128xf32, #tpu.memory_space<vmem>>, vector<1x16xf32>,
        %parallel_loop3A_919 = vector.shape_cast %parallel_loop3A_918 : vector<1x16xf32> to vector<16xf32>
        %parallel_loop3A_920 = vector.broadcast %parallel_loop3A_860 : f32 to vector<16xf32>
        %parallel_loop3A_921 = arith.mulf %parallel_loop3A_919, %parallel_loop3A_920 : vector<16xf32>
        %parallel_loop3A_922 = arith.index_cast %parallel_loop3A_858 : i32 to index
        %parallel_loop3A_923 = arith.constant 80 : index
        %parallel_loop3A_924 = tpu.vector_load %arg14[%parallel_loop3A_922, %parallel_loop3A_923] {strides = array<i32>} : memref<128x128xf32, #tpu.memory_space<vmem>>, vector<1x16xf32>,
        %parallel_loop3A_925 = vector.shape_cast %parallel_loop3A_924 : vector<1x16xf32> to vector<16xf32>
        %parallel_loop3A_926 = vector.shape_cast %parallel_loop3A_921 : vector<16xf32> to vector<1x16xf32>
        tpu.vector_store %arg14[%parallel_loop3A_922, %parallel_loop3A_923], %parallel_loop3A_926 {strides = array<i32>} : memref<128x128xf32, #tpu.memory_space<vmem>>, vector<1x16xf32>,
        %parallel_loop3A_927 = arith.index_cast %parallel_loop3A_858 : i32 to index
        %parallel_loop3A_928 = arith.constant 96 : index
        %parallel_loop3A_929 = tpu.vector_load %arg14[%parallel_loop3A_927, %parallel_loop3A_928] {strides = array<i32>} : memref<128x128xf32, #tpu.memory_space<vmem>>, vector<1x16xf32>,
        %parallel_loop3A_930 = vector.shape_cast %parallel_loop3A_929 : vector<1x16xf32> to vector<16xf32>
        %parallel_loop3A_931 = vector.broadcast %parallel_loop3A_860 : f32 to vector<16xf32>
        %parallel_loop3A_932 = arith.mulf %parallel_loop3A_930, %parallel_loop3A_931 : vector<16xf32>
        %parallel_loop3A_933 = arith.index_cast %parallel_loop3A_858 : i32 to index
        %parallel_loop3A_934 = arith.constant 96 : index
        %parallel_loop3A_935 = tpu.vector_load %arg14[%parallel_loop3A_933, %parallel_loop3A_934] {strides = array<i32>} : memref<128x128xf32, #tpu.memory_space<vmem>>, vector<1x16xf32>,
        %parallel_loop3A_936 = vector.shape_cast %parallel_loop3A_935 : vector<1x16xf32> to vector<16xf32>
        %parallel_loop3A_937 = vector.shape_cast %parallel_loop3A_932 : vector<16xf32> to vector<1x16xf32>
        tpu.vector_store %arg14[%parallel_loop3A_933, %parallel_loop3A_934], %parallel_loop3A_937 {strides = array<i32>} : memref<128x128xf32, #tpu.memory_space<vmem>>, vector<1x16xf32>,
        %parallel_loop3A_938 = arith.index_cast %parallel_loop3A_858 : i32 to index
        %parallel_loop3A_939 = arith.constant 112 : index
        %parallel_loop3A_940 = tpu.vector_load %arg14[%parallel_loop3A_938, %parallel_loop3A_939] {strides = array<i32>} : memref<128x128xf32, #tpu.memory_space<vmem>>, vector<1x16xf32>,
        %parallel_loop3A_941 = vector.shape_cast %parallel_loop3A_940 : vector<1x16xf32> to vector<16xf32>
        %parallel_loop3A_942 = vector.broadcast %parallel_loop3A_860 : f32 to vector<16xf32>
        %parallel_loop3A_943 = arith.mulf %parallel_loop3A_941, %parallel_loop3A_942 : vector<16xf32>
        %parallel_loop3A_944 = arith.index_cast %parallel_loop3A_858 : i32 to index
        %parallel_loop3A_945 = arith.constant 112 : index
        %parallel_loop3A_946 = tpu.vector_load %arg14[%parallel_loop3A_944, %parallel_loop3A_945] {strides = array<i32>} : memref<128x128xf32, #tpu.memory_space<vmem>>, vector<1x16xf32>,
        %parallel_loop3A_947 = vector.shape_cast %parallel_loop3A_946 : vector<1x16xf32> to vector<16xf32>
        %parallel_loop3A_948 = vector.shape_cast %parallel_loop3A_943 : vector<16xf32> to vector<1x16xf32>
        tpu.vector_store %arg14[%parallel_loop3A_944, %parallel_loop3A_945], %parallel_loop3A_948 {strides = array<i32>} : memref<128x128xf32, #tpu.memory_space<vmem>>, vector<1x16xf32>,
        %parallel_loop3A_949 = arith.constant 16 : i32
        %parallel_loop3A_950 = arith.muli %parallel_loop3A_97, %parallel_loop3A_949 : i32
        %parallel_loop3A_951 = arith.constant 9 : i32
        %parallel_loop3A_952 = arith.addi %parallel_loop3A_950, %parallel_loop3A_951 : i32
        %parallel_loop3A_953 = vector.extract_strided_slice %parallel_loop3A_102 {offsets = [9], sizes = [1], strides = [1]} : vector<16xf32> to vector<1xf32>
        %parallel_loop3A_954 = vector.extract %parallel_loop3A_953[0] : f32 from vector<1xf32>
        %parallel_loop3A_955 = arith.index_cast %parallel_loop3A_952 : i32 to index
        %parallel_loop3A_956 = arith.constant 0 : index
        %parallel_loop3A_957 = tpu.vector_load %arg14[%parallel_loop3A_955, %parallel_loop3A_956] {strides = array<i32>} : memref<128x128xf32, #tpu.memory_space<vmem>>, vector<1x16xf32>,
        %parallel_loop3A_958 = vector.shape_cast %parallel_loop3A_957 : vector<1x16xf32> to vector<16xf32>
        %parallel_loop3A_959 = vector.broadcast %parallel_loop3A_954 : f32 to vector<16xf32>
        %parallel_loop3A_960 = arith.mulf %parallel_loop3A_958, %parallel_loop3A_959 : vector<16xf32>
        %parallel_loop3A_961 = arith.index_cast %parallel_loop3A_952 : i32 to index
        %parallel_loop3A_962 = arith.constant 0 : index
        %parallel_loop3A_963 = tpu.vector_load %arg14[%parallel_loop3A_961, %parallel_loop3A_962] {strides = array<i32>} : memref<128x128xf32, #tpu.memory_space<vmem>>, vector<1x16xf32>,
        %parallel_loop3A_964 = vector.shape_cast %parallel_loop3A_963 : vector<1x16xf32> to vector<16xf32>
        %parallel_loop3A_965 = vector.shape_cast %parallel_loop3A_960 : vector<16xf32> to vector<1x16xf32>
        tpu.vector_store %arg14[%parallel_loop3A_961, %parallel_loop3A_962], %parallel_loop3A_965 {strides = array<i32>} : memref<128x128xf32, #tpu.memory_space<vmem>>, vector<1x16xf32>,
        %parallel_loop3A_966 = arith.index_cast %parallel_loop3A_952 : i32 to index
        %parallel_loop3A_967 = arith.constant 16 : index
        %parallel_loop3A_968 = tpu.vector_load %arg14[%parallel_loop3A_966, %parallel_loop3A_967] {strides = array<i32>} : memref<128x128xf32, #tpu.memory_space<vmem>>, vector<1x16xf32>,
        %parallel_loop3A_969 = vector.shape_cast %parallel_loop3A_968 : vector<1x16xf32> to vector<16xf32>
        %parallel_loop3A_970 = vector.broadcast %parallel_loop3A_954 : f32 to vector<16xf32>
        %parallel_loop3A_971 = arith.mulf %parallel_loop3A_969, %parallel_loop3A_970 : vector<16xf32>
        %parallel_loop3A_972 = arith.index_cast %parallel_loop3A_952 : i32 to index
        %parallel_loop3A_973 = arith.constant 16 : index
        %parallel_loop3A_974 = tpu.vector_load %arg14[%parallel_loop3A_972, %parallel_loop3A_973] {strides = array<i32>} : memref<128x128xf32, #tpu.memory_space<vmem>>, vector<1x16xf32>,
        %parallel_loop3A_975 = vector.shape_cast %parallel_loop3A_974 : vector<1x16xf32> to vector<16xf32>
        %parallel_loop3A_976 = vector.shape_cast %parallel_loop3A_971 : vector<16xf32> to vector<1x16xf32>
        tpu.vector_store %arg14[%parallel_loop3A_972, %parallel_loop3A_973], %parallel_loop3A_976 {strides = array<i32>} : memref<128x128xf32, #tpu.memory_space<vmem>>, vector<1x16xf32>,
        %parallel_loop3A_977 = arith.index_cast %parallel_loop3A_952 : i32 to index
        %parallel_loop3A_978 = arith.constant 32 : index
        %parallel_loop3A_979 = tpu.vector_load %arg14[%parallel_loop3A_977, %parallel_loop3A_978] {strides = array<i32>} : memref<128x128xf32, #tpu.memory_space<vmem>>, vector<1x16xf32>,
        %parallel_loop3A_980 = vector.shape_cast %parallel_loop3A_979 : vector<1x16xf32> to vector<16xf32>
        %parallel_loop3A_981 = vector.broadcast %parallel_loop3A_954 : f32 to vector<16xf32>
        %parallel_loop3A_982 = arith.mulf %parallel_loop3A_980, %parallel_loop3A_981 : vector<16xf32>
        %parallel_loop3A_983 = arith.index_cast %parallel_loop3A_952 : i32 to index
        %parallel_loop3A_984 = arith.constant 32 : index
        %parallel_loop3A_985 = tpu.vector_load %arg14[%parallel_loop3A_983, %parallel_loop3A_984] {strides = array<i32>} : memref<128x128xf32, #tpu.memory_space<vmem>>, vector<1x16xf32>,
        %parallel_loop3A_986 = vector.shape_cast %parallel_loop3A_985 : vector<1x16xf32> to vector<16xf32>
        %parallel_loop3A_987 = vector.shape_cast %parallel_loop3A_982 : vector<16xf32> to vector<1x16xf32>
        tpu.vector_store %arg14[%parallel_loop3A_983, %parallel_loop3A_984], %parallel_loop3A_987 {strides = array<i32>} : memref<128x128xf32, #tpu.memory_space<vmem>>, vector<1x16xf32>,
        %parallel_loop3A_988 = arith.index_cast %parallel_loop3A_952 : i32 to index
        %parallel_loop3A_989 = arith.constant 48 : index
        %parallel_loop3A_990 = tpu.vector_load %arg14[%parallel_loop3A_988, %parallel_loop3A_989] {strides = array<i32>} : memref<128x128xf32, #tpu.memory_space<vmem>>, vector<1x16xf32>,
        %parallel_loop3A_991 = vector.shape_cast %parallel_loop3A_990 : vector<1x16xf32> to vector<16xf32>
        %parallel_loop3A_992 = vector.broadcast %parallel_loop3A_954 : f32 to vector<16xf32>
        %parallel_loop3A_993 = arith.mulf %parallel_loop3A_991, %parallel_loop3A_992 : vector<16xf32>
        %parallel_loop3A_994 = arith.index_cast %parallel_loop3A_952 : i32 to index
        %parallel_loop3A_995 = arith.constant 48 : index
        %parallel_loop3A_996 = tpu.vector_load %arg14[%parallel_loop3A_994, %parallel_loop3A_995] {strides = array<i32>} : memref<128x128xf32, #tpu.memory_space<vmem>>, vector<1x16xf32>,
        %parallel_loop3A_997 = vector.shape_cast %parallel_loop3A_996 : vector<1x16xf32> to vector<16xf32>
        %parallel_loop3A_998 = vector.shape_cast %parallel_loop3A_993 : vector<16xf32> to vector<1x16xf32>
        tpu.vector_store %arg14[%parallel_loop3A_994, %parallel_loop3A_995], %parallel_loop3A_998 {strides = array<i32>} : memref<128x128xf32, #tpu.memory_space<vmem>>, vector<1x16xf32>,
        %parallel_loop3A_999 = arith.index_cast %parallel_loop3A_952 : i32 to index
        %parallel_loop3A_1000 = arith.constant 64 : index
        %parallel_loop3A_1001 = tpu.vector_load %arg14[%parallel_loop3A_999, %parallel_loop3A_1000] {strides = array<i32>} : memref<128x128xf32, #tpu.memory_space<vmem>>, vector<1x16xf32>,
        %parallel_loop3A_1002 = vector.shape_cast %parallel_loop3A_1001 : vector<1x16xf32> to vector<16xf32>
        %parallel_loop3A_1003 = vector.broadcast %parallel_loop3A_954 : f32 to vector<16xf32>
        %parallel_loop3A_1004 = arith.mulf %parallel_loop3A_1002, %parallel_loop3A_1003 : vector<16xf32>
        %parallel_loop3A_1005 = arith.index_cast %parallel_loop3A_952 : i32 to index
        %parallel_loop3A_1006 = arith.constant 64 : index
        %parallel_loop3A_1007 = tpu.vector_load %arg14[%parallel_loop3A_1005, %parallel_loop3A_1006] {strides = array<i32>} : memref<128x128xf32, #tpu.memory_space<vmem>>, vector<1x16xf32>,
        %parallel_loop3A_1008 = vector.shape_cast %parallel_loop3A_1007 : vector<1x16xf32> to vector<16xf32>
        %parallel_loop3A_1009 = vector.shape_cast %parallel_loop3A_1004 : vector<16xf32> to vector<1x16xf32>
        tpu.vector_store %arg14[%parallel_loop3A_1005, %parallel_loop3A_1006], %parallel_loop3A_1009 {strides = array<i32>} : memref<128x128xf32, #tpu.memory_space<vmem>>, vector<1x16xf32>,
        %parallel_loop3A_1010 = arith.index_cast %parallel_loop3A_952 : i32 to index
        %parallel_loop3A_1011 = arith.constant 80 : index
        %parallel_loop3A_1012 = tpu.vector_load %arg14[%parallel_loop3A_1010, %parallel_loop3A_1011] {strides = array<i32>} : memref<128x128xf32, #tpu.memory_space<vmem>>, vector<1x16xf32>,
        %parallel_loop3A_1013 = vector.shape_cast %parallel_loop3A_1012 : vector<1x16xf32> to vector<16xf32>
        %parallel_loop3A_1014 = vector.broadcast %parallel_loop3A_954 : f32 to vector<16xf32>
        %parallel_loop3A_1015 = arith.mulf %parallel_loop3A_1013, %parallel_loop3A_1014 : vector<16xf32>
        %parallel_loop3A_1016 = arith.index_cast %parallel_loop3A_952 : i32 to index
        %parallel_loop3A_1017 = arith.constant 80 : index
        %parallel_loop3A_1018 = tpu.vector_load %arg14[%parallel_loop3A_1016, %parallel_loop3A_1017] {strides = array<i32>} : memref<128x128xf32, #tpu.memory_space<vmem>>, vector<1x16xf32>,
        %parallel_loop3A_1019 = vector.shape_cast %parallel_loop3A_1018 : vector<1x16xf32> to vector<16xf32>
        %parallel_loop3A_1020 = vector.shape_cast %parallel_loop3A_1015 : vector<16xf32> to vector<1x16xf32>
        tpu.vector_store %arg14[%parallel_loop3A_1016, %parallel_loop3A_1017], %parallel_loop3A_1020 {strides = array<i32>} : memref<128x128xf32, #tpu.memory_space<vmem>>, vector<1x16xf32>,
        %parallel_loop3A_1021 = arith.index_cast %parallel_loop3A_952 : i32 to index
        %parallel_loop3A_1022 = arith.constant 96 : index
        %parallel_loop3A_1023 = tpu.vector_load %arg14[%parallel_loop3A_1021, %parallel_loop3A_1022] {strides = array<i32>} : memref<128x128xf32, #tpu.memory_space<vmem>>, vector<1x16xf32>,
        %parallel_loop3A_1024 = vector.shape_cast %parallel_loop3A_1023 : vector<1x16xf32> to vector<16xf32>
        %parallel_loop3A_1025 = vector.broadcast %parallel_loop3A_954 : f32 to vector<16xf32>
        %parallel_loop3A_1026 = arith.mulf %parallel_loop3A_1024, %parallel_loop3A_1025 : vector<16xf32>
        %parallel_loop3A_1027 = arith.index_cast %parallel_loop3A_952 : i32 to index
        %parallel_loop3A_1028 = arith.constant 96 : index
        %parallel_loop3A_1029 = tpu.vector_load %arg14[%parallel_loop3A_1027, %parallel_loop3A_1028] {strides = array<i32>} : memref<128x128xf32, #tpu.memory_space<vmem>>, vector<1x16xf32>,
        %parallel_loop3A_1030 = vector.shape_cast %parallel_loop3A_1029 : vector<1x16xf32> to vector<16xf32>
        %parallel_loop3A_1031 = vector.shape_cast %parallel_loop3A_1026 : vector<16xf32> to vector<1x16xf32>
        tpu.vector_store %arg14[%parallel_loop3A_1027, %parallel_loop3A_1028], %parallel_loop3A_1031 {strides = array<i32>} : memref<128x128xf32, #tpu.memory_space<vmem>>, vector<1x16xf32>,
        %parallel_loop3A_1032 = arith.index_cast %parallel_loop3A_952 : i32 to index
        %parallel_loop3A_1033 = arith.constant 112 : index
        %parallel_loop3A_1034 = tpu.vector_load %arg14[%parallel_loop3A_1032, %parallel_loop3A_1033] {strides = array<i32>} : memref<128x128xf32, #tpu.memory_space<vmem>>, vector<1x16xf32>,
        %parallel_loop3A_1035 = vector.shape_cast %parallel_loop3A_1034 : vector<1x16xf32> to vector<16xf32>
        %parallel_loop3A_1036 = vector.broadcast %parallel_loop3A_954 : f32 to vector<16xf32>
        %parallel_loop3A_1037 = arith.mulf %parallel_loop3A_1035, %parallel_loop3A_1036 : vector<16xf32>
        %parallel_loop3A_1038 = arith.index_cast %parallel_loop3A_952 : i32 to index
        %parallel_loop3A_1039 = arith.constant 112 : index
        %parallel_loop3A_1040 = tpu.vector_load %arg14[%parallel_loop3A_1038, %parallel_loop3A_1039] {strides = array<i32>} : memref<128x128xf32, #tpu.memory_space<vmem>>, vector<1x16xf32>,
        %parallel_loop3A_1041 = vector.shape_cast %parallel_loop3A_1040 : vector<1x16xf32> to vector<16xf32>
        %parallel_loop3A_1042 = vector.shape_cast %parallel_loop3A_1037 : vector<16xf32> to vector<1x16xf32>
        tpu.vector_store %arg14[%parallel_loop3A_1038, %parallel_loop3A_1039], %parallel_loop3A_1042 {strides = array<i32>} : memref<128x128xf32, #tpu.memory_space<vmem>>, vector<1x16xf32>,
        %parallel_loop3A_1043 = arith.constant 16 : i32
        %parallel_loop3A_1044 = arith.muli %parallel_loop3A_97, %parallel_loop3A_1043 : i32
        %parallel_loop3A_1045 = arith.constant 10 : i32
        %parallel_loop3A_1046 = arith.addi %parallel_loop3A_1044, %parallel_loop3A_1045 : i32
        %parallel_loop3A_1047 = vector.extract_strided_slice %parallel_loop3A_102 {offsets = [10], sizes = [1], strides = [1]} : vector<16xf32> to vector<1xf32>
        %parallel_loop3A_1048 = vector.extract %parallel_loop3A_1047[0] : f32 from vector<1xf32>
        %parallel_loop3A_1049 = arith.index_cast %parallel_loop3A_1046 : i32 to index
        %parallel_loop3A_1050 = arith.constant 0 : index
        %parallel_loop3A_1051 = tpu.vector_load %arg14[%parallel_loop3A_1049, %parallel_loop3A_1050] {strides = array<i32>} : memref<128x128xf32, #tpu.memory_space<vmem>>, vector<1x16xf32>,
        %parallel_loop3A_1052 = vector.shape_cast %parallel_loop3A_1051 : vector<1x16xf32> to vector<16xf32>
        %parallel_loop3A_1053 = vector.broadcast %parallel_loop3A_1048 : f32 to vector<16xf32>
        %parallel_loop3A_1054 = arith.mulf %parallel_loop3A_1052, %parallel_loop3A_1053 : vector<16xf32>
        %parallel_loop3A_1055 = arith.index_cast %parallel_loop3A_1046 : i32 to index
        %parallel_loop3A_1056 = arith.constant 0 : index
        %parallel_loop3A_1057 = tpu.vector_load %arg14[%parallel_loop3A_1055, %parallel_loop3A_1056] {strides = array<i32>} : memref<128x128xf32, #tpu.memory_space<vmem>>, vector<1x16xf32>,
        %parallel_loop3A_1058 = vector.shape_cast %parallel_loop3A_1057 : vector<1x16xf32> to vector<16xf32>
        %parallel_loop3A_1059 = vector.shape_cast %parallel_loop3A_1054 : vector<16xf32> to vector<1x16xf32>
        tpu.vector_store %arg14[%parallel_loop3A_1055, %parallel_loop3A_1056], %parallel_loop3A_1059 {strides = array<i32>} : memref<128x128xf32, #tpu.memory_space<vmem>>, vector<1x16xf32>,
        %parallel_loop3A_1060 = arith.index_cast %parallel_loop3A_1046 : i32 to index
        %parallel_loop3A_1061 = arith.constant 16 : index
        %parallel_loop3A_1062 = tpu.vector_load %arg14[%parallel_loop3A_1060, %parallel_loop3A_1061] {strides = array<i32>} : memref<128x128xf32, #tpu.memory_space<vmem>>, vector<1x16xf32>,
        %parallel_loop3A_1063 = vector.shape_cast %parallel_loop3A_1062 : vector<1x16xf32> to vector<16xf32>
        %parallel_loop3A_1064 = vector.broadcast %parallel_loop3A_1048 : f32 to vector<16xf32>
        %parallel_loop3A_1065 = arith.mulf %parallel_loop3A_1063, %parallel_loop3A_1064 : vector<16xf32>
        %parallel_loop3A_1066 = arith.index_cast %parallel_loop3A_1046 : i32 to index
        %parallel_loop3A_1067 = arith.constant 16 : index
        %parallel_loop3A_1068 = tpu.vector_load %arg14[%parallel_loop3A_1066, %parallel_loop3A_1067] {strides = array<i32>} : memref<128x128xf32, #tpu.memory_space<vmem>>, vector<1x16xf32>,
        %parallel_loop3A_1069 = vector.shape_cast %parallel_loop3A_1068 : vector<1x16xf32> to vector<16xf32>
        %parallel_loop3A_1070 = vector.shape_cast %parallel_loop3A_1065 : vector<16xf32> to vector<1x16xf32>
        tpu.vector_store %arg14[%parallel_loop3A_1066, %parallel_loop3A_1067], %parallel_loop3A_1070 {strides = array<i32>} : memref<128x128xf32, #tpu.memory_space<vmem>>, vector<1x16xf32>,
        %parallel_loop3A_1071 = arith.index_cast %parallel_loop3A_1046 : i32 to index
        %parallel_loop3A_1072 = arith.constant 32 : index
        %parallel_loop3A_1073 = tpu.vector_load %arg14[%parallel_loop3A_1071, %parallel_loop3A_1072] {strides = array<i32>} : memref<128x128xf32, #tpu.memory_space<vmem>>, vector<1x16xf32>,
        %parallel_loop3A_1074 = vector.shape_cast %parallel_loop3A_1073 : vector<1x16xf32> to vector<16xf32>
        %parallel_loop3A_1075 = vector.broadcast %parallel_loop3A_1048 : f32 to vector<16xf32>
        %parallel_loop3A_1076 = arith.mulf %parallel_loop3A_1074, %parallel_loop3A_1075 : vector<16xf32>
        %parallel_loop3A_1077 = arith.index_cast %parallel_loop3A_1046 : i32 to index
        %parallel_loop3A_1078 = arith.constant 32 : index
        %parallel_loop3A_1079 = tpu.vector_load %arg14[%parallel_loop3A_1077, %parallel_loop3A_1078] {strides = array<i32>} : memref<128x128xf32, #tpu.memory_space<vmem>>, vector<1x16xf32>,
        %parallel_loop3A_1080 = vector.shape_cast %parallel_loop3A_1079 : vector<1x16xf32> to vector<16xf32>
        %parallel_loop3A_1081 = vector.shape_cast %parallel_loop3A_1076 : vector<16xf32> to vector<1x16xf32>
        tpu.vector_store %arg14[%parallel_loop3A_1077, %parallel_loop3A_1078], %parallel_loop3A_1081 {strides = array<i32>} : memref<128x128xf32, #tpu.memory_space<vmem>>, vector<1x16xf32>,
        %parallel_loop3A_1082 = arith.index_cast %parallel_loop3A_1046 : i32 to index
        %parallel_loop3A_1083 = arith.constant 48 : index
        %parallel_loop3A_1084 = tpu.vector_load %arg14[%parallel_loop3A_1082, %parallel_loop3A_1083] {strides = array<i32>} : memref<128x128xf32, #tpu.memory_space<vmem>>, vector<1x16xf32>,
        %parallel_loop3A_1085 = vector.shape_cast %parallel_loop3A_1084 : vector<1x16xf32> to vector<16xf32>
        %parallel_loop3A_1086 = vector.broadcast %parallel_loop3A_1048 : f32 to vector<16xf32>
        %parallel_loop3A_1087 = arith.mulf %parallel_loop3A_1085, %parallel_loop3A_1086 : vector<16xf32>
        %parallel_loop3A_1088 = arith.index_cast %parallel_loop3A_1046 : i32 to index
        %parallel_loop3A_1089 = arith.constant 48 : index
        %parallel_loop3A_1090 = tpu.vector_load %arg14[%parallel_loop3A_1088, %parallel_loop3A_1089] {strides = array<i32>} : memref<128x128xf32, #tpu.memory_space<vmem>>, vector<1x16xf32>,
        %parallel_loop3A_1091 = vector.shape_cast %parallel_loop3A_1090 : vector<1x16xf32> to vector<16xf32>
        %parallel_loop3A_1092 = vector.shape_cast %parallel_loop3A_1087 : vector<16xf32> to vector<1x16xf32>
        tpu.vector_store %arg14[%parallel_loop3A_1088, %parallel_loop3A_1089], %parallel_loop3A_1092 {strides = array<i32>} : memref<128x128xf32, #tpu.memory_space<vmem>>, vector<1x16xf32>,
        %parallel_loop3A_1093 = arith.index_cast %parallel_loop3A_1046 : i32 to index
        %parallel_loop3A_1094 = arith.constant 64 : index
        %parallel_loop3A_1095 = tpu.vector_load %arg14[%parallel_loop3A_1093, %parallel_loop3A_1094] {strides = array<i32>} : memref<128x128xf32, #tpu.memory_space<vmem>>, vector<1x16xf32>,
        %parallel_loop3A_1096 = vector.shape_cast %parallel_loop3A_1095 : vector<1x16xf32> to vector<16xf32>
        %parallel_loop3A_1097 = vector.broadcast %parallel_loop3A_1048 : f32 to vector<16xf32>
        %parallel_loop3A_1098 = arith.mulf %parallel_loop3A_1096, %parallel_loop3A_1097 : vector<16xf32>
        %parallel_loop3A_1099 = arith.index_cast %parallel_loop3A_1046 : i32 to index
        %parallel_loop3A_1100 = arith.constant 64 : index
        %parallel_loop3A_1101 = tpu.vector_load %arg14[%parallel_loop3A_1099, %parallel_loop3A_1100] {strides = array<i32>} : memref<128x128xf32, #tpu.memory_space<vmem>>, vector<1x16xf32>,
        %parallel_loop3A_1102 = vector.shape_cast %parallel_loop3A_1101 : vector<1x16xf32> to vector<16xf32>
        %parallel_loop3A_1103 = vector.shape_cast %parallel_loop3A_1098 : vector<16xf32> to vector<1x16xf32>
        tpu.vector_store %arg14[%parallel_loop3A_1099, %parallel_loop3A_1100], %parallel_loop3A_1103 {strides = array<i32>} : memref<128x128xf32, #tpu.memory_space<vmem>>, vector<1x16xf32>,
        %parallel_loop3A_1104 = arith.index_cast %parallel_loop3A_1046 : i32 to index
        %parallel_loop3A_1105 = arith.constant 80 : index
        %parallel_loop3A_1106 = tpu.vector_load %arg14[%parallel_loop3A_1104, %parallel_loop3A_1105] {strides = array<i32>} : memref<128x128xf32, #tpu.memory_space<vmem>>, vector<1x16xf32>,
        %parallel_loop3A_1107 = vector.shape_cast %parallel_loop3A_1106 : vector<1x16xf32> to vector<16xf32>
        %parallel_loop3A_1108 = vector.broadcast %parallel_loop3A_1048 : f32 to vector<16xf32>
        %parallel_loop3A_1109 = arith.mulf %parallel_loop3A_1107, %parallel_loop3A_1108 : vector<16xf32>
        %parallel_loop3A_1110 = arith.index_cast %parallel_loop3A_1046 : i32 to index
        %parallel_loop3A_1111 = arith.constant 80 : index
        %parallel_loop3A_1112 = tpu.vector_load %arg14[%parallel_loop3A_1110, %parallel_loop3A_1111] {strides = array<i32>} : memref<128x128xf32, #tpu.memory_space<vmem>>, vector<1x16xf32>,
        %parallel_loop3A_1113 = vector.shape_cast %parallel_loop3A_1112 : vector<1x16xf32> to vector<16xf32>
        %parallel_loop3A_1114 = vector.shape_cast %parallel_loop3A_1109 : vector<16xf32> to vector<1x16xf32>
        tpu.vector_store %arg14[%parallel_loop3A_1110, %parallel_loop3A_1111], %parallel_loop3A_1114 {strides = array<i32>} : memref<128x128xf32, #tpu.memory_space<vmem>>, vector<1x16xf32>,
        %parallel_loop3A_1115 = arith.index_cast %parallel_loop3A_1046 : i32 to index
        %parallel_loop3A_1116 = arith.constant 96 : index
        %parallel_loop3A_1117 = tpu.vector_load %arg14[%parallel_loop3A_1115, %parallel_loop3A_1116] {strides = array<i32>} : memref<128x128xf32, #tpu.memory_space<vmem>>, vector<1x16xf32>,
        %parallel_loop3A_1118 = vector.shape_cast %parallel_loop3A_1117 : vector<1x16xf32> to vector<16xf32>
        %parallel_loop3A_1119 = vector.broadcast %parallel_loop3A_1048 : f32 to vector<16xf32>
        %parallel_loop3A_1120 = arith.mulf %parallel_loop3A_1118, %parallel_loop3A_1119 : vector<16xf32>
        %parallel_loop3A_1121 = arith.index_cast %parallel_loop3A_1046 : i32 to index
        %parallel_loop3A_1122 = arith.constant 96 : index
        %parallel_loop3A_1123 = tpu.vector_load %arg14[%parallel_loop3A_1121, %parallel_loop3A_1122] {strides = array<i32>} : memref<128x128xf32, #tpu.memory_space<vmem>>, vector<1x16xf32>,
        %parallel_loop3A_1124 = vector.shape_cast %parallel_loop3A_1123 : vector<1x16xf32> to vector<16xf32>
        %parallel_loop3A_1125 = vector.shape_cast %parallel_loop3A_1120 : vector<16xf32> to vector<1x16xf32>
        tpu.vector_store %arg14[%parallel_loop3A_1121, %parallel_loop3A_1122], %parallel_loop3A_1125 {strides = array<i32>} : memref<128x128xf32, #tpu.memory_space<vmem>>, vector<1x16xf32>,
        %parallel_loop3A_1126 = arith.index_cast %parallel_loop3A_1046 : i32 to index
        %parallel_loop3A_1127 = arith.constant 112 : index
        %parallel_loop3A_1128 = tpu.vector_load %arg14[%parallel_loop3A_1126, %parallel_loop3A_1127] {strides = array<i32>} : memref<128x128xf32, #tpu.memory_space<vmem>>, vector<1x16xf32>,
        %parallel_loop3A_1129 = vector.shape_cast %parallel_loop3A_1128 : vector<1x16xf32> to vector<16xf32>
        %parallel_loop3A_1130 = vector.broadcast %parallel_loop3A_1048 : f32 to vector<16xf32>
        %parallel_loop3A_1131 = arith.mulf %parallel_loop3A_1129, %parallel_loop3A_1130 : vector<16xf32>
        %parallel_loop3A_1132 = arith.index_cast %parallel_loop3A_1046 : i32 to index
        %parallel_loop3A_1133 = arith.constant 112 : index
        %parallel_loop3A_1134 = tpu.vector_load %arg14[%parallel_loop3A_1132, %parallel_loop3A_1133] {strides = array<i32>} : memref<128x128xf32, #tpu.memory_space<vmem>>, vector<1x16xf32>,
        %parallel_loop3A_1135 = vector.shape_cast %parallel_loop3A_1134 : vector<1x16xf32> to vector<16xf32>
        %parallel_loop3A_1136 = vector.shape_cast %parallel_loop3A_1131 : vector<16xf32> to vector<1x16xf32>
        tpu.vector_store %arg14[%parallel_loop3A_1132, %parallel_loop3A_1133], %parallel_loop3A_1136 {strides = array<i32>} : memref<128x128xf32, #tpu.memory_space<vmem>>, vector<1x16xf32>,
        %parallel_loop3A_1137 = arith.constant 16 : i32
        %parallel_loop3A_1138 = arith.muli %parallel_loop3A_97, %parallel_loop3A_1137 : i32
        %parallel_loop3A_1139 = arith.constant 11 : i32
        %parallel_loop3A_1140 = arith.addi %parallel_loop3A_1138, %parallel_loop3A_1139 : i32
        %parallel_loop3A_1141 = vector.extract_strided_slice %parallel_loop3A_102 {offsets = [11], sizes = [1], strides = [1]} : vector<16xf32> to vector<1xf32>
        %parallel_loop3A_1142 = vector.extract %parallel_loop3A_1141[0] : f32 from vector<1xf32>
        %parallel_loop3A_1143 = arith.index_cast %parallel_loop3A_1140 : i32 to index
        %parallel_loop3A_1144 = arith.constant 0 : index
        %parallel_loop3A_1145 = tpu.vector_load %arg14[%parallel_loop3A_1143, %parallel_loop3A_1144] {strides = array<i32>} : memref<128x128xf32, #tpu.memory_space<vmem>>, vector<1x16xf32>,
        %parallel_loop3A_1146 = vector.shape_cast %parallel_loop3A_1145 : vector<1x16xf32> to vector<16xf32>
        %parallel_loop3A_1147 = vector.broadcast %parallel_loop3A_1142 : f32 to vector<16xf32>
        %parallel_loop3A_1148 = arith.mulf %parallel_loop3A_1146, %parallel_loop3A_1147 : vector<16xf32>
        %parallel_loop3A_1149 = arith.index_cast %parallel_loop3A_1140 : i32 to index
        %parallel_loop3A_1150 = arith.constant 0 : index
        %parallel_loop3A_1151 = tpu.vector_load %arg14[%parallel_loop3A_1149, %parallel_loop3A_1150] {strides = array<i32>} : memref<128x128xf32, #tpu.memory_space<vmem>>, vector<1x16xf32>,
        %parallel_loop3A_1152 = vector.shape_cast %parallel_loop3A_1151 : vector<1x16xf32> to vector<16xf32>
        %parallel_loop3A_1153 = vector.shape_cast %parallel_loop3A_1148 : vector<16xf32> to vector<1x16xf32>
        tpu.vector_store %arg14[%parallel_loop3A_1149, %parallel_loop3A_1150], %parallel_loop3A_1153 {strides = array<i32>} : memref<128x128xf32, #tpu.memory_space<vmem>>, vector<1x16xf32>,
        %parallel_loop3A_1154 = arith.index_cast %parallel_loop3A_1140 : i32 to index
        %parallel_loop3A_1155 = arith.constant 16 : index
        %parallel_loop3A_1156 = tpu.vector_load %arg14[%parallel_loop3A_1154, %parallel_loop3A_1155] {strides = array<i32>} : memref<128x128xf32, #tpu.memory_space<vmem>>, vector<1x16xf32>,
        %parallel_loop3A_1157 = vector.shape_cast %parallel_loop3A_1156 : vector<1x16xf32> to vector<16xf32>
        %parallel_loop3A_1158 = vector.broadcast %parallel_loop3A_1142 : f32 to vector<16xf32>
        %parallel_loop3A_1159 = arith.mulf %parallel_loop3A_1157, %parallel_loop3A_1158 : vector<16xf32>
        %parallel_loop3A_1160 = arith.index_cast %parallel_loop3A_1140 : i32 to index
        %parallel_loop3A_1161 = arith.constant 16 : index
        %parallel_loop3A_1162 = tpu.vector_load %arg14[%parallel_loop3A_1160, %parallel_loop3A_1161] {strides = array<i32>} : memref<128x128xf32, #tpu.memory_space<vmem>>, vector<1x16xf32>,
        %parallel_loop3A_1163 = vector.shape_cast %parallel_loop3A_1162 : vector<1x16xf32> to vector<16xf32>
        %parallel_loop3A_1164 = vector.shape_cast %parallel_loop3A_1159 : vector<16xf32> to vector<1x16xf32>
        tpu.vector_store %arg14[%parallel_loop3A_1160, %parallel_loop3A_1161], %parallel_loop3A_1164 {strides = array<i32>} : memref<128x128xf32, #tpu.memory_space<vmem>>, vector<1x16xf32>,
        %parallel_loop3A_1165 = arith.index_cast %parallel_loop3A_1140 : i32 to index
        %parallel_loop3A_1166 = arith.constant 32 : index
        %parallel_loop3A_1167 = tpu.vector_load %arg14[%parallel_loop3A_1165, %parallel_loop3A_1166] {strides = array<i32>} : memref<128x128xf32, #tpu.memory_space<vmem>>, vector<1x16xf32>,
        %parallel_loop3A_1168 = vector.shape_cast %parallel_loop3A_1167 : vector<1x16xf32> to vector<16xf32>
        %parallel_loop3A_1169 = vector.broadcast %parallel_loop3A_1142 : f32 to vector<16xf32>
        %parallel_loop3A_1170 = arith.mulf %parallel_loop3A_1168, %parallel_loop3A_1169 : vector<16xf32>
        %parallel_loop3A_1171 = arith.index_cast %parallel_loop3A_1140 : i32 to index
        %parallel_loop3A_1172 = arith.constant 32 : index
        %parallel_loop3A_1173 = tpu.vector_load %arg14[%parallel_loop3A_1171, %parallel_loop3A_1172] {strides = array<i32>} : memref<128x128xf32, #tpu.memory_space<vmem>>, vector<1x16xf32>,
        %parallel_loop3A_1174 = vector.shape_cast %parallel_loop3A_1173 : vector<1x16xf32> to vector<16xf32>
        %parallel_loop3A_1175 = vector.shape_cast %parallel_loop3A_1170 : vector<16xf32> to vector<1x16xf32>
        tpu.vector_store %arg14[%parallel_loop3A_1171, %parallel_loop3A_1172], %parallel_loop3A_1175 {strides = array<i32>} : memref<128x128xf32, #tpu.memory_space<vmem>>, vector<1x16xf32>,
        %parallel_loop3A_1176 = arith.index_cast %parallel_loop3A_1140 : i32 to index
        %parallel_loop3A_1177 = arith.constant 48 : index
        %parallel_loop3A_1178 = tpu.vector_load %arg14[%parallel_loop3A_1176, %parallel_loop3A_1177] {strides = array<i32>} : memref<128x128xf32, #tpu.memory_space<vmem>>, vector<1x16xf32>,
        %parallel_loop3A_1179 = vector.shape_cast %parallel_loop3A_1178 : vector<1x16xf32> to vector<16xf32>
        %parallel_loop3A_1180 = vector.broadcast %parallel_loop3A_1142 : f32 to vector<16xf32>
        %parallel_loop3A_1181 = arith.mulf %parallel_loop3A_1179, %parallel_loop3A_1180 : vector<16xf32>
        %parallel_loop3A_1182 = arith.index_cast %parallel_loop3A_1140 : i32 to index
        %parallel_loop3A_1183 = arith.constant 48 : index
        %parallel_loop3A_1184 = tpu.vector_load %arg14[%parallel_loop3A_1182, %parallel_loop3A_1183] {strides = array<i32>} : memref<128x128xf32, #tpu.memory_space<vmem>>, vector<1x16xf32>,
        %parallel_loop3A_1185 = vector.shape_cast %parallel_loop3A_1184 : vector<1x16xf32> to vector<16xf32>
        %parallel_loop3A_1186 = vector.shape_cast %parallel_loop3A_1181 : vector<16xf32> to vector<1x16xf32>
        tpu.vector_store %arg14[%parallel_loop3A_1182, %parallel_loop3A_1183], %parallel_loop3A_1186 {strides = array<i32>} : memref<128x128xf32, #tpu.memory_space<vmem>>, vector<1x16xf32>,
        %parallel_loop3A_1187 = arith.index_cast %parallel_loop3A_1140 : i32 to index
        %parallel_loop3A_1188 = arith.constant 64 : index
        %parallel_loop3A_1189 = tpu.vector_load %arg14[%parallel_loop3A_1187, %parallel_loop3A_1188] {strides = array<i32>} : memref<128x128xf32, #tpu.memory_space<vmem>>, vector<1x16xf32>,
        %parallel_loop3A_1190 = vector.shape_cast %parallel_loop3A_1189 : vector<1x16xf32> to vector<16xf32>
        %parallel_loop3A_1191 = vector.broadcast %parallel_loop3A_1142 : f32 to vector<16xf32>
        %parallel_loop3A_1192 = arith.mulf %parallel_loop3A_1190, %parallel_loop3A_1191 : vector<16xf32>
        %parallel_loop3A_1193 = arith.index_cast %parallel_loop3A_1140 : i32 to index
        %parallel_loop3A_1194 = arith.constant 64 : index
        %parallel_loop3A_1195 = tpu.vector_load %arg14[%parallel_loop3A_1193, %parallel_loop3A_1194] {strides = array<i32>} : memref<128x128xf32, #tpu.memory_space<vmem>>, vector<1x16xf32>,
        %parallel_loop3A_1196 = vector.shape_cast %parallel_loop3A_1195 : vector<1x16xf32> to vector<16xf32>
        %parallel_loop3A_1197 = vector.shape_cast %parallel_loop3A_1192 : vector<16xf32> to vector<1x16xf32>
        tpu.vector_store %arg14[%parallel_loop3A_1193, %parallel_loop3A_1194], %parallel_loop3A_1197 {strides = array<i32>} : memref<128x128xf32, #tpu.memory_space<vmem>>, vector<1x16xf32>,
        %parallel_loop3A_1198 = arith.index_cast %parallel_loop3A_1140 : i32 to index
        %parallel_loop3A_1199 = arith.constant 80 : index
        %parallel_loop3A_1200 = tpu.vector_load %arg14[%parallel_loop3A_1198, %parallel_loop3A_1199] {strides = array<i32>} : memref<128x128xf32, #tpu.memory_space<vmem>>, vector<1x16xf32>,
        %parallel_loop3A_1201 = vector.shape_cast %parallel_loop3A_1200 : vector<1x16xf32> to vector<16xf32>
        %parallel_loop3A_1202 = vector.broadcast %parallel_loop3A_1142 : f32 to vector<16xf32>
        %parallel_loop3A_1203 = arith.mulf %parallel_loop3A_1201, %parallel_loop3A_1202 : vector<16xf32>
        %parallel_loop3A_1204 = arith.index_cast %parallel_loop3A_1140 : i32 to index
        %parallel_loop3A_1205 = arith.constant 80 : index
        %parallel_loop3A_1206 = tpu.vector_load %arg14[%parallel_loop3A_1204, %parallel_loop3A_1205] {strides = array<i32>} : memref<128x128xf32, #tpu.memory_space<vmem>>, vector<1x16xf32>,
        %parallel_loop3A_1207 = vector.shape_cast %parallel_loop3A_1206 : vector<1x16xf32> to vector<16xf32>
        %parallel_loop3A_1208 = vector.shape_cast %parallel_loop3A_1203 : vector<16xf32> to vector<1x16xf32>
        tpu.vector_store %arg14[%parallel_loop3A_1204, %parallel_loop3A_1205], %parallel_loop3A_1208 {strides = array<i32>} : memref<128x128xf32, #tpu.memory_space<vmem>>, vector<1x16xf32>,
        %parallel_loop3A_1209 = arith.index_cast %parallel_loop3A_1140 : i32 to index
        %parallel_loop3A_1210 = arith.constant 96 : index
        %parallel_loop3A_1211 = tpu.vector_load %arg14[%parallel_loop3A_1209, %parallel_loop3A_1210] {strides = array<i32>} : memref<128x128xf32, #tpu.memory_space<vmem>>, vector<1x16xf32>,
        %parallel_loop3A_1212 = vector.shape_cast %parallel_loop3A_1211 : vector<1x16xf32> to vector<16xf32>
        %parallel_loop3A_1213 = vector.broadcast %parallel_loop3A_1142 : f32 to vector<16xf32>
        %parallel_loop3A_1214 = arith.mulf %parallel_loop3A_1212, %parallel_loop3A_1213 : vector<16xf32>
        %parallel_loop3A_1215 = arith.index_cast %parallel_loop3A_1140 : i32 to index
        %parallel_loop3A_1216 = arith.constant 96 : index
        %parallel_loop3A_1217 = tpu.vector_load %arg14[%parallel_loop3A_1215, %parallel_loop3A_1216] {strides = array<i32>} : memref<128x128xf32, #tpu.memory_space<vmem>>, vector<1x16xf32>,
        %parallel_loop3A_1218 = vector.shape_cast %parallel_loop3A_1217 : vector<1x16xf32> to vector<16xf32>
        %parallel_loop3A_1219 = vector.shape_cast %parallel_loop3A_1214 : vector<16xf32> to vector<1x16xf32>
        tpu.vector_store %arg14[%parallel_loop3A_1215, %parallel_loop3A_1216], %parallel_loop3A_1219 {strides = array<i32>} : memref<128x128xf32, #tpu.memory_space<vmem>>, vector<1x16xf32>,
        %parallel_loop3A_1220 = arith.index_cast %parallel_loop3A_1140 : i32 to index
        %parallel_loop3A_1221 = arith.constant 112 : index
        %parallel_loop3A_1222 = tpu.vector_load %arg14[%parallel_loop3A_1220, %parallel_loop3A_1221] {strides = array<i32>} : memref<128x128xf32, #tpu.memory_space<vmem>>, vector<1x16xf32>,
        %parallel_loop3A_1223 = vector.shape_cast %parallel_loop3A_1222 : vector<1x16xf32> to vector<16xf32>
        %parallel_loop3A_1224 = vector.broadcast %parallel_loop3A_1142 : f32 to vector<16xf32>
        %parallel_loop3A_1225 = arith.mulf %parallel_loop3A_1223, %parallel_loop3A_1224 : vector<16xf32>
        %parallel_loop3A_1226 = arith.index_cast %parallel_loop3A_1140 : i32 to index
        %parallel_loop3A_1227 = arith.constant 112 : index
        %parallel_loop3A_1228 = tpu.vector_load %arg14[%parallel_loop3A_1226, %parallel_loop3A_1227] {strides = array<i32>} : memref<128x128xf32, #tpu.memory_space<vmem>>, vector<1x16xf32>,
        %parallel_loop3A_1229 = vector.shape_cast %parallel_loop3A_1228 : vector<1x16xf32> to vector<16xf32>
        %parallel_loop3A_1230 = vector.shape_cast %parallel_loop3A_1225 : vector<16xf32> to vector<1x16xf32>
        tpu.vector_store %arg14[%parallel_loop3A_1226, %parallel_loop3A_1227], %parallel_loop3A_1230 {strides = array<i32>} : memref<128x128xf32, #tpu.memory_space<vmem>>, vector<1x16xf32>,
        %parallel_loop3A_1231 = arith.constant 16 : i32
        %parallel_loop3A_1232 = arith.muli %parallel_loop3A_97, %parallel_loop3A_1231 : i32
        %parallel_loop3A_1233 = arith.constant 12 : i32
        %parallel_loop3A_1234 = arith.addi %parallel_loop3A_1232, %parallel_loop3A_1233 : i32
        %parallel_loop3A_1235 = vector.extract_strided_slice %parallel_loop3A_102 {offsets = [12], sizes = [1], strides = [1]} : vector<16xf32> to vector<1xf32>
        %parallel_loop3A_1236 = vector.extract %parallel_loop3A_1235[0] : f32 from vector<1xf32>
        %parallel_loop3A_1237 = arith.index_cast %parallel_loop3A_1234 : i32 to index
        %parallel_loop3A_1238 = arith.constant 0 : index
        %parallel_loop3A_1239 = tpu.vector_load %arg14[%parallel_loop3A_1237, %parallel_loop3A_1238] {strides = array<i32>} : memref<128x128xf32, #tpu.memory_space<vmem>>, vector<1x16xf32>,
        %parallel_loop3A_1240 = vector.shape_cast %parallel_loop3A_1239 : vector<1x16xf32> to vector<16xf32>
        %parallel_loop3A_1241 = vector.broadcast %parallel_loop3A_1236 : f32 to vector<16xf32>
        %parallel_loop3A_1242 = arith.mulf %parallel_loop3A_1240, %parallel_loop3A_1241 : vector<16xf32>
        %parallel_loop3A_1243 = arith.index_cast %parallel_loop3A_1234 : i32 to index
        %parallel_loop3A_1244 = arith.constant 0 : index
        %parallel_loop3A_1245 = tpu.vector_load %arg14[%parallel_loop3A_1243, %parallel_loop3A_1244] {strides = array<i32>} : memref<128x128xf32, #tpu.memory_space<vmem>>, vector<1x16xf32>,
        %parallel_loop3A_1246 = vector.shape_cast %parallel_loop3A_1245 : vector<1x16xf32> to vector<16xf32>
        %parallel_loop3A_1247 = vector.shape_cast %parallel_loop3A_1242 : vector<16xf32> to vector<1x16xf32>
        tpu.vector_store %arg14[%parallel_loop3A_1243, %parallel_loop3A_1244], %parallel_loop3A_1247 {strides = array<i32>} : memref<128x128xf32, #tpu.memory_space<vmem>>, vector<1x16xf32>,
        %parallel_loop3A_1248 = arith.index_cast %parallel_loop3A_1234 : i32 to index
        %parallel_loop3A_1249 = arith.constant 16 : index
        %parallel_loop3A_1250 = tpu.vector_load %arg14[%parallel_loop3A_1248, %parallel_loop3A_1249] {strides = array<i32>} : memref<128x128xf32, #tpu.memory_space<vmem>>, vector<1x16xf32>,
        %parallel_loop3A_1251 = vector.shape_cast %parallel_loop3A_1250 : vector<1x16xf32> to vector<16xf32>
        %parallel_loop3A_1252 = vector.broadcast %parallel_loop3A_1236 : f32 to vector<16xf32>
        %parallel_loop3A_1253 = arith.mulf %parallel_loop3A_1251, %parallel_loop3A_1252 : vector<16xf32>
        %parallel_loop3A_1254 = arith.index_cast %parallel_loop3A_1234 : i32 to index
        %parallel_loop3A_1255 = arith.constant 16 : index
        %parallel_loop3A_1256 = tpu.vector_load %arg14[%parallel_loop3A_1254, %parallel_loop3A_1255] {strides = array<i32>} : memref<128x128xf32, #tpu.memory_space<vmem>>, vector<1x16xf32>,
        %parallel_loop3A_1257 = vector.shape_cast %parallel_loop3A_1256 : vector<1x16xf32> to vector<16xf32>
        %parallel_loop3A_1258 = vector.shape_cast %parallel_loop3A_1253 : vector<16xf32> to vector<1x16xf32>
        tpu.vector_store %arg14[%parallel_loop3A_1254, %parallel_loop3A_1255], %parallel_loop3A_1258 {strides = array<i32>} : memref<128x128xf32, #tpu.memory_space<vmem>>, vector<1x16xf32>,
        %parallel_loop3A_1259 = arith.index_cast %parallel_loop3A_1234 : i32 to index
        %parallel_loop3A_1260 = arith.constant 32 : index
        %parallel_loop3A_1261 = tpu.vector_load %arg14[%parallel_loop3A_1259, %parallel_loop3A_1260] {strides = array<i32>} : memref<128x128xf32, #tpu.memory_space<vmem>>, vector<1x16xf32>,
        %parallel_loop3A_1262 = vector.shape_cast %parallel_loop3A_1261 : vector<1x16xf32> to vector<16xf32>
        %parallel_loop3A_1263 = vector.broadcast %parallel_loop3A_1236 : f32 to vector<16xf32>
        %parallel_loop3A_1264 = arith.mulf %parallel_loop3A_1262, %parallel_loop3A_1263 : vector<16xf32>
        %parallel_loop3A_1265 = arith.index_cast %parallel_loop3A_1234 : i32 to index
        %parallel_loop3A_1266 = arith.constant 32 : index
        %parallel_loop3A_1267 = tpu.vector_load %arg14[%parallel_loop3A_1265, %parallel_loop3A_1266] {strides = array<i32>} : memref<128x128xf32, #tpu.memory_space<vmem>>, vector<1x16xf32>,
        %parallel_loop3A_1268 = vector.shape_cast %parallel_loop3A_1267 : vector<1x16xf32> to vector<16xf32>
        %parallel_loop3A_1269 = vector.shape_cast %parallel_loop3A_1264 : vector<16xf32> to vector<1x16xf32>
        tpu.vector_store %arg14[%parallel_loop3A_1265, %parallel_loop3A_1266], %parallel_loop3A_1269 {strides = array<i32>} : memref<128x128xf32, #tpu.memory_space<vmem>>, vector<1x16xf32>,
        %parallel_loop3A_1270 = arith.index_cast %parallel_loop3A_1234 : i32 to index
        %parallel_loop3A_1271 = arith.constant 48 : index
        %parallel_loop3A_1272 = tpu.vector_load %arg14[%parallel_loop3A_1270, %parallel_loop3A_1271] {strides = array<i32>} : memref<128x128xf32, #tpu.memory_space<vmem>>, vector<1x16xf32>,
        %parallel_loop3A_1273 = vector.shape_cast %parallel_loop3A_1272 : vector<1x16xf32> to vector<16xf32>
        %parallel_loop3A_1274 = vector.broadcast %parallel_loop3A_1236 : f32 to vector<16xf32>
        %parallel_loop3A_1275 = arith.mulf %parallel_loop3A_1273, %parallel_loop3A_1274 : vector<16xf32>
        %parallel_loop3A_1276 = arith.index_cast %parallel_loop3A_1234 : i32 to index
        %parallel_loop3A_1277 = arith.constant 48 : index
        %parallel_loop3A_1278 = tpu.vector_load %arg14[%parallel_loop3A_1276, %parallel_loop3A_1277] {strides = array<i32>} : memref<128x128xf32, #tpu.memory_space<vmem>>, vector<1x16xf32>,
        %parallel_loop3A_1279 = vector.shape_cast %parallel_loop3A_1278 : vector<1x16xf32> to vector<16xf32>
        %parallel_loop3A_1280 = vector.shape_cast %parallel_loop3A_1275 : vector<16xf32> to vector<1x16xf32>
        tpu.vector_store %arg14[%parallel_loop3A_1276, %parallel_loop3A_1277], %parallel_loop3A_1280 {strides = array<i32>} : memref<128x128xf32, #tpu.memory_space<vmem>>, vector<1x16xf32>,
        %parallel_loop3A_1281 = arith.index_cast %parallel_loop3A_1234 : i32 to index
        %parallel_loop3A_1282 = arith.constant 64 : index
        %parallel_loop3A_1283 = tpu.vector_load %arg14[%parallel_loop3A_1281, %parallel_loop3A_1282] {strides = array<i32>} : memref<128x128xf32, #tpu.memory_space<vmem>>, vector<1x16xf32>,
        %parallel_loop3A_1284 = vector.shape_cast %parallel_loop3A_1283 : vector<1x16xf32> to vector<16xf32>
        %parallel_loop3A_1285 = vector.broadcast %parallel_loop3A_1236 : f32 to vector<16xf32>
        %parallel_loop3A_1286 = arith.mulf %parallel_loop3A_1284, %parallel_loop3A_1285 : vector<16xf32>
        %parallel_loop3A_1287 = arith.index_cast %parallel_loop3A_1234 : i32 to index
        %parallel_loop3A_1288 = arith.constant 64 : index
        %parallel_loop3A_1289 = tpu.vector_load %arg14[%parallel_loop3A_1287, %parallel_loop3A_1288] {strides = array<i32>} : memref<128x128xf32, #tpu.memory_space<vmem>>, vector<1x16xf32>,
        %parallel_loop3A_1290 = vector.shape_cast %parallel_loop3A_1289 : vector<1x16xf32> to vector<16xf32>
        %parallel_loop3A_1291 = vector.shape_cast %parallel_loop3A_1286 : vector<16xf32> to vector<1x16xf32>
        tpu.vector_store %arg14[%parallel_loop3A_1287, %parallel_loop3A_1288], %parallel_loop3A_1291 {strides = array<i32>} : memref<128x128xf32, #tpu.memory_space<vmem>>, vector<1x16xf32>,
        %parallel_loop3A_1292 = arith.index_cast %parallel_loop3A_1234 : i32 to index
        %parallel_loop3A_1293 = arith.constant 80 : index
        %parallel_loop3A_1294 = tpu.vector_load %arg14[%parallel_loop3A_1292, %parallel_loop3A_1293] {strides = array<i32>} : memref<128x128xf32, #tpu.memory_space<vmem>>, vector<1x16xf32>,
        %parallel_loop3A_1295 = vector.shape_cast %parallel_loop3A_1294 : vector<1x16xf32> to vector<16xf32>
        %parallel_loop3A_1296 = vector.broadcast %parallel_loop3A_1236 : f32 to vector<16xf32>
        %parallel_loop3A_1297 = arith.mulf %parallel_loop3A_1295, %parallel_loop3A_1296 : vector<16xf32>
        %parallel_loop3A_1298 = arith.index_cast %parallel_loop3A_1234 : i32 to index
        %parallel_loop3A_1299 = arith.constant 80 : index
        %parallel_loop3A_1300 = tpu.vector_load %arg14[%parallel_loop3A_1298, %parallel_loop3A_1299] {strides = array<i32>} : memref<128x128xf32, #tpu.memory_space<vmem>>, vector<1x16xf32>,
        %parallel_loop3A_1301 = vector.shape_cast %parallel_loop3A_1300 : vector<1x16xf32> to vector<16xf32>
        %parallel_loop3A_1302 = vector.shape_cast %parallel_loop3A_1297 : vector<16xf32> to vector<1x16xf32>
        tpu.vector_store %arg14[%parallel_loop3A_1298, %parallel_loop3A_1299], %parallel_loop3A_1302 {strides = array<i32>} : memref<128x128xf32, #tpu.memory_space<vmem>>, vector<1x16xf32>,
        %parallel_loop3A_1303 = arith.index_cast %parallel_loop3A_1234 : i32 to index
        %parallel_loop3A_1304 = arith.constant 96 : index
        %parallel_loop3A_1305 = tpu.vector_load %arg14[%parallel_loop3A_1303, %parallel_loop3A_1304] {strides = array<i32>} : memref<128x128xf32, #tpu.memory_space<vmem>>, vector<1x16xf32>,
        %parallel_loop3A_1306 = vector.shape_cast %parallel_loop3A_1305 : vector<1x16xf32> to vector<16xf32>
        %parallel_loop3A_1307 = vector.broadcast %parallel_loop3A_1236 : f32 to vector<16xf32>
        %parallel_loop3A_1308 = arith.mulf %parallel_loop3A_1306, %parallel_loop3A_1307 : vector<16xf32>
        %parallel_loop3A_1309 = arith.index_cast %parallel_loop3A_1234 : i32 to index
        %parallel_loop3A_1310 = arith.constant 96 : index
        %parallel_loop3A_1311 = tpu.vector_load %arg14[%parallel_loop3A_1309, %parallel_loop3A_1310] {strides = array<i32>} : memref<128x128xf32, #tpu.memory_space<vmem>>, vector<1x16xf32>,
        %parallel_loop3A_1312 = vector.shape_cast %parallel_loop3A_1311 : vector<1x16xf32> to vector<16xf32>
        %parallel_loop3A_1313 = vector.shape_cast %parallel_loop3A_1308 : vector<16xf32> to vector<1x16xf32>
        tpu.vector_store %arg14[%parallel_loop3A_1309, %parallel_loop3A_1310], %parallel_loop3A_1313 {strides = array<i32>} : memref<128x128xf32, #tpu.memory_space<vmem>>, vector<1x16xf32>,
        %parallel_loop3A_1314 = arith.index_cast %parallel_loop3A_1234 : i32 to index
        %parallel_loop3A_1315 = arith.constant 112 : index
        %parallel_loop3A_1316 = tpu.vector_load %arg14[%parallel_loop3A_1314, %parallel_loop3A_1315] {strides = array<i32>} : memref<128x128xf32, #tpu.memory_space<vmem>>, vector<1x16xf32>,
        %parallel_loop3A_1317 = vector.shape_cast %parallel_loop3A_1316 : vector<1x16xf32> to vector<16xf32>
        %parallel_loop3A_1318 = vector.broadcast %parallel_loop3A_1236 : f32 to vector<16xf32>
        %parallel_loop3A_1319 = arith.mulf %parallel_loop3A_1317, %parallel_loop3A_1318 : vector<16xf32>
        %parallel_loop3A_1320 = arith.index_cast %parallel_loop3A_1234 : i32 to index
        %parallel_loop3A_1321 = arith.constant 112 : index
        %parallel_loop3A_1322 = tpu.vector_load %arg14[%parallel_loop3A_1320, %parallel_loop3A_1321] {strides = array<i32>} : memref<128x128xf32, #tpu.memory_space<vmem>>, vector<1x16xf32>,
        %parallel_loop3A_1323 = vector.shape_cast %parallel_loop3A_1322 : vector<1x16xf32> to vector<16xf32>
        %parallel_loop3A_1324 = vector.shape_cast %parallel_loop3A_1319 : vector<16xf32> to vector<1x16xf32>
        tpu.vector_store %arg14[%parallel_loop3A_1320, %parallel_loop3A_1321], %parallel_loop3A_1324 {strides = array<i32>} : memref<128x128xf32, #tpu.memory_space<vmem>>, vector<1x16xf32>,
        %parallel_loop3A_1325 = arith.constant 16 : i32
        %parallel_loop3A_1326 = arith.muli %parallel_loop3A_97, %parallel_loop3A_1325 : i32
        %parallel_loop3A_1327 = arith.constant 13 : i32
        %parallel_loop3A_1328 = arith.addi %parallel_loop3A_1326, %parallel_loop3A_1327 : i32
        %parallel_loop3A_1329 = vector.extract_strided_slice %parallel_loop3A_102 {offsets = [13], sizes = [1], strides = [1]} : vector<16xf32> to vector<1xf32>
        %parallel_loop3A_1330 = vector.extract %parallel_loop3A_1329[0] : f32 from vector<1xf32>
        %parallel_loop3A_1331 = arith.index_cast %parallel_loop3A_1328 : i32 to index
        %parallel_loop3A_1332 = arith.constant 0 : index
        %parallel_loop3A_1333 = tpu.vector_load %arg14[%parallel_loop3A_1331, %parallel_loop3A_1332] {strides = array<i32>} : memref<128x128xf32, #tpu.memory_space<vmem>>, vector<1x16xf32>,
        %parallel_loop3A_1334 = vector.shape_cast %parallel_loop3A_1333 : vector<1x16xf32> to vector<16xf32>
        %parallel_loop3A_1335 = vector.broadcast %parallel_loop3A_1330 : f32 to vector<16xf32>
        %parallel_loop3A_1336 = arith.mulf %parallel_loop3A_1334, %parallel_loop3A_1335 : vector<16xf32>
        %parallel_loop3A_1337 = arith.index_cast %parallel_loop3A_1328 : i32 to index
        %parallel_loop3A_1338 = arith.constant 0 : index
        %parallel_loop3A_1339 = tpu.vector_load %arg14[%parallel_loop3A_1337, %parallel_loop3A_1338] {strides = array<i32>} : memref<128x128xf32, #tpu.memory_space<vmem>>, vector<1x16xf32>,
        %parallel_loop3A_1340 = vector.shape_cast %parallel_loop3A_1339 : vector<1x16xf32> to vector<16xf32>
        %parallel_loop3A_1341 = vector.shape_cast %parallel_loop3A_1336 : vector<16xf32> to vector<1x16xf32>
        tpu.vector_store %arg14[%parallel_loop3A_1337, %parallel_loop3A_1338], %parallel_loop3A_1341 {strides = array<i32>} : memref<128x128xf32, #tpu.memory_space<vmem>>, vector<1x16xf32>,
        %parallel_loop3A_1342 = arith.index_cast %parallel_loop3A_1328 : i32 to index
        %parallel_loop3A_1343 = arith.constant 16 : index
        %parallel_loop3A_1344 = tpu.vector_load %arg14[%parallel_loop3A_1342, %parallel_loop3A_1343] {strides = array<i32>} : memref<128x128xf32, #tpu.memory_space<vmem>>, vector<1x16xf32>,
        %parallel_loop3A_1345 = vector.shape_cast %parallel_loop3A_1344 : vector<1x16xf32> to vector<16xf32>
        %parallel_loop3A_1346 = vector.broadcast %parallel_loop3A_1330 : f32 to vector<16xf32>
        %parallel_loop3A_1347 = arith.mulf %parallel_loop3A_1345, %parallel_loop3A_1346 : vector<16xf32>
        %parallel_loop3A_1348 = arith.index_cast %parallel_loop3A_1328 : i32 to index
        %parallel_loop3A_1349 = arith.constant 16 : index
        %parallel_loop3A_1350 = tpu.vector_load %arg14[%parallel_loop3A_1348, %parallel_loop3A_1349] {strides = array<i32>} : memref<128x128xf32, #tpu.memory_space<vmem>>, vector<1x16xf32>,
        %parallel_loop3A_1351 = vector.shape_cast %parallel_loop3A_1350 : vector<1x16xf32> to vector<16xf32>
        %parallel_loop3A_1352 = vector.shape_cast %parallel_loop3A_1347 : vector<16xf32> to vector<1x16xf32>
        tpu.vector_store %arg14[%parallel_loop3A_1348, %parallel_loop3A_1349], %parallel_loop3A_1352 {strides = array<i32>} : memref<128x128xf32, #tpu.memory_space<vmem>>, vector<1x16xf32>,
        %parallel_loop3A_1353 = arith.index_cast %parallel_loop3A_1328 : i32 to index
        %parallel_loop3A_1354 = arith.constant 32 : index
        %parallel_loop3A_1355 = tpu.vector_load %arg14[%parallel_loop3A_1353, %parallel_loop3A_1354] {strides = array<i32>} : memref<128x128xf32, #tpu.memory_space<vmem>>, vector<1x16xf32>,
        %parallel_loop3A_1356 = vector.shape_cast %parallel_loop3A_1355 : vector<1x16xf32> to vector<16xf32>
        %parallel_loop3A_1357 = vector.broadcast %parallel_loop3A_1330 : f32 to vector<16xf32>
        %parallel_loop3A_1358 = arith.mulf %parallel_loop3A_1356, %parallel_loop3A_1357 : vector<16xf32>
        %parallel_loop3A_1359 = arith.index_cast %parallel_loop3A_1328 : i32 to index
        %parallel_loop3A_1360 = arith.constant 32 : index
        %parallel_loop3A_1361 = tpu.vector_load %arg14[%parallel_loop3A_1359, %parallel_loop3A_1360] {strides = array<i32>} : memref<128x128xf32, #tpu.memory_space<vmem>>, vector<1x16xf32>,
        %parallel_loop3A_1362 = vector.shape_cast %parallel_loop3A_1361 : vector<1x16xf32> to vector<16xf32>
        %parallel_loop3A_1363 = vector.shape_cast %parallel_loop3A_1358 : vector<16xf32> to vector<1x16xf32>
        tpu.vector_store %arg14[%parallel_loop3A_1359, %parallel_loop3A_1360], %parallel_loop3A_1363 {strides = array<i32>} : memref<128x128xf32, #tpu.memory_space<vmem>>, vector<1x16xf32>,
        %parallel_loop3A_1364 = arith.index_cast %parallel_loop3A_1328 : i32 to index
        %parallel_loop3A_1365 = arith.constant 48 : index
        %parallel_loop3A_1366 = tpu.vector_load %arg14[%parallel_loop3A_1364, %parallel_loop3A_1365] {strides = array<i32>} : memref<128x128xf32, #tpu.memory_space<vmem>>, vector<1x16xf32>,
        %parallel_loop3A_1367 = vector.shape_cast %parallel_loop3A_1366 : vector<1x16xf32> to vector<16xf32>
        %parallel_loop3A_1368 = vector.broadcast %parallel_loop3A_1330 : f32 to vector<16xf32>
        %parallel_loop3A_1369 = arith.mulf %parallel_loop3A_1367, %parallel_loop3A_1368 : vector<16xf32>
        %parallel_loop3A_1370 = arith.index_cast %parallel_loop3A_1328 : i32 to index
        %parallel_loop3A_1371 = arith.constant 48 : index
        %parallel_loop3A_1372 = tpu.vector_load %arg14[%parallel_loop3A_1370, %parallel_loop3A_1371] {strides = array<i32>} : memref<128x128xf32, #tpu.memory_space<vmem>>, vector<1x16xf32>,
        %parallel_loop3A_1373 = vector.shape_cast %parallel_loop3A_1372 : vector<1x16xf32> to vector<16xf32>
        %parallel_loop3A_1374 = vector.shape_cast %parallel_loop3A_1369 : vector<16xf32> to vector<1x16xf32>
        tpu.vector_store %arg14[%parallel_loop3A_1370, %parallel_loop3A_1371], %parallel_loop3A_1374 {strides = array<i32>} : memref<128x128xf32, #tpu.memory_space<vmem>>, vector<1x16xf32>,
        %parallel_loop3A_1375 = arith.index_cast %parallel_loop3A_1328 : i32 to index
        %parallel_loop3A_1376 = arith.constant 64 : index
        %parallel_loop3A_1377 = tpu.vector_load %arg14[%parallel_loop3A_1375, %parallel_loop3A_1376] {strides = array<i32>} : memref<128x128xf32, #tpu.memory_space<vmem>>, vector<1x16xf32>,
        %parallel_loop3A_1378 = vector.shape_cast %parallel_loop3A_1377 : vector<1x16xf32> to vector<16xf32>
        %parallel_loop3A_1379 = vector.broadcast %parallel_loop3A_1330 : f32 to vector<16xf32>
        %parallel_loop3A_1380 = arith.mulf %parallel_loop3A_1378, %parallel_loop3A_1379 : vector<16xf32>
        %parallel_loop3A_1381 = arith.index_cast %parallel_loop3A_1328 : i32 to index
        %parallel_loop3A_1382 = arith.constant 64 : index
        %parallel_loop3A_1383 = tpu.vector_load %arg14[%parallel_loop3A_1381, %parallel_loop3A_1382] {strides = array<i32>} : memref<128x128xf32, #tpu.memory_space<vmem>>, vector<1x16xf32>,
        %parallel_loop3A_1384 = vector.shape_cast %parallel_loop3A_1383 : vector<1x16xf32> to vector<16xf32>
        %parallel_loop3A_1385 = vector.shape_cast %parallel_loop3A_1380 : vector<16xf32> to vector<1x16xf32>
        tpu.vector_store %arg14[%parallel_loop3A_1381, %parallel_loop3A_1382], %parallel_loop3A_1385 {strides = array<i32>} : memref<128x128xf32, #tpu.memory_space<vmem>>, vector<1x16xf32>,
        %parallel_loop3A_1386 = arith.index_cast %parallel_loop3A_1328 : i32 to index
        %parallel_loop3A_1387 = arith.constant 80 : index
        %parallel_loop3A_1388 = tpu.vector_load %arg14[%parallel_loop3A_1386, %parallel_loop3A_1387] {strides = array<i32>} : memref<128x128xf32, #tpu.memory_space<vmem>>, vector<1x16xf32>,
        %parallel_loop3A_1389 = vector.shape_cast %parallel_loop3A_1388 : vector<1x16xf32> to vector<16xf32>
        %parallel_loop3A_1390 = vector.broadcast %parallel_loop3A_1330 : f32 to vector<16xf32>
        %parallel_loop3A_1391 = arith.mulf %parallel_loop3A_1389, %parallel_loop3A_1390 : vector<16xf32>
        %parallel_loop3A_1392 = arith.index_cast %parallel_loop3A_1328 : i32 to index
        %parallel_loop3A_1393 = arith.constant 80 : index
        %parallel_loop3A_1394 = tpu.vector_load %arg14[%parallel_loop3A_1392, %parallel_loop3A_1393] {strides = array<i32>} : memref<128x128xf32, #tpu.memory_space<vmem>>, vector<1x16xf32>,
        %parallel_loop3A_1395 = vector.shape_cast %parallel_loop3A_1394 : vector<1x16xf32> to vector<16xf32>
        %parallel_loop3A_1396 = vector.shape_cast %parallel_loop3A_1391 : vector<16xf32> to vector<1x16xf32>
        tpu.vector_store %arg14[%parallel_loop3A_1392, %parallel_loop3A_1393], %parallel_loop3A_1396 {strides = array<i32>} : memref<128x128xf32, #tpu.memory_space<vmem>>, vector<1x16xf32>,
        %parallel_loop3A_1397 = arith.index_cast %parallel_loop3A_1328 : i32 to index
        %parallel_loop3A_1398 = arith.constant 96 : index
        %parallel_loop3A_1399 = tpu.vector_load %arg14[%parallel_loop3A_1397, %parallel_loop3A_1398] {strides = array<i32>} : memref<128x128xf32, #tpu.memory_space<vmem>>, vector<1x16xf32>,
        %parallel_loop3A_1400 = vector.shape_cast %parallel_loop3A_1399 : vector<1x16xf32> to vector<16xf32>
        %parallel_loop3A_1401 = vector.broadcast %parallel_loop3A_1330 : f32 to vector<16xf32>
        %parallel_loop3A_1402 = arith.mulf %parallel_loop3A_1400, %parallel_loop3A_1401 : vector<16xf32>
        %parallel_loop3A_1403 = arith.index_cast %parallel_loop3A_1328 : i32 to index
        %parallel_loop3A_1404 = arith.constant 96 : index
        %parallel_loop3A_1405 = tpu.vector_load %arg14[%parallel_loop3A_1403, %parallel_loop3A_1404] {strides = array<i32>} : memref<128x128xf32, #tpu.memory_space<vmem>>, vector<1x16xf32>,
        %parallel_loop3A_1406 = vector.shape_cast %parallel_loop3A_1405 : vector<1x16xf32> to vector<16xf32>
        %parallel_loop3A_1407 = vector.shape_cast %parallel_loop3A_1402 : vector<16xf32> to vector<1x16xf32>
        tpu.vector_store %arg14[%parallel_loop3A_1403, %parallel_loop3A_1404], %parallel_loop3A_1407 {strides = array<i32>} : memref<128x128xf32, #tpu.memory_space<vmem>>, vector<1x16xf32>,
        %parallel_loop3A_1408 = arith.index_cast %parallel_loop3A_1328 : i32 to index
        %parallel_loop3A_1409 = arith.constant 112 : index
        %parallel_loop3A_1410 = tpu.vector_load %arg14[%parallel_loop3A_1408, %parallel_loop3A_1409] {strides = array<i32>} : memref<128x128xf32, #tpu.memory_space<vmem>>, vector<1x16xf32>,
        %parallel_loop3A_1411 = vector.shape_cast %parallel_loop3A_1410 : vector<1x16xf32> to vector<16xf32>
        %parallel_loop3A_1412 = vector.broadcast %parallel_loop3A_1330 : f32 to vector<16xf32>
        %parallel_loop3A_1413 = arith.mulf %parallel_loop3A_1411, %parallel_loop3A_1412 : vector<16xf32>
        %parallel_loop3A_1414 = arith.index_cast %parallel_loop3A_1328 : i32 to index
        %parallel_loop3A_1415 = arith.constant 112 : index
        %parallel_loop3A_1416 = tpu.vector_load %arg14[%parallel_loop3A_1414, %parallel_loop3A_1415] {strides = array<i32>} : memref<128x128xf32, #tpu.memory_space<vmem>>, vector<1x16xf32>,
        %parallel_loop3A_1417 = vector.shape_cast %parallel_loop3A_1416 : vector<1x16xf32> to vector<16xf32>
        %parallel_loop3A_1418 = vector.shape_cast %parallel_loop3A_1413 : vector<16xf32> to vector<1x16xf32>
        tpu.vector_store %arg14[%parallel_loop3A_1414, %parallel_loop3A_1415], %parallel_loop3A_1418 {strides = array<i32>} : memref<128x128xf32, #tpu.memory_space<vmem>>, vector<1x16xf32>,
        %parallel_loop3A_1419 = arith.constant 16 : i32
        %parallel_loop3A_1420 = arith.muli %parallel_loop3A_97, %parallel_loop3A_1419 : i32
        %parallel_loop3A_1421 = arith.constant 14 : i32
        %parallel_loop3A_1422 = arith.addi %parallel_loop3A_1420, %parallel_loop3A_1421 : i32
        %parallel_loop3A_1423 = vector.extract_strided_slice %parallel_loop3A_102 {offsets = [14], sizes = [1], strides = [1]} : vector<16xf32> to vector<1xf32>
        %parallel_loop3A_1424 = vector.extract %parallel_loop3A_1423[0] : f32 from vector<1xf32>
        %parallel_loop3A_1425 = arith.index_cast %parallel_loop3A_1422 : i32 to index
        %parallel_loop3A_1426 = arith.constant 0 : index
        %parallel_loop3A_1427 = tpu.vector_load %arg14[%parallel_loop3A_1425, %parallel_loop3A_1426] {strides = array<i32>} : memref<128x128xf32, #tpu.memory_space<vmem>>, vector<1x16xf32>,
        %parallel_loop3A_1428 = vector.shape_cast %parallel_loop3A_1427 : vector<1x16xf32> to vector<16xf32>
        %parallel_loop3A_1429 = vector.broadcast %parallel_loop3A_1424 : f32 to vector<16xf32>
        %parallel_loop3A_1430 = arith.mulf %parallel_loop3A_1428, %parallel_loop3A_1429 : vector<16xf32>
        %parallel_loop3A_1431 = arith.index_cast %parallel_loop3A_1422 : i32 to index
        %parallel_loop3A_1432 = arith.constant 0 : index
        %parallel_loop3A_1433 = tpu.vector_load %arg14[%parallel_loop3A_1431, %parallel_loop3A_1432] {strides = array<i32>} : memref<128x128xf32, #tpu.memory_space<vmem>>, vector<1x16xf32>,
        %parallel_loop3A_1434 = vector.shape_cast %parallel_loop3A_1433 : vector<1x16xf32> to vector<16xf32>
        %parallel_loop3A_1435 = vector.shape_cast %parallel_loop3A_1430 : vector<16xf32> to vector<1x16xf32>
        tpu.vector_store %arg14[%parallel_loop3A_1431, %parallel_loop3A_1432], %parallel_loop3A_1435 {strides = array<i32>} : memref<128x128xf32, #tpu.memory_space<vmem>>, vector<1x16xf32>,
        %parallel_loop3A_1436 = arith.index_cast %parallel_loop3A_1422 : i32 to index
        %parallel_loop3A_1437 = arith.constant 16 : index
        %parallel_loop3A_1438 = tpu.vector_load %arg14[%parallel_loop3A_1436, %parallel_loop3A_1437] {strides = array<i32>} : memref<128x128xf32, #tpu.memory_space<vmem>>, vector<1x16xf32>,
        %parallel_loop3A_1439 = vector.shape_cast %parallel_loop3A_1438 : vector<1x16xf32> to vector<16xf32>
        %parallel_loop3A_1440 = vector.broadcast %parallel_loop3A_1424 : f32 to vector<16xf32>
        %parallel_loop3A_1441 = arith.mulf %parallel_loop3A_1439, %parallel_loop3A_1440 : vector<16xf32>
        %parallel_loop3A_1442 = arith.index_cast %parallel_loop3A_1422 : i32 to index
        %parallel_loop3A_1443 = arith.constant 16 : index
        %parallel_loop3A_1444 = tpu.vector_load %arg14[%parallel_loop3A_1442, %parallel_loop3A_1443] {strides = array<i32>} : memref<128x128xf32, #tpu.memory_space<vmem>>, vector<1x16xf32>,
        %parallel_loop3A_1445 = vector.shape_cast %parallel_loop3A_1444 : vector<1x16xf32> to vector<16xf32>
        %parallel_loop3A_1446 = vector.shape_cast %parallel_loop3A_1441 : vector<16xf32> to vector<1x16xf32>
        tpu.vector_store %arg14[%parallel_loop3A_1442, %parallel_loop3A_1443], %parallel_loop3A_1446 {strides = array<i32>} : memref<128x128xf32, #tpu.memory_space<vmem>>, vector<1x16xf32>,
        %parallel_loop3A_1447 = arith.index_cast %parallel_loop3A_1422 : i32 to index
        %parallel_loop3A_1448 = arith.constant 32 : index
        %parallel_loop3A_1449 = tpu.vector_load %arg14[%parallel_loop3A_1447, %parallel_loop3A_1448] {strides = array<i32>} : memref<128x128xf32, #tpu.memory_space<vmem>>, vector<1x16xf32>,
        %parallel_loop3A_1450 = vector.shape_cast %parallel_loop3A_1449 : vector<1x16xf32> to vector<16xf32>
        %parallel_loop3A_1451 = vector.broadcast %parallel_loop3A_1424 : f32 to vector<16xf32>
        %parallel_loop3A_1452 = arith.mulf %parallel_loop3A_1450, %parallel_loop3A_1451 : vector<16xf32>
        %parallel_loop3A_1453 = arith.index_cast %parallel_loop3A_1422 : i32 to index
        %parallel_loop3A_1454 = arith.constant 32 : index
        %parallel_loop3A_1455 = tpu.vector_load %arg14[%parallel_loop3A_1453, %parallel_loop3A_1454] {strides = array<i32>} : memref<128x128xf32, #tpu.memory_space<vmem>>, vector<1x16xf32>,
        %parallel_loop3A_1456 = vector.shape_cast %parallel_loop3A_1455 : vector<1x16xf32> to vector<16xf32>
        %parallel_loop3A_1457 = vector.shape_cast %parallel_loop3A_1452 : vector<16xf32> to vector<1x16xf32>
        tpu.vector_store %arg14[%parallel_loop3A_1453, %parallel_loop3A_1454], %parallel_loop3A_1457 {strides = array<i32>} : memref<128x128xf32, #tpu.memory_space<vmem>>, vector<1x16xf32>,
        %parallel_loop3A_1458 = arith.index_cast %parallel_loop3A_1422 : i32 to index
        %parallel_loop3A_1459 = arith.constant 48 : index
        %parallel_loop3A_1460 = tpu.vector_load %arg14[%parallel_loop3A_1458, %parallel_loop3A_1459] {strides = array<i32>} : memref<128x128xf32, #tpu.memory_space<vmem>>, vector<1x16xf32>,
        %parallel_loop3A_1461 = vector.shape_cast %parallel_loop3A_1460 : vector<1x16xf32> to vector<16xf32>
        %parallel_loop3A_1462 = vector.broadcast %parallel_loop3A_1424 : f32 to vector<16xf32>
        %parallel_loop3A_1463 = arith.mulf %parallel_loop3A_1461, %parallel_loop3A_1462 : vector<16xf32>
        %parallel_loop3A_1464 = arith.index_cast %parallel_loop3A_1422 : i32 to index
        %parallel_loop3A_1465 = arith.constant 48 : index
        %parallel_loop3A_1466 = tpu.vector_load %arg14[%parallel_loop3A_1464, %parallel_loop3A_1465] {strides = array<i32>} : memref<128x128xf32, #tpu.memory_space<vmem>>, vector<1x16xf32>,
        %parallel_loop3A_1467 = vector.shape_cast %parallel_loop3A_1466 : vector<1x16xf32> to vector<16xf32>
        %parallel_loop3A_1468 = vector.shape_cast %parallel_loop3A_1463 : vector<16xf32> to vector<1x16xf32>
        tpu.vector_store %arg14[%parallel_loop3A_1464, %parallel_loop3A_1465], %parallel_loop3A_1468 {strides = array<i32>} : memref<128x128xf32, #tpu.memory_space<vmem>>, vector<1x16xf32>,
        %parallel_loop3A_1469 = arith.index_cast %parallel_loop3A_1422 : i32 to index
        %parallel_loop3A_1470 = arith.constant 64 : index
        %parallel_loop3A_1471 = tpu.vector_load %arg14[%parallel_loop3A_1469, %parallel_loop3A_1470] {strides = array<i32>} : memref<128x128xf32, #tpu.memory_space<vmem>>, vector<1x16xf32>,
        %parallel_loop3A_1472 = vector.shape_cast %parallel_loop3A_1471 : vector<1x16xf32> to vector<16xf32>
        %parallel_loop3A_1473 = vector.broadcast %parallel_loop3A_1424 : f32 to vector<16xf32>
        %parallel_loop3A_1474 = arith.mulf %parallel_loop3A_1472, %parallel_loop3A_1473 : vector<16xf32>
        %parallel_loop3A_1475 = arith.index_cast %parallel_loop3A_1422 : i32 to index
        %parallel_loop3A_1476 = arith.constant 64 : index
        %parallel_loop3A_1477 = tpu.vector_load %arg14[%parallel_loop3A_1475, %parallel_loop3A_1476] {strides = array<i32>} : memref<128x128xf32, #tpu.memory_space<vmem>>, vector<1x16xf32>,
        %parallel_loop3A_1478 = vector.shape_cast %parallel_loop3A_1477 : vector<1x16xf32> to vector<16xf32>
        %parallel_loop3A_1479 = vector.shape_cast %parallel_loop3A_1474 : vector<16xf32> to vector<1x16xf32>
        tpu.vector_store %arg14[%parallel_loop3A_1475, %parallel_loop3A_1476], %parallel_loop3A_1479 {strides = array<i32>} : memref<128x128xf32, #tpu.memory_space<vmem>>, vector<1x16xf32>,
        %parallel_loop3A_1480 = arith.index_cast %parallel_loop3A_1422 : i32 to index
        %parallel_loop3A_1481 = arith.constant 80 : index
        %parallel_loop3A_1482 = tpu.vector_load %arg14[%parallel_loop3A_1480, %parallel_loop3A_1481] {strides = array<i32>} : memref<128x128xf32, #tpu.memory_space<vmem>>, vector<1x16xf32>,
        %parallel_loop3A_1483 = vector.shape_cast %parallel_loop3A_1482 : vector<1x16xf32> to vector<16xf32>
        %parallel_loop3A_1484 = vector.broadcast %parallel_loop3A_1424 : f32 to vector<16xf32>
        %parallel_loop3A_1485 = arith.mulf %parallel_loop3A_1483, %parallel_loop3A_1484 : vector<16xf32>
        %parallel_loop3A_1486 = arith.index_cast %parallel_loop3A_1422 : i32 to index
        %parallel_loop3A_1487 = arith.constant 80 : index
        %parallel_loop3A_1488 = tpu.vector_load %arg14[%parallel_loop3A_1486, %parallel_loop3A_1487] {strides = array<i32>} : memref<128x128xf32, #tpu.memory_space<vmem>>, vector<1x16xf32>,
        %parallel_loop3A_1489 = vector.shape_cast %parallel_loop3A_1488 : vector<1x16xf32> to vector<16xf32>
        %parallel_loop3A_1490 = vector.shape_cast %parallel_loop3A_1485 : vector<16xf32> to vector<1x16xf32>
        tpu.vector_store %arg14[%parallel_loop3A_1486, %parallel_loop3A_1487], %parallel_loop3A_1490 {strides = array<i32>} : memref<128x128xf32, #tpu.memory_space<vmem>>, vector<1x16xf32>,
        %parallel_loop3A_1491 = arith.index_cast %parallel_loop3A_1422 : i32 to index
        %parallel_loop3A_1492 = arith.constant 96 : index
        %parallel_loop3A_1493 = tpu.vector_load %arg14[%parallel_loop3A_1491, %parallel_loop3A_1492] {strides = array<i32>} : memref<128x128xf32, #tpu.memory_space<vmem>>, vector<1x16xf32>,
        %parallel_loop3A_1494 = vector.shape_cast %parallel_loop3A_1493 : vector<1x16xf32> to vector<16xf32>
        %parallel_loop3A_1495 = vector.broadcast %parallel_loop3A_1424 : f32 to vector<16xf32>
        %parallel_loop3A_1496 = arith.mulf %parallel_loop3A_1494, %parallel_loop3A_1495 : vector<16xf32>
        %parallel_loop3A_1497 = arith.index_cast %parallel_loop3A_1422 : i32 to index
        %parallel_loop3A_1498 = arith.constant 96 : index
        %parallel_loop3A_1499 = tpu.vector_load %arg14[%parallel_loop3A_1497, %parallel_loop3A_1498] {strides = array<i32>} : memref<128x128xf32, #tpu.memory_space<vmem>>, vector<1x16xf32>,
        %parallel_loop3A_1500 = vector.shape_cast %parallel_loop3A_1499 : vector<1x16xf32> to vector<16xf32>
        %parallel_loop3A_1501 = vector.shape_cast %parallel_loop3A_1496 : vector<16xf32> to vector<1x16xf32>
        tpu.vector_store %arg14[%parallel_loop3A_1497, %parallel_loop3A_1498], %parallel_loop3A_1501 {strides = array<i32>} : memref<128x128xf32, #tpu.memory_space<vmem>>, vector<1x16xf32>,
        %parallel_loop3A_1502 = arith.index_cast %parallel_loop3A_1422 : i32 to index
        %parallel_loop3A_1503 = arith.constant 112 : index
        %parallel_loop3A_1504 = tpu.vector_load %arg14[%parallel_loop3A_1502, %parallel_loop3A_1503] {strides = array<i32>} : memref<128x128xf32, #tpu.memory_space<vmem>>, vector<1x16xf32>,
        %parallel_loop3A_1505 = vector.shape_cast %parallel_loop3A_1504 : vector<1x16xf32> to vector<16xf32>
        %parallel_loop3A_1506 = vector.broadcast %parallel_loop3A_1424 : f32 to vector<16xf32>
        %parallel_loop3A_1507 = arith.mulf %parallel_loop3A_1505, %parallel_loop3A_1506 : vector<16xf32>
        %parallel_loop3A_1508 = arith.index_cast %parallel_loop3A_1422 : i32 to index
        %parallel_loop3A_1509 = arith.constant 112 : index
        %parallel_loop3A_1510 = tpu.vector_load %arg14[%parallel_loop3A_1508, %parallel_loop3A_1509] {strides = array<i32>} : memref<128x128xf32, #tpu.memory_space<vmem>>, vector<1x16xf32>,
        %parallel_loop3A_1511 = vector.shape_cast %parallel_loop3A_1510 : vector<1x16xf32> to vector<16xf32>
        %parallel_loop3A_1512 = vector.shape_cast %parallel_loop3A_1507 : vector<16xf32> to vector<1x16xf32>
        tpu.vector_store %arg14[%parallel_loop3A_1508, %parallel_loop3A_1509], %parallel_loop3A_1512 {strides = array<i32>} : memref<128x128xf32, #tpu.memory_space<vmem>>, vector<1x16xf32>,
        %parallel_loop3A_1513 = arith.constant 16 : i32
        %parallel_loop3A_1514 = arith.muli %parallel_loop3A_97, %parallel_loop3A_1513 : i32
        %parallel_loop3A_1515 = arith.constant 15 : i32
        %parallel_loop3A_1516 = arith.addi %parallel_loop3A_1514, %parallel_loop3A_1515 : i32
        %parallel_loop3A_1517 = vector.extract_strided_slice %parallel_loop3A_102 {offsets = [15], sizes = [1], strides = [1]} : vector<16xf32> to vector<1xf32>
        %parallel_loop3A_1518 = vector.extract %parallel_loop3A_1517[0] : f32 from vector<1xf32>
        %parallel_loop3A_1519 = arith.index_cast %parallel_loop3A_1516 : i32 to index
        %parallel_loop3A_1520 = arith.constant 0 : index
        %parallel_loop3A_1521 = tpu.vector_load %arg14[%parallel_loop3A_1519, %parallel_loop3A_1520] {strides = array<i32>} : memref<128x128xf32, #tpu.memory_space<vmem>>, vector<1x16xf32>,
        %parallel_loop3A_1522 = vector.shape_cast %parallel_loop3A_1521 : vector<1x16xf32> to vector<16xf32>
        %parallel_loop3A_1523 = vector.broadcast %parallel_loop3A_1518 : f32 to vector<16xf32>
        %parallel_loop3A_1524 = arith.mulf %parallel_loop3A_1522, %parallel_loop3A_1523 : vector<16xf32>
        %parallel_loop3A_1525 = arith.index_cast %parallel_loop3A_1516 : i32 to index
        %parallel_loop3A_1526 = arith.constant 0 : index
        %parallel_loop3A_1527 = tpu.vector_load %arg14[%parallel_loop3A_1525, %parallel_loop3A_1526] {strides = array<i32>} : memref<128x128xf32, #tpu.memory_space<vmem>>, vector<1x16xf32>,
        %parallel_loop3A_1528 = vector.shape_cast %parallel_loop3A_1527 : vector<1x16xf32> to vector<16xf32>
        %parallel_loop3A_1529 = vector.shape_cast %parallel_loop3A_1524 : vector<16xf32> to vector<1x16xf32>
        tpu.vector_store %arg14[%parallel_loop3A_1525, %parallel_loop3A_1526], %parallel_loop3A_1529 {strides = array<i32>} : memref<128x128xf32, #tpu.memory_space<vmem>>, vector<1x16xf32>,
        %parallel_loop3A_1530 = arith.index_cast %parallel_loop3A_1516 : i32 to index
        %parallel_loop3A_1531 = arith.constant 16 : index
        %parallel_loop3A_1532 = tpu.vector_load %arg14[%parallel_loop3A_1530, %parallel_loop3A_1531] {strides = array<i32>} : memref<128x128xf32, #tpu.memory_space<vmem>>, vector<1x16xf32>,
        %parallel_loop3A_1533 = vector.shape_cast %parallel_loop3A_1532 : vector<1x16xf32> to vector<16xf32>
        %parallel_loop3A_1534 = vector.broadcast %parallel_loop3A_1518 : f32 to vector<16xf32>
        %parallel_loop3A_1535 = arith.mulf %parallel_loop3A_1533, %parallel_loop3A_1534 : vector<16xf32>
        %parallel_loop3A_1536 = arith.index_cast %parallel_loop3A_1516 : i32 to index
        %parallel_loop3A_1537 = arith.constant 16 : index
        %parallel_loop3A_1538 = tpu.vector_load %arg14[%parallel_loop3A_1536, %parallel_loop3A_1537] {strides = array<i32>} : memref<128x128xf32, #tpu.memory_space<vmem>>, vector<1x16xf32>,
        %parallel_loop3A_1539 = vector.shape_cast %parallel_loop3A_1538 : vector<1x16xf32> to vector<16xf32>
        %parallel_loop3A_1540 = vector.shape_cast %parallel_loop3A_1535 : vector<16xf32> to vector<1x16xf32>
        tpu.vector_store %arg14[%parallel_loop3A_1536, %parallel_loop3A_1537], %parallel_loop3A_1540 {strides = array<i32>} : memref<128x128xf32, #tpu.memory_space<vmem>>, vector<1x16xf32>,
        %parallel_loop3A_1541 = arith.index_cast %parallel_loop3A_1516 : i32 to index
        %parallel_loop3A_1542 = arith.constant 32 : index
        %parallel_loop3A_1543 = tpu.vector_load %arg14[%parallel_loop3A_1541, %parallel_loop3A_1542] {strides = array<i32>} : memref<128x128xf32, #tpu.memory_space<vmem>>, vector<1x16xf32>,
        %parallel_loop3A_1544 = vector.shape_cast %parallel_loop3A_1543 : vector<1x16xf32> to vector<16xf32>
        %parallel_loop3A_1545 = vector.broadcast %parallel_loop3A_1518 : f32 to vector<16xf32>
        %parallel_loop3A_1546 = arith.mulf %parallel_loop3A_1544, %parallel_loop3A_1545 : vector<16xf32>
        %parallel_loop3A_1547 = arith.index_cast %parallel_loop3A_1516 : i32 to index
        %parallel_loop3A_1548 = arith.constant 32 : index
        %parallel_loop3A_1549 = tpu.vector_load %arg14[%parallel_loop3A_1547, %parallel_loop3A_1548] {strides = array<i32>} : memref<128x128xf32, #tpu.memory_space<vmem>>, vector<1x16xf32>,
        %parallel_loop3A_1550 = vector.shape_cast %parallel_loop3A_1549 : vector<1x16xf32> to vector<16xf32>
        %parallel_loop3A_1551 = vector.shape_cast %parallel_loop3A_1546 : vector<16xf32> to vector<1x16xf32>
        tpu.vector_store %arg14[%parallel_loop3A_1547, %parallel_loop3A_1548], %parallel_loop3A_1551 {strides = array<i32>} : memref<128x128xf32, #tpu.memory_space<vmem>>, vector<1x16xf32>,
        %parallel_loop3A_1552 = arith.index_cast %parallel_loop3A_1516 : i32 to index
        %parallel_loop3A_1553 = arith.constant 48 : index
        %parallel_loop3A_1554 = tpu.vector_load %arg14[%parallel_loop3A_1552, %parallel_loop3A_1553] {strides = array<i32>} : memref<128x128xf32, #tpu.memory_space<vmem>>, vector<1x16xf32>,
        %parallel_loop3A_1555 = vector.shape_cast %parallel_loop3A_1554 : vector<1x16xf32> to vector<16xf32>
        %parallel_loop3A_1556 = vector.broadcast %parallel_loop3A_1518 : f32 to vector<16xf32>
        %parallel_loop3A_1557 = arith.mulf %parallel_loop3A_1555, %parallel_loop3A_1556 : vector<16xf32>
        %parallel_loop3A_1558 = arith.index_cast %parallel_loop3A_1516 : i32 to index
        %parallel_loop3A_1559 = arith.constant 48 : index
        %parallel_loop3A_1560 = tpu.vector_load %arg14[%parallel_loop3A_1558, %parallel_loop3A_1559] {strides = array<i32>} : memref<128x128xf32, #tpu.memory_space<vmem>>, vector<1x16xf32>,
        %parallel_loop3A_1561 = vector.shape_cast %parallel_loop3A_1560 : vector<1x16xf32> to vector<16xf32>
        %parallel_loop3A_1562 = vector.shape_cast %parallel_loop3A_1557 : vector<16xf32> to vector<1x16xf32>
        tpu.vector_store %arg14[%parallel_loop3A_1558, %parallel_loop3A_1559], %parallel_loop3A_1562 {strides = array<i32>} : memref<128x128xf32, #tpu.memory_space<vmem>>, vector<1x16xf32>,
        %parallel_loop3A_1563 = arith.index_cast %parallel_loop3A_1516 : i32 to index
        %parallel_loop3A_1564 = arith.constant 64 : index
        %parallel_loop3A_1565 = tpu.vector_load %arg14[%parallel_loop3A_1563, %parallel_loop3A_1564] {strides = array<i32>} : memref<128x128xf32, #tpu.memory_space<vmem>>, vector<1x16xf32>,
        %parallel_loop3A_1566 = vector.shape_cast %parallel_loop3A_1565 : vector<1x16xf32> to vector<16xf32>
        %parallel_loop3A_1567 = vector.broadcast %parallel_loop3A_1518 : f32 to vector<16xf32>
        %parallel_loop3A_1568 = arith.mulf %parallel_loop3A_1566, %parallel_loop3A_1567 : vector<16xf32>
        %parallel_loop3A_1569 = arith.index_cast %parallel_loop3A_1516 : i32 to index
        %parallel_loop3A_1570 = arith.constant 64 : index
        %parallel_loop3A_1571 = tpu.vector_load %arg14[%parallel_loop3A_1569, %parallel_loop3A_1570] {strides = array<i32>} : memref<128x128xf32, #tpu.memory_space<vmem>>, vector<1x16xf32>,
        %parallel_loop3A_1572 = vector.shape_cast %parallel_loop3A_1571 : vector<1x16xf32> to vector<16xf32>
        %parallel_loop3A_1573 = vector.shape_cast %parallel_loop3A_1568 : vector<16xf32> to vector<1x16xf32>
        tpu.vector_store %arg14[%parallel_loop3A_1569, %parallel_loop3A_1570], %parallel_loop3A_1573 {strides = array<i32>} : memref<128x128xf32, #tpu.memory_space<vmem>>, vector<1x16xf32>,
        %parallel_loop3A_1574 = arith.index_cast %parallel_loop3A_1516 : i32 to index
        %parallel_loop3A_1575 = arith.constant 80 : index
        %parallel_loop3A_1576 = tpu.vector_load %arg14[%parallel_loop3A_1574, %parallel_loop3A_1575] {strides = array<i32>} : memref<128x128xf32, #tpu.memory_space<vmem>>, vector<1x16xf32>,
        %parallel_loop3A_1577 = vector.shape_cast %parallel_loop3A_1576 : vector<1x16xf32> to vector<16xf32>
        %parallel_loop3A_1578 = vector.broadcast %parallel_loop3A_1518 : f32 to vector<16xf32>
        %parallel_loop3A_1579 = arith.mulf %parallel_loop3A_1577, %parallel_loop3A_1578 : vector<16xf32>
        %parallel_loop3A_1580 = arith.index_cast %parallel_loop3A_1516 : i32 to index
        %parallel_loop3A_1581 = arith.constant 80 : index
        %parallel_loop3A_1582 = tpu.vector_load %arg14[%parallel_loop3A_1580, %parallel_loop3A_1581] {strides = array<i32>} : memref<128x128xf32, #tpu.memory_space<vmem>>, vector<1x16xf32>,
        %parallel_loop3A_1583 = vector.shape_cast %parallel_loop3A_1582 : vector<1x16xf32> to vector<16xf32>
        %parallel_loop3A_1584 = vector.shape_cast %parallel_loop3A_1579 : vector<16xf32> to vector<1x16xf32>
        tpu.vector_store %arg14[%parallel_loop3A_1580, %parallel_loop3A_1581], %parallel_loop3A_1584 {strides = array<i32>} : memref<128x128xf32, #tpu.memory_space<vmem>>, vector<1x16xf32>,
        %parallel_loop3A_1585 = arith.index_cast %parallel_loop3A_1516 : i32 to index
        %parallel_loop3A_1586 = arith.constant 96 : index
        %parallel_loop3A_1587 = tpu.vector_load %arg14[%parallel_loop3A_1585, %parallel_loop3A_1586] {strides = array<i32>} : memref<128x128xf32, #tpu.memory_space<vmem>>, vector<1x16xf32>,
        %parallel_loop3A_1588 = vector.shape_cast %parallel_loop3A_1587 : vector<1x16xf32> to vector<16xf32>
        %parallel_loop3A_1589 = vector.broadcast %parallel_loop3A_1518 : f32 to vector<16xf32>
        %parallel_loop3A_1590 = arith.mulf %parallel_loop3A_1588, %parallel_loop3A_1589 : vector<16xf32>
        %parallel_loop3A_1591 = arith.index_cast %parallel_loop3A_1516 : i32 to index
        %parallel_loop3A_1592 = arith.constant 96 : index
        %parallel_loop3A_1593 = tpu.vector_load %arg14[%parallel_loop3A_1591, %parallel_loop3A_1592] {strides = array<i32>} : memref<128x128xf32, #tpu.memory_space<vmem>>, vector<1x16xf32>,
        %parallel_loop3A_1594 = vector.shape_cast %parallel_loop3A_1593 : vector<1x16xf32> to vector<16xf32>
        %parallel_loop3A_1595 = vector.shape_cast %parallel_loop3A_1590 : vector<16xf32> to vector<1x16xf32>
        tpu.vector_store %arg14[%parallel_loop3A_1591, %parallel_loop3A_1592], %parallel_loop3A_1595 {strides = array<i32>} : memref<128x128xf32, #tpu.memory_space<vmem>>, vector<1x16xf32>,
        %parallel_loop3A_1596 = arith.index_cast %parallel_loop3A_1516 : i32 to index
        %parallel_loop3A_1597 = arith.constant 112 : index
        %parallel_loop3A_1598 = tpu.vector_load %arg14[%parallel_loop3A_1596, %parallel_loop3A_1597] {strides = array<i32>} : memref<128x128xf32, #tpu.memory_space<vmem>>, vector<1x16xf32>,
        %parallel_loop3A_1599 = vector.shape_cast %parallel_loop3A_1598 : vector<1x16xf32> to vector<16xf32>
        %parallel_loop3A_1600 = vector.broadcast %parallel_loop3A_1518 : f32 to vector<16xf32>
        %parallel_loop3A_1601 = arith.mulf %parallel_loop3A_1599, %parallel_loop3A_1600 : vector<16xf32>
        %parallel_loop3A_1602 = arith.index_cast %parallel_loop3A_1516 : i32 to index
        %parallel_loop3A_1603 = arith.constant 112 : index
        %parallel_loop3A_1604 = tpu.vector_load %arg14[%parallel_loop3A_1602, %parallel_loop3A_1603] {strides = array<i32>} : memref<128x128xf32, #tpu.memory_space<vmem>>, vector<1x16xf32>,
        %parallel_loop3A_1605 = vector.shape_cast %parallel_loop3A_1604 : vector<1x16xf32> to vector<16xf32>
        %parallel_loop3A_1606 = vector.shape_cast %parallel_loop3A_1601 : vector<16xf32> to vector<1x16xf32>
        tpu.vector_store %arg14[%parallel_loop3A_1602, %parallel_loop3A_1603], %parallel_loop3A_1606 {strides = array<i32>} : memref<128x128xf32, #tpu.memory_space<vmem>>, vector<1x16xf32>,
      } {sc.loop_unroll_factor = 2 : i64, sc.parallel_access}
      %dma_start3A_81 = arith.constant 0 : i32
      %dma_start3A_82 = arith.constant 0 : i32
      %dma_start3A_83 = tpu.memref_slice %arg7[%dma_start3A_81, %dma_start3A_82] : memref<10112x128xf32, #tpu.memory_space<vmem_shared>> -> memref<10112x128xf32, #tpu.memory_space<vmem_shared>>
      tpu.enqueue_indirect_dma source(%arg14 : memref<128x128xf32, #tpu.memory_space<vmem>>) target(%dma_start3A_83 : memref<10112x128xf32, #tpu.memory_space<vmem_shared>>) offsets(%arg10 : memref<128xi32, #tpu.memory_space<vmem>>) semaphore(%arg18 : memref<!tpu.dma_semaphore, #tpu.memory_space<semaphore_mem>>) {add = true}
      %lt3A = arith.constant 39 : i32
      %lt3A_84 = arith.cmpi slt, %add3A_51, %lt3A : i32
      %convert_element_type3A_85 = arith.extui %lt3A_84 : i1 to i32
      %cond3A_86 = arith.constant 0 : i32
      %cond3A_87 = arith.cmpi ne, %convert_element_type3A_85, %cond3A_86 : i32
      scf.if %cond3A_87 {
        %dma_wait3A_97 = arith.constant 0 : i32
        %dma_wait3A_98 = arith.constant 0 : i32
        %dma_wait3A_99 = tpu.memref_slice %arg7[%dma_wait3A_97, %dma_wait3A_98] : memref<10112x128xf32, #tpu.memory_space<vmem_shared>> -> memref<10112x128xf32, #tpu.memory_space<vmem_shared>>
        tpu.wait_indirect_dma semaphore(%arg18 : memref<!tpu.dma_semaphore, #tpu.memory_space<semaphore_mem>>) src(%arg14 : memref<128x128xf32, #tpu.memory_space<vmem>>) dst(%dma_wait3A_99 : memref<10112x128xf32, #tpu.memory_space<vmem_shared>>)
        %mul3A_100 = arith.constant 2 : i32
        %mul3A_101 = arith.muli %mul3A_100, %add3A_51 : i32
        %add3A_102 = arith.constant 2 : i32
        %add3A_103 = arith.addi %mul3A_101, %add3A_102 : i32
        %mul3A_104 = arith.constant 128 : i32
        %mul3A_105 = arith.muli %add3A_103, %mul3A_104 : i32
        %add3A_106 = arith.addi %mul3A_2, %mul3A_105 : i32
        %dma_start3A_107 = tpu.memref_slice %arg3[%add3A_106] : memref<327680xi32, #tpu.memory_space<hbm>> -> memref<128xi32, #tpu.memory_space<hbm>>
        %dma_start3A_108 = tpu.memref_slice %arg3[%add3A_106] : memref<327680xi32, #tpu.memory_space<hbm>> -> memref<128xi32, #tpu.memory_space<hbm>>
        tpu.enqueue_dma source(%dma_start3A_108 : memref<128xi32, #tpu.memory_space<hbm>>) target(%arg10 : memref<128xi32, #tpu.memory_space<vmem>>) target_semaphore(%arg20 : memref<!tpu.dma_semaphore, #tpu.memory_space<semaphore_mem>>)
        %dma_start3A_109 = tpu.memref_slice %arg4[%add3A_106] : memref<327680xi32, #tpu.memory_space<hbm>> -> memref<128xi32, #tpu.memory_space<hbm>>
        %dma_start3A_110 = tpu.memref_slice %arg4[%add3A_106] : memref<327680xi32, #tpu.memory_space<hbm>> -> memref<128xi32, #tpu.memory_space<hbm>>
        tpu.enqueue_dma source(%dma_start3A_110 : memref<128xi32, #tpu.memory_space<hbm>>) target(%arg8 : memref<128xi32, #tpu.memory_space<vmem>>) target_semaphore(%arg20 : memref<!tpu.dma_semaphore, #tpu.memory_space<semaphore_mem>>)
        %dma_start3A_111 = tpu.memref_slice %arg5[%add3A_106] : memref<327680xf32, #tpu.memory_space<hbm>> -> memref<128xf32, #tpu.memory_space<hbm>>
        %dma_start3A_112 = tpu.memref_slice %arg5[%add3A_106] : memref<327680xf32, #tpu.memory_space<hbm>> -> memref<128xf32, #tpu.memory_space<hbm>>
        tpu.enqueue_dma source(%dma_start3A_112 : memref<128xf32, #tpu.memory_space<hbm>>) target(%arg12 : memref<128xf32, #tpu.memory_space<vmem>>) target_semaphore(%arg20 : memref<!tpu.dma_semaphore, #tpu.memory_space<semaphore_mem>>)
        %dma_wait3A_113 = tpu.memref_slice %arg3[%add3A_106] : memref<327680xi32, #tpu.memory_space<hbm>> -> memref<128xi32, #tpu.memory_space<hbm>>
        %dma_wait3A_114 = tpu.memref_slice %arg3[%add3A_106] : memref<327680xi32, #tpu.memory_space<hbm>> -> memref<128xi32, #tpu.memory_space<hbm>>
        tpu.wait_dma2 semaphore(%arg20 : memref<!tpu.dma_semaphore, #tpu.memory_space<semaphore_mem>>) src(%dma_wait3A_114 : memref<128xi32, #tpu.memory_space<hbm>>) dst(%arg10 : memref<128xi32, #tpu.memory_space<vmem>>)
        %dma_wait3A_115 = tpu.memref_slice %arg4[%add3A_106] : memref<327680xi32, #tpu.memory_space<hbm>> -> memref<128xi32, #tpu.memory_space<hbm>>
        %dma_wait3A_116 = tpu.memref_slice %arg4[%add3A_106] : memref<327680xi32, #tpu.memory_space<hbm>> -> memref<128xi32, #tpu.memory_space<hbm>>
        tpu.wait_dma2 semaphore(%arg20 : memref<!tpu.dma_semaphore, #tpu.memory_space<semaphore_mem>>) src(%dma_wait3A_116 : memref<128xi32, #tpu.memory_space<hbm>>) dst(%arg8 : memref<128xi32, #tpu.memory_space<vmem>>)
        %dma_wait3A_117 = tpu.memref_slice %arg5[%add3A_106] : memref<327680xf32, #tpu.memory_space<hbm>> -> memref<128xf32, #tpu.memory_space<hbm>>
        %dma_wait3A_118 = tpu.memref_slice %arg5[%add3A_106] : memref<327680xf32, #tpu.memory_space<hbm>> -> memref<128xf32, #tpu.memory_space<hbm>>
        tpu.wait_dma2 semaphore(%arg20 : memref<!tpu.dma_semaphore, #tpu.memory_space<semaphore_mem>>) src(%dma_wait3A_118 : memref<128xf32, #tpu.memory_space<hbm>>) dst(%arg12 : memref<128xf32, #tpu.memory_space<vmem>>)
        %dma_start3A_119 = arith.constant 0 : i32
        %dma_start3A_120 = arith.constant 0 : i32
        %dma_start3A_121 = tpu.memref_slice %arg2[%dma_start3A_119, %dma_start3A_120] : memref<10000x128xf32, #tpu.memory_space<hbm>> -> memref<10000x128xf32, #tpu.memory_space<hbm>>
        tpu.enqueue_indirect_dma source(%dma_start3A_121 : memref<10000x128xf32, #tpu.memory_space<hbm>>) target(%arg14 : memref<128x128xf32, #tpu.memory_space<vmem>>) offsets(%arg8 : memref<128xi32, #tpu.memory_space<vmem>>) semaphore(%arg16 : memref<!tpu.dma_semaphore, #tpu.memory_space<semaphore_mem>>)
      } else {
      }
      %dma_wait3A_88 = arith.constant 0 : i32
      %dma_wait3A_89 = arith.constant 0 : i32
      %dma_wait3A_90 = tpu.memref_slice %arg2[%dma_wait3A_88, %dma_wait3A_89] : memref<10000x128xf32, #tpu.memory_space<hbm>> -> memref<10000x128xf32, #tpu.memory_space<hbm>>
      tpu.wait_indirect_dma semaphore(%arg17 : memref<!tpu.dma_semaphore, #tpu.memory_space<semaphore_mem>>) src(%dma_wait3A_90 : memref<10000x128xf32, #tpu.memory_space<hbm>>) dst(%arg15 : memref<128x128xf32, #tpu.memory_space<vmem>>)
      %parallel_loop3A_91 = arith.constant 0 : i32
      %parallel_loop3A_92 = arith.constant 8 : i32
      %parallel_loop3A_93 = arith.constant 1 : i32
      scf.for %parallel_loop3A_97 = %parallel_loop3A_91 to %parallel_loop3A_92 step %parallel_loop3A_93  : i32 {
        %parallel_loop3A_98 = arith.constant 16 : i32
        %parallel_loop3A_99 = arith.muli %parallel_loop3A_97, %parallel_loop3A_98 : i32
        %parallel_loop3A_100 = arith.index_cast %parallel_loop3A_99 : i32 to index
        %parallel_loop3A_101 = tpu.vector_load %arg13[%parallel_loop3A_100] {strides = array<i32>} : memref<128xf32, #tpu.memory_space<vmem>>, vector<16xf32>,
        %parallel_loop3A_102 = vector.shape_cast %parallel_loop3A_101 : vector<16xf32> to vector<16xf32>
        %parallel_loop3A_103 = arith.constant 16 : i32
        %parallel_loop3A_104 = arith.muli %parallel_loop3A_97, %parallel_loop3A_103 : i32
        %parallel_loop3A_105 = arith.constant 0 : i32
        %parallel_loop3A_106 = arith.addi %parallel_loop3A_104, %parallel_loop3A_105 : i32
        %parallel_loop3A_107 = vector.extract_strided_slice %parallel_loop3A_102 {offsets = [0], sizes = [1], strides = [1]} : vector<16xf32> to vector<1xf32>
        %parallel_loop3A_108 = vector.extract %parallel_loop3A_107[0] : f32 from vector<1xf32>
        %parallel_loop3A_109 = arith.index_cast %parallel_loop3A_106 : i32 to index
        %parallel_loop3A_110 = arith.constant 0 : index
        %parallel_loop3A_111 = tpu.vector_load %arg15[%parallel_loop3A_109, %parallel_loop3A_110] {strides = array<i32>} : memref<128x128xf32, #tpu.memory_space<vmem>>, vector<1x16xf32>,
        %parallel_loop3A_112 = vector.shape_cast %parallel_loop3A_111 : vector<1x16xf32> to vector<16xf32>
        %parallel_loop3A_113 = vector.broadcast %parallel_loop3A_108 : f32 to vector<16xf32>
        %parallel_loop3A_114 = arith.mulf %parallel_loop3A_112, %parallel_loop3A_113 : vector<16xf32>
        %parallel_loop3A_115 = arith.index_cast %parallel_loop3A_106 : i32 to index
        %parallel_loop3A_116 = arith.constant 0 : index
        %parallel_loop3A_117 = tpu.vector_load %arg15[%parallel_loop3A_115, %parallel_loop3A_116] {strides = array<i32>} : memref<128x128xf32, #tpu.memory_space<vmem>>, vector<1x16xf32>,
        %parallel_loop3A_118 = vector.shape_cast %parallel_loop3A_117 : vector<1x16xf32> to vector<16xf32>
        %parallel_loop3A_119 = vector.shape_cast %parallel_loop3A_114 : vector<16xf32> to vector<1x16xf32>
        tpu.vector_store %arg15[%parallel_loop3A_115, %parallel_loop3A_116], %parallel_loop3A_119 {strides = array<i32>} : memref<128x128xf32, #tpu.memory_space<vmem>>, vector<1x16xf32>,
        %parallel_loop3A_120 = arith.index_cast %parallel_loop3A_106 : i32 to index
        %parallel_loop3A_121 = arith.constant 16 : index
        %parallel_loop3A_122 = tpu.vector_load %arg15[%parallel_loop3A_120, %parallel_loop3A_121] {strides = array<i32>} : memref<128x128xf32, #tpu.memory_space<vmem>>, vector<1x16xf32>,
        %parallel_loop3A_123 = vector.shape_cast %parallel_loop3A_122 : vector<1x16xf32> to vector<16xf32>
        %parallel_loop3A_124 = vector.broadcast %parallel_loop3A_108 : f32 to vector<16xf32>
        %parallel_loop3A_125 = arith.mulf %parallel_loop3A_123, %parallel_loop3A_124 : vector<16xf32>
        %parallel_loop3A_126 = arith.index_cast %parallel_loop3A_106 : i32 to index
        %parallel_loop3A_127 = arith.constant 16 : index
        %parallel_loop3A_128 = tpu.vector_load %arg15[%parallel_loop3A_126, %parallel_loop3A_127] {strides = array<i32>} : memref<128x128xf32, #tpu.memory_space<vmem>>, vector<1x16xf32>,
        %parallel_loop3A_129 = vector.shape_cast %parallel_loop3A_128 : vector<1x16xf32> to vector<16xf32>
        %parallel_loop3A_130 = vector.shape_cast %parallel_loop3A_125 : vector<16xf32> to vector<1x16xf32>
        tpu.vector_store %arg15[%parallel_loop3A_126, %parallel_loop3A_127], %parallel_loop3A_130 {strides = array<i32>} : memref<128x128xf32, #tpu.memory_space<vmem>>, vector<1x16xf32>,
        %parallel_loop3A_131 = arith.index_cast %parallel_loop3A_106 : i32 to index
        %parallel_loop3A_132 = arith.constant 32 : index
        %parallel_loop3A_133 = tpu.vector_load %arg15[%parallel_loop3A_131, %parallel_loop3A_132] {strides = array<i32>} : memref<128x128xf32, #tpu.memory_space<vmem>>, vector<1x16xf32>,
        %parallel_loop3A_134 = vector.shape_cast %parallel_loop3A_133 : vector<1x16xf32> to vector<16xf32>
        %parallel_loop3A_135 = vector.broadcast %parallel_loop3A_108 : f32 to vector<16xf32>
        %parallel_loop3A_136 = arith.mulf %parallel_loop3A_134, %parallel_loop3A_135 : vector<16xf32>
        %parallel_loop3A_137 = arith.index_cast %parallel_loop3A_106 : i32 to index
        %parallel_loop3A_138 = arith.constant 32 : index
        %parallel_loop3A_139 = tpu.vector_load %arg15[%parallel_loop3A_137, %parallel_loop3A_138] {strides = array<i32>} : memref<128x128xf32, #tpu.memory_space<vmem>>, vector<1x16xf32>,
        %parallel_loop3A_140 = vector.shape_cast %parallel_loop3A_139 : vector<1x16xf32> to vector<16xf32>
        %parallel_loop3A_141 = vector.shape_cast %parallel_loop3A_136 : vector<16xf32> to vector<1x16xf32>
        tpu.vector_store %arg15[%parallel_loop3A_137, %parallel_loop3A_138], %parallel_loop3A_141 {strides = array<i32>} : memref<128x128xf32, #tpu.memory_space<vmem>>, vector<1x16xf32>,
        %parallel_loop3A_142 = arith.index_cast %parallel_loop3A_106 : i32 to index
        %parallel_loop3A_143 = arith.constant 48 : index
        %parallel_loop3A_144 = tpu.vector_load %arg15[%parallel_loop3A_142, %parallel_loop3A_143] {strides = array<i32>} : memref<128x128xf32, #tpu.memory_space<vmem>>, vector<1x16xf32>,
        %parallel_loop3A_145 = vector.shape_cast %parallel_loop3A_144 : vector<1x16xf32> to vector<16xf32>
        %parallel_loop3A_146 = vector.broadcast %parallel_loop3A_108 : f32 to vector<16xf32>
        %parallel_loop3A_147 = arith.mulf %parallel_loop3A_145, %parallel_loop3A_146 : vector<16xf32>
        %parallel_loop3A_148 = arith.index_cast %parallel_loop3A_106 : i32 to index
        %parallel_loop3A_149 = arith.constant 48 : index
        %parallel_loop3A_150 = tpu.vector_load %arg15[%parallel_loop3A_148, %parallel_loop3A_149] {strides = array<i32>} : memref<128x128xf32, #tpu.memory_space<vmem>>, vector<1x16xf32>,
        %parallel_loop3A_151 = vector.shape_cast %parallel_loop3A_150 : vector<1x16xf32> to vector<16xf32>
        %parallel_loop3A_152 = vector.shape_cast %parallel_loop3A_147 : vector<16xf32> to vector<1x16xf32>
        tpu.vector_store %arg15[%parallel_loop3A_148, %parallel_loop3A_149], %parallel_loop3A_152 {strides = array<i32>} : memref<128x128xf32, #tpu.memory_space<vmem>>, vector<1x16xf32>,
        %parallel_loop3A_153 = arith.index_cast %parallel_loop3A_106 : i32 to index
        %parallel_loop3A_154 = arith.constant 64 : index
        %parallel_loop3A_155 = tpu.vector_load %arg15[%parallel_loop3A_153, %parallel_loop3A_154] {strides = array<i32>} : memref<128x128xf32, #tpu.memory_space<vmem>>, vector<1x16xf32>,
        %parallel_loop3A_156 = vector.shape_cast %parallel_loop3A_155 : vector<1x16xf32> to vector<16xf32>
        %parallel_loop3A_157 = vector.broadcast %parallel_loop3A_108 : f32 to vector<16xf32>
        %parallel_loop3A_158 = arith.mulf %parallel_loop3A_156, %parallel_loop3A_157 : vector<16xf32>
        %parallel_loop3A_159 = arith.index_cast %parallel_loop3A_106 : i32 to index
        %parallel_loop3A_160 = arith.constant 64 : index
        %parallel_loop3A_161 = tpu.vector_load %arg15[%parallel_loop3A_159, %parallel_loop3A_160] {strides = array<i32>} : memref<128x128xf32, #tpu.memory_space<vmem>>, vector<1x16xf32>,
        %parallel_loop3A_162 = vector.shape_cast %parallel_loop3A_161 : vector<1x16xf32> to vector<16xf32>
        %parallel_loop3A_163 = vector.shape_cast %parallel_loop3A_158 : vector<16xf32> to vector<1x16xf32>
        tpu.vector_store %arg15[%parallel_loop3A_159, %parallel_loop3A_160], %parallel_loop3A_163 {strides = array<i32>} : memref<128x128xf32, #tpu.memory_space<vmem>>, vector<1x16xf32>,
        %parallel_loop3A_164 = arith.index_cast %parallel_loop3A_106 : i32 to index
        %parallel_loop3A_165 = arith.constant 80 : index
        %parallel_loop3A_166 = tpu.vector_load %arg15[%parallel_loop3A_164, %parallel_loop3A_165] {strides = array<i32>} : memref<128x128xf32, #tpu.memory_space<vmem>>, vector<1x16xf32>,
        %parallel_loop3A_167 = vector.shape_cast %parallel_loop3A_166 : vector<1x16xf32> to vector<16xf32>
        %parallel_loop3A_168 = vector.broadcast %parallel_loop3A_108 : f32 to vector<16xf32>
        %parallel_loop3A_169 = arith.mulf %parallel_loop3A_167, %parallel_loop3A_168 : vector<16xf32>
        %parallel_loop3A_170 = arith.index_cast %parallel_loop3A_106 : i32 to index
        %parallel_loop3A_171 = arith.constant 80 : index
        %parallel_loop3A_172 = tpu.vector_load %arg15[%parallel_loop3A_170, %parallel_loop3A_171] {strides = array<i32>} : memref<128x128xf32, #tpu.memory_space<vmem>>, vector<1x16xf32>,
        %parallel_loop3A_173 = vector.shape_cast %parallel_loop3A_172 : vector<1x16xf32> to vector<16xf32>
        %parallel_loop3A_174 = vector.shape_cast %parallel_loop3A_169 : vector<16xf32> to vector<1x16xf32>
        tpu.vector_store %arg15[%parallel_loop3A_170, %parallel_loop3A_171], %parallel_loop3A_174 {strides = array<i32>} : memref<128x128xf32, #tpu.memory_space<vmem>>, vector<1x16xf32>,
        %parallel_loop3A_175 = arith.index_cast %parallel_loop3A_106 : i32 to index
        %parallel_loop3A_176 = arith.constant 96 : index
        %parallel_loop3A_177 = tpu.vector_load %arg15[%parallel_loop3A_175, %parallel_loop3A_176] {strides = array<i32>} : memref<128x128xf32, #tpu.memory_space<vmem>>, vector<1x16xf32>,
        %parallel_loop3A_178 = vector.shape_cast %parallel_loop3A_177 : vector<1x16xf32> to vector<16xf32>
        %parallel_loop3A_179 = vector.broadcast %parallel_loop3A_108 : f32 to vector<16xf32>
        %parallel_loop3A_180 = arith.mulf %parallel_loop3A_178, %parallel_loop3A_179 : vector<16xf32>
        %parallel_loop3A_181 = arith.index_cast %parallel_loop3A_106 : i32 to index
        %parallel_loop3A_182 = arith.constant 96 : index
        %parallel_loop3A_183 = tpu.vector_load %arg15[%parallel_loop3A_181, %parallel_loop3A_182] {strides = array<i32>} : memref<128x128xf32, #tpu.memory_space<vmem>>, vector<1x16xf32>,
        %parallel_loop3A_184 = vector.shape_cast %parallel_loop3A_183 : vector<1x16xf32> to vector<16xf32>
        %parallel_loop3A_185 = vector.shape_cast %parallel_loop3A_180 : vector<16xf32> to vector<1x16xf32>
        tpu.vector_store %arg15[%parallel_loop3A_181, %parallel_loop3A_182], %parallel_loop3A_185 {strides = array<i32>} : memref<128x128xf32, #tpu.memory_space<vmem>>, vector<1x16xf32>,
        %parallel_loop3A_186 = arith.index_cast %parallel_loop3A_106 : i32 to index
        %parallel_loop3A_187 = arith.constant 112 : index
        %parallel_loop3A_188 = tpu.vector_load %arg15[%parallel_loop3A_186, %parallel_loop3A_187] {strides = array<i32>} : memref<128x128xf32, #tpu.memory_space<vmem>>, vector<1x16xf32>,
        %parallel_loop3A_189 = vector.shape_cast %parallel_loop3A_188 : vector<1x16xf32> to vector<16xf32>
        %parallel_loop3A_190 = vector.broadcast %parallel_loop3A_108 : f32 to vector<16xf32>
        %parallel_loop3A_191 = arith.mulf %parallel_loop3A_189, %parallel_loop3A_190 : vector<16xf32>
        %parallel_loop3A_192 = arith.index_cast %parallel_loop3A_106 : i32 to index
        %parallel_loop3A_193 = arith.constant 112 : index
        %parallel_loop3A_194 = tpu.vector_load %arg15[%parallel_loop3A_192, %parallel_loop3A_193] {strides = array<i32>} : memref<128x128xf32, #tpu.memory_space<vmem>>, vector<1x16xf32>,
        %parallel_loop3A_195 = vector.shape_cast %parallel_loop3A_194 : vector<1x16xf32> to vector<16xf32>
        %parallel_loop3A_196 = vector.shape_cast %parallel_loop3A_191 : vector<16xf32> to vector<1x16xf32>
        tpu.vector_store %arg15[%parallel_loop3A_192, %parallel_loop3A_193], %parallel_loop3A_196 {strides = array<i32>} : memref<128x128xf32, #tpu.memory_space<vmem>>, vector<1x16xf32>,
        %parallel_loop3A_197 = arith.constant 16 : i32
        %parallel_loop3A_198 = arith.muli %parallel_loop3A_97, %parallel_loop3A_197 : i32
        %parallel_loop3A_199 = arith.constant 1 : i32
        %parallel_loop3A_200 = arith.addi %parallel_loop3A_198, %parallel_loop3A_199 : i32
        %parallel_loop3A_201 = vector.extract_strided_slice %parallel_loop3A_102 {offsets = [1], sizes = [1], strides = [1]} : vector<16xf32> to vector<1xf32>
        %parallel_loop3A_202 = vector.extract %parallel_loop3A_201[0] : f32 from vector<1xf32>
        %parallel_loop3A_203 = arith.index_cast %parallel_loop3A_200 : i32 to index
        %parallel_loop3A_204 = arith.constant 0 : index
        %parallel_loop3A_205 = tpu.vector_load %arg15[%parallel_loop3A_203, %parallel_loop3A_204] {strides = array<i32>} : memref<128x128xf32, #tpu.memory_space<vmem>>, vector<1x16xf32>,
        %parallel_loop3A_206 = vector.shape_cast %parallel_loop3A_205 : vector<1x16xf32> to vector<16xf32>
        %parallel_loop3A_207 = vector.broadcast %parallel_loop3A_202 : f32 to vector<16xf32>
        %parallel_loop3A_208 = arith.mulf %parallel_loop3A_206, %parallel_loop3A_207 : vector<16xf32>
        %parallel_loop3A_209 = arith.index_cast %parallel_loop3A_200 : i32 to index
        %parallel_loop3A_210 = arith.constant 0 : index
        %parallel_loop3A_211 = tpu.vector_load %arg15[%parallel_loop3A_209, %parallel_loop3A_210] {strides = array<i32>} : memref<128x128xf32, #tpu.memory_space<vmem>>, vector<1x16xf32>,
        %parallel_loop3A_212 = vector.shape_cast %parallel_loop3A_211 : vector<1x16xf32> to vector<16xf32>
        %parallel_loop3A_213 = vector.shape_cast %parallel_loop3A_208 : vector<16xf32> to vector<1x16xf32>
        tpu.vector_store %arg15[%parallel_loop3A_209, %parallel_loop3A_210], %parallel_loop3A_213 {strides = array<i32>} : memref<128x128xf32, #tpu.memory_space<vmem>>, vector<1x16xf32>,
        %parallel_loop3A_214 = arith.index_cast %parallel_loop3A_200 : i32 to index
        %parallel_loop3A_215 = arith.constant 16 : index
        %parallel_loop3A_216 = tpu.vector_load %arg15[%parallel_loop3A_214, %parallel_loop3A_215] {strides = array<i32>} : memref<128x128xf32, #tpu.memory_space<vmem>>, vector<1x16xf32>,
        %parallel_loop3A_217 = vector.shape_cast %parallel_loop3A_216 : vector<1x16xf32> to vector<16xf32>
        %parallel_loop3A_218 = vector.broadcast %parallel_loop3A_202 : f32 to vector<16xf32>
        %parallel_loop3A_219 = arith.mulf %parallel_loop3A_217, %parallel_loop3A_218 : vector<16xf32>
        %parallel_loop3A_220 = arith.index_cast %parallel_loop3A_200 : i32 to index
        %parallel_loop3A_221 = arith.constant 16 : index
        %parallel_loop3A_222 = tpu.vector_load %arg15[%parallel_loop3A_220, %parallel_loop3A_221] {strides = array<i32>} : memref<128x128xf32, #tpu.memory_space<vmem>>, vector<1x16xf32>,
        %parallel_loop3A_223 = vector.shape_cast %parallel_loop3A_222 : vector<1x16xf32> to vector<16xf32>
        %parallel_loop3A_224 = vector.shape_cast %parallel_loop3A_219 : vector<16xf32> to vector<1x16xf32>
        tpu.vector_store %arg15[%parallel_loop3A_220, %parallel_loop3A_221], %parallel_loop3A_224 {strides = array<i32>} : memref<128x128xf32, #tpu.memory_space<vmem>>, vector<1x16xf32>,
        %parallel_loop3A_225 = arith.index_cast %parallel_loop3A_200 : i32 to index
        %parallel_loop3A_226 = arith.constant 32 : index
        %parallel_loop3A_227 = tpu.vector_load %arg15[%parallel_loop3A_225, %parallel_loop3A_226] {strides = array<i32>} : memref<128x128xf32, #tpu.memory_space<vmem>>, vector<1x16xf32>,
        %parallel_loop3A_228 = vector.shape_cast %parallel_loop3A_227 : vector<1x16xf32> to vector<16xf32>
        %parallel_loop3A_229 = vector.broadcast %parallel_loop3A_202 : f32 to vector<16xf32>
        %parallel_loop3A_230 = arith.mulf %parallel_loop3A_228, %parallel_loop3A_229 : vector<16xf32>
        %parallel_loop3A_231 = arith.index_cast %parallel_loop3A_200 : i32 to index
        %parallel_loop3A_232 = arith.constant 32 : index
        %parallel_loop3A_233 = tpu.vector_load %arg15[%parallel_loop3A_231, %parallel_loop3A_232] {strides = array<i32>} : memref<128x128xf32, #tpu.memory_space<vmem>>, vector<1x16xf32>,
        %parallel_loop3A_234 = vector.shape_cast %parallel_loop3A_233 : vector<1x16xf32> to vector<16xf32>
        %parallel_loop3A_235 = vector.shape_cast %parallel_loop3A_230 : vector<16xf32> to vector<1x16xf32>
        tpu.vector_store %arg15[%parallel_loop3A_231, %parallel_loop3A_232], %parallel_loop3A_235 {strides = array<i32>} : memref<128x128xf32, #tpu.memory_space<vmem>>, vector<1x16xf32>,
        %parallel_loop3A_236 = arith.index_cast %parallel_loop3A_200 : i32 to index
        %parallel_loop3A_237 = arith.constant 48 : index
        %parallel_loop3A_238 = tpu.vector_load %arg15[%parallel_loop3A_236, %parallel_loop3A_237] {strides = array<i32>} : memref<128x128xf32, #tpu.memory_space<vmem>>, vector<1x16xf32>,
        %parallel_loop3A_239 = vector.shape_cast %parallel_loop3A_238 : vector<1x16xf32> to vector<16xf32>
        %parallel_loop3A_240 = vector.broadcast %parallel_loop3A_202 : f32 to vector<16xf32>
        %parallel_loop3A_241 = arith.mulf %parallel_loop3A_239, %parallel_loop3A_240 : vector<16xf32>
        %parallel_loop3A_242 = arith.index_cast %parallel_loop3A_200 : i32 to index
        %parallel_loop3A_243 = arith.constant 48 : index
        %parallel_loop3A_244 = tpu.vector_load %arg15[%parallel_loop3A_242, %parallel_loop3A_243] {strides = array<i32>} : memref<128x128xf32, #tpu.memory_space<vmem>>, vector<1x16xf32>,
        %parallel_loop3A_245 = vector.shape_cast %parallel_loop3A_244 : vector<1x16xf32> to vector<16xf32>
        %parallel_loop3A_246 = vector.shape_cast %parallel_loop3A_241 : vector<16xf32> to vector<1x16xf32>
        tpu.vector_store %arg15[%parallel_loop3A_242, %parallel_loop3A_243], %parallel_loop3A_246 {strides = array<i32>} : memref<128x128xf32, #tpu.memory_space<vmem>>, vector<1x16xf32>,
        %parallel_loop3A_247 = arith.index_cast %parallel_loop3A_200 : i32 to index
        %parallel_loop3A_248 = arith.constant 64 : index
        %parallel_loop3A_249 = tpu.vector_load %arg15[%parallel_loop3A_247, %parallel_loop3A_248] {strides = array<i32>} : memref<128x128xf32, #tpu.memory_space<vmem>>, vector<1x16xf32>,
        %parallel_loop3A_250 = vector.shape_cast %parallel_loop3A_249 : vector<1x16xf32> to vector<16xf32>
        %parallel_loop3A_251 = vector.broadcast %parallel_loop3A_202 : f32 to vector<16xf32>
        %parallel_loop3A_252 = arith.mulf %parallel_loop3A_250, %parallel_loop3A_251 : vector<16xf32>
        %parallel_loop3A_253 = arith.index_cast %parallel_loop3A_200 : i32 to index
        %parallel_loop3A_254 = arith.constant 64 : index
        %parallel_loop3A_255 = tpu.vector_load %arg15[%parallel_loop3A_253, %parallel_loop3A_254] {strides = array<i32>} : memref<128x128xf32, #tpu.memory_space<vmem>>, vector<1x16xf32>,
        %parallel_loop3A_256 = vector.shape_cast %parallel_loop3A_255 : vector<1x16xf32> to vector<16xf32>
        %parallel_loop3A_257 = vector.shape_cast %parallel_loop3A_252 : vector<16xf32> to vector<1x16xf32>
        tpu.vector_store %arg15[%parallel_loop3A_253, %parallel_loop3A_254], %parallel_loop3A_257 {strides = array<i32>} : memref<128x128xf32, #tpu.memory_space<vmem>>, vector<1x16xf32>,
        %parallel_loop3A_258 = arith.index_cast %parallel_loop3A_200 : i32 to index
        %parallel_loop3A_259 = arith.constant 80 : index
        %parallel_loop3A_260 = tpu.vector_load %arg15[%parallel_loop3A_258, %parallel_loop3A_259] {strides = array<i32>} : memref<128x128xf32, #tpu.memory_space<vmem>>, vector<1x16xf32>,
        %parallel_loop3A_261 = vector.shape_cast %parallel_loop3A_260 : vector<1x16xf32> to vector<16xf32>
        %parallel_loop3A_262 = vector.broadcast %parallel_loop3A_202 : f32 to vector<16xf32>
        %parallel_loop3A_263 = arith.mulf %parallel_loop3A_261, %parallel_loop3A_262 : vector<16xf32>
        %parallel_loop3A_264 = arith.index_cast %parallel_loop3A_200 : i32 to index
        %parallel_loop3A_265 = arith.constant 80 : index
        %parallel_loop3A_266 = tpu.vector_load %arg15[%parallel_loop3A_264, %parallel_loop3A_265] {strides = array<i32>} : memref<128x128xf32, #tpu.memory_space<vmem>>, vector<1x16xf32>,
        %parallel_loop3A_267 = vector.shape_cast %parallel_loop3A_266 : vector<1x16xf32> to vector<16xf32>
        %parallel_loop3A_268 = vector.shape_cast %parallel_loop3A_263 : vector<16xf32> to vector<1x16xf32>
        tpu.vector_store %arg15[%parallel_loop3A_264, %parallel_loop3A_265], %parallel_loop3A_268 {strides = array<i32>} : memref<128x128xf32, #tpu.memory_space<vmem>>, vector<1x16xf32>,
        %parallel_loop3A_269 = arith.index_cast %parallel_loop3A_200 : i32 to index
        %parallel_loop3A_270 = arith.constant 96 : index
        %parallel_loop3A_271 = tpu.vector_load %arg15[%parallel_loop3A_269, %parallel_loop3A_270] {strides = array<i32>} : memref<128x128xf32, #tpu.memory_space<vmem>>, vector<1x16xf32>,
        %parallel_loop3A_272 = vector.shape_cast %parallel_loop3A_271 : vector<1x16xf32> to vector<16xf32>
        %parallel_loop3A_273 = vector.broadcast %parallel_loop3A_202 : f32 to vector<16xf32>
        %parallel_loop3A_274 = arith.mulf %parallel_loop3A_272, %parallel_loop3A_273 : vector<16xf32>
        %parallel_loop3A_275 = arith.index_cast %parallel_loop3A_200 : i32 to index
        %parallel_loop3A_276 = arith.constant 96 : index
        %parallel_loop3A_277 = tpu.vector_load %arg15[%parallel_loop3A_275, %parallel_loop3A_276] {strides = array<i32>} : memref<128x128xf32, #tpu.memory_space<vmem>>, vector<1x16xf32>,
        %parallel_loop3A_278 = vector.shape_cast %parallel_loop3A_277 : vector<1x16xf32> to vector<16xf32>
        %parallel_loop3A_279 = vector.shape_cast %parallel_loop3A_274 : vector<16xf32> to vector<1x16xf32>
        tpu.vector_store %arg15[%parallel_loop3A_275, %parallel_loop3A_276], %parallel_loop3A_279 {strides = array<i32>} : memref<128x128xf32, #tpu.memory_space<vmem>>, vector<1x16xf32>,
        %parallel_loop3A_280 = arith.index_cast %parallel_loop3A_200 : i32 to index
        %parallel_loop3A_281 = arith.constant 112 : index
        %parallel_loop3A_282 = tpu.vector_load %arg15[%parallel_loop3A_280, %parallel_loop3A_281] {strides = array<i32>} : memref<128x128xf32, #tpu.memory_space<vmem>>, vector<1x16xf32>,
        %parallel_loop3A_283 = vector.shape_cast %parallel_loop3A_282 : vector<1x16xf32> to vector<16xf32>
        %parallel_loop3A_284 = vector.broadcast %parallel_loop3A_202 : f32 to vector<16xf32>
        %parallel_loop3A_285 = arith.mulf %parallel_loop3A_283, %parallel_loop3A_284 : vector<16xf32>
        %parallel_loop3A_286 = arith.index_cast %parallel_loop3A_200 : i32 to index
        %parallel_loop3A_287 = arith.constant 112 : index
        %parallel_loop3A_288 = tpu.vector_load %arg15[%parallel_loop3A_286, %parallel_loop3A_287] {strides = array<i32>} : memref<128x128xf32, #tpu.memory_space<vmem>>, vector<1x16xf32>,
        %parallel_loop3A_289 = vector.shape_cast %parallel_loop3A_288 : vector<1x16xf32> to vector<16xf32>
        %parallel_loop3A_290 = vector.shape_cast %parallel_loop3A_285 : vector<16xf32> to vector<1x16xf32>
        tpu.vector_store %arg15[%parallel_loop3A_286, %parallel_loop3A_287], %parallel_loop3A_290 {strides = array<i32>} : memref<128x128xf32, #tpu.memory_space<vmem>>, vector<1x16xf32>,
        %parallel_loop3A_291 = arith.constant 16 : i32
        %parallel_loop3A_292 = arith.muli %parallel_loop3A_97, %parallel_loop3A_291 : i32
        %parallel_loop3A_293 = arith.constant 2 : i32
        %parallel_loop3A_294 = arith.addi %parallel_loop3A_292, %parallel_loop3A_293 : i32
        %parallel_loop3A_295 = vector.extract_strided_slice %parallel_loop3A_102 {offsets = [2], sizes = [1], strides = [1]} : vector<16xf32> to vector<1xf32>
        %parallel_loop3A_296 = vector.extract %parallel_loop3A_295[0] : f32 from vector<1xf32>
        %parallel_loop3A_297 = arith.index_cast %parallel_loop3A_294 : i32 to index
        %parallel_loop3A_298 = arith.constant 0 : index
        %parallel_loop3A_299 = tpu.vector_load %arg15[%parallel_loop3A_297, %parallel_loop3A_298] {strides = array<i32>} : memref<128x128xf32, #tpu.memory_space<vmem>>, vector<1x16xf32>,
        %parallel_loop3A_300 = vector.shape_cast %parallel_loop3A_299 : vector<1x16xf32> to vector<16xf32>
        %parallel_loop3A_301 = vector.broadcast %parallel_loop3A_296 : f32 to vector<16xf32>
        %parallel_loop3A_302 = arith.mulf %parallel_loop3A_300, %parallel_loop3A_301 : vector<16xf32>
        %parallel_loop3A_303 = arith.index_cast %parallel_loop3A_294 : i32 to index
        %parallel_loop3A_304 = arith.constant 0 : index
        %parallel_loop3A_305 = tpu.vector_load %arg15[%parallel_loop3A_303, %parallel_loop3A_304] {strides = array<i32>} : memref<128x128xf32, #tpu.memory_space<vmem>>, vector<1x16xf32>,
        %parallel_loop3A_306 = vector.shape_cast %parallel_loop3A_305 : vector<1x16xf32> to vector<16xf32>
        %parallel_loop3A_307 = vector.shape_cast %parallel_loop3A_302 : vector<16xf32> to vector<1x16xf32>
        tpu.vector_store %arg15[%parallel_loop3A_303, %parallel_loop3A_304], %parallel_loop3A_307 {strides = array<i32>} : memref<128x128xf32, #tpu.memory_space<vmem>>, vector<1x16xf32>,
        %parallel_loop3A_308 = arith.index_cast %parallel_loop3A_294 : i32 to index
        %parallel_loop3A_309 = arith.constant 16 : index
        %parallel_loop3A_310 = tpu.vector_load %arg15[%parallel_loop3A_308, %parallel_loop3A_309] {strides = array<i32>} : memref<128x128xf32, #tpu.memory_space<vmem>>, vector<1x16xf32>,
        %parallel_loop3A_311 = vector.shape_cast %parallel_loop3A_310 : vector<1x16xf32> to vector<16xf32>
        %parallel_loop3A_312 = vector.broadcast %parallel_loop3A_296 : f32 to vector<16xf32>
        %parallel_loop3A_313 = arith.mulf %parallel_loop3A_311, %parallel_loop3A_312 : vector<16xf32>
        %parallel_loop3A_314 = arith.index_cast %parallel_loop3A_294 : i32 to index
        %parallel_loop3A_315 = arith.constant 16 : index
        %parallel_loop3A_316 = tpu.vector_load %arg15[%parallel_loop3A_314, %parallel_loop3A_315] {strides = array<i32>} : memref<128x128xf32, #tpu.memory_space<vmem>>, vector<1x16xf32>,
        %parallel_loop3A_317 = vector.shape_cast %parallel_loop3A_316 : vector<1x16xf32> to vector<16xf32>
        %parallel_loop3A_318 = vector.shape_cast %parallel_loop3A_313 : vector<16xf32> to vector<1x16xf32>
        tpu.vector_store %arg15[%parallel_loop3A_314, %parallel_loop3A_315], %parallel_loop3A_318 {strides = array<i32>} : memref<128x128xf32, #tpu.memory_space<vmem>>, vector<1x16xf32>,
        %parallel_loop3A_319 = arith.index_cast %parallel_loop3A_294 : i32 to index
        %parallel_loop3A_320 = arith.constant 32 : index
        %parallel_loop3A_321 = tpu.vector_load %arg15[%parallel_loop3A_319, %parallel_loop3A_320] {strides = array<i32>} : memref<128x128xf32, #tpu.memory_space<vmem>>, vector<1x16xf32>,
        %parallel_loop3A_322 = vector.shape_cast %parallel_loop3A_321 : vector<1x16xf32> to vector<16xf32>
        %parallel_loop3A_323 = vector.broadcast %parallel_loop3A_296 : f32 to vector<16xf32>
        %parallel_loop3A_324 = arith.mulf %parallel_loop3A_322, %parallel_loop3A_323 : vector<16xf32>
        %parallel_loop3A_325 = arith.index_cast %parallel_loop3A_294 : i32 to index
        %parallel_loop3A_326 = arith.constant 32 : index
        %parallel_loop3A_327 = tpu.vector_load %arg15[%parallel_loop3A_325, %parallel_loop3A_326] {strides = array<i32>} : memref<128x128xf32, #tpu.memory_space<vmem>>, vector<1x16xf32>,
        %parallel_loop3A_328 = vector.shape_cast %parallel_loop3A_327 : vector<1x16xf32> to vector<16xf32>
        %parallel_loop3A_329 = vector.shape_cast %parallel_loop3A_324 : vector<16xf32> to vector<1x16xf32>
        tpu.vector_store %arg15[%parallel_loop3A_325, %parallel_loop3A_326], %parallel_loop3A_329 {strides = array<i32>} : memref<128x128xf32, #tpu.memory_space<vmem>>, vector<1x16xf32>,
        %parallel_loop3A_330 = arith.index_cast %parallel_loop3A_294 : i32 to index
        %parallel_loop3A_331 = arith.constant 48 : index
        %parallel_loop3A_332 = tpu.vector_load %arg15[%parallel_loop3A_330, %parallel_loop3A_331] {strides = array<i32>} : memref<128x128xf32, #tpu.memory_space<vmem>>, vector<1x16xf32>,
        %parallel_loop3A_333 = vector.shape_cast %parallel_loop3A_332 : vector<1x16xf32> to vector<16xf32>
        %parallel_loop3A_334 = vector.broadcast %parallel_loop3A_296 : f32 to vector<16xf32>
        %parallel_loop3A_335 = arith.mulf %parallel_loop3A_333, %parallel_loop3A_334 : vector<16xf32>
        %parallel_loop3A_336 = arith.index_cast %parallel_loop3A_294 : i32 to index
        %parallel_loop3A_337 = arith.constant 48 : index
        %parallel_loop3A_338 = tpu.vector_load %arg15[%parallel_loop3A_336, %parallel_loop3A_337] {strides = array<i32>} : memref<128x128xf32, #tpu.memory_space<vmem>>, vector<1x16xf32>,
        %parallel_loop3A_339 = vector.shape_cast %parallel_loop3A_338 : vector<1x16xf32> to vector<16xf32>
        %parallel_loop3A_340 = vector.shape_cast %parallel_loop3A_335 : vector<16xf32> to vector<1x16xf32>
        tpu.vector_store %arg15[%parallel_loop3A_336, %parallel_loop3A_337], %parallel_loop3A_340 {strides = array<i32>} : memref<128x128xf32, #tpu.memory_space<vmem>>, vector<1x16xf32>,
        %parallel_loop3A_341 = arith.index_cast %parallel_loop3A_294 : i32 to index
        %parallel_loop3A_342 = arith.constant 64 : index
        %parallel_loop3A_343 = tpu.vector_load %arg15[%parallel_loop3A_341, %parallel_loop3A_342] {strides = array<i32>} : memref<128x128xf32, #tpu.memory_space<vmem>>, vector<1x16xf32>,
        %parallel_loop3A_344 = vector.shape_cast %parallel_loop3A_343 : vector<1x16xf32> to vector<16xf32>
        %parallel_loop3A_345 = vector.broadcast %parallel_loop3A_296 : f32 to vector<16xf32>
        %parallel_loop3A_346 = arith.mulf %parallel_loop3A_344, %parallel_loop3A_345 : vector<16xf32>
        %parallel_loop3A_347 = arith.index_cast %parallel_loop3A_294 : i32 to index
        %parallel_loop3A_348 = arith.constant 64 : index
        %parallel_loop3A_349 = tpu.vector_load %arg15[%parallel_loop3A_347, %parallel_loop3A_348] {strides = array<i32>} : memref<128x128xf32, #tpu.memory_space<vmem>>, vector<1x16xf32>,
        %parallel_loop3A_350 = vector.shape_cast %parallel_loop3A_349 : vector<1x16xf32> to vector<16xf32>
        %parallel_loop3A_351 = vector.shape_cast %parallel_loop3A_346 : vector<16xf32> to vector<1x16xf32>
        tpu.vector_store %arg15[%parallel_loop3A_347, %parallel_loop3A_348], %parallel_loop3A_351 {strides = array<i32>} : memref<128x128xf32, #tpu.memory_space<vmem>>, vector<1x16xf32>,
        %parallel_loop3A_352 = arith.index_cast %parallel_loop3A_294 : i32 to index
        %parallel_loop3A_353 = arith.constant 80 : index
        %parallel_loop3A_354 = tpu.vector_load %arg15[%parallel_loop3A_352, %parallel_loop3A_353] {strides = array<i32>} : memref<128x128xf32, #tpu.memory_space<vmem>>, vector<1x16xf32>,
        %parallel_loop3A_355 = vector.shape_cast %parallel_loop3A_354 : vector<1x16xf32> to vector<16xf32>
        %parallel_loop3A_356 = vector.broadcast %parallel_loop3A_296 : f32 to vector<16xf32>
        %parallel_loop3A_357 = arith.mulf %parallel_loop3A_355, %parallel_loop3A_356 : vector<16xf32>
        %parallel_loop3A_358 = arith.index_cast %parallel_loop3A_294 : i32 to index
        %parallel_loop3A_359 = arith.constant 80 : index
        %parallel_loop3A_360 = tpu.vector_load %arg15[%parallel_loop3A_358, %parallel_loop3A_359] {strides = array<i32>} : memref<128x128xf32, #tpu.memory_space<vmem>>, vector<1x16xf32>,
        %parallel_loop3A_361 = vector.shape_cast %parallel_loop3A_360 : vector<1x16xf32> to vector<16xf32>
        %parallel_loop3A_362 = vector.shape_cast %parallel_loop3A_357 : vector<16xf32> to vector<1x16xf32>
        tpu.vector_store %arg15[%parallel_loop3A_358, %parallel_loop3A_359], %parallel_loop3A_362 {strides = array<i32>} : memref<128x128xf32, #tpu.memory_space<vmem>>, vector<1x16xf32>,
        %parallel_loop3A_363 = arith.index_cast %parallel_loop3A_294 : i32 to index
        %parallel_loop3A_364 = arith.constant 96 : index
        %parallel_loop3A_365 = tpu.vector_load %arg15[%parallel_loop3A_363, %parallel_loop3A_364] {strides = array<i32>} : memref<128x128xf32, #tpu.memory_space<vmem>>, vector<1x16xf32>,
        %parallel_loop3A_366 = vector.shape_cast %parallel_loop3A_365 : vector<1x16xf32> to vector<16xf32>
        %parallel_loop3A_367 = vector.broadcast %parallel_loop3A_296 : f32 to vector<16xf32>
        %parallel_loop3A_368 = arith.mulf %parallel_loop3A_366, %parallel_loop3A_367 : vector<16xf32>
        %parallel_loop3A_369 = arith.index_cast %parallel_loop3A_294 : i32 to index
        %parallel_loop3A_370 = arith.constant 96 : index
        %parallel_loop3A_371 = tpu.vector_load %arg15[%parallel_loop3A_369, %parallel_loop3A_370] {strides = array<i32>} : memref<128x128xf32, #tpu.memory_space<vmem>>, vector<1x16xf32>,
        %parallel_loop3A_372 = vector.shape_cast %parallel_loop3A_371 : vector<1x16xf32> to vector<16xf32>
        %parallel_loop3A_373 = vector.shape_cast %parallel_loop3A_368 : vector<16xf32> to vector<1x16xf32>
        tpu.vector_store %arg15[%parallel_loop3A_369, %parallel_loop3A_370], %parallel_loop3A_373 {strides = array<i32>} : memref<128x128xf32, #tpu.memory_space<vmem>>, vector<1x16xf32>,
        %parallel_loop3A_374 = arith.index_cast %parallel_loop3A_294 : i32 to index
        %parallel_loop3A_375 = arith.constant 112 : index
        %parallel_loop3A_376 = tpu.vector_load %arg15[%parallel_loop3A_374, %parallel_loop3A_375] {strides = array<i32>} : memref<128x128xf32, #tpu.memory_space<vmem>>, vector<1x16xf32>,
        %parallel_loop3A_377 = vector.shape_cast %parallel_loop3A_376 : vector<1x16xf32> to vector<16xf32>
        %parallel_loop3A_378 = vector.broadcast %parallel_loop3A_296 : f32 to vector<16xf32>
        %parallel_loop3A_379 = arith.mulf %parallel_loop3A_377, %parallel_loop3A_378 : vector<16xf32>
        %parallel_loop3A_380 = arith.index_cast %parallel_loop3A_294 : i32 to index
        %parallel_loop3A_381 = arith.constant 112 : index
        %parallel_loop3A_382 = tpu.vector_load %arg15[%parallel_loop3A_380, %parallel_loop3A_381] {strides = array<i32>} : memref<128x128xf32, #tpu.memory_space<vmem>>, vector<1x16xf32>,
        %parallel_loop3A_383 = vector.shape_cast %parallel_loop3A_382 : vector<1x16xf32> to vector<16xf32>
        %parallel_loop3A_384 = vector.shape_cast %parallel_loop3A_379 : vector<16xf32> to vector<1x16xf32>
        tpu.vector_store %arg15[%parallel_loop3A_380, %parallel_loop3A_381], %parallel_loop3A_384 {strides = array<i32>} : memref<128x128xf32, #tpu.memory_space<vmem>>, vector<1x16xf32>,
        %parallel_loop3A_385 = arith.constant 16 : i32
        %parallel_loop3A_386 = arith.muli %parallel_loop3A_97, %parallel_loop3A_385 : i32
        %parallel_loop3A_387 = arith.constant 3 : i32
        %parallel_loop3A_388 = arith.addi %parallel_loop3A_386, %parallel_loop3A_387 : i32
        %parallel_loop3A_389 = vector.extract_strided_slice %parallel_loop3A_102 {offsets = [3], sizes = [1], strides = [1]} : vector<16xf32> to vector<1xf32>
        %parallel_loop3A_390 = vector.extract %parallel_loop3A_389[0] : f32 from vector<1xf32>
        %parallel_loop3A_391 = arith.index_cast %parallel_loop3A_388 : i32 to index
        %parallel_loop3A_392 = arith.constant 0 : index
        %parallel_loop3A_393 = tpu.vector_load %arg15[%parallel_loop3A_391, %parallel_loop3A_392] {strides = array<i32>} : memref<128x128xf32, #tpu.memory_space<vmem>>, vector<1x16xf32>,
        %parallel_loop3A_394 = vector.shape_cast %parallel_loop3A_393 : vector<1x16xf32> to vector<16xf32>
        %parallel_loop3A_395 = vector.broadcast %parallel_loop3A_390 : f32 to vector<16xf32>
        %parallel_loop3A_396 = arith.mulf %parallel_loop3A_394, %parallel_loop3A_395 : vector<16xf32>
        %parallel_loop3A_397 = arith.index_cast %parallel_loop3A_388 : i32 to index
        %parallel_loop3A_398 = arith.constant 0 : index
        %parallel_loop3A_399 = tpu.vector_load %arg15[%parallel_loop3A_397, %parallel_loop3A_398] {strides = array<i32>} : memref<128x128xf32, #tpu.memory_space<vmem>>, vector<1x16xf32>,
        %parallel_loop3A_400 = vector.shape_cast %parallel_loop3A_399 : vector<1x16xf32> to vector<16xf32>
        %parallel_loop3A_401 = vector.shape_cast %parallel_loop3A_396 : vector<16xf32> to vector<1x16xf32>
        tpu.vector_store %arg15[%parallel_loop3A_397, %parallel_loop3A_398], %parallel_loop3A_401 {strides = array<i32>} : memref<128x128xf32, #tpu.memory_space<vmem>>, vector<1x16xf32>,
        %parallel_loop3A_402 = arith.index_cast %parallel_loop3A_388 : i32 to index
        %parallel_loop3A_403 = arith.constant 16 : index
        %parallel_loop3A_404 = tpu.vector_load %arg15[%parallel_loop3A_402, %parallel_loop3A_403] {strides = array<i32>} : memref<128x128xf32, #tpu.memory_space<vmem>>, vector<1x16xf32>,
        %parallel_loop3A_405 = vector.shape_cast %parallel_loop3A_404 : vector<1x16xf32> to vector<16xf32>
        %parallel_loop3A_406 = vector.broadcast %parallel_loop3A_390 : f32 to vector<16xf32>
        %parallel_loop3A_407 = arith.mulf %parallel_loop3A_405, %parallel_loop3A_406 : vector<16xf32>
        %parallel_loop3A_408 = arith.index_cast %parallel_loop3A_388 : i32 to index
        %parallel_loop3A_409 = arith.constant 16 : index
        %parallel_loop3A_410 = tpu.vector_load %arg15[%parallel_loop3A_408, %parallel_loop3A_409] {strides = array<i32>} : memref<128x128xf32, #tpu.memory_space<vmem>>, vector<1x16xf32>,
        %parallel_loop3A_411 = vector.shape_cast %parallel_loop3A_410 : vector<1x16xf32> to vector<16xf32>
        %parallel_loop3A_412 = vector.shape_cast %parallel_loop3A_407 : vector<16xf32> to vector<1x16xf32>
        tpu.vector_store %arg15[%parallel_loop3A_408, %parallel_loop3A_409], %parallel_loop3A_412 {strides = array<i32>} : memref<128x128xf32, #tpu.memory_space<vmem>>, vector<1x16xf32>,
        %parallel_loop3A_413 = arith.index_cast %parallel_loop3A_388 : i32 to index
        %parallel_loop3A_414 = arith.constant 32 : index
        %parallel_loop3A_415 = tpu.vector_load %arg15[%parallel_loop3A_413, %parallel_loop3A_414] {strides = array<i32>} : memref<128x128xf32, #tpu.memory_space<vmem>>, vector<1x16xf32>,
        %parallel_loop3A_416 = vector.shape_cast %parallel_loop3A_415 : vector<1x16xf32> to vector<16xf32>
        %parallel_loop3A_417 = vector.broadcast %parallel_loop3A_390 : f32 to vector<16xf32>
        %parallel_loop3A_418 = arith.mulf %parallel_loop3A_416, %parallel_loop3A_417 : vector<16xf32>
        %parallel_loop3A_419 = arith.index_cast %parallel_loop3A_388 : i32 to index
        %parallel_loop3A_420 = arith.constant 32 : index
        %parallel_loop3A_421 = tpu.vector_load %arg15[%parallel_loop3A_419, %parallel_loop3A_420] {strides = array<i32>} : memref<128x128xf32, #tpu.memory_space<vmem>>, vector<1x16xf32>,
        %parallel_loop3A_422 = vector.shape_cast %parallel_loop3A_421 : vector<1x16xf32> to vector<16xf32>
        %parallel_loop3A_423 = vector.shape_cast %parallel_loop3A_418 : vector<16xf32> to vector<1x16xf32>
        tpu.vector_store %arg15[%parallel_loop3A_419, %parallel_loop3A_420], %parallel_loop3A_423 {strides = array<i32>} : memref<128x128xf32, #tpu.memory_space<vmem>>, vector<1x16xf32>,
        %parallel_loop3A_424 = arith.index_cast %parallel_loop3A_388 : i32 to index
        %parallel_loop3A_425 = arith.constant 48 : index
        %parallel_loop3A_426 = tpu.vector_load %arg15[%parallel_loop3A_424, %parallel_loop3A_425] {strides = array<i32>} : memref<128x128xf32, #tpu.memory_space<vmem>>, vector<1x16xf32>,
        %parallel_loop3A_427 = vector.shape_cast %parallel_loop3A_426 : vector<1x16xf32> to vector<16xf32>
        %parallel_loop3A_428 = vector.broadcast %parallel_loop3A_390 : f32 to vector<16xf32>
        %parallel_loop3A_429 = arith.mulf %parallel_loop3A_427, %parallel_loop3A_428 : vector<16xf32>
        %parallel_loop3A_430 = arith.index_cast %parallel_loop3A_388 : i32 to index
        %parallel_loop3A_431 = arith.constant 48 : index
        %parallel_loop3A_432 = tpu.vector_load %arg15[%parallel_loop3A_430, %parallel_loop3A_431] {strides = array<i32>} : memref<128x128xf32, #tpu.memory_space<vmem>>, vector<1x16xf32>,
        %parallel_loop3A_433 = vector.shape_cast %parallel_loop3A_432 : vector<1x16xf32> to vector<16xf32>
        %parallel_loop3A_434 = vector.shape_cast %parallel_loop3A_429 : vector<16xf32> to vector<1x16xf32>
        tpu.vector_store %arg15[%parallel_loop3A_430, %parallel_loop3A_431], %parallel_loop3A_434 {strides = array<i32>} : memref<128x128xf32, #tpu.memory_space<vmem>>, vector<1x16xf32>,
        %parallel_loop3A_435 = arith.index_cast %parallel_loop3A_388 : i32 to index
        %parallel_loop3A_436 = arith.constant 64 : index
        %parallel_loop3A_437 = tpu.vector_load %arg15[%parallel_loop3A_435, %parallel_loop3A_436] {strides = array<i32>} : memref<128x128xf32, #tpu.memory_space<vmem>>, vector<1x16xf32>,
        %parallel_loop3A_438 = vector.shape_cast %parallel_loop3A_437 : vector<1x16xf32> to vector<16xf32>
        %parallel_loop3A_439 = vector.broadcast %parallel_loop3A_390 : f32 to vector<16xf32>
        %parallel_loop3A_440 = arith.mulf %parallel_loop3A_438, %parallel_loop3A_439 : vector<16xf32>
        %parallel_loop3A_441 = arith.index_cast %parallel_loop3A_388 : i32 to index
        %parallel_loop3A_442 = arith.constant 64 : index
        %parallel_loop3A_443 = tpu.vector_load %arg15[%parallel_loop3A_441, %parallel_loop3A_442] {strides = array<i32>} : memref<128x128xf32, #tpu.memory_space<vmem>>, vector<1x16xf32>,
        %parallel_loop3A_444 = vector.shape_cast %parallel_loop3A_443 : vector<1x16xf32> to vector<16xf32>
        %parallel_loop3A_445 = vector.shape_cast %parallel_loop3A_440 : vector<16xf32> to vector<1x16xf32>
        tpu.vector_store %arg15[%parallel_loop3A_441, %parallel_loop3A_442], %parallel_loop3A_445 {strides = array<i32>} : memref<128x128xf32, #tpu.memory_space<vmem>>, vector<1x16xf32>,
        %parallel_loop3A_446 = arith.index_cast %parallel_loop3A_388 : i32 to index
        %parallel_loop3A_447 = arith.constant 80 : index
        %parallel_loop3A_448 = tpu.vector_load %arg15[%parallel_loop3A_446, %parallel_loop3A_447] {strides = array<i32>} : memref<128x128xf32, #tpu.memory_space<vmem>>, vector<1x16xf32>,
        %parallel_loop3A_449 = vector.shape_cast %parallel_loop3A_448 : vector<1x16xf32> to vector<16xf32>
        %parallel_loop3A_450 = vector.broadcast %parallel_loop3A_390 : f32 to vector<16xf32>
        %parallel_loop3A_451 = arith.mulf %parallel_loop3A_449, %parallel_loop3A_450 : vector<16xf32>
        %parallel_loop3A_452 = arith.index_cast %parallel_loop3A_388 : i32 to index
        %parallel_loop3A_453 = arith.constant 80 : index
        %parallel_loop3A_454 = tpu.vector_load %arg15[%parallel_loop3A_452, %parallel_loop3A_453] {strides = array<i32>} : memref<128x128xf32, #tpu.memory_space<vmem>>, vector<1x16xf32>,
        %parallel_loop3A_455 = vector.shape_cast %parallel_loop3A_454 : vector<1x16xf32> to vector<16xf32>
        %parallel_loop3A_456 = vector.shape_cast %parallel_loop3A_451 : vector<16xf32> to vector<1x16xf32>
        tpu.vector_store %arg15[%parallel_loop3A_452, %parallel_loop3A_453], %parallel_loop3A_456 {strides = array<i32>} : memref<128x128xf32, #tpu.memory_space<vmem>>, vector<1x16xf32>,
        %parallel_loop3A_457 = arith.index_cast %parallel_loop3A_388 : i32 to index
        %parallel_loop3A_458 = arith.constant 96 : index
        %parallel_loop3A_459 = tpu.vector_load %arg15[%parallel_loop3A_457, %parallel_loop3A_458] {strides = array<i32>} : memref<128x128xf32, #tpu.memory_space<vmem>>, vector<1x16xf32>,
        %parallel_loop3A_460 = vector.shape_cast %parallel_loop3A_459 : vector<1x16xf32> to vector<16xf32>
        %parallel_loop3A_461 = vector.broadcast %parallel_loop3A_390 : f32 to vector<16xf32>
        %parallel_loop3A_462 = arith.mulf %parallel_loop3A_460, %parallel_loop3A_461 : vector<16xf32>
        %parallel_loop3A_463 = arith.index_cast %parallel_loop3A_388 : i32 to index
        %parallel_loop3A_464 = arith.constant 96 : index
        %parallel_loop3A_465 = tpu.vector_load %arg15[%parallel_loop3A_463, %parallel_loop3A_464] {strides = array<i32>} : memref<128x128xf32, #tpu.memory_space<vmem>>, vector<1x16xf32>,
        %parallel_loop3A_466 = vector.shape_cast %parallel_loop3A_465 : vector<1x16xf32> to vector<16xf32>
        %parallel_loop3A_467 = vector.shape_cast %parallel_loop3A_462 : vector<16xf32> to vector<1x16xf32>
        tpu.vector_store %arg15[%parallel_loop3A_463, %parallel_loop3A_464], %parallel_loop3A_467 {strides = array<i32>} : memref<128x128xf32, #tpu.memory_space<vmem>>, vector<1x16xf32>,
        %parallel_loop3A_468 = arith.index_cast %parallel_loop3A_388 : i32 to index
        %parallel_loop3A_469 = arith.constant 112 : index
        %parallel_loop3A_470 = tpu.vector_load %arg15[%parallel_loop3A_468, %parallel_loop3A_469] {strides = array<i32>} : memref<128x128xf32, #tpu.memory_space<vmem>>, vector<1x16xf32>,
        %parallel_loop3A_471 = vector.shape_cast %parallel_loop3A_470 : vector<1x16xf32> to vector<16xf32>
        %parallel_loop3A_472 = vector.broadcast %parallel_loop3A_390 : f32 to vector<16xf32>
        %parallel_loop3A_473 = arith.mulf %parallel_loop3A_471, %parallel_loop3A_472 : vector<16xf32>
        %parallel_loop3A_474 = arith.index_cast %parallel_loop3A_388 : i32 to index
        %parallel_loop3A_475 = arith.constant 112 : index
        %parallel_loop3A_476 = tpu.vector_load %arg15[%parallel_loop3A_474, %parallel_loop3A_475] {strides = array<i32>} : memref<128x128xf32, #tpu.memory_space<vmem>>, vector<1x16xf32>,
        %parallel_loop3A_477 = vector.shape_cast %parallel_loop3A_476 : vector<1x16xf32> to vector<16xf32>
        %parallel_loop3A_478 = vector.shape_cast %parallel_loop3A_473 : vector<16xf32> to vector<1x16xf32>
        tpu.vector_store %arg15[%parallel_loop3A_474, %parallel_loop3A_475], %parallel_loop3A_478 {strides = array<i32>} : memref<128x128xf32, #tpu.memory_space<vmem>>, vector<1x16xf32>,
        %parallel_loop3A_479 = arith.constant 16 : i32
        %parallel_loop3A_480 = arith.muli %parallel_loop3A_97, %parallel_loop3A_479 : i32
        %parallel_loop3A_481 = arith.constant 4 : i32
        %parallel_loop3A_482 = arith.addi %parallel_loop3A_480, %parallel_loop3A_481 : i32
        %parallel_loop3A_483 = vector.extract_strided_slice %parallel_loop3A_102 {offsets = [4], sizes = [1], strides = [1]} : vector<16xf32> to vector<1xf32>
        %parallel_loop3A_484 = vector.extract %parallel_loop3A_483[0] : f32 from vector<1xf32>
        %parallel_loop3A_485 = arith.index_cast %parallel_loop3A_482 : i32 to index
        %parallel_loop3A_486 = arith.constant 0 : index
        %parallel_loop3A_487 = tpu.vector_load %arg15[%parallel_loop3A_485, %parallel_loop3A_486] {strides = array<i32>} : memref<128x128xf32, #tpu.memory_space<vmem>>, vector<1x16xf32>,
        %parallel_loop3A_488 = vector.shape_cast %parallel_loop3A_487 : vector<1x16xf32> to vector<16xf32>
        %parallel_loop3A_489 = vector.broadcast %parallel_loop3A_484 : f32 to vector<16xf32>
        %parallel_loop3A_490 = arith.mulf %parallel_loop3A_488, %parallel_loop3A_489 : vector<16xf32>
        %parallel_loop3A_491 = arith.index_cast %parallel_loop3A_482 : i32 to index
        %parallel_loop3A_492 = arith.constant 0 : index
        %parallel_loop3A_493 = tpu.vector_load %arg15[%parallel_loop3A_491, %parallel_loop3A_492] {strides = array<i32>} : memref<128x128xf32, #tpu.memory_space<vmem>>, vector<1x16xf32>,
        %parallel_loop3A_494 = vector.shape_cast %parallel_loop3A_493 : vector<1x16xf32> to vector<16xf32>
        %parallel_loop3A_495 = vector.shape_cast %parallel_loop3A_490 : vector<16xf32> to vector<1x16xf32>
        tpu.vector_store %arg15[%parallel_loop3A_491, %parallel_loop3A_492], %parallel_loop3A_495 {strides = array<i32>} : memref<128x128xf32, #tpu.memory_space<vmem>>, vector<1x16xf32>,
        %parallel_loop3A_496 = arith.index_cast %parallel_loop3A_482 : i32 to index
        %parallel_loop3A_497 = arith.constant 16 : index
        %parallel_loop3A_498 = tpu.vector_load %arg15[%parallel_loop3A_496, %parallel_loop3A_497] {strides = array<i32>} : memref<128x128xf32, #tpu.memory_space<vmem>>, vector<1x16xf32>,
        %parallel_loop3A_499 = vector.shape_cast %parallel_loop3A_498 : vector<1x16xf32> to vector<16xf32>
        %parallel_loop3A_500 = vector.broadcast %parallel_loop3A_484 : f32 to vector<16xf32>
        %parallel_loop3A_501 = arith.mulf %parallel_loop3A_499, %parallel_loop3A_500 : vector<16xf32>
        %parallel_loop3A_502 = arith.index_cast %parallel_loop3A_482 : i32 to index
        %parallel_loop3A_503 = arith.constant 16 : index
        %parallel_loop3A_504 = tpu.vector_load %arg15[%parallel_loop3A_502, %parallel_loop3A_503] {strides = array<i32>} : memref<128x128xf32, #tpu.memory_space<vmem>>, vector<1x16xf32>,
        %parallel_loop3A_505 = vector.shape_cast %parallel_loop3A_504 : vector<1x16xf32> to vector<16xf32>
        %parallel_loop3A_506 = vector.shape_cast %parallel_loop3A_501 : vector<16xf32> to vector<1x16xf32>
        tpu.vector_store %arg15[%parallel_loop3A_502, %parallel_loop3A_503], %parallel_loop3A_506 {strides = array<i32>} : memref<128x128xf32, #tpu.memory_space<vmem>>, vector<1x16xf32>,
        %parallel_loop3A_507 = arith.index_cast %parallel_loop3A_482 : i32 to index
        %parallel_loop3A_508 = arith.constant 32 : index
        %parallel_loop3A_509 = tpu.vector_load %arg15[%parallel_loop3A_507, %parallel_loop3A_508] {strides = array<i32>} : memref<128x128xf32, #tpu.memory_space<vmem>>, vector<1x16xf32>,
        %parallel_loop3A_510 = vector.shape_cast %parallel_loop3A_509 : vector<1x16xf32> to vector<16xf32>
        %parallel_loop3A_511 = vector.broadcast %parallel_loop3A_484 : f32 to vector<16xf32>
        %parallel_loop3A_512 = arith.mulf %parallel_loop3A_510, %parallel_loop3A_511 : vector<16xf32>
        %parallel_loop3A_513 = arith.index_cast %parallel_loop3A_482 : i32 to index
        %parallel_loop3A_514 = arith.constant 32 : index
        %parallel_loop3A_515 = tpu.vector_load %arg15[%parallel_loop3A_513, %parallel_loop3A_514] {strides = array<i32>} : memref<128x128xf32, #tpu.memory_space<vmem>>, vector<1x16xf32>,
        %parallel_loop3A_516 = vector.shape_cast %parallel_loop3A_515 : vector<1x16xf32> to vector<16xf32>
        %parallel_loop3A_517 = vector.shape_cast %parallel_loop3A_512 : vector<16xf32> to vector<1x16xf32>
        tpu.vector_store %arg15[%parallel_loop3A_513, %parallel_loop3A_514], %parallel_loop3A_517 {strides = array<i32>} : memref<128x128xf32, #tpu.memory_space<vmem>>, vector<1x16xf32>,
        %parallel_loop3A_518 = arith.index_cast %parallel_loop3A_482 : i32 to index
        %parallel_loop3A_519 = arith.constant 48 : index
        %parallel_loop3A_520 = tpu.vector_load %arg15[%parallel_loop3A_518, %parallel_loop3A_519] {strides = array<i32>} : memref<128x128xf32, #tpu.memory_space<vmem>>, vector<1x16xf32>,
        %parallel_loop3A_521 = vector.shape_cast %parallel_loop3A_520 : vector<1x16xf32> to vector<16xf32>
        %parallel_loop3A_522 = vector.broadcast %parallel_loop3A_484 : f32 to vector<16xf32>
        %parallel_loop3A_523 = arith.mulf %parallel_loop3A_521, %parallel_loop3A_522 : vector<16xf32>
        %parallel_loop3A_524 = arith.index_cast %parallel_loop3A_482 : i32 to index
        %parallel_loop3A_525 = arith.constant 48 : index
        %parallel_loop3A_526 = tpu.vector_load %arg15[%parallel_loop3A_524, %parallel_loop3A_525] {strides = array<i32>} : memref<128x128xf32, #tpu.memory_space<vmem>>, vector<1x16xf32>,
        %parallel_loop3A_527 = vector.shape_cast %parallel_loop3A_526 : vector<1x16xf32> to vector<16xf32>
        %parallel_loop3A_528 = vector.shape_cast %parallel_loop3A_523 : vector<16xf32> to vector<1x16xf32>
        tpu.vector_store %arg15[%parallel_loop3A_524, %parallel_loop3A_525], %parallel_loop3A_528 {strides = array<i32>} : memref<128x128xf32, #tpu.memory_space<vmem>>, vector<1x16xf32>,
        %parallel_loop3A_529 = arith.index_cast %parallel_loop3A_482 : i32 to index
        %parallel_loop3A_530 = arith.constant 64 : index
        %parallel_loop3A_531 = tpu.vector_load %arg15[%parallel_loop3A_529, %parallel_loop3A_530] {strides = array<i32>} : memref<128x128xf32, #tpu.memory_space<vmem>>, vector<1x16xf32>,
        %parallel_loop3A_532 = vector.shape_cast %parallel_loop3A_531 : vector<1x16xf32> to vector<16xf32>
        %parallel_loop3A_533 = vector.broadcast %parallel_loop3A_484 : f32 to vector<16xf32>
        %parallel_loop3A_534 = arith.mulf %parallel_loop3A_532, %parallel_loop3A_533 : vector<16xf32>
        %parallel_loop3A_535 = arith.index_cast %parallel_loop3A_482 : i32 to index
        %parallel_loop3A_536 = arith.constant 64 : index
        %parallel_loop3A_537 = tpu.vector_load %arg15[%parallel_loop3A_535, %parallel_loop3A_536] {strides = array<i32>} : memref<128x128xf32, #tpu.memory_space<vmem>>, vector<1x16xf32>,
        %parallel_loop3A_538 = vector.shape_cast %parallel_loop3A_537 : vector<1x16xf32> to vector<16xf32>
        %parallel_loop3A_539 = vector.shape_cast %parallel_loop3A_534 : vector<16xf32> to vector<1x16xf32>
        tpu.vector_store %arg15[%parallel_loop3A_535, %parallel_loop3A_536], %parallel_loop3A_539 {strides = array<i32>} : memref<128x128xf32, #tpu.memory_space<vmem>>, vector<1x16xf32>,
        %parallel_loop3A_540 = arith.index_cast %parallel_loop3A_482 : i32 to index
        %parallel_loop3A_541 = arith.constant 80 : index
        %parallel_loop3A_542 = tpu.vector_load %arg15[%parallel_loop3A_540, %parallel_loop3A_541] {strides = array<i32>} : memref<128x128xf32, #tpu.memory_space<vmem>>, vector<1x16xf32>,
        %parallel_loop3A_543 = vector.shape_cast %parallel_loop3A_542 : vector<1x16xf32> to vector<16xf32>
        %parallel_loop3A_544 = vector.broadcast %parallel_loop3A_484 : f32 to vector<16xf32>
        %parallel_loop3A_545 = arith.mulf %parallel_loop3A_543, %parallel_loop3A_544 : vector<16xf32>
        %parallel_loop3A_546 = arith.index_cast %parallel_loop3A_482 : i32 to index
        %parallel_loop3A_547 = arith.constant 80 : index
        %parallel_loop3A_548 = tpu.vector_load %arg15[%parallel_loop3A_546, %parallel_loop3A_547] {strides = array<i32>} : memref<128x128xf32, #tpu.memory_space<vmem>>, vector<1x16xf32>,
        %parallel_loop3A_549 = vector.shape_cast %parallel_loop3A_548 : vector<1x16xf32> to vector<16xf32>
        %parallel_loop3A_550 = vector.shape_cast %parallel_loop3A_545 : vector<16xf32> to vector<1x16xf32>
        tpu.vector_store %arg15[%parallel_loop3A_546, %parallel_loop3A_547], %parallel_loop3A_550 {strides = array<i32>} : memref<128x128xf32, #tpu.memory_space<vmem>>, vector<1x16xf32>,
        %parallel_loop3A_551 = arith.index_cast %parallel_loop3A_482 : i32 to index
        %parallel_loop3A_552 = arith.constant 96 : index
        %parallel_loop3A_553 = tpu.vector_load %arg15[%parallel_loop3A_551, %parallel_loop3A_552] {strides = array<i32>} : memref<128x128xf32, #tpu.memory_space<vmem>>, vector<1x16xf32>,
        %parallel_loop3A_554 = vector.shape_cast %parallel_loop3A_553 : vector<1x16xf32> to vector<16xf32>
        %parallel_loop3A_555 = vector.broadcast %parallel_loop3A_484 : f32 to vector<16xf32>
        %parallel_loop3A_556 = arith.mulf %parallel_loop3A_554, %parallel_loop3A_555 : vector<16xf32>
        %parallel_loop3A_557 = arith.index_cast %parallel_loop3A_482 : i32 to index
        %parallel_loop3A_558 = arith.constant 96 : index
        %parallel_loop3A_559 = tpu.vector_load %arg15[%parallel_loop3A_557, %parallel_loop3A_558] {strides = array<i32>} : memref<128x128xf32, #tpu.memory_space<vmem>>, vector<1x16xf32>,
        %parallel_loop3A_560 = vector.shape_cast %parallel_loop3A_559 : vector<1x16xf32> to vector<16xf32>
        %parallel_loop3A_561 = vector.shape_cast %parallel_loop3A_556 : vector<16xf32> to vector<1x16xf32>
        tpu.vector_store %arg15[%parallel_loop3A_557, %parallel_loop3A_558], %parallel_loop3A_561 {strides = array<i32>} : memref<128x128xf32, #tpu.memory_space<vmem>>, vector<1x16xf32>,
        %parallel_loop3A_562 = arith.index_cast %parallel_loop3A_482 : i32 to index
        %parallel_loop3A_563 = arith.constant 112 : index
        %parallel_loop3A_564 = tpu.vector_load %arg15[%parallel_loop3A_562, %parallel_loop3A_563] {strides = array<i32>} : memref<128x128xf32, #tpu.memory_space<vmem>>, vector<1x16xf32>,
        %parallel_loop3A_565 = vector.shape_cast %parallel_loop3A_564 : vector<1x16xf32> to vector<16xf32>
        %parallel_loop3A_566 = vector.broadcast %parallel_loop3A_484 : f32 to vector<16xf32>
        %parallel_loop3A_567 = arith.mulf %parallel_loop3A_565, %parallel_loop3A_566 : vector<16xf32>
        %parallel_loop3A_568 = arith.index_cast %parallel_loop3A_482 : i32 to index
        %parallel_loop3A_569 = arith.constant 112 : index
        %parallel_loop3A_570 = tpu.vector_load %arg15[%parallel_loop3A_568, %parallel_loop3A_569] {strides = array<i32>} : memref<128x128xf32, #tpu.memory_space<vmem>>, vector<1x16xf32>,
        %parallel_loop3A_571 = vector.shape_cast %parallel_loop3A_570 : vector<1x16xf32> to vector<16xf32>
        %parallel_loop3A_572 = vector.shape_cast %parallel_loop3A_567 : vector<16xf32> to vector<1x16xf32>
        tpu.vector_store %arg15[%parallel_loop3A_568, %parallel_loop3A_569], %parallel_loop3A_572 {strides = array<i32>} : memref<128x128xf32, #tpu.memory_space<vmem>>, vector<1x16xf32>,
        %parallel_loop3A_573 = arith.constant 16 : i32
        %parallel_loop3A_574 = arith.muli %parallel_loop3A_97, %parallel_loop3A_573 : i32
        %parallel_loop3A_575 = arith.constant 5 : i32
        %parallel_loop3A_576 = arith.addi %parallel_loop3A_574, %parallel_loop3A_575 : i32
        %parallel_loop3A_577 = vector.extract_strided_slice %parallel_loop3A_102 {offsets = [5], sizes = [1], strides = [1]} : vector<16xf32> to vector<1xf32>
        %parallel_loop3A_578 = vector.extract %parallel_loop3A_577[0] : f32 from vector<1xf32>
        %parallel_loop3A_579 = arith.index_cast %parallel_loop3A_576 : i32 to index
        %parallel_loop3A_580 = arith.constant 0 : index
        %parallel_loop3A_581 = tpu.vector_load %arg15[%parallel_loop3A_579, %parallel_loop3A_580] {strides = array<i32>} : memref<128x128xf32, #tpu.memory_space<vmem>>, vector<1x16xf32>,
        %parallel_loop3A_582 = vector.shape_cast %parallel_loop3A_581 : vector<1x16xf32> to vector<16xf32>
        %parallel_loop3A_583 = vector.broadcast %parallel_loop3A_578 : f32 to vector<16xf32>
        %parallel_loop3A_584 = arith.mulf %parallel_loop3A_582, %parallel_loop3A_583 : vector<16xf32>
        %parallel_loop3A_585 = arith.index_cast %parallel_loop3A_576 : i32 to index
        %parallel_loop3A_586 = arith.constant 0 : index
        %parallel_loop3A_587 = tpu.vector_load %arg15[%parallel_loop3A_585, %parallel_loop3A_586] {strides = array<i32>} : memref<128x128xf32, #tpu.memory_space<vmem>>, vector<1x16xf32>,
        %parallel_loop3A_588 = vector.shape_cast %parallel_loop3A_587 : vector<1x16xf32> to vector<16xf32>
        %parallel_loop3A_589 = vector.shape_cast %parallel_loop3A_584 : vector<16xf32> to vector<1x16xf32>
        tpu.vector_store %arg15[%parallel_loop3A_585, %parallel_loop3A_586], %parallel_loop3A_589 {strides = array<i32>} : memref<128x128xf32, #tpu.memory_space<vmem>>, vector<1x16xf32>,
        %parallel_loop3A_590 = arith.index_cast %parallel_loop3A_576 : i32 to index
        %parallel_loop3A_591 = arith.constant 16 : index
        %parallel_loop3A_592 = tpu.vector_load %arg15[%parallel_loop3A_590, %parallel_loop3A_591] {strides = array<i32>} : memref<128x128xf32, #tpu.memory_space<vmem>>, vector<1x16xf32>,
        %parallel_loop3A_593 = vector.shape_cast %parallel_loop3A_592 : vector<1x16xf32> to vector<16xf32>
        %parallel_loop3A_594 = vector.broadcast %parallel_loop3A_578 : f32 to vector<16xf32>
        %parallel_loop3A_595 = arith.mulf %parallel_loop3A_593, %parallel_loop3A_594 : vector<16xf32>
        %parallel_loop3A_596 = arith.index_cast %parallel_loop3A_576 : i32 to index
        %parallel_loop3A_597 = arith.constant 16 : index
        %parallel_loop3A_598 = tpu.vector_load %arg15[%parallel_loop3A_596, %parallel_loop3A_597] {strides = array<i32>} : memref<128x128xf32, #tpu.memory_space<vmem>>, vector<1x16xf32>,
        %parallel_loop3A_599 = vector.shape_cast %parallel_loop3A_598 : vector<1x16xf32> to vector<16xf32>
        %parallel_loop3A_600 = vector.shape_cast %parallel_loop3A_595 : vector<16xf32> to vector<1x16xf32>
        tpu.vector_store %arg15[%parallel_loop3A_596, %parallel_loop3A_597], %parallel_loop3A_600 {strides = array<i32>} : memref<128x128xf32, #tpu.memory_space<vmem>>, vector<1x16xf32>,
        %parallel_loop3A_601 = arith.index_cast %parallel_loop3A_576 : i32 to index
        %parallel_loop3A_602 = arith.constant 32 : index
        %parallel_loop3A_603 = tpu.vector_load %arg15[%parallel_loop3A_601, %parallel_loop3A_602] {strides = array<i32>} : memref<128x128xf32, #tpu.memory_space<vmem>>, vector<1x16xf32>,
        %parallel_loop3A_604 = vector.shape_cast %parallel_loop3A_603 : vector<1x16xf32> to vector<16xf32>
        %parallel_loop3A_605 = vector.broadcast %parallel_loop3A_578 : f32 to vector<16xf32>
        %parallel_loop3A_606 = arith.mulf %parallel_loop3A_604, %parallel_loop3A_605 : vector<16xf32>
        %parallel_loop3A_607 = arith.index_cast %parallel_loop3A_576 : i32 to index
        %parallel_loop3A_608 = arith.constant 32 : index
        %parallel_loop3A_609 = tpu.vector_load %arg15[%parallel_loop3A_607, %parallel_loop3A_608] {strides = array<i32>} : memref<128x128xf32, #tpu.memory_space<vmem>>, vector<1x16xf32>,
        %parallel_loop3A_610 = vector.shape_cast %parallel_loop3A_609 : vector<1x16xf32> to vector<16xf32>
        %parallel_loop3A_611 = vector.shape_cast %parallel_loop3A_606 : vector<16xf32> to vector<1x16xf32>
        tpu.vector_store %arg15[%parallel_loop3A_607, %parallel_loop3A_608], %parallel_loop3A_611 {strides = array<i32>} : memref<128x128xf32, #tpu.memory_space<vmem>>, vector<1x16xf32>,
        %parallel_loop3A_612 = arith.index_cast %parallel_loop3A_576 : i32 to index
        %parallel_loop3A_613 = arith.constant 48 : index
        %parallel_loop3A_614 = tpu.vector_load %arg15[%parallel_loop3A_612, %parallel_loop3A_613] {strides = array<i32>} : memref<128x128xf32, #tpu.memory_space<vmem>>, vector<1x16xf32>,
        %parallel_loop3A_615 = vector.shape_cast %parallel_loop3A_614 : vector<1x16xf32> to vector<16xf32>
        %parallel_loop3A_616 = vector.broadcast %parallel_loop3A_578 : f32 to vector<16xf32>
        %parallel_loop3A_617 = arith.mulf %parallel_loop3A_615, %parallel_loop3A_616 : vector<16xf32>
        %parallel_loop3A_618 = arith.index_cast %parallel_loop3A_576 : i32 to index
        %parallel_loop3A_619 = arith.constant 48 : index
        %parallel_loop3A_620 = tpu.vector_load %arg15[%parallel_loop3A_618, %parallel_loop3A_619] {strides = array<i32>} : memref<128x128xf32, #tpu.memory_space<vmem>>, vector<1x16xf32>,
        %parallel_loop3A_621 = vector.shape_cast %parallel_loop3A_620 : vector<1x16xf32> to vector<16xf32>
        %parallel_loop3A_622 = vector.shape_cast %parallel_loop3A_617 : vector<16xf32> to vector<1x16xf32>
        tpu.vector_store %arg15[%parallel_loop3A_618, %parallel_loop3A_619], %parallel_loop3A_622 {strides = array<i32>} : memref<128x128xf32, #tpu.memory_space<vmem>>, vector<1x16xf32>,
        %parallel_loop3A_623 = arith.index_cast %parallel_loop3A_576 : i32 to index
        %parallel_loop3A_624 = arith.constant 64 : index
        %parallel_loop3A_625 = tpu.vector_load %arg15[%parallel_loop3A_623, %parallel_loop3A_624] {strides = array<i32>} : memref<128x128xf32, #tpu.memory_space<vmem>>, vector<1x16xf32>,
        %parallel_loop3A_626 = vector.shape_cast %parallel_loop3A_625 : vector<1x16xf32> to vector<16xf32>
        %parallel_loop3A_627 = vector.broadcast %parallel_loop3A_578 : f32 to vector<16xf32>
        %parallel_loop3A_628 = arith.mulf %parallel_loop3A_626, %parallel_loop3A_627 : vector<16xf32>
        %parallel_loop3A_629 = arith.index_cast %parallel_loop3A_576 : i32 to index
        %parallel_loop3A_630 = arith.constant 64 : index
        %parallel_loop3A_631 = tpu.vector_load %arg15[%parallel_loop3A_629, %parallel_loop3A_630] {strides = array<i32>} : memref<128x128xf32, #tpu.memory_space<vmem>>, vector<1x16xf32>,
        %parallel_loop3A_632 = vector.shape_cast %parallel_loop3A_631 : vector<1x16xf32> to vector<16xf32>
        %parallel_loop3A_633 = vector.shape_cast %parallel_loop3A_628 : vector<16xf32> to vector<1x16xf32>
        tpu.vector_store %arg15[%parallel_loop3A_629, %parallel_loop3A_630], %parallel_loop3A_633 {strides = array<i32>} : memref<128x128xf32, #tpu.memory_space<vmem>>, vector<1x16xf32>,
        %parallel_loop3A_634 = arith.index_cast %parallel_loop3A_576 : i32 to index
        %parallel_loop3A_635 = arith.constant 80 : index
        %parallel_loop3A_636 = tpu.vector_load %arg15[%parallel_loop3A_634, %parallel_loop3A_635] {strides = array<i32>} : memref<128x128xf32, #tpu.memory_space<vmem>>, vector<1x16xf32>,
        %parallel_loop3A_637 = vector.shape_cast %parallel_loop3A_636 : vector<1x16xf32> to vector<16xf32>
        %parallel_loop3A_638 = vector.broadcast %parallel_loop3A_578 : f32 to vector<16xf32>
        %parallel_loop3A_639 = arith.mulf %parallel_loop3A_637, %parallel_loop3A_638 : vector<16xf32>
        %parallel_loop3A_640 = arith.index_cast %parallel_loop3A_576 : i32 to index
        %parallel_loop3A_641 = arith.constant 80 : index
        %parallel_loop3A_642 = tpu.vector_load %arg15[%parallel_loop3A_640, %parallel_loop3A_641] {strides = array<i32>} : memref<128x128xf32, #tpu.memory_space<vmem>>, vector<1x16xf32>,
        %parallel_loop3A_643 = vector.shape_cast %parallel_loop3A_642 : vector<1x16xf32> to vector<16xf32>
        %parallel_loop3A_644 = vector.shape_cast %parallel_loop3A_639 : vector<16xf32> to vector<1x16xf32>
        tpu.vector_store %arg15[%parallel_loop3A_640, %parallel_loop3A_641], %parallel_loop3A_644 {strides = array<i32>} : memref<128x128xf32, #tpu.memory_space<vmem>>, vector<1x16xf32>,
        %parallel_loop3A_645 = arith.index_cast %parallel_loop3A_576 : i32 to index
        %parallel_loop3A_646 = arith.constant 96 : index
        %parallel_loop3A_647 = tpu.vector_load %arg15[%parallel_loop3A_645, %parallel_loop3A_646] {strides = array<i32>} : memref<128x128xf32, #tpu.memory_space<vmem>>, vector<1x16xf32>,
        %parallel_loop3A_648 = vector.shape_cast %parallel_loop3A_647 : vector<1x16xf32> to vector<16xf32>
        %parallel_loop3A_649 = vector.broadcast %parallel_loop3A_578 : f32 to vector<16xf32>
        %parallel_loop3A_650 = arith.mulf %parallel_loop3A_648, %parallel_loop3A_649 : vector<16xf32>
        %parallel_loop3A_651 = arith.index_cast %parallel_loop3A_576 : i32 to index
        %parallel_loop3A_652 = arith.constant 96 : index
        %parallel_loop3A_653 = tpu.vector_load %arg15[%parallel_loop3A_651, %parallel_loop3A_652] {strides = array<i32>} : memref<128x128xf32, #tpu.memory_space<vmem>>, vector<1x16xf32>,
        %parallel_loop3A_654 = vector.shape_cast %parallel_loop3A_653 : vector<1x16xf32> to vector<16xf32>
        %parallel_loop3A_655 = vector.shape_cast %parallel_loop3A_650 : vector<16xf32> to vector<1x16xf32>
        tpu.vector_store %arg15[%parallel_loop3A_651, %parallel_loop3A_652], %parallel_loop3A_655 {strides = array<i32>} : memref<128x128xf32, #tpu.memory_space<vmem>>, vector<1x16xf32>,
        %parallel_loop3A_656 = arith.index_cast %parallel_loop3A_576 : i32 to index
        %parallel_loop3A_657 = arith.constant 112 : index
        %parallel_loop3A_658 = tpu.vector_load %arg15[%parallel_loop3A_656, %parallel_loop3A_657] {strides = array<i32>} : memref<128x128xf32, #tpu.memory_space<vmem>>, vector<1x16xf32>,
        %parallel_loop3A_659 = vector.shape_cast %parallel_loop3A_658 : vector<1x16xf32> to vector<16xf32>
        %parallel_loop3A_660 = vector.broadcast %parallel_loop3A_578 : f32 to vector<16xf32>
        %parallel_loop3A_661 = arith.mulf %parallel_loop3A_659, %parallel_loop3A_660 : vector<16xf32>
        %parallel_loop3A_662 = arith.index_cast %parallel_loop3A_576 : i32 to index
        %parallel_loop3A_663 = arith.constant 112 : index
        %parallel_loop3A_664 = tpu.vector_load %arg15[%parallel_loop3A_662, %parallel_loop3A_663] {strides = array<i32>} : memref<128x128xf32, #tpu.memory_space<vmem>>, vector<1x16xf32>,
        %parallel_loop3A_665 = vector.shape_cast %parallel_loop3A_664 : vector<1x16xf32> to vector<16xf32>
        %parallel_loop3A_666 = vector.shape_cast %parallel_loop3A_661 : vector<16xf32> to vector<1x16xf32>
        tpu.vector_store %arg15[%parallel_loop3A_662, %parallel_loop3A_663], %parallel_loop3A_666 {strides = array<i32>} : memref<128x128xf32, #tpu.memory_space<vmem>>, vector<1x16xf32>,
        %parallel_loop3A_667 = arith.constant 16 : i32
        %parallel_loop3A_668 = arith.muli %parallel_loop3A_97, %parallel_loop3A_667 : i32
        %parallel_loop3A_669 = arith.constant 6 : i32
        %parallel_loop3A_670 = arith.addi %parallel_loop3A_668, %parallel_loop3A_669 : i32
        %parallel_loop3A_671 = vector.extract_strided_slice %parallel_loop3A_102 {offsets = [6], sizes = [1], strides = [1]} : vector<16xf32> to vector<1xf32>
        %parallel_loop3A_672 = vector.extract %parallel_loop3A_671[0] : f32 from vector<1xf32>
        %parallel_loop3A_673 = arith.index_cast %parallel_loop3A_670 : i32 to index
        %parallel_loop3A_674 = arith.constant 0 : index
        %parallel_loop3A_675 = tpu.vector_load %arg15[%parallel_loop3A_673, %parallel_loop3A_674] {strides = array<i32>} : memref<128x128xf32, #tpu.memory_space<vmem>>, vector<1x16xf32>,
        %parallel_loop3A_676 = vector.shape_cast %parallel_loop3A_675 : vector<1x16xf32> to vector<16xf32>
        %parallel_loop3A_677 = vector.broadcast %parallel_loop3A_672 : f32 to vector<16xf32>
        %parallel_loop3A_678 = arith.mulf %parallel_loop3A_676, %parallel_loop3A_677 : vector<16xf32>
        %parallel_loop3A_679 = arith.index_cast %parallel_loop3A_670 : i32 to index
        %parallel_loop3A_680 = arith.constant 0 : index
        %parallel_loop3A_681 = tpu.vector_load %arg15[%parallel_loop3A_679, %parallel_loop3A_680] {strides = array<i32>} : memref<128x128xf32, #tpu.memory_space<vmem>>, vector<1x16xf32>,
        %parallel_loop3A_682 = vector.shape_cast %parallel_loop3A_681 : vector<1x16xf32> to vector<16xf32>
        %parallel_loop3A_683 = vector.shape_cast %parallel_loop3A_678 : vector<16xf32> to vector<1x16xf32>
        tpu.vector_store %arg15[%parallel_loop3A_679, %parallel_loop3A_680], %parallel_loop3A_683 {strides = array<i32>} : memref<128x128xf32, #tpu.memory_space<vmem>>, vector<1x16xf32>,
        %parallel_loop3A_684 = arith.index_cast %parallel_loop3A_670 : i32 to index
        %parallel_loop3A_685 = arith.constant 16 : index
        %parallel_loop3A_686 = tpu.vector_load %arg15[%parallel_loop3A_684, %parallel_loop3A_685] {strides = array<i32>} : memref<128x128xf32, #tpu.memory_space<vmem>>, vector<1x16xf32>,
        %parallel_loop3A_687 = vector.shape_cast %parallel_loop3A_686 : vector<1x16xf32> to vector<16xf32>
        %parallel_loop3A_688 = vector.broadcast %parallel_loop3A_672 : f32 to vector<16xf32>
        %parallel_loop3A_689 = arith.mulf %parallel_loop3A_687, %parallel_loop3A_688 : vector<16xf32>
        %parallel_loop3A_690 = arith.index_cast %parallel_loop3A_670 : i32 to index
        %parallel_loop3A_691 = arith.constant 16 : index
        %parallel_loop3A_692 = tpu.vector_load %arg15[%parallel_loop3A_690, %parallel_loop3A_691] {strides = array<i32>} : memref<128x128xf32, #tpu.memory_space<vmem>>, vector<1x16xf32>,
        %parallel_loop3A_693 = vector.shape_cast %parallel_loop3A_692 : vector<1x16xf32> to vector<16xf32>
        %parallel_loop3A_694 = vector.shape_cast %parallel_loop3A_689 : vector<16xf32> to vector<1x16xf32>
        tpu.vector_store %arg15[%parallel_loop3A_690, %parallel_loop3A_691], %parallel_loop3A_694 {strides = array<i32>} : memref<128x128xf32, #tpu.memory_space<vmem>>, vector<1x16xf32>,
        %parallel_loop3A_695 = arith.index_cast %parallel_loop3A_670 : i32 to index
        %parallel_loop3A_696 = arith.constant 32 : index
        %parallel_loop3A_697 = tpu.vector_load %arg15[%parallel_loop3A_695, %parallel_loop3A_696] {strides = array<i32>} : memref<128x128xf32, #tpu.memory_space<vmem>>, vector<1x16xf32>,
        %parallel_loop3A_698 = vector.shape_cast %parallel_loop3A_697 : vector<1x16xf32> to vector<16xf32>
        %parallel_loop3A_699 = vector.broadcast %parallel_loop3A_672 : f32 to vector<16xf32>
        %parallel_loop3A_700 = arith.mulf %parallel_loop3A_698, %parallel_loop3A_699 : vector<16xf32>
        %parallel_loop3A_701 = arith.index_cast %parallel_loop3A_670 : i32 to index
        %parallel_loop3A_702 = arith.constant 32 : index
        %parallel_loop3A_703 = tpu.vector_load %arg15[%parallel_loop3A_701, %parallel_loop3A_702] {strides = array<i32>} : memref<128x128xf32, #tpu.memory_space<vmem>>, vector<1x16xf32>,
        %parallel_loop3A_704 = vector.shape_cast %parallel_loop3A_703 : vector<1x16xf32> to vector<16xf32>
        %parallel_loop3A_705 = vector.shape_cast %parallel_loop3A_700 : vector<16xf32> to vector<1x16xf32>
        tpu.vector_store %arg15[%parallel_loop3A_701, %parallel_loop3A_702], %parallel_loop3A_705 {strides = array<i32>} : memref<128x128xf32, #tpu.memory_space<vmem>>, vector<1x16xf32>,
        %parallel_loop3A_706 = arith.index_cast %parallel_loop3A_670 : i32 to index
        %parallel_loop3A_707 = arith.constant 48 : index
        %parallel_loop3A_708 = tpu.vector_load %arg15[%parallel_loop3A_706, %parallel_loop3A_707] {strides = array<i32>} : memref<128x128xf32, #tpu.memory_space<vmem>>, vector<1x16xf32>,
        %parallel_loop3A_709 = vector.shape_cast %parallel_loop3A_708 : vector<1x16xf32> to vector<16xf32>
        %parallel_loop3A_710 = vector.broadcast %parallel_loop3A_672 : f32 to vector<16xf32>
        %parallel_loop3A_711 = arith.mulf %parallel_loop3A_709, %parallel_loop3A_710 : vector<16xf32>
        %parallel_loop3A_712 = arith.index_cast %parallel_loop3A_670 : i32 to index
        %parallel_loop3A_713 = arith.constant 48 : index
        %parallel_loop3A_714 = tpu.vector_load %arg15[%parallel_loop3A_712, %parallel_loop3A_713] {strides = array<i32>} : memref<128x128xf32, #tpu.memory_space<vmem>>, vector<1x16xf32>,
        %parallel_loop3A_715 = vector.shape_cast %parallel_loop3A_714 : vector<1x16xf32> to vector<16xf32>
        %parallel_loop3A_716 = vector.shape_cast %parallel_loop3A_711 : vector<16xf32> to vector<1x16xf32>
        tpu.vector_store %arg15[%parallel_loop3A_712, %parallel_loop3A_713], %parallel_loop3A_716 {strides = array<i32>} : memref<128x128xf32, #tpu.memory_space<vmem>>, vector<1x16xf32>,
        %parallel_loop3A_717 = arith.index_cast %parallel_loop3A_670 : i32 to index
        %parallel_loop3A_718 = arith.constant 64 : index
        %parallel_loop3A_719 = tpu.vector_load %arg15[%parallel_loop3A_717, %parallel_loop3A_718] {strides = array<i32>} : memref<128x128xf32, #tpu.memory_space<vmem>>, vector<1x16xf32>,
        %parallel_loop3A_720 = vector.shape_cast %parallel_loop3A_719 : vector<1x16xf32> to vector<16xf32>
        %parallel_loop3A_721 = vector.broadcast %parallel_loop3A_672 : f32 to vector<16xf32>
        %parallel_loop3A_722 = arith.mulf %parallel_loop3A_720, %parallel_loop3A_721 : vector<16xf32>
        %parallel_loop3A_723 = arith.index_cast %parallel_loop3A_670 : i32 to index
        %parallel_loop3A_724 = arith.constant 64 : index
        %parallel_loop3A_725 = tpu.vector_load %arg15[%parallel_loop3A_723, %parallel_loop3A_724] {strides = array<i32>} : memref<128x128xf32, #tpu.memory_space<vmem>>, vector<1x16xf32>,
        %parallel_loop3A_726 = vector.shape_cast %parallel_loop3A_725 : vector<1x16xf32> to vector<16xf32>
        %parallel_loop3A_727 = vector.shape_cast %parallel_loop3A_722 : vector<16xf32> to vector<1x16xf32>
        tpu.vector_store %arg15[%parallel_loop3A_723, %parallel_loop3A_724], %parallel_loop3A_727 {strides = array<i32>} : memref<128x128xf32, #tpu.memory_space<vmem>>, vector<1x16xf32>,
        %parallel_loop3A_728 = arith.index_cast %parallel_loop3A_670 : i32 to index
        %parallel_loop3A_729 = arith.constant 80 : index
        %parallel_loop3A_730 = tpu.vector_load %arg15[%parallel_loop3A_728, %parallel_loop3A_729] {strides = array<i32>} : memref<128x128xf32, #tpu.memory_space<vmem>>, vector<1x16xf32>,
        %parallel_loop3A_731 = vector.shape_cast %parallel_loop3A_730 : vector<1x16xf32> to vector<16xf32>
        %parallel_loop3A_732 = vector.broadcast %parallel_loop3A_672 : f32 to vector<16xf32>
        %parallel_loop3A_733 = arith.mulf %parallel_loop3A_731, %parallel_loop3A_732 : vector<16xf32>
        %parallel_loop3A_734 = arith.index_cast %parallel_loop3A_670 : i32 to index
        %parallel_loop3A_735 = arith.constant 80 : index
        %parallel_loop3A_736 = tpu.vector_load %arg15[%parallel_loop3A_734, %parallel_loop3A_735] {strides = array<i32>} : memref<128x128xf32, #tpu.memory_space<vmem>>, vector<1x16xf32>,
        %parallel_loop3A_737 = vector.shape_cast %parallel_loop3A_736 : vector<1x16xf32> to vector<16xf32>
        %parallel_loop3A_738 = vector.shape_cast %parallel_loop3A_733 : vector<16xf32> to vector<1x16xf32>
        tpu.vector_store %arg15[%parallel_loop3A_734, %parallel_loop3A_735], %parallel_loop3A_738 {strides = array<i32>} : memref<128x128xf32, #tpu.memory_space<vmem>>, vector<1x16xf32>,
        %parallel_loop3A_739 = arith.index_cast %parallel_loop3A_670 : i32 to index
        %parallel_loop3A_740 = arith.constant 96 : index
        %parallel_loop3A_741 = tpu.vector_load %arg15[%parallel_loop3A_739, %parallel_loop3A_740] {strides = array<i32>} : memref<128x128xf32, #tpu.memory_space<vmem>>, vector<1x16xf32>,
        %parallel_loop3A_742 = vector.shape_cast %parallel_loop3A_741 : vector<1x16xf32> to vector<16xf32>
        %parallel_loop3A_743 = vector.broadcast %parallel_loop3A_672 : f32 to vector<16xf32>
        %parallel_loop3A_744 = arith.mulf %parallel_loop3A_742, %parallel_loop3A_743 : vector<16xf32>
        %parallel_loop3A_745 = arith.index_cast %parallel_loop3A_670 : i32 to index
        %parallel_loop3A_746 = arith.constant 96 : index
        %parallel_loop3A_747 = tpu.vector_load %arg15[%parallel_loop3A_745, %parallel_loop3A_746] {strides = array<i32>} : memref<128x128xf32, #tpu.memory_space<vmem>>, vector<1x16xf32>,
        %parallel_loop3A_748 = vector.shape_cast %parallel_loop3A_747 : vector<1x16xf32> to vector<16xf32>
        %parallel_loop3A_749 = vector.shape_cast %parallel_loop3A_744 : vector<16xf32> to vector<1x16xf32>
        tpu.vector_store %arg15[%parallel_loop3A_745, %parallel_loop3A_746], %parallel_loop3A_749 {strides = array<i32>} : memref<128x128xf32, #tpu.memory_space<vmem>>, vector<1x16xf32>,
        %parallel_loop3A_750 = arith.index_cast %parallel_loop3A_670 : i32 to index
        %parallel_loop3A_751 = arith.constant 112 : index
        %parallel_loop3A_752 = tpu.vector_load %arg15[%parallel_loop3A_750, %parallel_loop3A_751] {strides = array<i32>} : memref<128x128xf32, #tpu.memory_space<vmem>>, vector<1x16xf32>,
        %parallel_loop3A_753 = vector.shape_cast %parallel_loop3A_752 : vector<1x16xf32> to vector<16xf32>
        %parallel_loop3A_754 = vector.broadcast %parallel_loop3A_672 : f32 to vector<16xf32>
        %parallel_loop3A_755 = arith.mulf %parallel_loop3A_753, %parallel_loop3A_754 : vector<16xf32>
        %parallel_loop3A_756 = arith.index_cast %parallel_loop3A_670 : i32 to index
        %parallel_loop3A_757 = arith.constant 112 : index
        %parallel_loop3A_758 = tpu.vector_load %arg15[%parallel_loop3A_756, %parallel_loop3A_757] {strides = array<i32>} : memref<128x128xf32, #tpu.memory_space<vmem>>, vector<1x16xf32>,
        %parallel_loop3A_759 = vector.shape_cast %parallel_loop3A_758 : vector<1x16xf32> to vector<16xf32>
        %parallel_loop3A_760 = vector.shape_cast %parallel_loop3A_755 : vector<16xf32> to vector<1x16xf32>
        tpu.vector_store %arg15[%parallel_loop3A_756, %parallel_loop3A_757], %parallel_loop3A_760 {strides = array<i32>} : memref<128x128xf32, #tpu.memory_space<vmem>>, vector<1x16xf32>,
        %parallel_loop3A_761 = arith.constant 16 : i32
        %parallel_loop3A_762 = arith.muli %parallel_loop3A_97, %parallel_loop3A_761 : i32
        %parallel_loop3A_763 = arith.constant 7 : i32
        %parallel_loop3A_764 = arith.addi %parallel_loop3A_762, %parallel_loop3A_763 : i32
        %parallel_loop3A_765 = vector.extract_strided_slice %parallel_loop3A_102 {offsets = [7], sizes = [1], strides = [1]} : vector<16xf32> to vector<1xf32>
        %parallel_loop3A_766 = vector.extract %parallel_loop3A_765[0] : f32 from vector<1xf32>
        %parallel_loop3A_767 = arith.index_cast %parallel_loop3A_764 : i32 to index
        %parallel_loop3A_768 = arith.constant 0 : index
        %parallel_loop3A_769 = tpu.vector_load %arg15[%parallel_loop3A_767, %parallel_loop3A_768] {strides = array<i32>} : memref<128x128xf32, #tpu.memory_space<vmem>>, vector<1x16xf32>,
        %parallel_loop3A_770 = vector.shape_cast %parallel_loop3A_769 : vector<1x16xf32> to vector<16xf32>
        %parallel_loop3A_771 = vector.broadcast %parallel_loop3A_766 : f32 to vector<16xf32>
        %parallel_loop3A_772 = arith.mulf %parallel_loop3A_770, %parallel_loop3A_771 : vector<16xf32>
        %parallel_loop3A_773 = arith.index_cast %parallel_loop3A_764 : i32 to index
        %parallel_loop3A_774 = arith.constant 0 : index
        %parallel_loop3A_775 = tpu.vector_load %arg15[%parallel_loop3A_773, %parallel_loop3A_774] {strides = array<i32>} : memref<128x128xf32, #tpu.memory_space<vmem>>, vector<1x16xf32>,
        %parallel_loop3A_776 = vector.shape_cast %parallel_loop3A_775 : vector<1x16xf32> to vector<16xf32>
        %parallel_loop3A_777 = vector.shape_cast %parallel_loop3A_772 : vector<16xf32> to vector<1x16xf32>
        tpu.vector_store %arg15[%parallel_loop3A_773, %parallel_loop3A_774], %parallel_loop3A_777 {strides = array<i32>} : memref<128x128xf32, #tpu.memory_space<vmem>>, vector<1x16xf32>,
        %parallel_loop3A_778 = arith.index_cast %parallel_loop3A_764 : i32 to index
        %parallel_loop3A_779 = arith.constant 16 : index
        %parallel_loop3A_780 = tpu.vector_load %arg15[%parallel_loop3A_778, %parallel_loop3A_779] {strides = array<i32>} : memref<128x128xf32, #tpu.memory_space<vmem>>, vector<1x16xf32>,
        %parallel_loop3A_781 = vector.shape_cast %parallel_loop3A_780 : vector<1x16xf32> to vector<16xf32>
        %parallel_loop3A_782 = vector.broadcast %parallel_loop3A_766 : f32 to vector<16xf32>
        %parallel_loop3A_783 = arith.mulf %parallel_loop3A_781, %parallel_loop3A_782 : vector<16xf32>
        %parallel_loop3A_784 = arith.index_cast %parallel_loop3A_764 : i32 to index
        %parallel_loop3A_785 = arith.constant 16 : index
        %parallel_loop3A_786 = tpu.vector_load %arg15[%parallel_loop3A_784, %parallel_loop3A_785] {strides = array<i32>} : memref<128x128xf32, #tpu.memory_space<vmem>>, vector<1x16xf32>,
        %parallel_loop3A_787 = vector.shape_cast %parallel_loop3A_786 : vector<1x16xf32> to vector<16xf32>
        %parallel_loop3A_788 = vector.shape_cast %parallel_loop3A_783 : vector<16xf32> to vector<1x16xf32>
        tpu.vector_store %arg15[%parallel_loop3A_784, %parallel_loop3A_785], %parallel_loop3A_788 {strides = array<i32>} : memref<128x128xf32, #tpu.memory_space<vmem>>, vector<1x16xf32>,
        %parallel_loop3A_789 = arith.index_cast %parallel_loop3A_764 : i32 to index
        %parallel_loop3A_790 = arith.constant 32 : index
        %parallel_loop3A_791 = tpu.vector_load %arg15[%parallel_loop3A_789, %parallel_loop3A_790] {strides = array<i32>} : memref<128x128xf32, #tpu.memory_space<vmem>>, vector<1x16xf32>,
        %parallel_loop3A_792 = vector.shape_cast %parallel_loop3A_791 : vector<1x16xf32> to vector<16xf32>
        %parallel_loop3A_793 = vector.broadcast %parallel_loop3A_766 : f32 to vector<16xf32>
        %parallel_loop3A_794 = arith.mulf %parallel_loop3A_792, %parallel_loop3A_793 : vector<16xf32>
        %parallel_loop3A_795 = arith.index_cast %parallel_loop3A_764 : i32 to index
        %parallel_loop3A_796 = arith.constant 32 : index
        %parallel_loop3A_797 = tpu.vector_load %arg15[%parallel_loop3A_795, %parallel_loop3A_796] {strides = array<i32>} : memref<128x128xf32, #tpu.memory_space<vmem>>, vector<1x16xf32>,
        %parallel_loop3A_798 = vector.shape_cast %parallel_loop3A_797 : vector<1x16xf32> to vector<16xf32>
        %parallel_loop3A_799 = vector.shape_cast %parallel_loop3A_794 : vector<16xf32> to vector<1x16xf32>
        tpu.vector_store %arg15[%parallel_loop3A_795, %parallel_loop3A_796], %parallel_loop3A_799 {strides = array<i32>} : memref<128x128xf32, #tpu.memory_space<vmem>>, vector<1x16xf32>,
        %parallel_loop3A_800 = arith.index_cast %parallel_loop3A_764 : i32 to index
        %parallel_loop3A_801 = arith.constant 48 : index
        %parallel_loop3A_802 = tpu.vector_load %arg15[%parallel_loop3A_800, %parallel_loop3A_801] {strides = array<i32>} : memref<128x128xf32, #tpu.memory_space<vmem>>, vector<1x16xf32>,
        %parallel_loop3A_803 = vector.shape_cast %parallel_loop3A_802 : vector<1x16xf32> to vector<16xf32>
        %parallel_loop3A_804 = vector.broadcast %parallel_loop3A_766 : f32 to vector<16xf32>
        %parallel_loop3A_805 = arith.mulf %parallel_loop3A_803, %parallel_loop3A_804 : vector<16xf32>
        %parallel_loop3A_806 = arith.index_cast %parallel_loop3A_764 : i32 to index
        %parallel_loop3A_807 = arith.constant 48 : index
        %parallel_loop3A_808 = tpu.vector_load %arg15[%parallel_loop3A_806, %parallel_loop3A_807] {strides = array<i32>} : memref<128x128xf32, #tpu.memory_space<vmem>>, vector<1x16xf32>,
        %parallel_loop3A_809 = vector.shape_cast %parallel_loop3A_808 : vector<1x16xf32> to vector<16xf32>
        %parallel_loop3A_810 = vector.shape_cast %parallel_loop3A_805 : vector<16xf32> to vector<1x16xf32>
        tpu.vector_store %arg15[%parallel_loop3A_806, %parallel_loop3A_807], %parallel_loop3A_810 {strides = array<i32>} : memref<128x128xf32, #tpu.memory_space<vmem>>, vector<1x16xf32>,
        %parallel_loop3A_811 = arith.index_cast %parallel_loop3A_764 : i32 to index
        %parallel_loop3A_812 = arith.constant 64 : index
        %parallel_loop3A_813 = tpu.vector_load %arg15[%parallel_loop3A_811, %parallel_loop3A_812] {strides = array<i32>} : memref<128x128xf32, #tpu.memory_space<vmem>>, vector<1x16xf32>,
        %parallel_loop3A_814 = vector.shape_cast %parallel_loop3A_813 : vector<1x16xf32> to vector<16xf32>
        %parallel_loop3A_815 = vector.broadcast %parallel_loop3A_766 : f32 to vector<16xf32>
        %parallel_loop3A_816 = arith.mulf %parallel_loop3A_814, %parallel_loop3A_815 : vector<16xf32>
        %parallel_loop3A_817 = arith.index_cast %parallel_loop3A_764 : i32 to index
        %parallel_loop3A_818 = arith.constant 64 : index
        %parallel_loop3A_819 = tpu.vector_load %arg15[%parallel_loop3A_817, %parallel_loop3A_818] {strides = array<i32>} : memref<128x128xf32, #tpu.memory_space<vmem>>, vector<1x16xf32>,
        %parallel_loop3A_820 = vector.shape_cast %parallel_loop3A_819 : vector<1x16xf32> to vector<16xf32>
        %parallel_loop3A_821 = vector.shape_cast %parallel_loop3A_816 : vector<16xf32> to vector<1x16xf32>
        tpu.vector_store %arg15[%parallel_loop3A_817, %parallel_loop3A_818], %parallel_loop3A_821 {strides = array<i32>} : memref<128x128xf32, #tpu.memory_space<vmem>>, vector<1x16xf32>,
        %parallel_loop3A_822 = arith.index_cast %parallel_loop3A_764 : i32 to index
        %parallel_loop3A_823 = arith.constant 80 : index
        %parallel_loop3A_824 = tpu.vector_load %arg15[%parallel_loop3A_822, %parallel_loop3A_823] {strides = array<i32>} : memref<128x128xf32, #tpu.memory_space<vmem>>, vector<1x16xf32>,
        %parallel_loop3A_825 = vector.shape_cast %parallel_loop3A_824 : vector<1x16xf32> to vector<16xf32>
        %parallel_loop3A_826 = vector.broadcast %parallel_loop3A_766 : f32 to vector<16xf32>
        %parallel_loop3A_827 = arith.mulf %parallel_loop3A_825, %parallel_loop3A_826 : vector<16xf32>
        %parallel_loop3A_828 = arith.index_cast %parallel_loop3A_764 : i32 to index
        %parallel_loop3A_829 = arith.constant 80 : index
        %parallel_loop3A_830 = tpu.vector_load %arg15[%parallel_loop3A_828, %parallel_loop3A_829] {strides = array<i32>} : memref<128x128xf32, #tpu.memory_space<vmem>>, vector<1x16xf32>,
        %parallel_loop3A_831 = vector.shape_cast %parallel_loop3A_830 : vector<1x16xf32> to vector<16xf32>
        %parallel_loop3A_832 = vector.shape_cast %parallel_loop3A_827 : vector<16xf32> to vector<1x16xf32>
        tpu.vector_store %arg15[%parallel_loop3A_828, %parallel_loop3A_829], %parallel_loop3A_832 {strides = array<i32>} : memref<128x128xf32, #tpu.memory_space<vmem>>, vector<1x16xf32>,
        %parallel_loop3A_833 = arith.index_cast %parallel_loop3A_764 : i32 to index
        %parallel_loop3A_834 = arith.constant 96 : index
        %parallel_loop3A_835 = tpu.vector_load %arg15[%parallel_loop3A_833, %parallel_loop3A_834] {strides = array<i32>} : memref<128x128xf32, #tpu.memory_space<vmem>>, vector<1x16xf32>,
        %parallel_loop3A_836 = vector.shape_cast %parallel_loop3A_835 : vector<1x16xf32> to vector<16xf32>
        %parallel_loop3A_837 = vector.broadcast %parallel_loop3A_766 : f32 to vector<16xf32>
        %parallel_loop3A_838 = arith.mulf %parallel_loop3A_836, %parallel_loop3A_837 : vector<16xf32>
        %parallel_loop3A_839 = arith.index_cast %parallel_loop3A_764 : i32 to index
        %parallel_loop3A_840 = arith.constant 96 : index
        %parallel_loop3A_841 = tpu.vector_load %arg15[%parallel_loop3A_839, %parallel_loop3A_840] {strides = array<i32>} : memref<128x128xf32, #tpu.memory_space<vmem>>, vector<1x16xf32>,
        %parallel_loop3A_842 = vector.shape_cast %parallel_loop3A_841 : vector<1x16xf32> to vector<16xf32>
        %parallel_loop3A_843 = vector.shape_cast %parallel_loop3A_838 : vector<16xf32> to vector<1x16xf32>
        tpu.vector_store %arg15[%parallel_loop3A_839, %parallel_loop3A_840], %parallel_loop3A_843 {strides = array<i32>} : memref<128x128xf32, #tpu.memory_space<vmem>>, vector<1x16xf32>,
        %parallel_loop3A_844 = arith.index_cast %parallel_loop3A_764 : i32 to index
        %parallel_loop3A_845 = arith.constant 112 : index
        %parallel_loop3A_846 = tpu.vector_load %arg15[%parallel_loop3A_844, %parallel_loop3A_845] {strides = array<i32>} : memref<128x128xf32, #tpu.memory_space<vmem>>, vector<1x16xf32>,
        %parallel_loop3A_847 = vector.shape_cast %parallel_loop3A_846 : vector<1x16xf32> to vector<16xf32>
        %parallel_loop3A_848 = vector.broadcast %parallel_loop3A_766 : f32 to vector<16xf32>
        %parallel_loop3A_849 = arith.mulf %parallel_loop3A_847, %parallel_loop3A_848 : vector<16xf32>
        %parallel_loop3A_850 = arith.index_cast %parallel_loop3A_764 : i32 to index
        %parallel_loop3A_851 = arith.constant 112 : index
        %parallel_loop3A_852 = tpu.vector_load %arg15[%parallel_loop3A_850, %parallel_loop3A_851] {strides = array<i32>} : memref<128x128xf32, #tpu.memory_space<vmem>>, vector<1x16xf32>,
        %parallel_loop3A_853 = vector.shape_cast %parallel_loop3A_852 : vector<1x16xf32> to vector<16xf32>
        %parallel_loop3A_854 = vector.shape_cast %parallel_loop3A_849 : vector<16xf32> to vector<1x16xf32>
        tpu.vector_store %arg15[%parallel_loop3A_850, %parallel_loop3A_851], %parallel_loop3A_854 {strides = array<i32>} : memref<128x128xf32, #tpu.memory_space<vmem>>, vector<1x16xf32>,
        %parallel_loop3A_855 = arith.constant 16 : i32
        %parallel_loop3A_856 = arith.muli %parallel_loop3A_97, %parallel_loop3A_855 : i32
        %parallel_loop3A_857 = arith.constant 8 : i32
        %parallel_loop3A_858 = arith.addi %parallel_loop3A_856, %parallel_loop3A_857 : i32
        %parallel_loop3A_859 = vector.extract_strided_slice %parallel_loop3A_102 {offsets = [8], sizes = [1], strides = [1]} : vector<16xf32> to vector<1xf32>
        %parallel_loop3A_860 = vector.extract %parallel_loop3A_859[0] : f32 from vector<1xf32>
        %parallel_loop3A_861 = arith.index_cast %parallel_loop3A_858 : i32 to index
        %parallel_loop3A_862 = arith.constant 0 : index
        %parallel_loop3A_863 = tpu.vector_load %arg15[%parallel_loop3A_861, %parallel_loop3A_862] {strides = array<i32>} : memref<128x128xf32, #tpu.memory_space<vmem>>, vector<1x16xf32>,
        %parallel_loop3A_864 = vector.shape_cast %parallel_loop3A_863 : vector<1x16xf32> to vector<16xf32>
        %parallel_loop3A_865 = vector.broadcast %parallel_loop3A_860 : f32 to vector<16xf32>
        %parallel_loop3A_866 = arith.mulf %parallel_loop3A_864, %parallel_loop3A_865 : vector<16xf32>
        %parallel_loop3A_867 = arith.index_cast %parallel_loop3A_858 : i32 to index
        %parallel_loop3A_868 = arith.constant 0 : index
        %parallel_loop3A_869 = tpu.vector_load %arg15[%parallel_loop3A_867, %parallel_loop3A_868] {strides = array<i32>} : memref<128x128xf32, #tpu.memory_space<vmem>>, vector<1x16xf32>,
        %parallel_loop3A_870 = vector.shape_cast %parallel_loop3A_869 : vector<1x16xf32> to vector<16xf32>
        %parallel_loop3A_871 = vector.shape_cast %parallel_loop3A_866 : vector<16xf32> to vector<1x16xf32>
        tpu.vector_store %arg15[%parallel_loop3A_867, %parallel_loop3A_868], %parallel_loop3A_871 {strides = array<i32>} : memref<128x128xf32, #tpu.memory_space<vmem>>, vector<1x16xf32>,
        %parallel_loop3A_872 = arith.index_cast %parallel_loop3A_858 : i32 to index
        %parallel_loop3A_873 = arith.constant 16 : index
        %parallel_loop3A_874 = tpu.vector_load %arg15[%parallel_loop3A_872, %parallel_loop3A_873] {strides = array<i32>} : memref<128x128xf32, #tpu.memory_space<vmem>>, vector<1x16xf32>,
        %parallel_loop3A_875 = vector.shape_cast %parallel_loop3A_874 : vector<1x16xf32> to vector<16xf32>
        %parallel_loop3A_876 = vector.broadcast %parallel_loop3A_860 : f32 to vector<16xf32>
        %parallel_loop3A_877 = arith.mulf %parallel_loop3A_875, %parallel_loop3A_876 : vector<16xf32>
        %parallel_loop3A_878 = arith.index_cast %parallel_loop3A_858 : i32 to index
        %parallel_loop3A_879 = arith.constant 16 : index
        %parallel_loop3A_880 = tpu.vector_load %arg15[%parallel_loop3A_878, %parallel_loop3A_879] {strides = array<i32>} : memref<128x128xf32, #tpu.memory_space<vmem>>, vector<1x16xf32>,
        %parallel_loop3A_881 = vector.shape_cast %parallel_loop3A_880 : vector<1x16xf32> to vector<16xf32>
        %parallel_loop3A_882 = vector.shape_cast %parallel_loop3A_877 : vector<16xf32> to vector<1x16xf32>
        tpu.vector_store %arg15[%parallel_loop3A_878, %parallel_loop3A_879], %parallel_loop3A_882 {strides = array<i32>} : memref<128x128xf32, #tpu.memory_space<vmem>>, vector<1x16xf32>,
        %parallel_loop3A_883 = arith.index_cast %parallel_loop3A_858 : i32 to index
        %parallel_loop3A_884 = arith.constant 32 : index
        %parallel_loop3A_885 = tpu.vector_load %arg15[%parallel_loop3A_883, %parallel_loop3A_884] {strides = array<i32>} : memref<128x128xf32, #tpu.memory_space<vmem>>, vector<1x16xf32>,
        %parallel_loop3A_886 = vector.shape_cast %parallel_loop3A_885 : vector<1x16xf32> to vector<16xf32>
        %parallel_loop3A_887 = vector.broadcast %parallel_loop3A_860 : f32 to vector<16xf32>
        %parallel_loop3A_888 = arith.mulf %parallel_loop3A_886, %parallel_loop3A_887 : vector<16xf32>
        %parallel_loop3A_889 = arith.index_cast %parallel_loop3A_858 : i32 to index
        %parallel_loop3A_890 = arith.constant 32 : index
        %parallel_loop3A_891 = tpu.vector_load %arg15[%parallel_loop3A_889, %parallel_loop3A_890] {strides = array<i32>} : memref<128x128xf32, #tpu.memory_space<vmem>>, vector<1x16xf32>,
        %parallel_loop3A_892 = vector.shape_cast %parallel_loop3A_891 : vector<1x16xf32> to vector<16xf32>
        %parallel_loop3A_893 = vector.shape_cast %parallel_loop3A_888 : vector<16xf32> to vector<1x16xf32>
        tpu.vector_store %arg15[%parallel_loop3A_889, %parallel_loop3A_890], %parallel_loop3A_893 {strides = array<i32>} : memref<128x128xf32, #tpu.memory_space<vmem>>, vector<1x16xf32>,
        %parallel_loop3A_894 = arith.index_cast %parallel_loop3A_858 : i32 to index
        %parallel_loop3A_895 = arith.constant 48 : index
        %parallel_loop3A_896 = tpu.vector_load %arg15[%parallel_loop3A_894, %parallel_loop3A_895] {strides = array<i32>} : memref<128x128xf32, #tpu.memory_space<vmem>>, vector<1x16xf32>,
        %parallel_loop3A_897 = vector.shape_cast %parallel_loop3A_896 : vector<1x16xf32> to vector<16xf32>
        %parallel_loop3A_898 = vector.broadcast %parallel_loop3A_860 : f32 to vector<16xf32>
        %parallel_loop3A_899 = arith.mulf %parallel_loop3A_897, %parallel_loop3A_898 : vector<16xf32>
        %parallel_loop3A_900 = arith.index_cast %parallel_loop3A_858 : i32 to index
        %parallel_loop3A_901 = arith.constant 48 : index
        %parallel_loop3A_902 = tpu.vector_load %arg15[%parallel_loop3A_900, %parallel_loop3A_901] {strides = array<i32>} : memref<128x128xf32, #tpu.memory_space<vmem>>, vector<1x16xf32>,
        %parallel_loop3A_903 = vector.shape_cast %parallel_loop3A_902 : vector<1x16xf32> to vector<16xf32>
        %parallel_loop3A_904 = vector.shape_cast %parallel_loop3A_899 : vector<16xf32> to vector<1x16xf32>
        tpu.vector_store %arg15[%parallel_loop3A_900, %parallel_loop3A_901], %parallel_loop3A_904 {strides = array<i32>} : memref<128x128xf32, #tpu.memory_space<vmem>>, vector<1x16xf32>,
        %parallel_loop3A_905 = arith.index_cast %parallel_loop3A_858 : i32 to index
        %parallel_loop3A_906 = arith.constant 64 : index
        %parallel_loop3A_907 = tpu.vector_load %arg15[%parallel_loop3A_905, %parallel_loop3A_906] {strides = array<i32>} : memref<128x128xf32, #tpu.memory_space<vmem>>, vector<1x16xf32>,
        %parallel_loop3A_908 = vector.shape_cast %parallel_loop3A_907 : vector<1x16xf32> to vector<16xf32>
        %parallel_loop3A_909 = vector.broadcast %parallel_loop3A_860 : f32 to vector<16xf32>
        %parallel_loop3A_910 = arith.mulf %parallel_loop3A_908, %parallel_loop3A_909 : vector<16xf32>
        %parallel_loop3A_911 = arith.index_cast %parallel_loop3A_858 : i32 to index
        %parallel_loop3A_912 = arith.constant 64 : index
        %parallel_loop3A_913 = tpu.vector_load %arg15[%parallel_loop3A_911, %parallel_loop3A_912] {strides = array<i32>} : memref<128x128xf32, #tpu.memory_space<vmem>>, vector<1x16xf32>,
        %parallel_loop3A_914 = vector.shape_cast %parallel_loop3A_913 : vector<1x16xf32> to vector<16xf32>
        %parallel_loop3A_915 = vector.shape_cast %parallel_loop3A_910 : vector<16xf32> to vector<1x16xf32>
        tpu.vector_store %arg15[%parallel_loop3A_911, %parallel_loop3A_912], %parallel_loop3A_915 {strides = array<i32>} : memref<128x128xf32, #tpu.memory_space<vmem>>, vector<1x16xf32>,
        %parallel_loop3A_916 = arith.index_cast %parallel_loop3A_858 : i32 to index
        %parallel_loop3A_917 = arith.constant 80 : index
        %parallel_loop3A_918 = tpu.vector_load %arg15[%parallel_loop3A_916, %parallel_loop3A_917] {strides = array<i32>} : memref<128x128xf32, #tpu.memory_space<vmem>>, vector<1x16xf32>,
        %parallel_loop3A_919 = vector.shape_cast %parallel_loop3A_918 : vector<1x16xf32> to vector<16xf32>
        %parallel_loop3A_920 = vector.broadcast %parallel_loop3A_860 : f32 to vector<16xf32>
        %parallel_loop3A_921 = arith.mulf %parallel_loop3A_919, %parallel_loop3A_920 : vector<16xf32>
        %parallel_loop3A_922 = arith.index_cast %parallel_loop3A_858 : i32 to index
        %parallel_loop3A_923 = arith.constant 80 : index
        %parallel_loop3A_924 = tpu.vector_load %arg15[%parallel_loop3A_922, %parallel_loop3A_923] {strides = array<i32>} : memref<128x128xf32, #tpu.memory_space<vmem>>, vector<1x16xf32>,
        %parallel_loop3A_925 = vector.shape_cast %parallel_loop3A_924 : vector<1x16xf32> to vector<16xf32>
        %parallel_loop3A_926 = vector.shape_cast %parallel_loop3A_921 : vector<16xf32> to vector<1x16xf32>
        tpu.vector_store %arg15[%parallel_loop3A_922, %parallel_loop3A_923], %parallel_loop3A_926 {strides = array<i32>} : memref<128x128xf32, #tpu.memory_space<vmem>>, vector<1x16xf32>,
        %parallel_loop3A_927 = arith.index_cast %parallel_loop3A_858 : i32 to index
        %parallel_loop3A_928 = arith.constant 96 : index
        %parallel_loop3A_929 = tpu.vector_load %arg15[%parallel_loop3A_927, %parallel_loop3A_928] {strides = array<i32>} : memref<128x128xf32, #tpu.memory_space<vmem>>, vector<1x16xf32>,
        %parallel_loop3A_930 = vector.shape_cast %parallel_loop3A_929 : vector<1x16xf32> to vector<16xf32>
        %parallel_loop3A_931 = vector.broadcast %parallel_loop3A_860 : f32 to vector<16xf32>
        %parallel_loop3A_932 = arith.mulf %parallel_loop3A_930, %parallel_loop3A_931 : vector<16xf32>
        %parallel_loop3A_933 = arith.index_cast %parallel_loop3A_858 : i32 to index
        %parallel_loop3A_934 = arith.constant 96 : index
        %parallel_loop3A_935 = tpu.vector_load %arg15[%parallel_loop3A_933, %parallel_loop3A_934] {strides = array<i32>} : memref<128x128xf32, #tpu.memory_space<vmem>>, vector<1x16xf32>,
        %parallel_loop3A_936 = vector.shape_cast %parallel_loop3A_935 : vector<1x16xf32> to vector<16xf32>
        %parallel_loop3A_937 = vector.shape_cast %parallel_loop3A_932 : vector<16xf32> to vector<1x16xf32>
        tpu.vector_store %arg15[%parallel_loop3A_933, %parallel_loop3A_934], %parallel_loop3A_937 {strides = array<i32>} : memref<128x128xf32, #tpu.memory_space<vmem>>, vector<1x16xf32>,
        %parallel_loop3A_938 = arith.index_cast %parallel_loop3A_858 : i32 to index
        %parallel_loop3A_939 = arith.constant 112 : index
        %parallel_loop3A_940 = tpu.vector_load %arg15[%parallel_loop3A_938, %parallel_loop3A_939] {strides = array<i32>} : memref<128x128xf32, #tpu.memory_space<vmem>>, vector<1x16xf32>,
        %parallel_loop3A_941 = vector.shape_cast %parallel_loop3A_940 : vector<1x16xf32> to vector<16xf32>
        %parallel_loop3A_942 = vector.broadcast %parallel_loop3A_860 : f32 to vector<16xf32>
        %parallel_loop3A_943 = arith.mulf %parallel_loop3A_941, %parallel_loop3A_942 : vector<16xf32>
        %parallel_loop3A_944 = arith.index_cast %parallel_loop3A_858 : i32 to index
        %parallel_loop3A_945 = arith.constant 112 : index
        %parallel_loop3A_946 = tpu.vector_load %arg15[%parallel_loop3A_944, %parallel_loop3A_945] {strides = array<i32>} : memref<128x128xf32, #tpu.memory_space<vmem>>, vector<1x16xf32>,
        %parallel_loop3A_947 = vector.shape_cast %parallel_loop3A_946 : vector<1x16xf32> to vector<16xf32>
        %parallel_loop3A_948 = vector.shape_cast %parallel_loop3A_943 : vector<16xf32> to vector<1x16xf32>
        tpu.vector_store %arg15[%parallel_loop3A_944, %parallel_loop3A_945], %parallel_loop3A_948 {strides = array<i32>} : memref<128x128xf32, #tpu.memory_space<vmem>>, vector<1x16xf32>,
        %parallel_loop3A_949 = arith.constant 16 : i32
        %parallel_loop3A_950 = arith.muli %parallel_loop3A_97, %parallel_loop3A_949 : i32
        %parallel_loop3A_951 = arith.constant 9 : i32
        %parallel_loop3A_952 = arith.addi %parallel_loop3A_950, %parallel_loop3A_951 : i32
        %parallel_loop3A_953 = vector.extract_strided_slice %parallel_loop3A_102 {offsets = [9], sizes = [1], strides = [1]} : vector<16xf32> to vector<1xf32>
        %parallel_loop3A_954 = vector.extract %parallel_loop3A_953[0] : f32 from vector<1xf32>
        %parallel_loop3A_955 = arith.index_cast %parallel_loop3A_952 : i32 to index
        %parallel_loop3A_956 = arith.constant 0 : index
        %parallel_loop3A_957 = tpu.vector_load %arg15[%parallel_loop3A_955, %parallel_loop3A_956] {strides = array<i32>} : memref<128x128xf32, #tpu.memory_space<vmem>>, vector<1x16xf32>,
        %parallel_loop3A_958 = vector.shape_cast %parallel_loop3A_957 : vector<1x16xf32> to vector<16xf32>
        %parallel_loop3A_959 = vector.broadcast %parallel_loop3A_954 : f32 to vector<16xf32>
        %parallel_loop3A_960 = arith.mulf %parallel_loop3A_958, %parallel_loop3A_959 : vector<16xf32>
        %parallel_loop3A_961 = arith.index_cast %parallel_loop3A_952 : i32 to index
        %parallel_loop3A_962 = arith.constant 0 : index
        %parallel_loop3A_963 = tpu.vector_load %arg15[%parallel_loop3A_961, %parallel_loop3A_962] {strides = array<i32>} : memref<128x128xf32, #tpu.memory_space<vmem>>, vector<1x16xf32>,
        %parallel_loop3A_964 = vector.shape_cast %parallel_loop3A_963 : vector<1x16xf32> to vector<16xf32>
        %parallel_loop3A_965 = vector.shape_cast %parallel_loop3A_960 : vector<16xf32> to vector<1x16xf32>
        tpu.vector_store %arg15[%parallel_loop3A_961, %parallel_loop3A_962], %parallel_loop3A_965 {strides = array<i32>} : memref<128x128xf32, #tpu.memory_space<vmem>>, vector<1x16xf32>,
        %parallel_loop3A_966 = arith.index_cast %parallel_loop3A_952 : i32 to index
        %parallel_loop3A_967 = arith.constant 16 : index
        %parallel_loop3A_968 = tpu.vector_load %arg15[%parallel_loop3A_966, %parallel_loop3A_967] {strides = array<i32>} : memref<128x128xf32, #tpu.memory_space<vmem>>, vector<1x16xf32>,
        %parallel_loop3A_969 = vector.shape_cast %parallel_loop3A_968 : vector<1x16xf32> to vector<16xf32>
        %parallel_loop3A_970 = vector.broadcast %parallel_loop3A_954 : f32 to vector<16xf32>
        %parallel_loop3A_971 = arith.mulf %parallel_loop3A_969, %parallel_loop3A_970 : vector<16xf32>
        %parallel_loop3A_972 = arith.index_cast %parallel_loop3A_952 : i32 to index
        %parallel_loop3A_973 = arith.constant 16 : index
        %parallel_loop3A_974 = tpu.vector_load %arg15[%parallel_loop3A_972, %parallel_loop3A_973] {strides = array<i32>} : memref<128x128xf32, #tpu.memory_space<vmem>>, vector<1x16xf32>,
        %parallel_loop3A_975 = vector.shape_cast %parallel_loop3A_974 : vector<1x16xf32> to vector<16xf32>
        %parallel_loop3A_976 = vector.shape_cast %parallel_loop3A_971 : vector<16xf32> to vector<1x16xf32>
        tpu.vector_store %arg15[%parallel_loop3A_972, %parallel_loop3A_973], %parallel_loop3A_976 {strides = array<i32>} : memref<128x128xf32, #tpu.memory_space<vmem>>, vector<1x16xf32>,
        %parallel_loop3A_977 = arith.index_cast %parallel_loop3A_952 : i32 to index
        %parallel_loop3A_978 = arith.constant 32 : index
        %parallel_loop3A_979 = tpu.vector_load %arg15[%parallel_loop3A_977, %parallel_loop3A_978] {strides = array<i32>} : memref<128x128xf32, #tpu.memory_space<vmem>>, vector<1x16xf32>,
        %parallel_loop3A_980 = vector.shape_cast %parallel_loop3A_979 : vector<1x16xf32> to vector<16xf32>
        %parallel_loop3A_981 = vector.broadcast %parallel_loop3A_954 : f32 to vector<16xf32>
        %parallel_loop3A_982 = arith.mulf %parallel_loop3A_980, %parallel_loop3A_981 : vector<16xf32>
        %parallel_loop3A_983 = arith.index_cast %parallel_loop3A_952 : i32 to index
        %parallel_loop3A_984 = arith.constant 32 : index
        %parallel_loop3A_985 = tpu.vector_load %arg15[%parallel_loop3A_983, %parallel_loop3A_984] {strides = array<i32>} : memref<128x128xf32, #tpu.memory_space<vmem>>, vector<1x16xf32>,
        %parallel_loop3A_986 = vector.shape_cast %parallel_loop3A_985 : vector<1x16xf32> to vector<16xf32>
        %parallel_loop3A_987 = vector.shape_cast %parallel_loop3A_982 : vector<16xf32> to vector<1x16xf32>
        tpu.vector_store %arg15[%parallel_loop3A_983, %parallel_loop3A_984], %parallel_loop3A_987 {strides = array<i32>} : memref<128x128xf32, #tpu.memory_space<vmem>>, vector<1x16xf32>,
        %parallel_loop3A_988 = arith.index_cast %parallel_loop3A_952 : i32 to index
        %parallel_loop3A_989 = arith.constant 48 : index
        %parallel_loop3A_990 = tpu.vector_load %arg15[%parallel_loop3A_988, %parallel_loop3A_989] {strides = array<i32>} : memref<128x128xf32, #tpu.memory_space<vmem>>, vector<1x16xf32>,
        %parallel_loop3A_991 = vector.shape_cast %parallel_loop3A_990 : vector<1x16xf32> to vector<16xf32>
        %parallel_loop3A_992 = vector.broadcast %parallel_loop3A_954 : f32 to vector<16xf32>
        %parallel_loop3A_993 = arith.mulf %parallel_loop3A_991, %parallel_loop3A_992 : vector<16xf32>
        %parallel_loop3A_994 = arith.index_cast %parallel_loop3A_952 : i32 to index
        %parallel_loop3A_995 = arith.constant 48 : index
        %parallel_loop3A_996 = tpu.vector_load %arg15[%parallel_loop3A_994, %parallel_loop3A_995] {strides = array<i32>} : memref<128x128xf32, #tpu.memory_space<vmem>>, vector<1x16xf32>,
        %parallel_loop3A_997 = vector.shape_cast %parallel_loop3A_996 : vector<1x16xf32> to vector<16xf32>
        %parallel_loop3A_998 = vector.shape_cast %parallel_loop3A_993 : vector<16xf32> to vector<1x16xf32>
        tpu.vector_store %arg15[%parallel_loop3A_994, %parallel_loop3A_995], %parallel_loop3A_998 {strides = array<i32>} : memref<128x128xf32, #tpu.memory_space<vmem>>, vector<1x16xf32>,
        %parallel_loop3A_999 = arith.index_cast %parallel_loop3A_952 : i32 to index
        %parallel_loop3A_1000 = arith.constant 64 : index
        %parallel_loop3A_1001 = tpu.vector_load %arg15[%parallel_loop3A_999, %parallel_loop3A_1000] {strides = array<i32>} : memref<128x128xf32, #tpu.memory_space<vmem>>, vector<1x16xf32>,
        %parallel_loop3A_1002 = vector.shape_cast %parallel_loop3A_1001 : vector<1x16xf32> to vector<16xf32>
        %parallel_loop3A_1003 = vector.broadcast %parallel_loop3A_954 : f32 to vector<16xf32>
        %parallel_loop3A_1004 = arith.mulf %parallel_loop3A_1002, %parallel_loop3A_1003 : vector<16xf32>
        %parallel_loop3A_1005 = arith.index_cast %parallel_loop3A_952 : i32 to index
        %parallel_loop3A_1006 = arith.constant 64 : index
        %parallel_loop3A_1007 = tpu.vector_load %arg15[%parallel_loop3A_1005, %parallel_loop3A_1006] {strides = array<i32>} : memref<128x128xf32, #tpu.memory_space<vmem>>, vector<1x16xf32>,
        %parallel_loop3A_1008 = vector.shape_cast %parallel_loop3A_1007 : vector<1x16xf32> to vector<16xf32>
        %parallel_loop3A_1009 = vector.shape_cast %parallel_loop3A_1004 : vector<16xf32> to vector<1x16xf32>
        tpu.vector_store %arg15[%parallel_loop3A_1005, %parallel_loop3A_1006], %parallel_loop3A_1009 {strides = array<i32>} : memref<128x128xf32, #tpu.memory_space<vmem>>, vector<1x16xf32>,
        %parallel_loop3A_1010 = arith.index_cast %parallel_loop3A_952 : i32 to index
        %parallel_loop3A_1011 = arith.constant 80 : index
        %parallel_loop3A_1012 = tpu.vector_load %arg15[%parallel_loop3A_1010, %parallel_loop3A_1011] {strides = array<i32>} : memref<128x128xf32, #tpu.memory_space<vmem>>, vector<1x16xf32>,
        %parallel_loop3A_1013 = vector.shape_cast %parallel_loop3A_1012 : vector<1x16xf32> to vector<16xf32>
        %parallel_loop3A_1014 = vector.broadcast %parallel_loop3A_954 : f32 to vector<16xf32>
        %parallel_loop3A_1015 = arith.mulf %parallel_loop3A_1013, %parallel_loop3A_1014 : vector<16xf32>
        %parallel_loop3A_1016 = arith.index_cast %parallel_loop3A_952 : i32 to index
        %parallel_loop3A_1017 = arith.constant 80 : index
        %parallel_loop3A_1018 = tpu.vector_load %arg15[%parallel_loop3A_1016, %parallel_loop3A_1017] {strides = array<i32>} : memref<128x128xf32, #tpu.memory_space<vmem>>, vector<1x16xf32>,
        %parallel_loop3A_1019 = vector.shape_cast %parallel_loop3A_1018 : vector<1x16xf32> to vector<16xf32>
        %parallel_loop3A_1020 = vector.shape_cast %parallel_loop3A_1015 : vector<16xf32> to vector<1x16xf32>
        tpu.vector_store %arg15[%parallel_loop3A_1016, %parallel_loop3A_1017], %parallel_loop3A_1020 {strides = array<i32>} : memref<128x128xf32, #tpu.memory_space<vmem>>, vector<1x16xf32>,
        %parallel_loop3A_1021 = arith.index_cast %parallel_loop3A_952 : i32 to index
        %parallel_loop3A_1022 = arith.constant 96 : index
        %parallel_loop3A_1023 = tpu.vector_load %arg15[%parallel_loop3A_1021, %parallel_loop3A_1022] {strides = array<i32>} : memref<128x128xf32, #tpu.memory_space<vmem>>, vector<1x16xf32>,
        %parallel_loop3A_1024 = vector.shape_cast %parallel_loop3A_1023 : vector<1x16xf32> to vector<16xf32>
        %parallel_loop3A_1025 = vector.broadcast %parallel_loop3A_954 : f32 to vector<16xf32>
        %parallel_loop3A_1026 = arith.mulf %parallel_loop3A_1024, %parallel_loop3A_1025 : vector<16xf32>
        %parallel_loop3A_1027 = arith.index_cast %parallel_loop3A_952 : i32 to index
        %parallel_loop3A_1028 = arith.constant 96 : index
        %parallel_loop3A_1029 = tpu.vector_load %arg15[%parallel_loop3A_1027, %parallel_loop3A_1028] {strides = array<i32>} : memref<128x128xf32, #tpu.memory_space<vmem>>, vector<1x16xf32>,
        %parallel_loop3A_1030 = vector.shape_cast %parallel_loop3A_1029 : vector<1x16xf32> to vector<16xf32>
        %parallel_loop3A_1031 = vector.shape_cast %parallel_loop3A_1026 : vector<16xf32> to vector<1x16xf32>
        tpu.vector_store %arg15[%parallel_loop3A_1027, %parallel_loop3A_1028], %parallel_loop3A_1031 {strides = array<i32>} : memref<128x128xf32, #tpu.memory_space<vmem>>, vector<1x16xf32>,
        %parallel_loop3A_1032 = arith.index_cast %parallel_loop3A_952 : i32 to index
        %parallel_loop3A_1033 = arith.constant 112 : index
        %parallel_loop3A_1034 = tpu.vector_load %arg15[%parallel_loop3A_1032, %parallel_loop3A_1033] {strides = array<i32>} : memref<128x128xf32, #tpu.memory_space<vmem>>, vector<1x16xf32>,
        %parallel_loop3A_1035 = vector.shape_cast %parallel_loop3A_1034 : vector<1x16xf32> to vector<16xf32>
        %parallel_loop3A_1036 = vector.broadcast %parallel_loop3A_954 : f32 to vector<16xf32>
        %parallel_loop3A_1037 = arith.mulf %parallel_loop3A_1035, %parallel_loop3A_1036 : vector<16xf32>
        %parallel_loop3A_1038 = arith.index_cast %parallel_loop3A_952 : i32 to index
        %parallel_loop3A_1039 = arith.constant 112 : index
        %parallel_loop3A_1040 = tpu.vector_load %arg15[%parallel_loop3A_1038, %parallel_loop3A_1039] {strides = array<i32>} : memref<128x128xf32, #tpu.memory_space<vmem>>, vector<1x16xf32>,
        %parallel_loop3A_1041 = vector.shape_cast %parallel_loop3A_1040 : vector<1x16xf32> to vector<16xf32>
        %parallel_loop3A_1042 = vector.shape_cast %parallel_loop3A_1037 : vector<16xf32> to vector<1x16xf32>
        tpu.vector_store %arg15[%parallel_loop3A_1038, %parallel_loop3A_1039], %parallel_loop3A_1042 {strides = array<i32>} : memref<128x128xf32, #tpu.memory_space<vmem>>, vector<1x16xf32>,
        %parallel_loop3A_1043 = arith.constant 16 : i32
        %parallel_loop3A_1044 = arith.muli %parallel_loop3A_97, %parallel_loop3A_1043 : i32
        %parallel_loop3A_1045 = arith.constant 10 : i32
        %parallel_loop3A_1046 = arith.addi %parallel_loop3A_1044, %parallel_loop3A_1045 : i32
        %parallel_loop3A_1047 = vector.extract_strided_slice %parallel_loop3A_102 {offsets = [10], sizes = [1], strides = [1]} : vector<16xf32> to vector<1xf32>
        %parallel_loop3A_1048 = vector.extract %parallel_loop3A_1047[0] : f32 from vector<1xf32>
        %parallel_loop3A_1049 = arith.index_cast %parallel_loop3A_1046 : i32 to index
        %parallel_loop3A_1050 = arith.constant 0 : index
        %parallel_loop3A_1051 = tpu.vector_load %arg15[%parallel_loop3A_1049, %parallel_loop3A_1050] {strides = array<i32>} : memref<128x128xf32, #tpu.memory_space<vmem>>, vector<1x16xf32>,
        %parallel_loop3A_1052 = vector.shape_cast %parallel_loop3A_1051 : vector<1x16xf32> to vector<16xf32>
        %parallel_loop3A_1053 = vector.broadcast %parallel_loop3A_1048 : f32 to vector<16xf32>
        %parallel_loop3A_1054 = arith.mulf %parallel_loop3A_1052, %parallel_loop3A_1053 : vector<16xf32>
        %parallel_loop3A_1055 = arith.index_cast %parallel_loop3A_1046 : i32 to index
        %parallel_loop3A_1056 = arith.constant 0 : index
        %parallel_loop3A_1057 = tpu.vector_load %arg15[%parallel_loop3A_1055, %parallel_loop3A_1056] {strides = array<i32>} : memref<128x128xf32, #tpu.memory_space<vmem>>, vector<1x16xf32>,
        %parallel_loop3A_1058 = vector.shape_cast %parallel_loop3A_1057 : vector<1x16xf32> to vector<16xf32>
        %parallel_loop3A_1059 = vector.shape_cast %parallel_loop3A_1054 : vector<16xf32> to vector<1x16xf32>
        tpu.vector_store %arg15[%parallel_loop3A_1055, %parallel_loop3A_1056], %parallel_loop3A_1059 {strides = array<i32>} : memref<128x128xf32, #tpu.memory_space<vmem>>, vector<1x16xf32>,
        %parallel_loop3A_1060 = arith.index_cast %parallel_loop3A_1046 : i32 to index
        %parallel_loop3A_1061 = arith.constant 16 : index
        %parallel_loop3A_1062 = tpu.vector_load %arg15[%parallel_loop3A_1060, %parallel_loop3A_1061] {strides = array<i32>} : memref<128x128xf32, #tpu.memory_space<vmem>>, vector<1x16xf32>,
        %parallel_loop3A_1063 = vector.shape_cast %parallel_loop3A_1062 : vector<1x16xf32> to vector<16xf32>
        %parallel_loop3A_1064 = vector.broadcast %parallel_loop3A_1048 : f32 to vector<16xf32>
        %parallel_loop3A_1065 = arith.mulf %parallel_loop3A_1063, %parallel_loop3A_1064 : vector<16xf32>
        %parallel_loop3A_1066 = arith.index_cast %parallel_loop3A_1046 : i32 to index
        %parallel_loop3A_1067 = arith.constant 16 : index
        %parallel_loop3A_1068 = tpu.vector_load %arg15[%parallel_loop3A_1066, %parallel_loop3A_1067] {strides = array<i32>} : memref<128x128xf32, #tpu.memory_space<vmem>>, vector<1x16xf32>,
        %parallel_loop3A_1069 = vector.shape_cast %parallel_loop3A_1068 : vector<1x16xf32> to vector<16xf32>
        %parallel_loop3A_1070 = vector.shape_cast %parallel_loop3A_1065 : vector<16xf32> to vector<1x16xf32>
        tpu.vector_store %arg15[%parallel_loop3A_1066, %parallel_loop3A_1067], %parallel_loop3A_1070 {strides = array<i32>} : memref<128x128xf32, #tpu.memory_space<vmem>>, vector<1x16xf32>,
        %parallel_loop3A_1071 = arith.index_cast %parallel_loop3A_1046 : i32 to index
        %parallel_loop3A_1072 = arith.constant 32 : index
        %parallel_loop3A_1073 = tpu.vector_load %arg15[%parallel_loop3A_1071, %parallel_loop3A_1072] {strides = array<i32>} : memref<128x128xf32, #tpu.memory_space<vmem>>, vector<1x16xf32>,
        %parallel_loop3A_1074 = vector.shape_cast %parallel_loop3A_1073 : vector<1x16xf32> to vector<16xf32>
        %parallel_loop3A_1075 = vector.broadcast %parallel_loop3A_1048 : f32 to vector<16xf32>
        %parallel_loop3A_1076 = arith.mulf %parallel_loop3A_1074, %parallel_loop3A_1075 : vector<16xf32>
        %parallel_loop3A_1077 = arith.index_cast %parallel_loop3A_1046 : i32 to index
        %parallel_loop3A_1078 = arith.constant 32 : index
        %parallel_loop3A_1079 = tpu.vector_load %arg15[%parallel_loop3A_1077, %parallel_loop3A_1078] {strides = array<i32>} : memref<128x128xf32, #tpu.memory_space<vmem>>, vector<1x16xf32>,
        %parallel_loop3A_1080 = vector.shape_cast %parallel_loop3A_1079 : vector<1x16xf32> to vector<16xf32>
        %parallel_loop3A_1081 = vector.shape_cast %parallel_loop3A_1076 : vector<16xf32> to vector<1x16xf32>
        tpu.vector_store %arg15[%parallel_loop3A_1077, %parallel_loop3A_1078], %parallel_loop3A_1081 {strides = array<i32>} : memref<128x128xf32, #tpu.memory_space<vmem>>, vector<1x16xf32>,
        %parallel_loop3A_1082 = arith.index_cast %parallel_loop3A_1046 : i32 to index
        %parallel_loop3A_1083 = arith.constant 48 : index
        %parallel_loop3A_1084 = tpu.vector_load %arg15[%parallel_loop3A_1082, %parallel_loop3A_1083] {strides = array<i32>} : memref<128x128xf32, #tpu.memory_space<vmem>>, vector<1x16xf32>,
        %parallel_loop3A_1085 = vector.shape_cast %parallel_loop3A_1084 : vector<1x16xf32> to vector<16xf32>
        %parallel_loop3A_1086 = vector.broadcast %parallel_loop3A_1048 : f32 to vector<16xf32>
        %parallel_loop3A_1087 = arith.mulf %parallel_loop3A_1085, %parallel_loop3A_1086 : vector<16xf32>
        %parallel_loop3A_1088 = arith.index_cast %parallel_loop3A_1046 : i32 to index
        %parallel_loop3A_1089 = arith.constant 48 : index
        %parallel_loop3A_1090 = tpu.vector_load %arg15[%parallel_loop3A_1088, %parallel_loop3A_1089] {strides = array<i32>} : memref<128x128xf32, #tpu.memory_space<vmem>>, vector<1x16xf32>,
        %parallel_loop3A_1091 = vector.shape_cast %parallel_loop3A_1090 : vector<1x16xf32> to vector<16xf32>
        %parallel_loop3A_1092 = vector.shape_cast %parallel_loop3A_1087 : vector<16xf32> to vector<1x16xf32>
        tpu.vector_store %arg15[%parallel_loop3A_1088, %parallel_loop3A_1089], %parallel_loop3A_1092 {strides = array<i32>} : memref<128x128xf32, #tpu.memory_space<vmem>>, vector<1x16xf32>,
        %parallel_loop3A_1093 = arith.index_cast %parallel_loop3A_1046 : i32 to index
        %parallel_loop3A_1094 = arith.constant 64 : index
        %parallel_loop3A_1095 = tpu.vector_load %arg15[%parallel_loop3A_1093, %parallel_loop3A_1094] {strides = array<i32>} : memref<128x128xf32, #tpu.memory_space<vmem>>, vector<1x16xf32>,
        %parallel_loop3A_1096 = vector.shape_cast %parallel_loop3A_1095 : vector<1x16xf32> to vector<16xf32>
        %parallel_loop3A_1097 = vector.broadcast %parallel_loop3A_1048 : f32 to vector<16xf32>
        %parallel_loop3A_1098 = arith.mulf %parallel_loop3A_1096, %parallel_loop3A_1097 : vector<16xf32>
        %parallel_loop3A_1099 = arith.index_cast %parallel_loop3A_1046 : i32 to index
        %parallel_loop3A_1100 = arith.constant 64 : index
        %parallel_loop3A_1101 = tpu.vector_load %arg15[%parallel_loop3A_1099, %parallel_loop3A_1100] {strides = array<i32>} : memref<128x128xf32, #tpu.memory_space<vmem>>, vector<1x16xf32>,
        %parallel_loop3A_1102 = vector.shape_cast %parallel_loop3A_1101 : vector<1x16xf32> to vector<16xf32>
        %parallel_loop3A_1103 = vector.shape_cast %parallel_loop3A_1098 : vector<16xf32> to vector<1x16xf32>
        tpu.vector_store %arg15[%parallel_loop3A_1099, %parallel_loop3A_1100], %parallel_loop3A_1103 {strides = array<i32>} : memref<128x128xf32, #tpu.memory_space<vmem>>, vector<1x16xf32>,
        %parallel_loop3A_1104 = arith.index_cast %parallel_loop3A_1046 : i32 to index
        %parallel_loop3A_1105 = arith.constant 80 : index
        %parallel_loop3A_1106 = tpu.vector_load %arg15[%parallel_loop3A_1104, %parallel_loop3A_1105] {strides = array<i32>} : memref<128x128xf32, #tpu.memory_space<vmem>>, vector<1x16xf32>,
        %parallel_loop3A_1107 = vector.shape_cast %parallel_loop3A_1106 : vector<1x16xf32> to vector<16xf32>
        %parallel_loop3A_1108 = vector.broadcast %parallel_loop3A_1048 : f32 to vector<16xf32>
        %parallel_loop3A_1109 = arith.mulf %parallel_loop3A_1107, %parallel_loop3A_1108 : vector<16xf32>
        %parallel_loop3A_1110 = arith.index_cast %parallel_loop3A_1046 : i32 to index
        %parallel_loop3A_1111 = arith.constant 80 : index
        %parallel_loop3A_1112 = tpu.vector_load %arg15[%parallel_loop3A_1110, %parallel_loop3A_1111] {strides = array<i32>} : memref<128x128xf32, #tpu.memory_space<vmem>>, vector<1x16xf32>,
        %parallel_loop3A_1113 = vector.shape_cast %parallel_loop3A_1112 : vector<1x16xf32> to vector<16xf32>
        %parallel_loop3A_1114 = vector.shape_cast %parallel_loop3A_1109 : vector<16xf32> to vector<1x16xf32>
        tpu.vector_store %arg15[%parallel_loop3A_1110, %parallel_loop3A_1111], %parallel_loop3A_1114 {strides = array<i32>} : memref<128x128xf32, #tpu.memory_space<vmem>>, vector<1x16xf32>,
        %parallel_loop3A_1115 = arith.index_cast %parallel_loop3A_1046 : i32 to index
        %parallel_loop3A_1116 = arith.constant 96 : index
        %parallel_loop3A_1117 = tpu.vector_load %arg15[%parallel_loop3A_1115, %parallel_loop3A_1116] {strides = array<i32>} : memref<128x128xf32, #tpu.memory_space<vmem>>, vector<1x16xf32>,
        %parallel_loop3A_1118 = vector.shape_cast %parallel_loop3A_1117 : vector<1x16xf32> to vector<16xf32>
        %parallel_loop3A_1119 = vector.broadcast %parallel_loop3A_1048 : f32 to vector<16xf32>
        %parallel_loop3A_1120 = arith.mulf %parallel_loop3A_1118, %parallel_loop3A_1119 : vector<16xf32>
        %parallel_loop3A_1121 = arith.index_cast %parallel_loop3A_1046 : i32 to index
        %parallel_loop3A_1122 = arith.constant 96 : index
        %parallel_loop3A_1123 = tpu.vector_load %arg15[%parallel_loop3A_1121, %parallel_loop3A_1122] {strides = array<i32>} : memref<128x128xf32, #tpu.memory_space<vmem>>, vector<1x16xf32>,
        %parallel_loop3A_1124 = vector.shape_cast %parallel_loop3A_1123 : vector<1x16xf32> to vector<16xf32>
        %parallel_loop3A_1125 = vector.shape_cast %parallel_loop3A_1120 : vector<16xf32> to vector<1x16xf32>
        tpu.vector_store %arg15[%parallel_loop3A_1121, %parallel_loop3A_1122], %parallel_loop3A_1125 {strides = array<i32>} : memref<128x128xf32, #tpu.memory_space<vmem>>, vector<1x16xf32>,
        %parallel_loop3A_1126 = arith.index_cast %parallel_loop3A_1046 : i32 to index
        %parallel_loop3A_1127 = arith.constant 112 : index
        %parallel_loop3A_1128 = tpu.vector_load %arg15[%parallel_loop3A_1126, %parallel_loop3A_1127] {strides = array<i32>} : memref<128x128xf32, #tpu.memory_space<vmem>>, vector<1x16xf32>,
        %parallel_loop3A_1129 = vector.shape_cast %parallel_loop3A_1128 : vector<1x16xf32> to vector<16xf32>
        %parallel_loop3A_1130 = vector.broadcast %parallel_loop3A_1048 : f32 to vector<16xf32>
        %parallel_loop3A_1131 = arith.mulf %parallel_loop3A_1129, %parallel_loop3A_1130 : vector<16xf32>
        %parallel_loop3A_1132 = arith.index_cast %parallel_loop3A_1046 : i32 to index
        %parallel_loop3A_1133 = arith.constant 112 : index
        %parallel_loop3A_1134 = tpu.vector_load %arg15[%parallel_loop3A_1132, %parallel_loop3A_1133] {strides = array<i32>} : memref<128x128xf32, #tpu.memory_space<vmem>>, vector<1x16xf32>,
        %parallel_loop3A_1135 = vector.shape_cast %parallel_loop3A_1134 : vector<1x16xf32> to vector<16xf32>
        %parallel_loop3A_1136 = vector.shape_cast %parallel_loop3A_1131 : vector<16xf32> to vector<1x16xf32>
        tpu.vector_store %arg15[%parallel_loop3A_1132, %parallel_loop3A_1133], %parallel_loop3A_1136 {strides = array<i32>} : memref<128x128xf32, #tpu.memory_space<vmem>>, vector<1x16xf32>,
        %parallel_loop3A_1137 = arith.constant 16 : i32
        %parallel_loop3A_1138 = arith.muli %parallel_loop3A_97, %parallel_loop3A_1137 : i32
        %parallel_loop3A_1139 = arith.constant 11 : i32
        %parallel_loop3A_1140 = arith.addi %parallel_loop3A_1138, %parallel_loop3A_1139 : i32
        %parallel_loop3A_1141 = vector.extract_strided_slice %parallel_loop3A_102 {offsets = [11], sizes = [1], strides = [1]} : vector<16xf32> to vector<1xf32>
        %parallel_loop3A_1142 = vector.extract %parallel_loop3A_1141[0] : f32 from vector<1xf32>
        %parallel_loop3A_1143 = arith.index_cast %parallel_loop3A_1140 : i32 to index
        %parallel_loop3A_1144 = arith.constant 0 : index
        %parallel_loop3A_1145 = tpu.vector_load %arg15[%parallel_loop3A_1143, %parallel_loop3A_1144] {strides = array<i32>} : memref<128x128xf32, #tpu.memory_space<vmem>>, vector<1x16xf32>,
        %parallel_loop3A_1146 = vector.shape_cast %parallel_loop3A_1145 : vector<1x16xf32> to vector<16xf32>
        %parallel_loop3A_1147 = vector.broadcast %parallel_loop3A_1142 : f32 to vector<16xf32>
        %parallel_loop3A_1148 = arith.mulf %parallel_loop3A_1146, %parallel_loop3A_1147 : vector<16xf32>
        %parallel_loop3A_1149 = arith.index_cast %parallel_loop3A_1140 : i32 to index
        %parallel_loop3A_1150 = arith.constant 0 : index
        %parallel_loop3A_1151 = tpu.vector_load %arg15[%parallel_loop3A_1149, %parallel_loop3A_1150] {strides = array<i32>} : memref<128x128xf32, #tpu.memory_space<vmem>>, vector<1x16xf32>,
        %parallel_loop3A_1152 = vector.shape_cast %parallel_loop3A_1151 : vector<1x16xf32> to vector<16xf32>
        %parallel_loop3A_1153 = vector.shape_cast %parallel_loop3A_1148 : vector<16xf32> to vector<1x16xf32>
        tpu.vector_store %arg15[%parallel_loop3A_1149, %parallel_loop3A_1150], %parallel_loop3A_1153 {strides = array<i32>} : memref<128x128xf32, #tpu.memory_space<vmem>>, vector<1x16xf32>,
        %parallel_loop3A_1154 = arith.index_cast %parallel_loop3A_1140 : i32 to index
        %parallel_loop3A_1155 = arith.constant 16 : index
        %parallel_loop3A_1156 = tpu.vector_load %arg15[%parallel_loop3A_1154, %parallel_loop3A_1155] {strides = array<i32>} : memref<128x128xf32, #tpu.memory_space<vmem>>, vector<1x16xf32>,
        %parallel_loop3A_1157 = vector.shape_cast %parallel_loop3A_1156 : vector<1x16xf32> to vector<16xf32>
        %parallel_loop3A_1158 = vector.broadcast %parallel_loop3A_1142 : f32 to vector<16xf32>
        %parallel_loop3A_1159 = arith.mulf %parallel_loop3A_1157, %parallel_loop3A_1158 : vector<16xf32>
        %parallel_loop3A_1160 = arith.index_cast %parallel_loop3A_1140 : i32 to index
        %parallel_loop3A_1161 = arith.constant 16 : index
        %parallel_loop3A_1162 = tpu.vector_load %arg15[%parallel_loop3A_1160, %parallel_loop3A_1161] {strides = array<i32>} : memref<128x128xf32, #tpu.memory_space<vmem>>, vector<1x16xf32>,
        %parallel_loop3A_1163 = vector.shape_cast %parallel_loop3A_1162 : vector<1x16xf32> to vector<16xf32>
        %parallel_loop3A_1164 = vector.shape_cast %parallel_loop3A_1159 : vector<16xf32> to vector<1x16xf32>
        tpu.vector_store %arg15[%parallel_loop3A_1160, %parallel_loop3A_1161], %parallel_loop3A_1164 {strides = array<i32>} : memref<128x128xf32, #tpu.memory_space<vmem>>, vector<1x16xf32>,
        %parallel_loop3A_1165 = arith.index_cast %parallel_loop3A_1140 : i32 to index
        %parallel_loop3A_1166 = arith.constant 32 : index
        %parallel_loop3A_1167 = tpu.vector_load %arg15[%parallel_loop3A_1165, %parallel_loop3A_1166] {strides = array<i32>} : memref<128x128xf32, #tpu.memory_space<vmem>>, vector<1x16xf32>,
        %parallel_loop3A_1168 = vector.shape_cast %parallel_loop3A_1167 : vector<1x16xf32> to vector<16xf32>
        %parallel_loop3A_1169 = vector.broadcast %parallel_loop3A_1142 : f32 to vector<16xf32>
        %parallel_loop3A_1170 = arith.mulf %parallel_loop3A_1168, %parallel_loop3A_1169 : vector<16xf32>
        %parallel_loop3A_1171 = arith.index_cast %parallel_loop3A_1140 : i32 to index
        %parallel_loop3A_1172 = arith.constant 32 : index
        %parallel_loop3A_1173 = tpu.vector_load %arg15[%parallel_loop3A_1171, %parallel_loop3A_1172] {strides = array<i32>} : memref<128x128xf32, #tpu.memory_space<vmem>>, vector<1x16xf32>,
        %parallel_loop3A_1174 = vector.shape_cast %parallel_loop3A_1173 : vector<1x16xf32> to vector<16xf32>
        %parallel_loop3A_1175 = vector.shape_cast %parallel_loop3A_1170 : vector<16xf32> to vector<1x16xf32>
        tpu.vector_store %arg15[%parallel_loop3A_1171, %parallel_loop3A_1172], %parallel_loop3A_1175 {strides = array<i32>} : memref<128x128xf32, #tpu.memory_space<vmem>>, vector<1x16xf32>,
        %parallel_loop3A_1176 = arith.index_cast %parallel_loop3A_1140 : i32 to index
        %parallel_loop3A_1177 = arith.constant 48 : index
        %parallel_loop3A_1178 = tpu.vector_load %arg15[%parallel_loop3A_1176, %parallel_loop3A_1177] {strides = array<i32>} : memref<128x128xf32, #tpu.memory_space<vmem>>, vector<1x16xf32>,
        %parallel_loop3A_1179 = vector.shape_cast %parallel_loop3A_1178 : vector<1x16xf32> to vector<16xf32>
        %parallel_loop3A_1180 = vector.broadcast %parallel_loop3A_1142 : f32 to vector<16xf32>
        %parallel_loop3A_1181 = arith.mulf %parallel_loop3A_1179, %parallel_loop3A_1180 : vector<16xf32>
        %parallel_loop3A_1182 = arith.index_cast %parallel_loop3A_1140 : i32 to index
        %parallel_loop3A_1183 = arith.constant 48 : index
        %parallel_loop3A_1184 = tpu.vector_load %arg15[%parallel_loop3A_1182, %parallel_loop3A_1183] {strides = array<i32>} : memref<128x128xf32, #tpu.memory_space<vmem>>, vector<1x16xf32>,
        %parallel_loop3A_1185 = vector.shape_cast %parallel_loop3A_1184 : vector<1x16xf32> to vector<16xf32>
        %parallel_loop3A_1186 = vector.shape_cast %parallel_loop3A_1181 : vector<16xf32> to vector<1x16xf32>
        tpu.vector_store %arg15[%parallel_loop3A_1182, %parallel_loop3A_1183], %parallel_loop3A_1186 {strides = array<i32>} : memref<128x128xf32, #tpu.memory_space<vmem>>, vector<1x16xf32>,
        %parallel_loop3A_1187 = arith.index_cast %parallel_loop3A_1140 : i32 to index
        %parallel_loop3A_1188 = arith.constant 64 : index
        %parallel_loop3A_1189 = tpu.vector_load %arg15[%parallel_loop3A_1187, %parallel_loop3A_1188] {strides = array<i32>} : memref<128x128xf32, #tpu.memory_space<vmem>>, vector<1x16xf32>,
        %parallel_loop3A_1190 = vector.shape_cast %parallel_loop3A_1189 : vector<1x16xf32> to vector<16xf32>
        %parallel_loop3A_1191 = vector.broadcast %parallel_loop3A_1142 : f32 to vector<16xf32>
        %parallel_loop3A_1192 = arith.mulf %parallel_loop3A_1190, %parallel_loop3A_1191 : vector<16xf32>
        %parallel_loop3A_1193 = arith.index_cast %parallel_loop3A_1140 : i32 to index
        %parallel_loop3A_1194 = arith.constant 64 : index
        %parallel_loop3A_1195 = tpu.vector_load %arg15[%parallel_loop3A_1193, %parallel_loop3A_1194] {strides = array<i32>} : memref<128x128xf32, #tpu.memory_space<vmem>>, vector<1x16xf32>,
        %parallel_loop3A_1196 = vector.shape_cast %parallel_loop3A_1195 : vector<1x16xf32> to vector<16xf32>
        %parallel_loop3A_1197 = vector.shape_cast %parallel_loop3A_1192 : vector<16xf32> to vector<1x16xf32>
        tpu.vector_store %arg15[%parallel_loop3A_1193, %parallel_loop3A_1194], %parallel_loop3A_1197 {strides = array<i32>} : memref<128x128xf32, #tpu.memory_space<vmem>>, vector<1x16xf32>,
        %parallel_loop3A_1198 = arith.index_cast %parallel_loop3A_1140 : i32 to index
        %parallel_loop3A_1199 = arith.constant 80 : index
        %parallel_loop3A_1200 = tpu.vector_load %arg15[%parallel_loop3A_1198, %parallel_loop3A_1199] {strides = array<i32>} : memref<128x128xf32, #tpu.memory_space<vmem>>, vector<1x16xf32>,
        %parallel_loop3A_1201 = vector.shape_cast %parallel_loop3A_1200 : vector<1x16xf32> to vector<16xf32>
        %parallel_loop3A_1202 = vector.broadcast %parallel_loop3A_1142 : f32 to vector<16xf32>
        %parallel_loop3A_1203 = arith.mulf %parallel_loop3A_1201, %parallel_loop3A_1202 : vector<16xf32>
        %parallel_loop3A_1204 = arith.index_cast %parallel_loop3A_1140 : i32 to index
        %parallel_loop3A_1205 = arith.constant 80 : index
        %parallel_loop3A_1206 = tpu.vector_load %arg15[%parallel_loop3A_1204, %parallel_loop3A_1205] {strides = array<i32>} : memref<128x128xf32, #tpu.memory_space<vmem>>, vector<1x16xf32>,
        %parallel_loop3A_1207 = vector.shape_cast %parallel_loop3A_1206 : vector<1x16xf32> to vector<16xf32>
        %parallel_loop3A_1208 = vector.shape_cast %parallel_loop3A_1203 : vector<16xf32> to vector<1x16xf32>
        tpu.vector_store %arg15[%parallel_loop3A_1204, %parallel_loop3A_1205], %parallel_loop3A_1208 {strides = array<i32>} : memref<128x128xf32, #tpu.memory_space<vmem>>, vector<1x16xf32>,
        %parallel_loop3A_1209 = arith.index_cast %parallel_loop3A_1140 : i32 to index
        %parallel_loop3A_1210 = arith.constant 96 : index
        %parallel_loop3A_1211 = tpu.vector_load %arg15[%parallel_loop3A_1209, %parallel_loop3A_1210] {strides = array<i32>} : memref<128x128xf32, #tpu.memory_space<vmem>>, vector<1x16xf32>,
        %parallel_loop3A_1212 = vector.shape_cast %parallel_loop3A_1211 : vector<1x16xf32> to vector<16xf32>
        %parallel_loop3A_1213 = vector.broadcast %parallel_loop3A_1142 : f32 to vector<16xf32>
        %parallel_loop3A_1214 = arith.mulf %parallel_loop3A_1212, %parallel_loop3A_1213 : vector<16xf32>
        %parallel_loop3A_1215 = arith.index_cast %parallel_loop3A_1140 : i32 to index
        %parallel_loop3A_1216 = arith.constant 96 : index
        %parallel_loop3A_1217 = tpu.vector_load %arg15[%parallel_loop3A_1215, %parallel_loop3A_1216] {strides = array<i32>} : memref<128x128xf32, #tpu.memory_space<vmem>>, vector<1x16xf32>,
        %parallel_loop3A_1218 = vector.shape_cast %parallel_loop3A_1217 : vector<1x16xf32> to vector<16xf32>
        %parallel_loop3A_1219 = vector.shape_cast %parallel_loop3A_1214 : vector<16xf32> to vector<1x16xf32>
        tpu.vector_store %arg15[%parallel_loop3A_1215, %parallel_loop3A_1216], %parallel_loop3A_1219 {strides = array<i32>} : memref<128x128xf32, #tpu.memory_space<vmem>>, vector<1x16xf32>,
        %parallel_loop3A_1220 = arith.index_cast %parallel_loop3A_1140 : i32 to index
        %parallel_loop3A_1221 = arith.constant 112 : index
        %parallel_loop3A_1222 = tpu.vector_load %arg15[%parallel_loop3A_1220, %parallel_loop3A_1221] {strides = array<i32>} : memref<128x128xf32, #tpu.memory_space<vmem>>, vector<1x16xf32>,
        %parallel_loop3A_1223 = vector.shape_cast %parallel_loop3A_1222 : vector<1x16xf32> to vector<16xf32>
        %parallel_loop3A_1224 = vector.broadcast %parallel_loop3A_1142 : f32 to vector<16xf32>
        %parallel_loop3A_1225 = arith.mulf %parallel_loop3A_1223, %parallel_loop3A_1224 : vector<16xf32>
        %parallel_loop3A_1226 = arith.index_cast %parallel_loop3A_1140 : i32 to index
        %parallel_loop3A_1227 = arith.constant 112 : index
        %parallel_loop3A_1228 = tpu.vector_load %arg15[%parallel_loop3A_1226, %parallel_loop3A_1227] {strides = array<i32>} : memref<128x128xf32, #tpu.memory_space<vmem>>, vector<1x16xf32>,
        %parallel_loop3A_1229 = vector.shape_cast %parallel_loop3A_1228 : vector<1x16xf32> to vector<16xf32>
        %parallel_loop3A_1230 = vector.shape_cast %parallel_loop3A_1225 : vector<16xf32> to vector<1x16xf32>
        tpu.vector_store %arg15[%parallel_loop3A_1226, %parallel_loop3A_1227], %parallel_loop3A_1230 {strides = array<i32>} : memref<128x128xf32, #tpu.memory_space<vmem>>, vector<1x16xf32>,
        %parallel_loop3A_1231 = arith.constant 16 : i32
        %parallel_loop3A_1232 = arith.muli %parallel_loop3A_97, %parallel_loop3A_1231 : i32
        %parallel_loop3A_1233 = arith.constant 12 : i32
        %parallel_loop3A_1234 = arith.addi %parallel_loop3A_1232, %parallel_loop3A_1233 : i32
        %parallel_loop3A_1235 = vector.extract_strided_slice %parallel_loop3A_102 {offsets = [12], sizes = [1], strides = [1]} : vector<16xf32> to vector<1xf32>
        %parallel_loop3A_1236 = vector.extract %parallel_loop3A_1235[0] : f32 from vector<1xf32>
        %parallel_loop3A_1237 = arith.index_cast %parallel_loop3A_1234 : i32 to index
        %parallel_loop3A_1238 = arith.constant 0 : index
        %parallel_loop3A_1239 = tpu.vector_load %arg15[%parallel_loop3A_1237, %parallel_loop3A_1238] {strides = array<i32>} : memref<128x128xf32, #tpu.memory_space<vmem>>, vector<1x16xf32>,
        %parallel_loop3A_1240 = vector.shape_cast %parallel_loop3A_1239 : vector<1x16xf32> to vector<16xf32>
        %parallel_loop3A_1241 = vector.broadcast %parallel_loop3A_1236 : f32 to vector<16xf32>
        %parallel_loop3A_1242 = arith.mulf %parallel_loop3A_1240, %parallel_loop3A_1241 : vector<16xf32>
        %parallel_loop3A_1243 = arith.index_cast %parallel_loop3A_1234 : i32 to index
        %parallel_loop3A_1244 = arith.constant 0 : index
        %parallel_loop3A_1245 = tpu.vector_load %arg15[%parallel_loop3A_1243, %parallel_loop3A_1244] {strides = array<i32>} : memref<128x128xf32, #tpu.memory_space<vmem>>, vector<1x16xf32>,
        %parallel_loop3A_1246 = vector.shape_cast %parallel_loop3A_1245 : vector<1x16xf32> to vector<16xf32>
        %parallel_loop3A_1247 = vector.shape_cast %parallel_loop3A_1242 : vector<16xf32> to vector<1x16xf32>
        tpu.vector_store %arg15[%parallel_loop3A_1243, %parallel_loop3A_1244], %parallel_loop3A_1247 {strides = array<i32>} : memref<128x128xf32, #tpu.memory_space<vmem>>, vector<1x16xf32>,
        %parallel_loop3A_1248 = arith.index_cast %parallel_loop3A_1234 : i32 to index
        %parallel_loop3A_1249 = arith.constant 16 : index
        %parallel_loop3A_1250 = tpu.vector_load %arg15[%parallel_loop3A_1248, %parallel_loop3A_1249] {strides = array<i32>} : memref<128x128xf32, #tpu.memory_space<vmem>>, vector<1x16xf32>,
        %parallel_loop3A_1251 = vector.shape_cast %parallel_loop3A_1250 : vector<1x16xf32> to vector<16xf32>
        %parallel_loop3A_1252 = vector.broadcast %parallel_loop3A_1236 : f32 to vector<16xf32>
        %parallel_loop3A_1253 = arith.mulf %parallel_loop3A_1251, %parallel_loop3A_1252 : vector<16xf32>
        %parallel_loop3A_1254 = arith.index_cast %parallel_loop3A_1234 : i32 to index
        %parallel_loop3A_1255 = arith.constant 16 : index
        %parallel_loop3A_1256 = tpu.vector_load %arg15[%parallel_loop3A_1254, %parallel_loop3A_1255] {strides = array<i32>} : memref<128x128xf32, #tpu.memory_space<vmem>>, vector<1x16xf32>,
        %parallel_loop3A_1257 = vector.shape_cast %parallel_loop3A_1256 : vector<1x16xf32> to vector<16xf32>
        %parallel_loop3A_1258 = vector.shape_cast %parallel_loop3A_1253 : vector<16xf32> to vector<1x16xf32>
        tpu.vector_store %arg15[%parallel_loop3A_1254, %parallel_loop3A_1255], %parallel_loop3A_1258 {strides = array<i32>} : memref<128x128xf32, #tpu.memory_space<vmem>>, vector<1x16xf32>,
        %parallel_loop3A_1259 = arith.index_cast %parallel_loop3A_1234 : i32 to index
        %parallel_loop3A_1260 = arith.constant 32 : index
        %parallel_loop3A_1261 = tpu.vector_load %arg15[%parallel_loop3A_1259, %parallel_loop3A_1260] {strides = array<i32>} : memref<128x128xf32, #tpu.memory_space<vmem>>, vector<1x16xf32>,
        %parallel_loop3A_1262 = vector.shape_cast %parallel_loop3A_1261 : vector<1x16xf32> to vector<16xf32>
        %parallel_loop3A_1263 = vector.broadcast %parallel_loop3A_1236 : f32 to vector<16xf32>
        %parallel_loop3A_1264 = arith.mulf %parallel_loop3A_1262, %parallel_loop3A_1263 : vector<16xf32>
        %parallel_loop3A_1265 = arith.index_cast %parallel_loop3A_1234 : i32 to index
        %parallel_loop3A_1266 = arith.constant 32 : index
        %parallel_loop3A_1267 = tpu.vector_load %arg15[%parallel_loop3A_1265, %parallel_loop3A_1266] {strides = array<i32>} : memref<128x128xf32, #tpu.memory_space<vmem>>, vector<1x16xf32>,
        %parallel_loop3A_1268 = vector.shape_cast %parallel_loop3A_1267 : vector<1x16xf32> to vector<16xf32>
        %parallel_loop3A_1269 = vector.shape_cast %parallel_loop3A_1264 : vector<16xf32> to vector<1x16xf32>
        tpu.vector_store %arg15[%parallel_loop3A_1265, %parallel_loop3A_1266], %parallel_loop3A_1269 {strides = array<i32>} : memref<128x128xf32, #tpu.memory_space<vmem>>, vector<1x16xf32>,
        %parallel_loop3A_1270 = arith.index_cast %parallel_loop3A_1234 : i32 to index
        %parallel_loop3A_1271 = arith.constant 48 : index
        %parallel_loop3A_1272 = tpu.vector_load %arg15[%parallel_loop3A_1270, %parallel_loop3A_1271] {strides = array<i32>} : memref<128x128xf32, #tpu.memory_space<vmem>>, vector<1x16xf32>,
        %parallel_loop3A_1273 = vector.shape_cast %parallel_loop3A_1272 : vector<1x16xf32> to vector<16xf32>
        %parallel_loop3A_1274 = vector.broadcast %parallel_loop3A_1236 : f32 to vector<16xf32>
        %parallel_loop3A_1275 = arith.mulf %parallel_loop3A_1273, %parallel_loop3A_1274 : vector<16xf32>
        %parallel_loop3A_1276 = arith.index_cast %parallel_loop3A_1234 : i32 to index
        %parallel_loop3A_1277 = arith.constant 48 : index
        %parallel_loop3A_1278 = tpu.vector_load %arg15[%parallel_loop3A_1276, %parallel_loop3A_1277] {strides = array<i32>} : memref<128x128xf32, #tpu.memory_space<vmem>>, vector<1x16xf32>,
        %parallel_loop3A_1279 = vector.shape_cast %parallel_loop3A_1278 : vector<1x16xf32> to vector<16xf32>
        %parallel_loop3A_1280 = vector.shape_cast %parallel_loop3A_1275 : vector<16xf32> to vector<1x16xf32>
        tpu.vector_store %arg15[%parallel_loop3A_1276, %parallel_loop3A_1277], %parallel_loop3A_1280 {strides = array<i32>} : memref<128x128xf32, #tpu.memory_space<vmem>>, vector<1x16xf32>,
        %parallel_loop3A_1281 = arith.index_cast %parallel_loop3A_1234 : i32 to index
        %parallel_loop3A_1282 = arith.constant 64 : index
        %parallel_loop3A_1283 = tpu.vector_load %arg15[%parallel_loop3A_1281, %parallel_loop3A_1282] {strides = array<i32>} : memref<128x128xf32, #tpu.memory_space<vmem>>, vector<1x16xf32>,
        %parallel_loop3A_1284 = vector.shape_cast %parallel_loop3A_1283 : vector<1x16xf32> to vector<16xf32>
        %parallel_loop3A_1285 = vector.broadcast %parallel_loop3A_1236 : f32 to vector<16xf32>
        %parallel_loop3A_1286 = arith.mulf %parallel_loop3A_1284, %parallel_loop3A_1285 : vector<16xf32>
        %parallel_loop3A_1287 = arith.index_cast %parallel_loop3A_1234 : i32 to index
        %parallel_loop3A_1288 = arith.constant 64 : index
        %parallel_loop3A_1289 = tpu.vector_load %arg15[%parallel_loop3A_1287, %parallel_loop3A_1288] {strides = array<i32>} : memref<128x128xf32, #tpu.memory_space<vmem>>, vector<1x16xf32>,
        %parallel_loop3A_1290 = vector.shape_cast %parallel_loop3A_1289 : vector<1x16xf32> to vector<16xf32>
        %parallel_loop3A_1291 = vector.shape_cast %parallel_loop3A_1286 : vector<16xf32> to vector<1x16xf32>
        tpu.vector_store %arg15[%parallel_loop3A_1287, %parallel_loop3A_1288], %parallel_loop3A_1291 {strides = array<i32>} : memref<128x128xf32, #tpu.memory_space<vmem>>, vector<1x16xf32>,
        %parallel_loop3A_1292 = arith.index_cast %parallel_loop3A_1234 : i32 to index
        %parallel_loop3A_1293 = arith.constant 80 : index
        %parallel_loop3A_1294 = tpu.vector_load %arg15[%parallel_loop3A_1292, %parallel_loop3A_1293] {strides = array<i32>} : memref<128x128xf32, #tpu.memory_space<vmem>>, vector<1x16xf32>,
        %parallel_loop3A_1295 = vector.shape_cast %parallel_loop3A_1294 : vector<1x16xf32> to vector<16xf32>
        %parallel_loop3A_1296 = vector.broadcast %parallel_loop3A_1236 : f32 to vector<16xf32>
        %parallel_loop3A_1297 = arith.mulf %parallel_loop3A_1295, %parallel_loop3A_1296 : vector<16xf32>
        %parallel_loop3A_1298 = arith.index_cast %parallel_loop3A_1234 : i32 to index
        %parallel_loop3A_1299 = arith.constant 80 : index
        %parallel_loop3A_1300 = tpu.vector_load %arg15[%parallel_loop3A_1298, %parallel_loop3A_1299] {strides = array<i32>} : memref<128x128xf32, #tpu.memory_space<vmem>>, vector<1x16xf32>,
        %parallel_loop3A_1301 = vector.shape_cast %parallel_loop3A_1300 : vector<1x16xf32> to vector<16xf32>
        %parallel_loop3A_1302 = vector.shape_cast %parallel_loop3A_1297 : vector<16xf32> to vector<1x16xf32>
        tpu.vector_store %arg15[%parallel_loop3A_1298, %parallel_loop3A_1299], %parallel_loop3A_1302 {strides = array<i32>} : memref<128x128xf32, #tpu.memory_space<vmem>>, vector<1x16xf32>,
        %parallel_loop3A_1303 = arith.index_cast %parallel_loop3A_1234 : i32 to index
        %parallel_loop3A_1304 = arith.constant 96 : index
        %parallel_loop3A_1305 = tpu.vector_load %arg15[%parallel_loop3A_1303, %parallel_loop3A_1304] {strides = array<i32>} : memref<128x128xf32, #tpu.memory_space<vmem>>, vector<1x16xf32>,
        %parallel_loop3A_1306 = vector.shape_cast %parallel_loop3A_1305 : vector<1x16xf32> to vector<16xf32>
        %parallel_loop3A_1307 = vector.broadcast %parallel_loop3A_1236 : f32 to vector<16xf32>
        %parallel_loop3A_1308 = arith.mulf %parallel_loop3A_1306, %parallel_loop3A_1307 : vector<16xf32>
        %parallel_loop3A_1309 = arith.index_cast %parallel_loop3A_1234 : i32 to index
        %parallel_loop3A_1310 = arith.constant 96 : index
        %parallel_loop3A_1311 = tpu.vector_load %arg15[%parallel_loop3A_1309, %parallel_loop3A_1310] {strides = array<i32>} : memref<128x128xf32, #tpu.memory_space<vmem>>, vector<1x16xf32>,
        %parallel_loop3A_1312 = vector.shape_cast %parallel_loop3A_1311 : vector<1x16xf32> to vector<16xf32>
        %parallel_loop3A_1313 = vector.shape_cast %parallel_loop3A_1308 : vector<16xf32> to vector<1x16xf32>
        tpu.vector_store %arg15[%parallel_loop3A_1309, %parallel_loop3A_1310], %parallel_loop3A_1313 {strides = array<i32>} : memref<128x128xf32, #tpu.memory_space<vmem>>, vector<1x16xf32>,
        %parallel_loop3A_1314 = arith.index_cast %parallel_loop3A_1234 : i32 to index
        %parallel_loop3A_1315 = arith.constant 112 : index
        %parallel_loop3A_1316 = tpu.vector_load %arg15[%parallel_loop3A_1314, %parallel_loop3A_1315] {strides = array<i32>} : memref<128x128xf32, #tpu.memory_space<vmem>>, vector<1x16xf32>,
        %parallel_loop3A_1317 = vector.shape_cast %parallel_loop3A_1316 : vector<1x16xf32> to vector<16xf32>
        %parallel_loop3A_1318 = vector.broadcast %parallel_loop3A_1236 : f32 to vector<16xf32>
        %parallel_loop3A_1319 = arith.mulf %parallel_loop3A_1317, %parallel_loop3A_1318 : vector<16xf32>
        %parallel_loop3A_1320 = arith.index_cast %parallel_loop3A_1234 : i32 to index
        %parallel_loop3A_1321 = arith.constant 112 : index
        %parallel_loop3A_1322 = tpu.vector_load %arg15[%parallel_loop3A_1320, %parallel_loop3A_1321] {strides = array<i32>} : memref<128x128xf32, #tpu.memory_space<vmem>>, vector<1x16xf32>,
        %parallel_loop3A_1323 = vector.shape_cast %parallel_loop3A_1322 : vector<1x16xf32> to vector<16xf32>
        %parallel_loop3A_1324 = vector.shape_cast %parallel_loop3A_1319 : vector<16xf32> to vector<1x16xf32>
        tpu.vector_store %arg15[%parallel_loop3A_1320, %parallel_loop3A_1321], %parallel_loop3A_1324 {strides = array<i32>} : memref<128x128xf32, #tpu.memory_space<vmem>>, vector<1x16xf32>,
        %parallel_loop3A_1325 = arith.constant 16 : i32
        %parallel_loop3A_1326 = arith.muli %parallel_loop3A_97, %parallel_loop3A_1325 : i32
        %parallel_loop3A_1327 = arith.constant 13 : i32
        %parallel_loop3A_1328 = arith.addi %parallel_loop3A_1326, %parallel_loop3A_1327 : i32
        %parallel_loop3A_1329 = vector.extract_strided_slice %parallel_loop3A_102 {offsets = [13], sizes = [1], strides = [1]} : vector<16xf32> to vector<1xf32>
        %parallel_loop3A_1330 = vector.extract %parallel_loop3A_1329[0] : f32 from vector<1xf32>
        %parallel_loop3A_1331 = arith.index_cast %parallel_loop3A_1328 : i32 to index
        %parallel_loop3A_1332 = arith.constant 0 : index
        %parallel_loop3A_1333 = tpu.vector_load %arg15[%parallel_loop3A_1331, %parallel_loop3A_1332] {strides = array<i32>} : memref<128x128xf32, #tpu.memory_space<vmem>>, vector<1x16xf32>,
        %parallel_loop3A_1334 = vector.shape_cast %parallel_loop3A_1333 : vector<1x16xf32> to vector<16xf32>
        %parallel_loop3A_1335 = vector.broadcast %parallel_loop3A_1330 : f32 to vector<16xf32>
        %parallel_loop3A_1336 = arith.mulf %parallel_loop3A_1334, %parallel_loop3A_1335 : vector<16xf32>
        %parallel_loop3A_1337 = arith.index_cast %parallel_loop3A_1328 : i32 to index
        %parallel_loop3A_1338 = arith.constant 0 : index
        %parallel_loop3A_1339 = tpu.vector_load %arg15[%parallel_loop3A_1337, %parallel_loop3A_1338] {strides = array<i32>} : memref<128x128xf32, #tpu.memory_space<vmem>>, vector<1x16xf32>,
        %parallel_loop3A_1340 = vector.shape_cast %parallel_loop3A_1339 : vector<1x16xf32> to vector<16xf32>
        %parallel_loop3A_1341 = vector.shape_cast %parallel_loop3A_1336 : vector<16xf32> to vector<1x16xf32>
        tpu.vector_store %arg15[%parallel_loop3A_1337, %parallel_loop3A_1338], %parallel_loop3A_1341 {strides = array<i32>} : memref<128x128xf32, #tpu.memory_space<vmem>>, vector<1x16xf32>,
        %parallel_loop3A_1342 = arith.index_cast %parallel_loop3A_1328 : i32 to index
        %parallel_loop3A_1343 = arith.constant 16 : index
        %parallel_loop3A_1344 = tpu.vector_load %arg15[%parallel_loop3A_1342, %parallel_loop3A_1343] {strides = array<i32>} : memref<128x128xf32, #tpu.memory_space<vmem>>, vector<1x16xf32>,
        %parallel_loop3A_1345 = vector.shape_cast %parallel_loop3A_1344 : vector<1x16xf32> to vector<16xf32>
        %parallel_loop3A_1346 = vector.broadcast %parallel_loop3A_1330 : f32 to vector<16xf32>
        %parallel_loop3A_1347 = arith.mulf %parallel_loop3A_1345, %parallel_loop3A_1346 : vector<16xf32>
        %parallel_loop3A_1348 = arith.index_cast %parallel_loop3A_1328 : i32 to index
        %parallel_loop3A_1349 = arith.constant 16 : index
        %parallel_loop3A_1350 = tpu.vector_load %arg15[%parallel_loop3A_1348, %parallel_loop3A_1349] {strides = array<i32>} : memref<128x128xf32, #tpu.memory_space<vmem>>, vector<1x16xf32>,
        %parallel_loop3A_1351 = vector.shape_cast %parallel_loop3A_1350 : vector<1x16xf32> to vector<16xf32>
        %parallel_loop3A_1352 = vector.shape_cast %parallel_loop3A_1347 : vector<16xf32> to vector<1x16xf32>
        tpu.vector_store %arg15[%parallel_loop3A_1348, %parallel_loop3A_1349], %parallel_loop3A_1352 {strides = array<i32>} : memref<128x128xf32, #tpu.memory_space<vmem>>, vector<1x16xf32>,
        %parallel_loop3A_1353 = arith.index_cast %parallel_loop3A_1328 : i32 to index
        %parallel_loop3A_1354 = arith.constant 32 : index
        %parallel_loop3A_1355 = tpu.vector_load %arg15[%parallel_loop3A_1353, %parallel_loop3A_1354] {strides = array<i32>} : memref<128x128xf32, #tpu.memory_space<vmem>>, vector<1x16xf32>,
        %parallel_loop3A_1356 = vector.shape_cast %parallel_loop3A_1355 : vector<1x16xf32> to vector<16xf32>
        %parallel_loop3A_1357 = vector.broadcast %parallel_loop3A_1330 : f32 to vector<16xf32>
        %parallel_loop3A_1358 = arith.mulf %parallel_loop3A_1356, %parallel_loop3A_1357 : vector<16xf32>
        %parallel_loop3A_1359 = arith.index_cast %parallel_loop3A_1328 : i32 to index
        %parallel_loop3A_1360 = arith.constant 32 : index
        %parallel_loop3A_1361 = tpu.vector_load %arg15[%parallel_loop3A_1359, %parallel_loop3A_1360] {strides = array<i32>} : memref<128x128xf32, #tpu.memory_space<vmem>>, vector<1x16xf32>,
        %parallel_loop3A_1362 = vector.shape_cast %parallel_loop3A_1361 : vector<1x16xf32> to vector<16xf32>
        %parallel_loop3A_1363 = vector.shape_cast %parallel_loop3A_1358 : vector<16xf32> to vector<1x16xf32>
        tpu.vector_store %arg15[%parallel_loop3A_1359, %parallel_loop3A_1360], %parallel_loop3A_1363 {strides = array<i32>} : memref<128x128xf32, #tpu.memory_space<vmem>>, vector<1x16xf32>,
        %parallel_loop3A_1364 = arith.index_cast %parallel_loop3A_1328 : i32 to index
        %parallel_loop3A_1365 = arith.constant 48 : index
        %parallel_loop3A_1366 = tpu.vector_load %arg15[%parallel_loop3A_1364, %parallel_loop3A_1365] {strides = array<i32>} : memref<128x128xf32, #tpu.memory_space<vmem>>, vector<1x16xf32>,
        %parallel_loop3A_1367 = vector.shape_cast %parallel_loop3A_1366 : vector<1x16xf32> to vector<16xf32>
        %parallel_loop3A_1368 = vector.broadcast %parallel_loop3A_1330 : f32 to vector<16xf32>
        %parallel_loop3A_1369 = arith.mulf %parallel_loop3A_1367, %parallel_loop3A_1368 : vector<16xf32>
        %parallel_loop3A_1370 = arith.index_cast %parallel_loop3A_1328 : i32 to index
        %parallel_loop3A_1371 = arith.constant 48 : index
        %parallel_loop3A_1372 = tpu.vector_load %arg15[%parallel_loop3A_1370, %parallel_loop3A_1371] {strides = array<i32>} : memref<128x128xf32, #tpu.memory_space<vmem>>, vector<1x16xf32>,
        %parallel_loop3A_1373 = vector.shape_cast %parallel_loop3A_1372 : vector<1x16xf32> to vector<16xf32>
        %parallel_loop3A_1374 = vector.shape_cast %parallel_loop3A_1369 : vector<16xf32> to vector<1x16xf32>
        tpu.vector_store %arg15[%parallel_loop3A_1370, %parallel_loop3A_1371], %parallel_loop3A_1374 {strides = array<i32>} : memref<128x128xf32, #tpu.memory_space<vmem>>, vector<1x16xf32>,
        %parallel_loop3A_1375 = arith.index_cast %parallel_loop3A_1328 : i32 to index
        %parallel_loop3A_1376 = arith.constant 64 : index
        %parallel_loop3A_1377 = tpu.vector_load %arg15[%parallel_loop3A_1375, %parallel_loop3A_1376] {strides = array<i32>} : memref<128x128xf32, #tpu.memory_space<vmem>>, vector<1x16xf32>,
        %parallel_loop3A_1378 = vector.shape_cast %parallel_loop3A_1377 : vector<1x16xf32> to vector<16xf32>
        %parallel_loop3A_1379 = vector.broadcast %parallel_loop3A_1330 : f32 to vector<16xf32>
        %parallel_loop3A_1380 = arith.mulf %parallel_loop3A_1378, %parallel_loop3A_1379 : vector<16xf32>
        %parallel_loop3A_1381 = arith.index_cast %parallel_loop3A_1328 : i32 to index
        %parallel_loop3A_1382 = arith.constant 64 : index
        %parallel_loop3A_1383 = tpu.vector_load %arg15[%parallel_loop3A_1381, %parallel_loop3A_1382] {strides = array<i32>} : memref<128x128xf32, #tpu.memory_space<vmem>>, vector<1x16xf32>,
        %parallel_loop3A_1384 = vector.shape_cast %parallel_loop3A_1383 : vector<1x16xf32> to vector<16xf32>
        %parallel_loop3A_1385 = vector.shape_cast %parallel_loop3A_1380 : vector<16xf32> to vector<1x16xf32>
        tpu.vector_store %arg15[%parallel_loop3A_1381, %parallel_loop3A_1382], %parallel_loop3A_1385 {strides = array<i32>} : memref<128x128xf32, #tpu.memory_space<vmem>>, vector<1x16xf32>,
        %parallel_loop3A_1386 = arith.index_cast %parallel_loop3A_1328 : i32 to index
        %parallel_loop3A_1387 = arith.constant 80 : index
        %parallel_loop3A_1388 = tpu.vector_load %arg15[%parallel_loop3A_1386, %parallel_loop3A_1387] {strides = array<i32>} : memref<128x128xf32, #tpu.memory_space<vmem>>, vector<1x16xf32>,
        %parallel_loop3A_1389 = vector.shape_cast %parallel_loop3A_1388 : vector<1x16xf32> to vector<16xf32>
        %parallel_loop3A_1390 = vector.broadcast %parallel_loop3A_1330 : f32 to vector<16xf32>
        %parallel_loop3A_1391 = arith.mulf %parallel_loop3A_1389, %parallel_loop3A_1390 : vector<16xf32>
        %parallel_loop3A_1392 = arith.index_cast %parallel_loop3A_1328 : i32 to index
        %parallel_loop3A_1393 = arith.constant 80 : index
        %parallel_loop3A_1394 = tpu.vector_load %arg15[%parallel_loop3A_1392, %parallel_loop3A_1393] {strides = array<i32>} : memref<128x128xf32, #tpu.memory_space<vmem>>, vector<1x16xf32>,
        %parallel_loop3A_1395 = vector.shape_cast %parallel_loop3A_1394 : vector<1x16xf32> to vector<16xf32>
        %parallel_loop3A_1396 = vector.shape_cast %parallel_loop3A_1391 : vector<16xf32> to vector<1x16xf32>
        tpu.vector_store %arg15[%parallel_loop3A_1392, %parallel_loop3A_1393], %parallel_loop3A_1396 {strides = array<i32>} : memref<128x128xf32, #tpu.memory_space<vmem>>, vector<1x16xf32>,
        %parallel_loop3A_1397 = arith.index_cast %parallel_loop3A_1328 : i32 to index
        %parallel_loop3A_1398 = arith.constant 96 : index
        %parallel_loop3A_1399 = tpu.vector_load %arg15[%parallel_loop3A_1397, %parallel_loop3A_1398] {strides = array<i32>} : memref<128x128xf32, #tpu.memory_space<vmem>>, vector<1x16xf32>,
        %parallel_loop3A_1400 = vector.shape_cast %parallel_loop3A_1399 : vector<1x16xf32> to vector<16xf32>
        %parallel_loop3A_1401 = vector.broadcast %parallel_loop3A_1330 : f32 to vector<16xf32>
        %parallel_loop3A_1402 = arith.mulf %parallel_loop3A_1400, %parallel_loop3A_1401 : vector<16xf32>
        %parallel_loop3A_1403 = arith.index_cast %parallel_loop3A_1328 : i32 to index
        %parallel_loop3A_1404 = arith.constant 96 : index
        %parallel_loop3A_1405 = tpu.vector_load %arg15[%parallel_loop3A_1403, %parallel_loop3A_1404] {strides = array<i32>} : memref<128x128xf32, #tpu.memory_space<vmem>>, vector<1x16xf32>,
        %parallel_loop3A_1406 = vector.shape_cast %parallel_loop3A_1405 : vector<1x16xf32> to vector<16xf32>
        %parallel_loop3A_1407 = vector.shape_cast %parallel_loop3A_1402 : vector<16xf32> to vector<1x16xf32>
        tpu.vector_store %arg15[%parallel_loop3A_1403, %parallel_loop3A_1404], %parallel_loop3A_1407 {strides = array<i32>} : memref<128x128xf32, #tpu.memory_space<vmem>>, vector<1x16xf32>,
        %parallel_loop3A_1408 = arith.index_cast %parallel_loop3A_1328 : i32 to index
        %parallel_loop3A_1409 = arith.constant 112 : index
        %parallel_loop3A_1410 = tpu.vector_load %arg15[%parallel_loop3A_1408, %parallel_loop3A_1409] {strides = array<i32>} : memref<128x128xf32, #tpu.memory_space<vmem>>, vector<1x16xf32>,
        %parallel_loop3A_1411 = vector.shape_cast %parallel_loop3A_1410 : vector<1x16xf32> to vector<16xf32>
        %parallel_loop3A_1412 = vector.broadcast %parallel_loop3A_1330 : f32 to vector<16xf32>
        %parallel_loop3A_1413 = arith.mulf %parallel_loop3A_1411, %parallel_loop3A_1412 : vector<16xf32>
        %parallel_loop3A_1414 = arith.index_cast %parallel_loop3A_1328 : i32 to index
        %parallel_loop3A_1415 = arith.constant 112 : index
        %parallel_loop3A_1416 = tpu.vector_load %arg15[%parallel_loop3A_1414, %parallel_loop3A_1415] {strides = array<i32>} : memref<128x128xf32, #tpu.memory_space<vmem>>, vector<1x16xf32>,
        %parallel_loop3A_1417 = vector.shape_cast %parallel_loop3A_1416 : vector<1x16xf32> to vector<16xf32>
        %parallel_loop3A_1418 = vector.shape_cast %parallel_loop3A_1413 : vector<16xf32> to vector<1x16xf32>
        tpu.vector_store %arg15[%parallel_loop3A_1414, %parallel_loop3A_1415], %parallel_loop3A_1418 {strides = array<i32>} : memref<128x128xf32, #tpu.memory_space<vmem>>, vector<1x16xf32>,
        %parallel_loop3A_1419 = arith.constant 16 : i32
        %parallel_loop3A_1420 = arith.muli %parallel_loop3A_97, %parallel_loop3A_1419 : i32
        %parallel_loop3A_1421 = arith.constant 14 : i32
        %parallel_loop3A_1422 = arith.addi %parallel_loop3A_1420, %parallel_loop3A_1421 : i32
        %parallel_loop3A_1423 = vector.extract_strided_slice %parallel_loop3A_102 {offsets = [14], sizes = [1], strides = [1]} : vector<16xf32> to vector<1xf32>
        %parallel_loop3A_1424 = vector.extract %parallel_loop3A_1423[0] : f32 from vector<1xf32>
        %parallel_loop3A_1425 = arith.index_cast %parallel_loop3A_1422 : i32 to index
        %parallel_loop3A_1426 = arith.constant 0 : index
        %parallel_loop3A_1427 = tpu.vector_load %arg15[%parallel_loop3A_1425, %parallel_loop3A_1426] {strides = array<i32>} : memref<128x128xf32, #tpu.memory_space<vmem>>, vector<1x16xf32>,
        %parallel_loop3A_1428 = vector.shape_cast %parallel_loop3A_1427 : vector<1x16xf32> to vector<16xf32>
        %parallel_loop3A_1429 = vector.broadcast %parallel_loop3A_1424 : f32 to vector<16xf32>
        %parallel_loop3A_1430 = arith.mulf %parallel_loop3A_1428, %parallel_loop3A_1429 : vector<16xf32>
        %parallel_loop3A_1431 = arith.index_cast %parallel_loop3A_1422 : i32 to index
        %parallel_loop3A_1432 = arith.constant 0 : index
        %parallel_loop3A_1433 = tpu.vector_load %arg15[%parallel_loop3A_1431, %parallel_loop3A_1432] {strides = array<i32>} : memref<128x128xf32, #tpu.memory_space<vmem>>, vector<1x16xf32>,
        %parallel_loop3A_1434 = vector.shape_cast %parallel_loop3A_1433 : vector<1x16xf32> to vector<16xf32>
        %parallel_loop3A_1435 = vector.shape_cast %parallel_loop3A_1430 : vector<16xf32> to vector<1x16xf32>
        tpu.vector_store %arg15[%parallel_loop3A_1431, %parallel_loop3A_1432], %parallel_loop3A_1435 {strides = array<i32>} : memref<128x128xf32, #tpu.memory_space<vmem>>, vector<1x16xf32>,
        %parallel_loop3A_1436 = arith.index_cast %parallel_loop3A_1422 : i32 to index
        %parallel_loop3A_1437 = arith.constant 16 : index
        %parallel_loop3A_1438 = tpu.vector_load %arg15[%parallel_loop3A_1436, %parallel_loop3A_1437] {strides = array<i32>} : memref<128x128xf32, #tpu.memory_space<vmem>>, vector<1x16xf32>,
        %parallel_loop3A_1439 = vector.shape_cast %parallel_loop3A_1438 : vector<1x16xf32> to vector<16xf32>
        %parallel_loop3A_1440 = vector.broadcast %parallel_loop3A_1424 : f32 to vector<16xf32>
        %parallel_loop3A_1441 = arith.mulf %parallel_loop3A_1439, %parallel_loop3A_1440 : vector<16xf32>
        %parallel_loop3A_1442 = arith.index_cast %parallel_loop3A_1422 : i32 to index
        %parallel_loop3A_1443 = arith.constant 16 : index
        %parallel_loop3A_1444 = tpu.vector_load %arg15[%parallel_loop3A_1442, %parallel_loop3A_1443] {strides = array<i32>} : memref<128x128xf32, #tpu.memory_space<vmem>>, vector<1x16xf32>,
        %parallel_loop3A_1445 = vector.shape_cast %parallel_loop3A_1444 : vector<1x16xf32> to vector<16xf32>
        %parallel_loop3A_1446 = vector.shape_cast %parallel_loop3A_1441 : vector<16xf32> to vector<1x16xf32>
        tpu.vector_store %arg15[%parallel_loop3A_1442, %parallel_loop3A_1443], %parallel_loop3A_1446 {strides = array<i32>} : memref<128x128xf32, #tpu.memory_space<vmem>>, vector<1x16xf32>,
        %parallel_loop3A_1447 = arith.index_cast %parallel_loop3A_1422 : i32 to index
        %parallel_loop3A_1448 = arith.constant 32 : index
        %parallel_loop3A_1449 = tpu.vector_load %arg15[%parallel_loop3A_1447, %parallel_loop3A_1448] {strides = array<i32>} : memref<128x128xf32, #tpu.memory_space<vmem>>, vector<1x16xf32>,
        %parallel_loop3A_1450 = vector.shape_cast %parallel_loop3A_1449 : vector<1x16xf32> to vector<16xf32>
        %parallel_loop3A_1451 = vector.broadcast %parallel_loop3A_1424 : f32 to vector<16xf32>
        %parallel_loop3A_1452 = arith.mulf %parallel_loop3A_1450, %parallel_loop3A_1451 : vector<16xf32>
        %parallel_loop3A_1453 = arith.index_cast %parallel_loop3A_1422 : i32 to index
        %parallel_loop3A_1454 = arith.constant 32 : index
        %parallel_loop3A_1455 = tpu.vector_load %arg15[%parallel_loop3A_1453, %parallel_loop3A_1454] {strides = array<i32>} : memref<128x128xf32, #tpu.memory_space<vmem>>, vector<1x16xf32>,
        %parallel_loop3A_1456 = vector.shape_cast %parallel_loop3A_1455 : vector<1x16xf32> to vector<16xf32>
        %parallel_loop3A_1457 = vector.shape_cast %parallel_loop3A_1452 : vector<16xf32> to vector<1x16xf32>
        tpu.vector_store %arg15[%parallel_loop3A_1453, %parallel_loop3A_1454], %parallel_loop3A_1457 {strides = array<i32>} : memref<128x128xf32, #tpu.memory_space<vmem>>, vector<1x16xf32>,
        %parallel_loop3A_1458 = arith.index_cast %parallel_loop3A_1422 : i32 to index
        %parallel_loop3A_1459 = arith.constant 48 : index
        %parallel_loop3A_1460 = tpu.vector_load %arg15[%parallel_loop3A_1458, %parallel_loop3A_1459] {strides = array<i32>} : memref<128x128xf32, #tpu.memory_space<vmem>>, vector<1x16xf32>,
        %parallel_loop3A_1461 = vector.shape_cast %parallel_loop3A_1460 : vector<1x16xf32> to vector<16xf32>
        %parallel_loop3A_1462 = vector.broadcast %parallel_loop3A_1424 : f32 to vector<16xf32>
        %parallel_loop3A_1463 = arith.mulf %parallel_loop3A_1461, %parallel_loop3A_1462 : vector<16xf32>
        %parallel_loop3A_1464 = arith.index_cast %parallel_loop3A_1422 : i32 to index
        %parallel_loop3A_1465 = arith.constant 48 : index
        %parallel_loop3A_1466 = tpu.vector_load %arg15[%parallel_loop3A_1464, %parallel_loop3A_1465] {strides = array<i32>} : memref<128x128xf32, #tpu.memory_space<vmem>>, vector<1x16xf32>,
        %parallel_loop3A_1467 = vector.shape_cast %parallel_loop3A_1466 : vector<1x16xf32> to vector<16xf32>
        %parallel_loop3A_1468 = vector.shape_cast %parallel_loop3A_1463 : vector<16xf32> to vector<1x16xf32>
        tpu.vector_store %arg15[%parallel_loop3A_1464, %parallel_loop3A_1465], %parallel_loop3A_1468 {strides = array<i32>} : memref<128x128xf32, #tpu.memory_space<vmem>>, vector<1x16xf32>,
        %parallel_loop3A_1469 = arith.index_cast %parallel_loop3A_1422 : i32 to index
        %parallel_loop3A_1470 = arith.constant 64 : index
        %parallel_loop3A_1471 = tpu.vector_load %arg15[%parallel_loop3A_1469, %parallel_loop3A_1470] {strides = array<i32>} : memref<128x128xf32, #tpu.memory_space<vmem>>, vector<1x16xf32>,
        %parallel_loop3A_1472 = vector.shape_cast %parallel_loop3A_1471 : vector<1x16xf32> to vector<16xf32>
        %parallel_loop3A_1473 = vector.broadcast %parallel_loop3A_1424 : f32 to vector<16xf32>
        %parallel_loop3A_1474 = arith.mulf %parallel_loop3A_1472, %parallel_loop3A_1473 : vector<16xf32>
        %parallel_loop3A_1475 = arith.index_cast %parallel_loop3A_1422 : i32 to index
        %parallel_loop3A_1476 = arith.constant 64 : index
        %parallel_loop3A_1477 = tpu.vector_load %arg15[%parallel_loop3A_1475, %parallel_loop3A_1476] {strides = array<i32>} : memref<128x128xf32, #tpu.memory_space<vmem>>, vector<1x16xf32>,
        %parallel_loop3A_1478 = vector.shape_cast %parallel_loop3A_1477 : vector<1x16xf32> to vector<16xf32>
        %parallel_loop3A_1479 = vector.shape_cast %parallel_loop3A_1474 : vector<16xf32> to vector<1x16xf32>
        tpu.vector_store %arg15[%parallel_loop3A_1475, %parallel_loop3A_1476], %parallel_loop3A_1479 {strides = array<i32>} : memref<128x128xf32, #tpu.memory_space<vmem>>, vector<1x16xf32>,
        %parallel_loop3A_1480 = arith.index_cast %parallel_loop3A_1422 : i32 to index
        %parallel_loop3A_1481 = arith.constant 80 : index
        %parallel_loop3A_1482 = tpu.vector_load %arg15[%parallel_loop3A_1480, %parallel_loop3A_1481] {strides = array<i32>} : memref<128x128xf32, #tpu.memory_space<vmem>>, vector<1x16xf32>,
        %parallel_loop3A_1483 = vector.shape_cast %parallel_loop3A_1482 : vector<1x16xf32> to vector<16xf32>
        %parallel_loop3A_1484 = vector.broadcast %parallel_loop3A_1424 : f32 to vector<16xf32>
        %parallel_loop3A_1485 = arith.mulf %parallel_loop3A_1483, %parallel_loop3A_1484 : vector<16xf32>
        %parallel_loop3A_1486 = arith.index_cast %parallel_loop3A_1422 : i32 to index
        %parallel_loop3A_1487 = arith.constant 80 : index
        %parallel_loop3A_1488 = tpu.vector_load %arg15[%parallel_loop3A_1486, %parallel_loop3A_1487] {strides = array<i32>} : memref<128x128xf32, #tpu.memory_space<vmem>>, vector<1x16xf32>,
        %parallel_loop3A_1489 = vector.shape_cast %parallel_loop3A_1488 : vector<1x16xf32> to vector<16xf32>
        %parallel_loop3A_1490 = vector.shape_cast %parallel_loop3A_1485 : vector<16xf32> to vector<1x16xf32>
        tpu.vector_store %arg15[%parallel_loop3A_1486, %parallel_loop3A_1487], %parallel_loop3A_1490 {strides = array<i32>} : memref<128x128xf32, #tpu.memory_space<vmem>>, vector<1x16xf32>,
        %parallel_loop3A_1491 = arith.index_cast %parallel_loop3A_1422 : i32 to index
        %parallel_loop3A_1492 = arith.constant 96 : index
        %parallel_loop3A_1493 = tpu.vector_load %arg15[%parallel_loop3A_1491, %parallel_loop3A_1492] {strides = array<i32>} : memref<128x128xf32, #tpu.memory_space<vmem>>, vector<1x16xf32>,
        %parallel_loop3A_1494 = vector.shape_cast %parallel_loop3A_1493 : vector<1x16xf32> to vector<16xf32>
        %parallel_loop3A_1495 = vector.broadcast %parallel_loop3A_1424 : f32 to vector<16xf32>
        %parallel_loop3A_1496 = arith.mulf %parallel_loop3A_1494, %parallel_loop3A_1495 : vector<16xf32>
        %parallel_loop3A_1497 = arith.index_cast %parallel_loop3A_1422 : i32 to index
        %parallel_loop3A_1498 = arith.constant 96 : index
        %parallel_loop3A_1499 = tpu.vector_load %arg15[%parallel_loop3A_1497, %parallel_loop3A_1498] {strides = array<i32>} : memref<128x128xf32, #tpu.memory_space<vmem>>, vector<1x16xf32>,
        %parallel_loop3A_1500 = vector.shape_cast %parallel_loop3A_1499 : vector<1x16xf32> to vector<16xf32>
        %parallel_loop3A_1501 = vector.shape_cast %parallel_loop3A_1496 : vector<16xf32> to vector<1x16xf32>
        tpu.vector_store %arg15[%parallel_loop3A_1497, %parallel_loop3A_1498], %parallel_loop3A_1501 {strides = array<i32>} : memref<128x128xf32, #tpu.memory_space<vmem>>, vector<1x16xf32>,
        %parallel_loop3A_1502 = arith.index_cast %parallel_loop3A_1422 : i32 to index
        %parallel_loop3A_1503 = arith.constant 112 : index
        %parallel_loop3A_1504 = tpu.vector_load %arg15[%parallel_loop3A_1502, %parallel_loop3A_1503] {strides = array<i32>} : memref<128x128xf32, #tpu.memory_space<vmem>>, vector<1x16xf32>,
        %parallel_loop3A_1505 = vector.shape_cast %parallel_loop3A_1504 : vector<1x16xf32> to vector<16xf32>
        %parallel_loop3A_1506 = vector.broadcast %parallel_loop3A_1424 : f32 to vector<16xf32>
        %parallel_loop3A_1507 = arith.mulf %parallel_loop3A_1505, %parallel_loop3A_1506 : vector<16xf32>
        %parallel_loop3A_1508 = arith.index_cast %parallel_loop3A_1422 : i32 to index
        %parallel_loop3A_1509 = arith.constant 112 : index
        %parallel_loop3A_1510 = tpu.vector_load %arg15[%parallel_loop3A_1508, %parallel_loop3A_1509] {strides = array<i32>} : memref<128x128xf32, #tpu.memory_space<vmem>>, vector<1x16xf32>,
        %parallel_loop3A_1511 = vector.shape_cast %parallel_loop3A_1510 : vector<1x16xf32> to vector<16xf32>
        %parallel_loop3A_1512 = vector.shape_cast %parallel_loop3A_1507 : vector<16xf32> to vector<1x16xf32>
        tpu.vector_store %arg15[%parallel_loop3A_1508, %parallel_loop3A_1509], %parallel_loop3A_1512 {strides = array<i32>} : memref<128x128xf32, #tpu.memory_space<vmem>>, vector<1x16xf32>,
        %parallel_loop3A_1513 = arith.constant 16 : i32
        %parallel_loop3A_1514 = arith.muli %parallel_loop3A_97, %parallel_loop3A_1513 : i32
        %parallel_loop3A_1515 = arith.constant 15 : i32
        %parallel_loop3A_1516 = arith.addi %parallel_loop3A_1514, %parallel_loop3A_1515 : i32
        %parallel_loop3A_1517 = vector.extract_strided_slice %parallel_loop3A_102 {offsets = [15], sizes = [1], strides = [1]} : vector<16xf32> to vector<1xf32>
        %parallel_loop3A_1518 = vector.extract %parallel_loop3A_1517[0] : f32 from vector<1xf32>
        %parallel_loop3A_1519 = arith.index_cast %parallel_loop3A_1516 : i32 to index
        %parallel_loop3A_1520 = arith.constant 0 : index
        %parallel_loop3A_1521 = tpu.vector_load %arg15[%parallel_loop3A_1519, %parallel_loop3A_1520] {strides = array<i32>} : memref<128x128xf32, #tpu.memory_space<vmem>>, vector<1x16xf32>,
        %parallel_loop3A_1522 = vector.shape_cast %parallel_loop3A_1521 : vector<1x16xf32> to vector<16xf32>
        %parallel_loop3A_1523 = vector.broadcast %parallel_loop3A_1518 : f32 to vector<16xf32>
        %parallel_loop3A_1524 = arith.mulf %parallel_loop3A_1522, %parallel_loop3A_1523 : vector<16xf32>
        %parallel_loop3A_1525 = arith.index_cast %parallel_loop3A_1516 : i32 to index
        %parallel_loop3A_1526 = arith.constant 0 : index
        %parallel_loop3A_1527 = tpu.vector_load %arg15[%parallel_loop3A_1525, %parallel_loop3A_1526] {strides = array<i32>} : memref<128x128xf32, #tpu.memory_space<vmem>>, vector<1x16xf32>,
        %parallel_loop3A_1528 = vector.shape_cast %parallel_loop3A_1527 : vector<1x16xf32> to vector<16xf32>
        %parallel_loop3A_1529 = vector.shape_cast %parallel_loop3A_1524 : vector<16xf32> to vector<1x16xf32>
        tpu.vector_store %arg15[%parallel_loop3A_1525, %parallel_loop3A_1526], %parallel_loop3A_1529 {strides = array<i32>} : memref<128x128xf32, #tpu.memory_space<vmem>>, vector<1x16xf32>,
        %parallel_loop3A_1530 = arith.index_cast %parallel_loop3A_1516 : i32 to index
        %parallel_loop3A_1531 = arith.constant 16 : index
        %parallel_loop3A_1532 = tpu.vector_load %arg15[%parallel_loop3A_1530, %parallel_loop3A_1531] {strides = array<i32>} : memref<128x128xf32, #tpu.memory_space<vmem>>, vector<1x16xf32>,
        %parallel_loop3A_1533 = vector.shape_cast %parallel_loop3A_1532 : vector<1x16xf32> to vector<16xf32>
        %parallel_loop3A_1534 = vector.broadcast %parallel_loop3A_1518 : f32 to vector<16xf32>
        %parallel_loop3A_1535 = arith.mulf %parallel_loop3A_1533, %parallel_loop3A_1534 : vector<16xf32>
        %parallel_loop3A_1536 = arith.index_cast %parallel_loop3A_1516 : i32 to index
        %parallel_loop3A_1537 = arith.constant 16 : index
        %parallel_loop3A_1538 = tpu.vector_load %arg15[%parallel_loop3A_1536, %parallel_loop3A_1537] {strides = array<i32>} : memref<128x128xf32, #tpu.memory_space<vmem>>, vector<1x16xf32>,
        %parallel_loop3A_1539 = vector.shape_cast %parallel_loop3A_1538 : vector<1x16xf32> to vector<16xf32>
        %parallel_loop3A_1540 = vector.shape_cast %parallel_loop3A_1535 : vector<16xf32> to vector<1x16xf32>
        tpu.vector_store %arg15[%parallel_loop3A_1536, %parallel_loop3A_1537], %parallel_loop3A_1540 {strides = array<i32>} : memref<128x128xf32, #tpu.memory_space<vmem>>, vector<1x16xf32>,
        %parallel_loop3A_1541 = arith.index_cast %parallel_loop3A_1516 : i32 to index
        %parallel_loop3A_1542 = arith.constant 32 : index
        %parallel_loop3A_1543 = tpu.vector_load %arg15[%parallel_loop3A_1541, %parallel_loop3A_1542] {strides = array<i32>} : memref<128x128xf32, #tpu.memory_space<vmem>>, vector<1x16xf32>,
        %parallel_loop3A_1544 = vector.shape_cast %parallel_loop3A_1543 : vector<1x16xf32> to vector<16xf32>
        %parallel_loop3A_1545 = vector.broadcast %parallel_loop3A_1518 : f32 to vector<16xf32>
        %parallel_loop3A_1546 = arith.mulf %parallel_loop3A_1544, %parallel_loop3A_1545 : vector<16xf32>
        %parallel_loop3A_1547 = arith.index_cast %parallel_loop3A_1516 : i32 to index
        %parallel_loop3A_1548 = arith.constant 32 : index
        %parallel_loop3A_1549 = tpu.vector_load %arg15[%parallel_loop3A_1547, %parallel_loop3A_1548] {strides = array<i32>} : memref<128x128xf32, #tpu.memory_space<vmem>>, vector<1x16xf32>,
        %parallel_loop3A_1550 = vector.shape_cast %parallel_loop3A_1549 : vector<1x16xf32> to vector<16xf32>
        %parallel_loop3A_1551 = vector.shape_cast %parallel_loop3A_1546 : vector<16xf32> to vector<1x16xf32>
        tpu.vector_store %arg15[%parallel_loop3A_1547, %parallel_loop3A_1548], %parallel_loop3A_1551 {strides = array<i32>} : memref<128x128xf32, #tpu.memory_space<vmem>>, vector<1x16xf32>,
        %parallel_loop3A_1552 = arith.index_cast %parallel_loop3A_1516 : i32 to index
        %parallel_loop3A_1553 = arith.constant 48 : index
        %parallel_loop3A_1554 = tpu.vector_load %arg15[%parallel_loop3A_1552, %parallel_loop3A_1553] {strides = array<i32>} : memref<128x128xf32, #tpu.memory_space<vmem>>, vector<1x16xf32>,
        %parallel_loop3A_1555 = vector.shape_cast %parallel_loop3A_1554 : vector<1x16xf32> to vector<16xf32>
        %parallel_loop3A_1556 = vector.broadcast %parallel_loop3A_1518 : f32 to vector<16xf32>
        %parallel_loop3A_1557 = arith.mulf %parallel_loop3A_1555, %parallel_loop3A_1556 : vector<16xf32>
        %parallel_loop3A_1558 = arith.index_cast %parallel_loop3A_1516 : i32 to index
        %parallel_loop3A_1559 = arith.constant 48 : index
        %parallel_loop3A_1560 = tpu.vector_load %arg15[%parallel_loop3A_1558, %parallel_loop3A_1559] {strides = array<i32>} : memref<128x128xf32, #tpu.memory_space<vmem>>, vector<1x16xf32>,
        %parallel_loop3A_1561 = vector.shape_cast %parallel_loop3A_1560 : vector<1x16xf32> to vector<16xf32>
        %parallel_loop3A_1562 = vector.shape_cast %parallel_loop3A_1557 : vector<16xf32> to vector<1x16xf32>
        tpu.vector_store %arg15[%parallel_loop3A_1558, %parallel_loop3A_1559], %parallel_loop3A_1562 {strides = array<i32>} : memref<128x128xf32, #tpu.memory_space<vmem>>, vector<1x16xf32>,
        %parallel_loop3A_1563 = arith.index_cast %parallel_loop3A_1516 : i32 to index
        %parallel_loop3A_1564 = arith.constant 64 : index
        %parallel_loop3A_1565 = tpu.vector_load %arg15[%parallel_loop3A_1563, %parallel_loop3A_1564] {strides = array<i32>} : memref<128x128xf32, #tpu.memory_space<vmem>>, vector<1x16xf32>,
        %parallel_loop3A_1566 = vector.shape_cast %parallel_loop3A_1565 : vector<1x16xf32> to vector<16xf32>
        %parallel_loop3A_1567 = vector.broadcast %parallel_loop3A_1518 : f32 to vector<16xf32>
        %parallel_loop3A_1568 = arith.mulf %parallel_loop3A_1566, %parallel_loop3A_1567 : vector<16xf32>
        %parallel_loop3A_1569 = arith.index_cast %parallel_loop3A_1516 : i32 to index
        %parallel_loop3A_1570 = arith.constant 64 : index
        %parallel_loop3A_1571 = tpu.vector_load %arg15[%parallel_loop3A_1569, %parallel_loop3A_1570] {strides = array<i32>} : memref<128x128xf32, #tpu.memory_space<vmem>>, vector<1x16xf32>,
        %parallel_loop3A_1572 = vector.shape_cast %parallel_loop3A_1571 : vector<1x16xf32> to vector<16xf32>
        %parallel_loop3A_1573 = vector.shape_cast %parallel_loop3A_1568 : vector<16xf32> to vector<1x16xf32>
        tpu.vector_store %arg15[%parallel_loop3A_1569, %parallel_loop3A_1570], %parallel_loop3A_1573 {strides = array<i32>} : memref<128x128xf32, #tpu.memory_space<vmem>>, vector<1x16xf32>,
        %parallel_loop3A_1574 = arith.index_cast %parallel_loop3A_1516 : i32 to index
        %parallel_loop3A_1575 = arith.constant 80 : index
        %parallel_loop3A_1576 = tpu.vector_load %arg15[%parallel_loop3A_1574, %parallel_loop3A_1575] {strides = array<i32>} : memref<128x128xf32, #tpu.memory_space<vmem>>, vector<1x16xf32>,
        %parallel_loop3A_1577 = vector.shape_cast %parallel_loop3A_1576 : vector<1x16xf32> to vector<16xf32>
        %parallel_loop3A_1578 = vector.broadcast %parallel_loop3A_1518 : f32 to vector<16xf32>
        %parallel_loop3A_1579 = arith.mulf %parallel_loop3A_1577, %parallel_loop3A_1578 : vector<16xf32>
        %parallel_loop3A_1580 = arith.index_cast %parallel_loop3A_1516 : i32 to index
        %parallel_loop3A_1581 = arith.constant 80 : index
        %parallel_loop3A_1582 = tpu.vector_load %arg15[%parallel_loop3A_1580, %parallel_loop3A_1581] {strides = array<i32>} : memref<128x128xf32, #tpu.memory_space<vmem>>, vector<1x16xf32>,
        %parallel_loop3A_1583 = vector.shape_cast %parallel_loop3A_1582 : vector<1x16xf32> to vector<16xf32>
        %parallel_loop3A_1584 = vector.shape_cast %parallel_loop3A_1579 : vector<16xf32> to vector<1x16xf32>
        tpu.vector_store %arg15[%parallel_loop3A_1580, %parallel_loop3A_1581], %parallel_loop3A_1584 {strides = array<i32>} : memref<128x128xf32, #tpu.memory_space<vmem>>, vector<1x16xf32>,
        %parallel_loop3A_1585 = arith.index_cast %parallel_loop3A_1516 : i32 to index
        %parallel_loop3A_1586 = arith.constant 96 : index
        %parallel_loop3A_1587 = tpu.vector_load %arg15[%parallel_loop3A_1585, %parallel_loop3A_1586] {strides = array<i32>} : memref<128x128xf32, #tpu.memory_space<vmem>>, vector<1x16xf32>,
        %parallel_loop3A_1588 = vector.shape_cast %parallel_loop3A_1587 : vector<1x16xf32> to vector<16xf32>
        %parallel_loop3A_1589 = vector.broadcast %parallel_loop3A_1518 : f32 to vector<16xf32>
        %parallel_loop3A_1590 = arith.mulf %parallel_loop3A_1588, %parallel_loop3A_1589 : vector<16xf32>
        %parallel_loop3A_1591 = arith.index_cast %parallel_loop3A_1516 : i32 to index
        %parallel_loop3A_1592 = arith.constant 96 : index
        %parallel_loop3A_1593 = tpu.vector_load %arg15[%parallel_loop3A_1591, %parallel_loop3A_1592] {strides = array<i32>} : memref<128x128xf32, #tpu.memory_space<vmem>>, vector<1x16xf32>,
        %parallel_loop3A_1594 = vector.shape_cast %parallel_loop3A_1593 : vector<1x16xf32> to vector<16xf32>
        %parallel_loop3A_1595 = vector.shape_cast %parallel_loop3A_1590 : vector<16xf32> to vector<1x16xf32>
        tpu.vector_store %arg15[%parallel_loop3A_1591, %parallel_loop3A_1592], %parallel_loop3A_1595 {strides = array<i32>} : memref<128x128xf32, #tpu.memory_space<vmem>>, vector<1x16xf32>,
        %parallel_loop3A_1596 = arith.index_cast %parallel_loop3A_1516 : i32 to index
        %parallel_loop3A_1597 = arith.constant 112 : index
        %parallel_loop3A_1598 = tpu.vector_load %arg15[%parallel_loop3A_1596, %parallel_loop3A_1597] {strides = array<i32>} : memref<128x128xf32, #tpu.memory_space<vmem>>, vector<1x16xf32>,
        %parallel_loop3A_1599 = vector.shape_cast %parallel_loop3A_1598 : vector<1x16xf32> to vector<16xf32>
        %parallel_loop3A_1600 = vector.broadcast %parallel_loop3A_1518 : f32 to vector<16xf32>
        %parallel_loop3A_1601 = arith.mulf %parallel_loop3A_1599, %parallel_loop3A_1600 : vector<16xf32>
        %parallel_loop3A_1602 = arith.index_cast %parallel_loop3A_1516 : i32 to index
        %parallel_loop3A_1603 = arith.constant 112 : index
        %parallel_loop3A_1604 = tpu.vector_load %arg15[%parallel_loop3A_1602, %parallel_loop3A_1603] {strides = array<i32>} : memref<128x128xf32, #tpu.memory_space<vmem>>, vector<1x16xf32>,
        %parallel_loop3A_1605 = vector.shape_cast %parallel_loop3A_1604 : vector<1x16xf32> to vector<16xf32>
        %parallel_loop3A_1606 = vector.shape_cast %parallel_loop3A_1601 : vector<16xf32> to vector<1x16xf32>
        tpu.vector_store %arg15[%parallel_loop3A_1602, %parallel_loop3A_1603], %parallel_loop3A_1606 {strides = array<i32>} : memref<128x128xf32, #tpu.memory_space<vmem>>, vector<1x16xf32>,
      } {sc.loop_unroll_factor = 2 : i64, sc.parallel_access}
      %dma_start3A_94 = arith.constant 0 : i32
      %dma_start3A_95 = arith.constant 0 : i32
      %dma_start3A_96 = tpu.memref_slice %arg7[%dma_start3A_94, %dma_start3A_95] : memref<10112x128xf32, #tpu.memory_space<vmem_shared>> -> memref<10112x128xf32, #tpu.memory_space<vmem_shared>>
      tpu.enqueue_indirect_dma source(%arg15 : memref<128x128xf32, #tpu.memory_space<vmem>>) target(%dma_start3A_96 : memref<10112x128xf32, #tpu.memory_space<vmem_shared>>) offsets(%arg11 : memref<128xi32, #tpu.memory_space<vmem>>) semaphore(%arg19 : memref<!tpu.dma_semaphore, #tpu.memory_space<semaphore_mem>>) {add = true}
    }
    %scan3A_39 = arith.constant 40 : i32
    %dma_wait3A_40 = arith.constant 0 : i32
    %dma_wait3A_41 = arith.constant 0 : i32
    %dma_wait3A_42 = tpu.memref_slice %arg7[%dma_wait3A_40, %dma_wait3A_41] : memref<10112x128xf32, #tpu.memory_space<vmem_shared>> -> memref<10112x128xf32, #tpu.memory_space<vmem_shared>>
    tpu.wait_indirect_dma semaphore(%arg18 : memref<!tpu.dma_semaphore, #tpu.memory_space<semaphore_mem>>) src(%arg14 : memref<128x128xf32, #tpu.memory_space<vmem>>) dst(%dma_wait3A_42 : memref<10112x128xf32, #tpu.memory_space<vmem_shared>>)
    %dma_wait3A_43 = arith.constant 0 : i32
    %dma_wait3A_44 = arith.constant 0 : i32
    %dma_wait3A_45 = tpu.memref_slice %arg7[%dma_wait3A_43, %dma_wait3A_44] : memref<10112x128xf32, #tpu.memory_space<vmem_shared>> -> memref<10112x128xf32, #tpu.memory_space<vmem_shared>>
    tpu.wait_indirect_dma semaphore(%arg19 : memref<!tpu.dma_semaphore, #tpu.memory_space<semaphore_mem>>) src(%arg15 : memref<128x128xf32, #tpu.memory_space<vmem>>) dst(%dma_wait3A_45 : memref<10112x128xf32, #tpu.memory_space<vmem_shared>>)
    %barrier3A_46 = arith.constant 0 : index
    tpu.barrier barrier_id(%barrier3A_46)
    "tpu.region"() ({
      %run_scoped3A = tpu.sem_alloc : memref<!tpu.dma_semaphore, #tpu.memory_space<semaphore_mem>>
      %dma_start3A_47 = arith.constant 0 : i32
      %dma_start3A_48 = tpu.memref_slice %arg6[%arg0, %mul3A_9, %dma_start3A_47] : memref<2x10112x128xf32, #tpu.memory_space<hbm>> -> memref<1x632x128xf32, #tpu.memory_space<hbm>>
      %dma_start3A_49 = tpu.memref_squeeze %dma_start3A_48 : memref<1x632x128xf32, #tpu.memory_space<hbm>> -> memref<632x128xf32, #tpu.memory_space<hbm>>
      %dma_start3A_50 = arith.constant 0 : i32
      %dma_start3A_51 = tpu.memref_slice %arg7[%mul3A_9, %dma_start3A_50] : memref<10112x128xf32, #tpu.memory_space<vmem_shared>> -> memref<632x128xf32, #tpu.memory_space<vmem_shared>>
      tpu.enqueue_dma source(%dma_start3A_51 : memref<632x128xf32, #tpu.memory_space<vmem_shared>>) target(%dma_start3A_49 : memref<632x128xf32, #tpu.memory_space<hbm>>) target_semaphore(%run_scoped3A : memref<!tpu.dma_semaphore, #tpu.memory_space<semaphore_mem>>)
      %dma_wait3A_52 = arith.constant 0 : i32
      %dma_wait3A_53 = tpu.memref_slice %arg6[%arg0, %mul3A_9, %dma_wait3A_52] : memref<2x10112x128xf32, #tpu.memory_space<hbm>> -> memref<1x632x128xf32, #tpu.memory_space<hbm>>
      %dma_wait3A_54 = tpu.memref_squeeze %dma_wait3A_53 : memref<1x632x128xf32, #tpu.memory_space<hbm>> -> memref<632x128xf32, #tpu.memory_space<hbm>>
      %dma_wait3A_55 = arith.constant 0 : i32
      %dma_wait3A_56 = tpu.memref_slice %arg7[%mul3A_9, %dma_wait3A_55] : memref<10112x128xf32, #tpu.memory_space<vmem_shared>> -> memref<632x128xf32, #tpu.memory_space<vmem_shared>>
      tpu.wait_dma2 semaphore(%run_scoped3A : memref<!tpu.dma_semaphore, #tpu.memory_space<semaphore_mem>>) src(%dma_wait3A_56 : memref<632x128xf32, #tpu.memory_space<vmem_shared>>) dst(%dma_wait3A_54 : memref<632x128xf32, #tpu.memory_space<hbm>>)
      tpu.yield
    }) : () -> ()
    return
  }
}

module attributes {stable_mosaic.version = 14 : i64} {
  func.func @add_body(%arg0: i32, %arg1: memref<2x632x128xf32, #tpu.memory_space<vmem>>, %arg2: memref<632x128xf32, #tpu.memory_space<vmem>>) attributes {dimension_semantics = [#tpu.dimension_semantics<arbitrary>], iteration_bounds = array<i64: 16>, scalar_prefetch = 0 : i64, scratch_operands = 0 : i64, tpu.core_type = #tpu.core_type<tc>, window_params = [{transform_indices = @transform_0, window_bounds = array<i64: 2, 632, 128>}, {transform_indices = @transform_1, window_bounds = array<i64: 632, 128>}]} {
    %get3A = arith.constant 0 : index
    %get3A_0 = arith.constant 0 : index
    %get3A_1 = arith.constant 0 : index
    %get3A_2 = vector.load %arg1[%get3A, %get3A_0, %get3A_1] : memref<2x632x128xf32, #tpu.memory_space<vmem>>, vector<1x632x128xf32>
    %get3A_3 = vector.shape_cast %get3A_2 : vector<1x632x128xf32> to vector<632x128xf32>
    %get3A_4 = arith.constant 1 : index
    %get3A_5 = arith.constant 0 : index
    %get3A_6 = arith.constant 0 : index
    %get3A_7 = vector.load %arg1[%get3A_4, %get3A_5, %get3A_6] : memref<2x632x128xf32, #tpu.memory_space<vmem>>, vector<1x632x128xf32>
    %get3A_8 = vector.shape_cast %get3A_7 : vector<1x632x128xf32> to vector<632x128xf32>
    %add3A = arith.addf %get3A_3, %get3A_8 : vector<632x128xf32>
    %swap3A = arith.constant 0 : index
    %swap3A_9 = arith.constant 0 : index
    %swap3A_10 = vector.load %arg2[%swap3A, %swap3A_9] : memref<632x128xf32, #tpu.memory_space<vmem>>, vector<632x128xf32>
    tpu.vector_store %arg2[%swap3A, %swap3A_9], %add3A {strides = array<i32>} : memref<632x128xf32, #tpu.memory_space<vmem>>, vector<632x128xf32>,
    return
  }
  func.func @transform_0(%arg0: i32) -> (i32, i32, i32) {
    %c0_i32 = arith.constant 0 : i32
    %c0_i32_0 = arith.constant 0 : i32
    %c0_i32_1 = arith.constant 0 : i32
    return %c0_i32, %arg0, %c0_i32_0 : i32, i32, i32
  }
  func.func @transform_1(%arg0: i32) -> (i32, i32) {
    %c0_i32 = arith.constant 0 : i32
    %c0_i32_0 = arith.constant 0 : i32
    return %arg0, %c0_i32 : i32, i32
  }
}

</mosaic_0001>

<sc_bundles>
// kernel: kernel.4.cloned.1.call-start
scs
__scs_entry_jumppad:
0x0: {  	(pc) =	sbr.rel $0x88, $3  }
0x1: {  	(tag) =	ssettag $0x0;
	lr =	simm.s32 $0x1  }
0x2: {  	[smem:$0x3F9E] =	sst lr;
	_ =	strace $0xD0000000  }
0x3: {  	_ = 	snop  }
0x4: {  	_ = 	snop  }
0x5: {  	_ = 	snop  }
0x6: {  	_ = 	snop  }
0x7: {  	_ = 	snop  }
__scs_overlays_trampoline_lowered:
0x8: {  	[smem:$0x3FAD] =	sst s0  }
0x9: {  	[smem:$0x3FAE] =	sst s1  }
0xa: {  	[smem:$0x3FAF] =	sst s2  }
0xb: {  	[smem:$0x3FB0] =	sst s3  }
0xc: {  	[smem:$0x3FB1] =	sst s4  }
0xd: {  	[smem:$0x3FB2] =	sst s5  }
0xe: {  	[smem:$0x3FB3] =	sst s6  }
0xf: {  	[smem:$0x3FB4] =	sst s7  }
0x10: {  	[smem:$0x3FB5] =	sst s8  }
0x11: {  	[smem:$0x3FB6] =	sst s9;
	s0 =	simm.s32 @!p0 $0x0  }
0x12: {  	s1 =	sld [smem:$0x3F9C];
	s0 =	simm.s32 @p0 $0x1  }
0x13: {  	[smem:$0x3FB7] =	sst s0;
	s0 =	simm.s32 @!p1 $0x0  }
0x14: {  	s2 =	sld [smem:$0x3F9B];
	s0 =	simm.s32 @p1 $0x1  }
0x15: {  	[smem:$0x3FB8] =	sst s0;
	s0 =	simm.s32 @!p2 $0x0  }
0x16: {  	s3 =	sld [smem:$0x3FDB];
	s0 =	simm.s32 @p2 $0x1  }
0x17: {  	s4 =	simm.s32 $0x1BF5;
	[smem:$0x3FBA] =	sst s0  }
0x18: {  	s0 =	sld [smem:$0x3F9D];
	_ =	swait.ge [sflag:s4], $0x0  }
0x19: {  	s7 =	sld [smem:$0x3F9E]  }
0x1a: {  	s8 =	sadd.s32 $0xFFFFE003, lr  }
0x1b: {  	s9 =	sadd.s32 $0xFFFFFEF7, lr;
	s5 =	simm.s32 $0xFFFFFFFF;
	p2 =	slt.u32 s8, $0xFFFFF086  }
0x1c: {  	p1 =	slt.u32 s9, $0xF7A;
	s5 =	simm.s32 @!p2 $0x0  }
0x1d: {  	s5 =	simm.s32 @p1 $0x1;
	p0 =	seq.s32 s7, s2  }
0x1e: {  	s7 =	smul.u32 @!p0 $0xF7A, s2;
	p2 =	seq.s32 @!p0 s5, $0x0  }
0x1f: {  	s9 =	smul.u32 $0xF7A, s1;
	s8 =	simm.s32 @!p0 $0x1BF5;
	p2 =	por !p2, p0  }
0x20: {  	[sflag:s8] =	ssyncset.s32 @!p0 $0xFFFFF086;
	s6 =	sadd.s32 @!p0 s3, s7;
	s7 =	simm.s32 @!p0 $0x108  }
0x21: {  	s3 =	sadd.s32 s3, s9;
	s6 =	sadd.s32 @!p0 $0x88, s6;
	s7 =	simm.s32 @p2 $0x1082  }
0x22: {  	[simem:s7], [sflag:s8] =	dma.local @!p0 [hbm:s6], $0xF7A  }
0x23: {  	s9 =	sor.u32 $0xD0000000, s2;
	s6 =	simm.s32 $0x108;
	_ =	swait.ge @!p0 [sflag:s8], $0x0  }
0x24: {  	s3 =	sadd.s32 $0x88, s3;
	s6 =	simm.s32 @!p1 $0x1082;
	[sflag:s4] =	ssyncset.s32 $0xFFFFF086  }
0x25: {  	[simem:s6], [sflag:s4] =	dma.local [hbm:s3], $0xF7A  }
0x26: {  	[smem:$0x3F9E] =	sst s1;
	(tag) =	ssettag s2;
	_ =	strace s9  }
0x27: {  	s1 =	sld [smem:$0x3FAE]  }
0x28: {  	s2 =	sld [smem:$0x3FAF]  }
0x29: {  	s4 =	sld [smem:$0x3FB1]  }
0x2a: {  	p0 =	seq.s32 s5, $0x0;
	s5 =	sld [smem:$0x3FB2]  }
0x2b: {  	s6 =	sld [smem:$0x3FB3]  }
0x2c: {  	s7 =	sld [smem:$0x3FB4]  }
0x2d: {  	s3 =	simm.s32 $0x108;
	s8 =	sld [smem:$0x3FB5]  }
0x2e: {  	s3 =	simm.s32 @!p0 $0x1082;
	s9 =	sld [smem:$0x3FB6]  }
0x2f: {  	lr =	sadd.s32 s0, s3;
	s0 =	sld [smem:$0x3FAD]  }
0x30: {  	s3 =	sld [smem:$0x3FB0]  }
0x31: {  	[smem:$0x3FB9] =	sst s10  }
0x32: {  	s10 =	sld [smem:$0x3FB7];
	_ =	sdelay $0x3  }
0x33: {  	p0 =	seq.s32 s10, $0x1;
	s10 =	sld [smem:$0x3FB9];
	_ =	sdelay $0x3  }
0x34: {  	[smem:$0x3FB9] =	sst s10  }
0x35: {  	s10 =	sld [smem:$0x3FB8];
	_ =	sdelay $0x3  }
0x36: {  	p1 =	seq.s32 s10, $0x1;
	s10 =	sld [smem:$0x3FB9];
	_ =	sdelay $0x3  }
0x37: {  	[smem:$0x3FB9] =	sst s10  }
0x38: {  	s10 =	sld [smem:$0x3FBA]  }
0x39: {  	_ = 	snop;
	(pc) =	sbr.ind lr, $3  }
0x3a: {  	_ = 	snop  }
0x3b: {  	_ = 	snop  }
0x3c: {  	p2 =	seq.s32 s10, $0x1;
	s10 =	sld [smem:$0x3FB9]  }
0x3d: {  	_ =	shalt  }
0x3e: {  	_ =	shalt  }
0x3f: {  	_ =	shalt  }
0x40: {  	_ =	shalt  }
0x41: {  	_ =	shalt  }
0x42: {  	_ =	shalt  }
0x43: {  	_ =	shalt  }
0x44: {  	_ =	shalt  }
0x45: {  	_ =	shalt  }
0x46: {  	_ =	shalt  }
0x47: {  	_ =	shalt  }
0x48: {  	_ =	shalt  }
0x49: {  	_ =	shalt  }
0x4a: {  	_ =	shalt  }
0x4b: {  	_ =	shalt  }
0x4c: {  	_ =	shalt  }
0x4d: {  	_ =	shalt  }
0x4e: {  	_ =	shalt  }
0x4f: {  	_ =	shalt  }
0x50: {  	_ =	shalt  }
0x51: {  	_ =	shalt  }
0x52: {  	_ =	shalt  }
0x53: {  	_ =	shalt  }
0x54: {  	_ =	shalt  }
0x55: {  	_ =	shalt  }
0x56: {  	_ =	shalt  }
0x57: {  	_ =	shalt  }
0x58: {  	_ =	shalt  }
0x59: {  	_ =	shalt  }
0x5a: {  	_ =	shalt  }
0x5b: {  	_ =	shalt  }
0x5c: {  	_ =	shalt  }
0x5d: {  	_ =	shalt  }
0x5e: {  	_ =	shalt  }
0x5f: {  	_ =	shalt  }
0x60: {  	_ =	shalt  }
0x61: {  	_ =	shalt  }
0x62: {  	_ =	shalt  }
0x63: {  	_ =	shalt  }
0x64: {  	_ =	shalt  }
0x65: {  	_ =	shalt  }
0x66: {  	_ =	shalt  }
0x67: {  	_ =	shalt  }
0x68: {  	_ =	shalt  }
0x69: {  	_ =	shalt  }
0x6a: {  	_ =	shalt  }
0x6b: {  	_ =	shalt  }
0x6c: {  	_ =	shalt  }
0x6d: {  	_ =	shalt  }
0x6e: {  	_ =	shalt  }
0x6f: {  	_ =	shalt  }
0x70: {  	_ =	shalt  }
0x71: {  	_ =	shalt  }
0x72: {  	_ =	shalt  }
0x73: {  	_ =	shalt  }
0x74: {  	_ =	shalt  }
0x75: {  	_ =	shalt  }
0x76: {  	_ =	shalt  }
0x77: {  	_ =	shalt  }
0x78: {  	_ =	shalt  }
0x79: {  	_ =	shalt  }
0x7a: {  	_ =	shalt  }
0x7b: {  	_ =	shalt  }
0x7c: {  	_ =	shalt  }
0x7d: {  	_ =	shalt  }
0x7e: {  	_ =	shalt  }
0x7f: {  	_ =	shalt  }
0x80: {  	_ =	shalt  }
0x81: {  	_ =	shalt  }
0x82: {  	_ =	shalt  }
0x83: {  	_ =	shalt  }
0x84: {  	_ =	shalt  }
0x85: {  	_ =	shalt  }
0x86: {  	_ =	shalt  }
0x87: {  	_ =	shalt  }
.Lfunc_end0:
.L_simem_size_0:
called_computation_lowered:
.L_overlay_start_0:
0x88: {  	s2 =	sld [smem:$0x3FD9]  }
0x89: {  	s3 =	sld [smem:$0x3FFE];
	_ =	sdelay $0x1  }
0x8a: {  	s1 =	srdreg.scid  }
0x8b: {  	s0 =	sand.u32 $0x1, s1  }
0x8c: {  	s17 =	sshll.u32 s0, $0xA;
	s2 =	sadd.s32 s3, s2  }
0x8d: {  	s2 =	sadd.s32 s2, s17  }
0x8e: {  	[smem:$0x3FC5] =	sst s2  }
0x8f: {  	_ = 	snop  }
0x90: {  	s2 =	sld [smem:$0x3FC9]  }
0x91: {  	s18 =	sld [smem:$0x3FD0];
	(tm) =	ssettm $0x1  }
0x92: {  	s4 =	sld [smem:$0x3FFB];
	_ =	sdelay $0x3  }
0x93: {  	_ =	strace s4  }
0x94: {  	s4 =	sld [smem:$0x3FFC];
	_ =	sdelay $0x3  }
0x95: {  	_ =	strace s4  }
0x96: {  	s4 =	sld [smem:$0x3FFD];
	_ =	sdelay $0x3  }
0x97: {  	_ =	strace s4  }
0x98: {  	_ =	strace $0x8FFFFFFF  }
0x99: {  	s19 =	sld [smem:$0x3FDB];
	_ =	sdelay $0x1  }
0x9a: {  	s5 =	simm.s32 $_scs_section_size  }
0x9b: {  	s6 =	simm.s32 $_size__tile_overlayer_lowered;
	s7 =	simm.s32 $_tile_overlayer_lowered  }
0x9c: {  	s22 =	simm.s32 $0x1BFF;
	s21 =	sshll.u32 s7, $0x1;
	s4 =	sadd.s32 s5, s19  }
0x9d: {  	s8 =	simm.s32 $0x0;
	s20 =	sshll.u32 s6, $0x1;
	s6 =	sadd.s32 s21, s4  }
0x9e: {  	[timem:s8], [sflag:s22] =	dma.local [hbm:s6], s20  }
0x9f: {  	_ =	swait.ge [sflag:s22], s20  }
0xa0: {  	s5 =	ssub.s32 $0x0, s20;
	[sflag:s22] =	ssyncset.done $0x0  }
0xa1: {  	[sflag:s22] =	ssyncadd.s32 s5;
	_ =	sdelay $0x1  }
0xa2: {  	s23 =	simm.s32 $0x1B8B  }
0xa3: {  	_ =	swait.ge [sflag:s23], $0x1  }
0xa4: {  	[sflag:s23] =	ssyncset.done $0x0  }
0xa5: {  	s25 =	simm.s32 $0x1B8E;
	s24 =	sld [smem:$0x3FFE];
	[sflag:s23] =	ssyncadd.s32 $0xFFFFFFFF  }
0xa6: {  	s26 =	simm.s32 $execute0_lowered;
	[smem:$0x3FD2] =	sst s25  }
0xa7: {  	s6 =	sshll.u32 s26, $0x1;
	_ =	strace $0x80000046;
	[dreg:$0x1] =	wrdreg $0xFFFFFFFF  }
0xa8: {  	s28 =	simm.s32 $_size_execute0_lowered;
	s4 =	sadd.s32 s4, s6;
	[dreg:$0x0] =	wrdreg $0x0  }
0xa9: {  	s6 =	sshll.u32 s28, $0x1;
	[dreg:$0x2] =	wrdreg s4  }
0xaa: {  	[dreg:$0x3] =	wrdreg s6  }
0xab: {  	[dreg:$0x4] =	wrdreg $0xC0  }
0xac: {  	_ =	task [dreg:s8], $0x5FFFF  }
0xad: {  	[dreg:$0x1] =	wrdreg $0xFFFFFFFF  }
0xae: {  	[dreg:$0x0] =	wrdreg $0x60  }
0xaf: {  	[dreg:$0x2] =	wrdreg s2  }
0xb0: {  	[dreg:$0x3] =	wrdreg s18  }
0xb1: {  	[dreg:$0x4] =	wrdreg s24  }
0xb2: {  	[dreg:$0x5] =	wrdreg $0x0  }
0xb3: {  	[dreg:$0x6] =	wrdreg $0x9  }
0xb4: {  	_ =	task.clear_ibuf [dreg:s8], $0x7FFFF;
	_ =	strace $0x90000046  }
0xb5: {  	s29 =	simm.s32 $0x9;
	_ =	strace $0x80000048  }
0xb6: {  	_ =	swait.ge [sflag:s29], $0x1  }
0xb7: {  	[sflag:s29] =	ssyncadd.s32 $0xFFFFFFFF  }
0xb8: {  	_ =	strace $0x90000048  }
0xb9: {  	_ =	sfence  }
0xba: {  	s30 =	sld [smem:$0x0];
	_ =	sdelay $0x2  }
0xbb: {  	s31 =	sshll.u32 s1, $0xD;
	s1 =	sshrl.u32 s1, $0x2  }
0xbc: {  	s3 =	sand.u32 $0x4000, s31;
	s1 =	sadd.s32 s1, s30  }
0xbd: {  	s0 =	sor.u32 s3, s0;
	s1 =	sshll.u32 s1, $0x11  }
0xbe: {  	s0 =	sor.u32 s1, s0  }
0xbf: {  	s0 =	sadd.s32 $0x8F2B, s0  }
0xc0: {  	[sflag:s0] =	ssyncadd.remote.s32 $0x1  }
0xc1: {  	_ =	sfence.sel $0xFFFF  }
0xc2: {  	[dreg:$0x0] =	wrdreg $0xFFFFFFFF;
	(pc) =	sbr.abs _section_cstart, $3  }
0xc3: {  	[dreg:$0x1] =	wrdreg $0xFFFFFFFF  }
0xc4: {  	_ =	task.clear_ibuf [dreg:s8], $0x2FFFF;
	_ =	strace $0x9FFFFFFF  }
0xc5: {  	(tm) =	ssettm $0x7FFFFFFF  }
tec
execute0_lowered:
.L_overlay_start_1:
0x0: {  	(tag) =	ssettag $0x1  }
0x1: {  	s1 =	rddreg [dreg:$0x0]  }
0x2: {  	s2 =	rddreg [dreg:$0x1]  }
0x3: {  	s3 =	rddreg [dreg:$0x2]  }
0x4: {  	s4 =	rddreg [dreg:$0x3];
	s0 =	srdreg.scid;
	s6 =	simm.s32 $0x0  }
0x5: {  	s9 =	stileid.u32;
	s28 =	simm.s32 $0x13D80;
	s29 =	simm.s32 $0x13C80  }
0x6: {  	s30 =	simm.s32 $0x13E80;
	s31 =	simm.s32 $0x17F00;
	s8 =	smul.u32 $0x13C00, s9  }
0x7: {  	s0 =	sand.u32 $0x1, s0;
	s20 =	sshll.u32 s9, $0x1;
	s9 =	smul.u32 $0x4F000, s9  }
0x8: {  	[smem:$0x7FF] =	sst s6;
	s7 =	sadd.s32 $0xA000, s3;
	s5 =	smul.u32 $0x13C000, s0  }
0x9: {  	_ =	strace $0x80000047;
	s10 =	ssub.s32 $0x2, s0;
	s0 =	sor.u32 s0, s20  }
0xa: {  	s20 =	simm.s32 $0x13F00;
	s21 =	sshrl.u32 s10, $0x1;
	s0 =	smul.u32 $0x2800, s0  }
0xb: {  	s9 =	sshrl.u32 s9, $0x2;
	s5 =	sadd.s32 s8, s5;
	s10 =	ssub.s32 s10, s21  }
0xc: {  	s8 =	sadd.s32 s9, s4;
	s21 =	simm.s32 $0x6;
	s5 =	sshrl.u32 s5, $0x3  }
0xd: {  	s9 =	sadd.s32 $0x4000, s8;
	s22 =	sadd.s32 $0x8000, s8;
	s23 =	sshrl.u32 s0, $0x3  }
0xe: {  	s11 =	sadd.s32 $0xC000, s8;
	s24 =	sadd.s32 $0x10000, s8;
	[dreg:$0x5] =	wrdreg s9  }
0xf: {  	s16 =	sor.u32 $0x80, s0;
	s17 =	sor.u32 $0x100, s0;
	[dreg:$0x6] =	wrdreg s22  }
0x10: {  	s19 =	smax.u32 s10, $0x1;
	s0 =	simm.s32 $0x1;
	[dreg:$0x7] =	wrdreg s11  }
0x11: {  	s5 =	sadd.s32 s5, s3;
	[dreg:$0x8] =	wrdreg s24;
	s25 =	sadd.s32 s2, s23  }
0x12: {  	s26 =	sadd.s32 s3, s23;
	s9 =	sadd.s32 s7, s23;
	[dreg:$0x9] =	wrdreg s25  }
0x13: {  	s22 =	simm.s32 $0x13D00;
	s24 =	simm.s32 $0x2;
	[dreg:$0xa] =	wrdreg s26  }
0x14: {  	s23 =	simm.s32 $0x4;
	[dreg:$0xb] =	wrdreg s9;
	s18 =	sadd.s32 $0x14000, s5  }
0x15: {  	v0 =	vimm.f32 $0.0e+00;
	s25 =	simm.s32 $0x5;
	s26 =	simm.s32 $0x80;
	s5 =	simm.s32 $0x3  }
.LBB2_1:
0x16: {  	s9 =	simm.s32 $0x0;
	s10 =	simm.s32 $0x200  }
.LBB2_2:
0x17: {  	p0 =	sne.s32 s10, $0xFE00;
	[tilespmem:s9+$0x13F70] =	vst v0  }
0x18: {  	[tilespmem:s9+$0x13F00] =	vst v0  }
0x19: {  	[tilespmem:s9+$0x13F10] =	vst v0  }
.Ltmp0:
0x1a: {  	[tilespmem:s9+$0x13F20] =	vst v0;
	(pc) =	sbr.rel @p0 .LBB2_2-.Ltmp0, $4  }
0x1b: {  	[tilespmem:s9+$0x13F30] =	vst v0  }
0x1c: {  	[tilespmem:s9+$0x13F40] =	vst v0  }
0x1d: {  	[tilespmem:s9+$0x13F50] =	vst v0  }
0x1e: {  	[tilespmem:s9+$0x13F60] =	vst v0;
	s9 =	sshra.s32 s10, $0x2;
	s10 =	sadd.s32 $0x200, s10  }
0x1f: {  	[tilespmem:s9+$0x13F70] =	vst v0  }
0x20: {  	[tilespmem:s9+$0x13F00] =	vst v0  }
0x21: {  	[tilespmem:s9+$0x13F10] =	vst v0  }
0x22: {  	[tilespmem:s9+$0x13F20] =	vst v0  }
0x23: {  	[tilespmem:s9+$0x13F30] =	vst v0  }
0x24: {  	[tilespmem:s9+$0x13F40] =	vst v0  }
0x25: {  	[tilespmem:s9+$0x13F50] =	vst v0  }
0x26: {  	[tilespmem:s9+$0x13F60] =	vst v0  }
0x27: {  	[spmem:s8] =	stream.linear.scatter [tilespmem:s20], [sflag:$0x6], $0x4000, $0x38;
	[tilespmem:$0x1BF00] =	vst v63  }
0x28: {  	_ =	swait.ge [sflag:s21], $0x4000  }
0x29: {  	[sflag:s21] =	ssyncset.done $0x0  }
0x2a: {  	s10 =	rddreg [dreg:$0x5];
	[sflag:s21] =	ssyncadd.s32 $0xFFFFC000  }
0x2b: {  	[spmem:s10] =	stream.linear.scatter [tilespmem:s20], [sflag:$0x6], $0x4000, $0x38;
	[tilespmem:$0x1BF00] =	vst v63  }
0x2c: {  	_ =	swait.ge [sflag:s21], $0x4000  }
0x2d: {  	[sflag:s21] =	ssyncset.done $0x0  }
0x2e: {  	s11 =	rddreg [dreg:$0x6];
	[sflag:s21] =	ssyncadd.s32 $0xFFFFC000  }
0x2f: {  	[spmem:s11] =	stream.linear.scatter [tilespmem:s20], [sflag:$0x6], $0x4000, $0x38;
	[tilespmem:$0x1BF00] =	vst v63  }
0x30: {  	_ =	swait.ge [sflag:s21], $0x4000  }
0x31: {  	[sflag:s21] =	ssyncset.done $0x0  }
0x32: {  	s12 =	rddreg [dreg:$0x7];
	[sflag:s21] =	ssyncadd.s32 $0xFFFFC000  }
0x33: {  	[spmem:s12] =	stream.linear.scatter [tilespmem:s20], [sflag:$0x6], $0x4000, $0x38;
	[tilespmem:$0x1BF00] =	vst v63  }
0x34: {  	_ =	swait.ge [sflag:s21], $0x4000  }
0x35: {  	[sflag:s21] =	ssyncset.done $0x0  }
0x36: {  	s13 =	rddreg [dreg:$0x8];
	[sflag:s21] =	ssyncadd.s32 $0xFFFFC000  }
0x37: {  	[spmem:s13] =	stream.linear.scatter [tilespmem:s20], [sflag:$0x6], $0x3C00, $0x38;
	[tilespmem:$0x1BF00] =	vst v63  }
0x38: {  	_ =	swait.ge [sflag:s21], $0x3C00  }
0x39: {  	[sflag:s21] =	ssyncset.done $0x0  }
0x3a: {  	[sflag:s21] =	ssyncadd.s32 $0xFFFFC400  }
0x3b: {  	[bflag:$0x0] =	sbarrier.arrive $0xFFFF  }
0x3c: {  	s9 =	simm.s32 $0x0;
	s10 =	rddreg [dreg:$0x9]  }
0x3d: {  	[tilespmem:s22], [sflag:$0x5] =	stream.linear.gather [hbm4b:s10+s9], $0x80, $0x38;
	[tilespmem:$0x1BF00] =	vst v63  }
0x3e: {  	s11 =	simm.s32 $0x13C00;
	s14 =	rddreg [dreg:$0xa]  }
0x3f: {  	[tilespmem:s11], [sflag:$0x5] =	stream.linear.gather [hbm4b:s14+s9], $0x80, $0x38;
	[tilespmem:$0x1BF00] =	vst v63  }
0x40: {  	s12 =	simm.s32 $0x13E00;
	s15 =	rddreg [dreg:$0xb]  }
0x41: {  	[tilespmem:s12], [sflag:$0x5] =	stream.linear.gather [hbm4b:s15+s9], $0x80, $0x38;
	[tilespmem:$0x1BF00] =	vst v63  }
0x42: {  	_ =	swait.ge [sflag:s25], $0x80  }
0x43: {  	[sflag:s25] =	ssyncset.done $0x0  }
0x44: {  	[sflag:s25] =	ssyncadd.s32 $0xFFFFFF80  }
0x45: {  	_ =	swait.ge [sflag:s25], $0x80  }
0x46: {  	[sflag:s25] =	ssyncset.done $0x0  }
0x47: {  	[sflag:s25] =	ssyncadd.s32 $0xFFFFFF80  }
0x48: {  	_ =	swait.ge [sflag:s25], $0x80  }
0x49: {  	[sflag:s25] =	ssyncset.done $0x0  }
0x4a: {  	s10 =	simm.s32 $0x0;
	[sflag:s25] =	ssyncadd.s32 $0xFFFFFF80  }
0x4b: {  	[tilespmem:s20], [sflag:$0x1] =	stream.indirect.gather [hbm4b:s1+s26], $0x80, s11, s26, $0xb8;
	[tilespmem:$0x1BF00] =	vst v63  }
.LBB2_4:
0x4c: {  	p0 =	seq.s32 s10, $0x0  }
0x4d: {  	s11 =	sshll.u32 s10, $0x8;
	s12 =	simm.s32 @!p0 $0x4  }
0x4e: {  	s13 =	sadd.s32 s11, s16;
	_ =	swait.ge @!p0 [sflag:s12], $0x4000  }
0x4f: {  	s13 =	sshrl.u32 s13, $0x3;
	[sflag:s12] =	ssyncset.done @!p0 $0x0  }
0x50: {  	s15 =	sadd.s32 s2, s13;
	[sflag:s12] =	ssyncadd.s32 @!p0 $0xFFFFC000  }
0x51: {  	[tilespmem:s28], [sflag:$0x5] =	stream.linear.gather [hbm4b:s15+s9], $0x80, $0x38;
	[tilespmem:$0x1BF00] =	vst v63  }
0x52: {  	s14 =	sadd.s32 s3, s13  }
0x53: {  	[tilespmem:s29], [sflag:$0x5] =	stream.linear.gather [hbm4b:s14+s9], $0x80, $0x38;
	[tilespmem:$0x1BF00] =	vst v63  }
0x54: {  	s15 =	sadd.s32 s7, s13  }
0x55: {  	[tilespmem:s30], [sflag:$0x5] =	stream.linear.gather [hbm4b:s15+s9], $0x80, $0x38;
	[tilespmem:$0x1BF00] =	vst v63  }
0x56: {  	_ =	swait.ge [sflag:s25], $0x80  }
0x57: {  	[sflag:s25] =	ssyncset.done $0x0  }
0x58: {  	[sflag:s25] =	ssyncadd.s32 $0xFFFFFF80  }
0x59: {  	_ =	swait.ge [sflag:s25], $0x80  }
0x5a: {  	[sflag:s25] =	ssyncset.done $0x0  }
0x5b: {  	[sflag:s25] =	ssyncadd.s32 $0xFFFFFF80  }
0x5c: {  	_ =	swait.ge [sflag:s25], $0x80  }
0x5d: {  	[sflag:s25] =	ssyncset.done $0x0  }
0x5e: {  	[sflag:s25] =	ssyncadd.s32 $0xFFFFFF80  }
0x5f: {  	[tilespmem:s31], [sflag:$0x2] =	stream.indirect.gather [hbm4b:s1+s26], $0x80, s29, s26, $0xb8;
	[tilespmem:$0x1BF00] =	vst v63  }
0x60: {  	_ =	swait.ge [sflag:s0], $0x4000  }
0x61: {  	[sflag:s0] =	ssyncset.done $0x0  }
0x62: {  	s12 =	simm.s32 $0x0;
	[sflag:s0] =	ssyncadd.s32 $0xFFFFC000  }
.LBB2_5:
0x63: {  	s14 =	sshll.u32 s12, $0x4  }
0x64: {  	s13 =	sand.u32 $0x3FFFFFF0, s14  }
0x65: {  	s15 =	sshll.u32 s12, $0xB;
	v2 =	vld [tilespmem:s13+$0x13E00]  }
0x66: {  	s13 =	sand.u32 $0x3FFFF800, s15  }
0x67: {  	v1 =	vld [tilespmem:s13+$0x13F00]  }
0x68: {  	v3 =	vld [tilespmem:s13+$0x13F10]  }
0x69: {  	v4 =	vld [tilespmem:s13+$0x13F20]  }
0x6a: {  	v6 =	vld [tilespmem:s13+$0x13F30];
	v5 =	vbroadcast v2, $0x0  }
0x6b: {  	v7 =	vld [tilespmem:s13+$0x13F40]  }
0x6c: {  	v8 =	vld [tilespmem:s13+$0x13F50];
	v1 =	vmul.f32 v5, v1  }
0x6d: {  	v9 =	vld [tilespmem:s13+$0x13F60];
	v3 =	vmul.f32 v3, v5  }
0x6e: {  	[tilespmem:s13+$0x13F00] =	vst v1;
	v1 =	vmul.f32 v4, v5  }
0x6f: {  	[tilespmem:s13+$0x13F10] =	vst v3;
	v3 =	vmul.f32 v6, v5  }
0x70: {  	[tilespmem:s13+$0x13F20] =	vst v1;
	v1 =	vmul.f32 v7, v5  }
0x71: {  	[tilespmem:s13+$0x13F30] =	vst v3;
	v3 =	vmul.f32 v8, v5  }
0x72: {  	[tilespmem:s13+$0x13F40] =	vst v1;
	v1 =	vmul.f32 v9, v5  }
0x73: {  	[tilespmem:s13+$0x13F50] =	vst v3  }
0x74: {  	[tilespmem:s13+$0x13F60] =	vst v1  }
0x75: {  	v1 =	vld [tilespmem:s13+$0x13F70]  }
0x76: {  	v3 =	vld [tilespmem:s13+$0x13F80]  }
0x77: {  	v46 =	vld [tilespmem:s13+$0x13F90]  }
0x78: {  	v47 =	vld [tilespmem:s13+$0x13FA0]  }
0x79: {  	v48 =	vld [tilespmem:s13+$0x13FB0]  }
0x7a: {  	v49 =	vbroadcast v2, $0x1;
	v50 =	vld [tilespmem:s13+$0x13FC0]  }
0x7b: {  	v51 =	vld [tilespmem:s13+$0x13FD0];
	v1 =	vmul.f32 v1, v5  }
0x7c: {  	v10 =	vld [tilespmem:s13+$0x13FE0];
	v3 =	vmul.f32 v3, v49  }
0x7d: {  	v52 =	vld [tilespmem:s13+$0x13FF0];
	[tilespmem:s13+$0x13F70] =	vst v1;
	v1 =	vmul.f32 v46, v49  }
0x7e: {  	v53 =	vld [tilespmem:s13+$0x14000];
	[tilespmem:s13+$0x13F80] =	vst v3;
	v3 =	vmul.f32 v47, v49  }
0x7f: {  	v54 =	vld [tilespmem:s13+$0x14010];
	[tilespmem:s13+$0x13F90] =	vst v1;
	v1 =	vmul.f32 v48, v49  }
0x80: {  	v55 =	vld [tilespmem:s13+$0x14020];
	[tilespmem:s13+$0x13FA0] =	vst v3;
	v3 =	vmul.f32 v50, v49  }
0x81: {  	v56 =	vld [tilespmem:s13+$0x14030];
	[tilespmem:s13+$0x13FB0] =	vst v1;
	v1 =	vmul.f32 v51, v49  }
0x82: {  	v57 =	vbroadcast v2, $0x2;
	v11 =	vld [tilespmem:s13+$0x14040];
	[tilespmem:s13+$0x13FC0] =	vst v3;
	v3 =	vmul.f32 v10, v49  }
0x83: {  	v58 =	vld [tilespmem:s13+$0x14050];
	[tilespmem:s13+$0x13FD0] =	vst v1;
	v1 =	vmul.f32 v52, v49  }
0x84: {  	v59 =	vld [tilespmem:s13+$0x14060];
	[tilespmem:s13+$0x13FE0] =	vst v3;
	v3 =	vmul.f32 v53, v57  }
0x85: {  	v60 =	vld [tilespmem:s13+$0x14070];
	[tilespmem:s13+$0x13FF0] =	vst v1;
	v1 =	vmul.f32 v54, v57  }
0x86: {  	v61 =	vld [tilespmem:s13+$0x14080];
	[tilespmem:s13+$0x14000] =	vst v3;
	v3 =	vmul.f32 v55, v57  }
0x87: {  	v62 =	vld [tilespmem:s13+$0x14090];
	[tilespmem:s13+$0x14010] =	vst v1;
	v1 =	vmul.f32 v56, v57  }
0x88: {  	v63 =	vld [tilespmem:s13+$0x140A0];
	[tilespmem:s13+$0x14020] =	vst v3;
	v3 =	vmul.f32 v11, v57  }
0x89: {  	v12 =	vld [tilespmem:s13+$0x140B0];
	[tilespmem:s13+$0x14030] =	vst v1;
	v1 =	vmul.f32 v58, v57  }
0x8a: {  	v13 =	vbroadcast v2, $0x3;
	v14 =	vld [tilespmem:s13+$0x140C0];
	[tilespmem:s13+$0x14040] =	vst v3;
	v3 =	vmul.f32 v59, v57  }
0x8b: {  	v15 =	vld [tilespmem:s13+$0x140D0];
	[tilespmem:s13+$0x14050] =	vst v1;
	v1 =	vmul.f32 v60, v57  }
0x8c: {  	v16 =	vld [tilespmem:s13+$0x140E0];
	[tilespmem:s13+$0x14060] =	vst v3;
	v3 =	vmul.f32 v61, v13  }
0x8d: {  	v17 =	vld [tilespmem:s13+$0x140F0];
	[tilespmem:s13+$0x14070] =	vst v1;
	v1 =	vmul.f32 v62, v13  }
0x8e: {  	v18 =	vld [tilespmem:s13+$0x14100];
	[tilespmem:s13+$0x14080] =	vst v3;
	v3 =	vmul.f32 v63, v13  }
0x8f: {  	v19 =	vld [tilespmem:s13+$0x14110];
	[tilespmem:s13+$0x14090] =	vst v1;
	v1 =	vmul.f32 v12, v13  }
0x90: {  	v20 =	vld [tilespmem:s13+$0x14120];
	[tilespmem:s13+$0x140A0] =	vst v3;
	v3 =	vmul.f32 v14, v13  }
0x91: {  	v21 =	vld [tilespmem:s13+$0x14130];
	[tilespmem:s13+$0x140B0] =	vst v1;
	v1 =	vmul.f32 v15, v13  }
0x92: {  	v22 =	vbroadcast v2, $0x4;
	v23 =	vld [tilespmem:s13+$0x14140];
	[tilespmem:s13+$0x140C0] =	vst v3;
	v3 =	vmul.f32 v16, v13  }
0x93: {  	v24 =	vld [tilespmem:s13+$0x14150];
	[tilespmem:s13+$0x140D0] =	vst v1;
	v1 =	vmul.f32 v17, v13  }
0x94: {  	v25 =	vld [tilespmem:s13+$0x14160];
	[tilespmem:s13+$0x140E0] =	vst v3;
	v3 =	vmul.f32 v18, v22  }
0x95: {  	v26 =	vld [tilespmem:s13+$0x14170];
	[tilespmem:s13+$0x140F0] =	vst v1;
	v1 =	vmul.f32 v19, v22  }
0x96: {  	v27 =	vld [tilespmem:s13+$0x14180];
	[tilespmem:s13+$0x14100] =	vst v3;
	v3 =	vmul.f32 v20, v22  }
0x97: {  	v28 =	vld [tilespmem:s13+$0x14190];
	[tilespmem:s13+$0x14110] =	vst v1;
	v1 =	vmul.f32 v21, v22  }
0x98: {  	v29 =	vld [tilespmem:s13+$0x141A0];
	[tilespmem:s13+$0x14120] =	vst v3;
	v3 =	vmul.f32 v23, v22  }
0x99: {  	v30 =	vld [tilespmem:s13+$0x141B0];
	[tilespmem:s13+$0x14130] =	vst v1;
	v1 =	vmul.f32 v24, v22  }
0x9a: {  	v31 =	vbroadcast v2, $0x5;
	v32 =	vld [tilespmem:s13+$0x141C0];
	[tilespmem:s13+$0x14140] =	vst v3;
	v3 =	vmul.f32 v25, v22  }
0x9b: {  	v33 =	vld [tilespmem:s13+$0x141D0];
	[tilespmem:s13+$0x14150] =	vst v1;
	v1 =	vmul.f32 v26, v22  }
0x9c: {  	v34 =	vld [tilespmem:s13+$0x141E0];
	[tilespmem:s13+$0x14160] =	vst v3;
	v3 =	vmul.f32 v27, v31  }
0x9d: {  	v35 =	vld [tilespmem:s13+$0x141F0];
	[tilespmem:s13+$0x14170] =	vst v1;
	v1 =	vmul.f32 v28, v31  }
0x9e: {  	v36 =	vld [tilespmem:s13+$0x14200];
	[tilespmem:s13+$0x14180] =	vst v3;
	v3 =	vmul.f32 v29, v31  }
0x9f: {  	v37 =	vld [tilespmem:s13+$0x14210];
	[tilespmem:s13+$0x14190] =	vst v1;
	v1 =	vmul.f32 v30, v31  }
0xa0: {  	v38 =	vld [tilespmem:s13+$0x14220];
	[tilespmem:s13+$0x141A0] =	vst v3;
	v3 =	vmul.f32 v32, v31  }
0xa1: {  	v39 =	vld [tilespmem:s13+$0x14230];
	[tilespmem:s13+$0x141B0] =	vst v1;
	v1 =	vmul.f32 v33, v31  }
0xa2: {  	v40 =	vbroadcast v2, $0x6;
	v41 =	vld [tilespmem:s13+$0x14240];
	[tilespmem:s13+$0x141C0] =	vst v3;
	v3 =	vmul.f32 v34, v31  }
0xa3: {  	v42 =	vld [tilespmem:s13+$0x14250];
	[tilespmem:s13+$0x141D0] =	vst v1;
	v1 =	vmul.f32 v35, v31  }
0xa4: {  	v43 =	vld [tilespmem:s13+$0x14260];
	[tilespmem:s13+$0x141E0] =	vst v3;
	v3 =	vmul.f32 v36, v40  }
0xa5: {  	v44 =	vld [tilespmem:s13+$0x14270];
	[tilespmem:s13+$0x141F0] =	vst v1;
	v1 =	vmul.f32 v37, v40  }
0xa6: {  	v45 =	vld [tilespmem:s13+$0x14280];
	[tilespmem:s13+$0x14200] =	vst v3;
	v3 =	vmul.f32 v38, v40  }
0xa7: {  	v46 =	vld [tilespmem:s13+$0x14290];
	[tilespmem:s13+$0x14210] =	vst v1;
	v1 =	vmul.f32 v39, v40  }
0xa8: {  	v47 =	vld [tilespmem:s13+$0x142A0];
	[tilespmem:s13+$0x14220] =	vst v3;
	v3 =	vmul.f32 v41, v40  }
0xa9: {  	v48 =	vld [tilespmem:s13+$0x142B0];
	[tilespmem:s13+$0x14230] =	vst v1;
	v1 =	vmul.f32 v42, v40  }
0xaa: {  	v50 =	vld [tilespmem:s13+$0x142C0];
	v49 =	vbroadcast v2, $0x7;
	[tilespmem:s13+$0x14240] =	vst v3;
	v3 =	vmul.f32 v43, v40  }
0xab: {  	v51 =	vld [tilespmem:s13+$0x142D0];
	[tilespmem:s13+$0x14250] =	vst v1;
	v1 =	vmul.f32 v44, v40  }
0xac: {  	v52 =	vld [tilespmem:s13+$0x142E0];
	[tilespmem:s13+$0x14260] =	vst v3;
	v3 =	vmul.f32 v45, v49  }
0xad: {  	v53 =	vld [tilespmem:s13+$0x142F0];
	[tilespmem:s13+$0x14270] =	vst v1;
	v1 =	vmul.f32 v46, v49  }
0xae: {  	v54 =	vld [tilespmem:s13+$0x14300];
	[tilespmem:s13+$0x14280] =	vst v3;
	v3 =	vmul.f32 v47, v49  }
0xaf: {  	v55 =	vld [tilespmem:s13+$0x14310];
	[tilespmem:s13+$0x14290] =	vst v1;
	v1 =	vmul.f32 v48, v49  }
0xb0: {  	v56 =	vld [tilespmem:s13+$0x14320];
	[tilespmem:s13+$0x142A0] =	vst v3;
	v3 =	vmul.f32 v50, v49  }
0xb1: {  	v59 =	vld [tilespmem:s13+$0x14340];
	[tilespmem:s13+$0x142B0] =	vst v1;
	v1 =	vmul.f32 v51, v49  }
0xb2: {  	v58 =	vbroadcast v2, $0x8;
	v57 =	vld [tilespmem:s13+$0x14330];
	[tilespmem:s13+$0x142C0] =	vst v3;
	v3 =	vmul.f32 v52, v49  }
0xb3: {  	v60 =	vld [tilespmem:s13+$0x14350];
	[tilespmem:s13+$0x142D0] =	vst v1;
	v1 =	vmul.f32 v53, v49  }
0xb4: {  	v61 =	vld [tilespmem:s13+$0x14360];
	[tilespmem:s13+$0x142E0] =	vst v3;
	v3 =	vmul.f32 v54, v58  }
0xb5: {  	v62 =	vld [tilespmem:s13+$0x14370];
	[tilespmem:s13+$0x142F0] =	vst v1;
	v1 =	vmul.f32 v55, v58  }
0xb6: {  	v63 =	vld [tilespmem:s13+$0x14380];
	[tilespmem:s13+$0x14300] =	vst v3;
	v3 =	vmul.f32 v56, v58  }
0xb7: {  	v12 =	vld [tilespmem:s13+$0x14390];
	[tilespmem:s13+$0x14310] =	vst v1;
	v1 =	vmul.f32 v57, v58  }
0xb8: {  	v14 =	vld [tilespmem:s13+$0x143B0];
	[tilespmem:s13+$0x14320] =	vst v3;
	v3 =	vmul.f32 v59, v58  }
0xb9: {  	v13 =	vld [tilespmem:s13+$0x143A0];
	[tilespmem:s13+$0x14330] =	vst v1;
	v1 =	vmul.f32 v60, v58  }
0xba: {  	v15 =	vbroadcast v2, $0x9;
	v16 =	vld [tilespmem:s13+$0x143C0];
	[tilespmem:s13+$0x14340] =	vst v3;
	v3 =	vmul.f32 v61, v58  }
0xbb: {  	v17 =	vld [tilespmem:s13+$0x143D0];
	[tilespmem:s13+$0x14350] =	vst v1;
	v1 =	vmul.f32 v62, v58  }
0xbc: {  	v18 =	vld [tilespmem:s13+$0x143E0];
	[tilespmem:s13+$0x14360] =	vst v3;
	v3 =	vmul.f32 v63, v15  }
0xbd: {  	v19 =	vld [tilespmem:s13+$0x143F0];
	[tilespmem:s13+$0x14370] =	vst v1;
	v1 =	vmul.f32 v12, v15  }
0xbe: {  	v20 =	vld [tilespmem:s13+$0x14400];
	[tilespmem:s13+$0x14380] =	vst v3;
	v3 =	vmul.f32 v13, v15  }
0xbf: {  	v21 =	vld [tilespmem:s13+$0x14410];
	[tilespmem:s13+$0x14390] =	vst v1;
	v1 =	vmul.f32 v14, v15  }
0xc0: {  	v23 =	vld [tilespmem:s13+$0x14430];
	[tilespmem:s13+$0x143A0] =	vst v3;
	v3 =	vmul.f32 v16, v15  }
0xc1: {  	v22 =	vld [tilespmem:s13+$0x14420];
	[tilespmem:s13+$0x143B0] =	vst v1;
	v1 =	vmul.f32 v17, v15  }
0xc2: {  	v24 =	vbroadcast v2, $0xA;
	v25 =	vld [tilespmem:s13+$0x14440];
	[tilespmem:s13+$0x143C0] =	vst v3;
	v3 =	vmul.f32 v18, v15  }
0xc3: {  	v26 =	vld [tilespmem:s13+$0x14450];
	[tilespmem:s13+$0x143D0] =	vst v1;
	v1 =	vmul.f32 v19, v15  }
0xc4: {  	v27 =	vld [tilespmem:s13+$0x14460];
	[tilespmem:s13+$0x143E0] =	vst v3;
	v3 =	vmul.f32 v20, v24  }
0xc5: {  	v28 =	vld [tilespmem:s13+$0x14470];
	[tilespmem:s13+$0x143F0] =	vst v1;
	v1 =	vmul.f32 v21, v24  }
0xc6: {  	v29 =	vld [tilespmem:s13+$0x14480];
	[tilespmem:s13+$0x14400] =	vst v3;
	v3 =	vmul.f32 v22, v24  }
0xc7: {  	v30 =	vld [tilespmem:s13+$0x14490];
	[tilespmem:s13+$0x14410] =	vst v1;
	v1 =	vmul.f32 v23, v24  }
0xc8: {  	v32 =	vld [tilespmem:s13+$0x144B0];
	[tilespmem:s13+$0x14420] =	vst v3;
	v3 =	vmul.f32 v25, v24  }
0xc9: {  	v31 =	vld [tilespmem:s13+$0x144A0];
	[tilespmem:s13+$0x14430] =	vst v1;
	v1 =	vmul.f32 v26, v24  }
0xca: {  	v33 =	vbroadcast v2, $0xB;
	v34 =	vld [tilespmem:s13+$0x144C0];
	[tilespmem:s13+$0x14440] =	vst v3;
	v3 =	vmul.f32 v27, v24  }
0xcb: {  	v35 =	vld [tilespmem:s13+$0x144D0];
	[tilespmem:s13+$0x14450] =	vst v1;
	v1 =	vmul.f32 v28, v24  }
0xcc: {  	v36 =	vld [tilespmem:s13+$0x144E0];
	[tilespmem:s13+$0x14460] =	vst v3;
	v3 =	vmul.f32 v29, v33  }
0xcd: {  	v37 =	vld [tilespmem:s13+$0x144F0];
	[tilespmem:s13+$0x14470] =	vst v1;
	v1 =	vmul.f32 v30, v33  }
0xce: {  	v38 =	vld [tilespmem:s13+$0x14500];
	[tilespmem:s13+$0x14480] =	vst v3;
	v3 =	vmul.f32 v31, v33  }
0xcf: {  	v39 =	vld [tilespmem:s13+$0x14510];
	[tilespmem:s13+$0x14490] =	vst v1;
	v1 =	vmul.f32 v32, v33  }
0xd0: {  	v41 =	vld [tilespmem:s13+$0x14530];
	[tilespmem:s13+$0x144A0] =	vst v3;
	v3 =	vmul.f32 v34, v33  }
0xd1: {  	v40 =	vld [tilespmem:s13+$0x14520];
	[tilespmem:s13+$0x144B0] =	vst v1;
	v1 =	vmul.f32 v35, v33  }
0xd2: {  	v42 =	vbroadcast v2, $0xC;
	v43 =	vld [tilespmem:s13+$0x14540];
	[tilespmem:s13+$0x144C0] =	vst v3;
	v3 =	vmul.f32 v36, v33  }
0xd3: {  	v44 =	vld [tilespmem:s13+$0x14550];
	[tilespmem:s13+$0x144D0] =	vst v1;
	v1 =	vmul.f32 v37, v33  }
0xd4: {  	v45 =	vld [tilespmem:s13+$0x14560];
	[tilespmem:s13+$0x144E0] =	vst v3;
	v3 =	vmul.f32 v38, v42  }
0xd5: {  	v46 =	vld [tilespmem:s13+$0x14570];
	[tilespmem:s13+$0x144F0] =	vst v1;
	v1 =	vmul.f32 v39, v42  }
0xd6: {  	v47 =	vld [tilespmem:s13+$0x14580];
	[tilespmem:s13+$0x14500] =	vst v3;
	v3 =	vmul.f32 v40, v42  }
0xd7: {  	v48 =	vld [tilespmem:s13+$0x14590];
	[tilespmem:s13+$0x14510] =	vst v1;
	v1 =	vmul.f32 v41, v42  }
0xd8: {  	v50 =	vld [tilespmem:s13+$0x145B0];
	[tilespmem:s13+$0x14520] =	vst v3;
	v3 =	vmul.f32 v43, v42  }
0xd9: {  	v49 =	vld [tilespmem:s13+$0x145A0];
	[tilespmem:s13+$0x14530] =	vst v1;
	v1 =	vmul.f32 v44, v42  }
0xda: {  	v51 =	vbroadcast v2, $0xD;
	v52 =	vld [tilespmem:s13+$0x145C0];
	[tilespmem:s13+$0x14540] =	vst v3;
	v3 =	vmul.f32 v45, v42  }
0xdb: {  	v53 =	vld [tilespmem:s13+$0x145D0];
	[tilespmem:s13+$0x14550] =	vst v1;
	v1 =	vmul.f32 v46, v42  }
0xdc: {  	v54 =	vld [tilespmem:s13+$0x145E0];
	[tilespmem:s13+$0x14560] =	vst v3;
	v3 =	vmul.f32 v47, v51  }
0xdd: {  	v55 =	vld [tilespmem:s13+$0x145F0];
	[tilespmem:s13+$0x14570] =	vst v1;
	v1 =	vmul.f32 v48, v51  }
0xde: {  	v56 =	vld [tilespmem:s13+$0x14600];
	[tilespmem:s13+$0x14580] =	vst v3;
	v3 =	vmul.f32 v49, v51  }
0xdf: {  	v57 =	vld [tilespmem:s13+$0x14610];
	[tilespmem:s13+$0x14590] =	vst v1;
	v1 =	vmul.f32 v50, v51  }
0xe0: {  	v59 =	vld [tilespmem:s13+$0x14630];
	[tilespmem:s13+$0x145A0] =	vst v3;
	v3 =	vmul.f32 v52, v51  }
0xe1: {  	v58 =	vld [tilespmem:s13+$0x14620];
	[tilespmem:s13+$0x145B0] =	vst v1;
	v1 =	vmul.f32 v53, v51  }
0xe2: {  	v60 =	vbroadcast v2, $0xE;
	v61 =	vld [tilespmem:s13+$0x14640];
	[tilespmem:s13+$0x145C0] =	vst v3;
	v3 =	vmul.f32 v54, v51  }
0xe3: {  	v62 =	vld [tilespmem:s13+$0x14650];
	[tilespmem:s13+$0x145D0] =	vst v1;
	v1 =	vmul.f32 v55, v51  }
0xe4: {  	v63 =	vld [tilespmem:s13+$0x14660];
	[tilespmem:s13+$0x145E0] =	vst v3;
	v3 =	vmul.f32 v56, v60  }
0xe5: {  	v6 =	vmul.f32 v57, v60;
	v12 =	vld [tilespmem:s13+$0x14670];
	[tilespmem:s13+$0x145F0] =	vst v1  }
0xe6: {  	s15 =	sor.u32 $0x800, s15;
	[tilespmem:s13+$0x14600] =	vst v3;
	v3 =	vmul.f32 v58, v60;
	v1 =	vld [tilespmem:s14+$0x13E10]  }
0xe7: {  	v5 =	vmul.f32 v59, v60;
	v13 =	vld [tilespmem:s13+$0x14680];
	[tilespmem:s13+$0x14610] =	vst v6;
	s14 =	sand.u32 $0x3FFFF800, s15  }
0xe8: {  	v14 =	vld [tilespmem:s14+$0x13F00];
	[tilespmem:s13+$0x14620] =	vst v3;
	v3 =	vmul.f32 v61, v60  }
0xe9: {  	[tilespmem:s13+$0x14630] =	vst v5;
	v4 =	vmul.f32 v62, v60;
	v15 =	vld [tilespmem:s14+$0x13F10]  }
0xea: {  	v2 =	vbroadcast v2, $0xF;
	v16 =	vld [tilespmem:s14+$0x13F20];
	[tilespmem:s13+$0x14640] =	vst v3;
	v3 =	vmul.f32 v63, v60  }
0xeb: {  	[tilespmem:s13+$0x14650] =	vst v4;
	v17 =	vmul.f32 v12, v60;
	v19 =	vld [tilespmem:s14+$0x13F30];
	v18 =	vbroadcast v1, $0x0  }
0xec: {  	v20 =	vld [tilespmem:s14+$0x13F40];
	[tilespmem:s13+$0x14660] =	vst v3;
	v3 =	vmul.f32 v13, v2  }
0xed: {  	[tilespmem:s13+$0x14670] =	vst v17;
	v22 =	vld [tilespmem:s14+$0x13F50];
	v21 =	vmul.f32 v18, v14  }
0xee: {  	v23 =	vld [tilespmem:s14+$0x13F60];
	[tilespmem:s13+$0x14680] =	vst v3;
	v3 =	vmul.f32 v15, v18  }
0xef: {  	v25 =	vld [tilespmem:s14+$0x13F70];
	v24 =	vmul.f32 v16, v18;
	[tilespmem:s14+$0x13F00] =	vst v21  }
0xf0: {  	v9 =	vmul.f32 v19, v18;
	[tilespmem:s14+$0x13F10] =	vst v3;
	v3 =	vld [tilespmem:s13+$0x14690]  }
0xf1: {  	v26 =	vld [tilespmem:s13+$0x146A0];
	v6 =	vmul.f32 v20, v18;
	[tilespmem:s14+$0x13F20] =	vst v24  }
0xf2: {  	v27 =	vld [tilespmem:s13+$0x146B0];
	v10 =	vmul.f32 v22, v18;
	[tilespmem:s14+$0x13F30] =	vst v9  }
0xf3: {  	v28 =	vld [tilespmem:s13+$0x146C0];
	v5 =	vmul.f32 v23, v18;
	[tilespmem:s14+$0x13F40] =	vst v6  }
0xf4: {  	v29 =	vld [tilespmem:s13+$0x146D0];
	v7 =	vmul.f32 v25, v18;
	[tilespmem:s14+$0x13F50] =	vst v10  }
0xf5: {  	v30 =	vld [tilespmem:s13+$0x146E0];
	[tilespmem:s14+$0x13F60] =	vst v5;
	v3 =	vmul.f32 v3, v2  }
0xf6: {  	v31 =	vld [tilespmem:s13+$0x146F0];
	v4 =	vmul.f32 v26, v2;
	[tilespmem:s14+$0x13F70] =	vst v7  }
0xf7: {  	v7 =	vld [tilespmem:s13+$0x14780];
	[tilespmem:s13+$0x14690] =	vst v3;
	v3 =	vmul.f32 v27, v2  }
0xf8: {  	[tilespmem:s13+$0x146A0] =	vst v4;
	v32 =	vmul.f32 v28, v2;
	v33 =	vld [tilespmem:s13+$0x14790]  }
0xf9: {  	v34 =	vld [tilespmem:s13+$0x147A0];
	[tilespmem:s13+$0x146B0] =	vst v3;
	v3 =	vmul.f32 v29, v2  }
0xfa: {  	[tilespmem:s13+$0x146C0] =	vst v32;
	v35 =	vmul.f32 v30, v2;
	v36 =	vbroadcast v1, $0x1;
	v37 =	vld [tilespmem:s13+$0x147B0]  }
0xfb: {  	v2 =	vmul.f32 v31, v2;
	[tilespmem:s13+$0x146D0] =	vst v3;
	v3 =	vld [tilespmem:s13+$0x147C0]  }
0xfc: {  	[tilespmem:s13+$0x146E0] =	vst v35;
	v39 =	vld [tilespmem:s13+$0x147D0];
	v38 =	vmul.f32 v7, v36  }
0xfd: {  	v40 =	vld [tilespmem:s13+$0x147E0];
	[tilespmem:s13+$0x146F0] =	vst v2;
	v2 =	vmul.f32 v33, v36  }
0xfe: {  	v42 =	vld [tilespmem:s13+$0x147F0];
	v41 =	vmul.f32 v34, v36;
	[tilespmem:s13+$0x14780] =	vst v38  }
0xff: {  	v43 =	vld [tilespmem:s13+$0x14800];
	[tilespmem:s13+$0x14790] =	vst v2;
	v2 =	vmul.f32 v37, v36  }
0x100: {  	v44 =	vld [tilespmem:s13+$0x14810];
	[tilespmem:s13+$0x147A0] =	vst v41;
	v3 =	vmul.f32 v3, v36  }
0x101: {  	v45 =	vld [tilespmem:s13+$0x14820];
	[tilespmem:s13+$0x147B0] =	vst v2;
	v2 =	vmul.f32 v39, v36  }
0x102: {  	v46 =	vbroadcast v1, $0x2;
	v47 =	vld [tilespmem:s13+$0x14830];
	[tilespmem:s13+$0x147C0] =	vst v3;
	v3 =	vmul.f32 v40, v36  }
0x103: {  	v48 =	vld [tilespmem:s13+$0x14840];
	[tilespmem:s13+$0x147D0] =	vst v2;
	v2 =	vmul.f32 v42, v36  }
0x104: {  	v49 =	vld [tilespmem:s13+$0x14850];
	[tilespmem:s13+$0x147E0] =	vst v3;
	v3 =	vmul.f32 v43, v46  }
0x105: {  	v50 =	vld [tilespmem:s13+$0x14860];
	[tilespmem:s13+$0x147F0] =	vst v2;
	v2 =	vmul.f32 v44, v46  }
0x106: {  	v51 =	vld [tilespmem:s13+$0x14870];
	[tilespmem:s13+$0x14800] =	vst v3;
	v3 =	vmul.f32 v45, v46  }
0x107: {  	v52 =	vld [tilespmem:s13+$0x14880];
	[tilespmem:s13+$0x14810] =	vst v2;
	v2 =	vmul.f32 v47, v46  }
0x108: {  	v53 =	vld [tilespmem:s13+$0x14890];
	[tilespmem:s13+$0x14820] =	vst v3;
	v3 =	vmul.f32 v48, v46  }
0x109: {  	v54 =	vld [tilespmem:s13+$0x148A0];
	[tilespmem:s13+$0x14830] =	vst v2;
	v2 =	vmul.f32 v49, v46  }
0x10a: {  	v55 =	vbroadcast v1, $0x3;
	v56 =	vld [tilespmem:s13+$0x148B0];
	[tilespmem:s13+$0x14840] =	vst v3;
	v3 =	vmul.f32 v50, v46  }
0x10b: {  	v57 =	vld [tilespmem:s13+$0x148C0];
	[tilespmem:s13+$0x14850] =	vst v2;
	v2 =	vmul.f32 v51, v46  }
0x10c: {  	v58 =	vld [tilespmem:s13+$0x148D0];
	[tilespmem:s13+$0x14860] =	vst v3;
	v3 =	vmul.f32 v52, v55  }
0x10d: {  	v59 =	vld [tilespmem:s13+$0x148E0];
	[tilespmem:s13+$0x14870] =	vst v2;
	v2 =	vmul.f32 v53, v55  }
0x10e: {  	v60 =	vld [tilespmem:s13+$0x148F0];
	[tilespmem:s13+$0x14880] =	vst v3;
	v3 =	vmul.f32 v54, v55  }
0x10f: {  	v61 =	vld [tilespmem:s13+$0x14900];
	[tilespmem:s13+$0x14890] =	vst v2;
	v2 =	vmul.f32 v56, v55  }
0x110: {  	v62 =	vld [tilespmem:s13+$0x14910];
	[tilespmem:s13+$0x148A0] =	vst v3;
	v3 =	vmul.f32 v57, v55  }
0x111: {  	v63 =	vld [tilespmem:s13+$0x14920];
	[tilespmem:s13+$0x148B0] =	vst v2;
	v2 =	vmul.f32 v58, v55  }
0x112: {  	v12 =	vbroadcast v1, $0x4;
	v13 =	vld [tilespmem:s13+$0x14930];
	[tilespmem:s13+$0x148C0] =	vst v3;
	v3 =	vmul.f32 v59, v55  }
0x113: {  	v14 =	vld [tilespmem:s13+$0x14940];
	[tilespmem:s13+$0x148D0] =	vst v2;
	v2 =	vmul.f32 v60, v55  }
0x114: {  	v15 =	vld [tilespmem:s13+$0x14950];
	[tilespmem:s13+$0x148E0] =	vst v3;
	v3 =	vmul.f32 v61, v12  }
0x115: {  	v16 =	vld [tilespmem:s13+$0x14960];
	[tilespmem:s13+$0x148F0] =	vst v2;
	v2 =	vmul.f32 v62, v12  }
0x116: {  	v17 =	vld [tilespmem:s13+$0x14970];
	[tilespmem:s13+$0x14900] =	vst v3;
	v3 =	vmul.f32 v63, v12  }
0x117: {  	v18 =	vld [tilespmem:s13+$0x14980];
	[tilespmem:s13+$0x14910] =	vst v2;
	v2 =	vmul.f32 v13, v12  }
0x118: {  	v19 =	vld [tilespmem:s13+$0x14990];
	[tilespmem:s13+$0x14920] =	vst v3;
	v3 =	vmul.f32 v14, v12  }
0x119: {  	v20 =	vld [tilespmem:s13+$0x149A0];
	[tilespmem:s13+$0x14930] =	vst v2;
	v2 =	vmul.f32 v15, v12  }
0x11a: {  	v21 =	vbroadcast v1, $0x5;
	v22 =	vld [tilespmem:s13+$0x149B0];
	[tilespmem:s13+$0x14940] =	vst v3;
	v3 =	vmul.f32 v16, v12  }
0x11b: {  	v23 =	vld [tilespmem:s13+$0x149C0];
	[tilespmem:s13+$0x14950] =	vst v2;
	v2 =	vmul.f32 v17, v12  }
0x11c: {  	v24 =	vld [tilespmem:s13+$0x149D0];
	[tilespmem:s13+$0x14960] =	vst v3;
	v3 =	vmul.f32 v18, v21  }
0x11d: {  	v25 =	vld [tilespmem:s13+$0x149E0];
	[tilespmem:s13+$0x14970] =	vst v2;
	v2 =	vmul.f32 v19, v21  }
0x11e: {  	v26 =	vld [tilespmem:s13+$0x149F0];
	[tilespmem:s13+$0x14980] =	vst v3;
	v3 =	vmul.f32 v20, v21  }
0x11f: {  	v27 =	vld [tilespmem:s13+$0x14A00];
	[tilespmem:s13+$0x14990] =	vst v2;
	v2 =	vmul.f32 v22, v21  }
0x120: {  	v28 =	vld [tilespmem:s13+$0x14A10];
	[tilespmem:s13+$0x149A0] =	vst v3;
	v3 =	vmul.f32 v23, v21  }
0x121: {  	v29 =	vld [tilespmem:s13+$0x14A20];
	[tilespmem:s13+$0x149B0] =	vst v2;
	v2 =	vmul.f32 v24, v21  }
0x122: {  	v30 =	vbroadcast v1, $0x6;
	v31 =	vld [tilespmem:s13+$0x14A30];
	[tilespmem:s13+$0x149C0] =	vst v3;
	v3 =	vmul.f32 v25, v21  }
0x123: {  	v32 =	vld [tilespmem:s13+$0x14A40];
	[tilespmem:s13+$0x149D0] =	vst v2;
	v2 =	vmul.f32 v26, v21  }
0x124: {  	v33 =	vld [tilespmem:s13+$0x14A50];
	[tilespmem:s13+$0x149E0] =	vst v3;
	v3 =	vmul.f32 v27, v30  }
0x125: {  	v34 =	vld [tilespmem:s13+$0x14A60];
	[tilespmem:s13+$0x149F0] =	vst v2;
	v2 =	vmul.f32 v28, v30  }
0x126: {  	v35 =	vld [tilespmem:s13+$0x14A70];
	[tilespmem:s13+$0x14A00] =	vst v3;
	v3 =	vmul.f32 v29, v30  }
0x127: {  	v36 =	vld [tilespmem:s13+$0x14A80];
	[tilespmem:s13+$0x14A10] =	vst v2;
	v2 =	vmul.f32 v31, v30  }
0x128: {  	v37 =	vld [tilespmem:s13+$0x14A90];
	[tilespmem:s13+$0x14A20] =	vst v3;
	v3 =	vmul.f32 v32, v30  }
0x129: {  	v38 =	vld [tilespmem:s13+$0x14AA0];
	[tilespmem:s13+$0x14A30] =	vst v2;
	v2 =	vmul.f32 v33, v30  }
0x12a: {  	v39 =	vbroadcast v1, $0x7;
	v40 =	vld [tilespmem:s13+$0x14AB0];
	[tilespmem:s13+$0x14A40] =	vst v3;
	v3 =	vmul.f32 v34, v30  }
0x12b: {  	v41 =	vld [tilespmem:s13+$0x14AC0];
	[tilespmem:s13+$0x14A50] =	vst v2;
	v2 =	vmul.f32 v35, v30  }
0x12c: {  	v42 =	vld [tilespmem:s13+$0x14AD0];
	[tilespmem:s13+$0x14A60] =	vst v3;
	v3 =	vmul.f32 v36, v39  }
0x12d: {  	v43 =	vld [tilespmem:s13+$0x14AE0];
	[tilespmem:s13+$0x14A70] =	vst v2;
	v2 =	vmul.f32 v37, v39  }
0x12e: {  	v44 =	vld [tilespmem:s13+$0x14AF0];
	[tilespmem:s13+$0x14A80] =	vst v3;
	v3 =	vmul.f32 v38, v39  }
0x12f: {  	v45 =	vld [tilespmem:s13+$0x14B00];
	[tilespmem:s13+$0x14A90] =	vst v2;
	v2 =	vmul.f32 v40, v39  }
0x130: {  	v46 =	vld [tilespmem:s13+$0x14B10];
	[tilespmem:s13+$0x14AA0] =	vst v3;
	v3 =	vmul.f32 v41, v39  }
0x131: {  	v47 =	vld [tilespmem:s13+$0x14B20];
	[tilespmem:s13+$0x14AB0] =	vst v2;
	v2 =	vmul.f32 v42, v39  }
0x132: {  	v49 =	vld [tilespmem:s13+$0x14B30];
	v48 =	vbroadcast v1, $0x8;
	[tilespmem:s13+$0x14AC0] =	vst v3;
	v3 =	vmul.f32 v43, v39  }
0x133: {  	v50 =	vld [tilespmem:s13+$0x14B40];
	[tilespmem:s13+$0x14AD0] =	vst v2;
	v2 =	vmul.f32 v44, v39  }
0x134: {  	v51 =	vld [tilespmem:s13+$0x14B50];
	[tilespmem:s13+$0x14AE0] =	vst v3;
	v3 =	vmul.f32 v45, v48  }
0x135: {  	v52 =	vld [tilespmem:s13+$0x14B60];
	[tilespmem:s13+$0x14AF0] =	vst v2;
	v2 =	vmul.f32 v46, v48  }
0x136: {  	v53 =	vld [tilespmem:s13+$0x14B70];
	[tilespmem:s13+$0x14B00] =	vst v3;
	v3 =	vmul.f32 v47, v48  }
0x137: {  	v54 =	vld [tilespmem:s13+$0x14B80];
	[tilespmem:s13+$0x14B10] =	vst v2;
	v2 =	vmul.f32 v49, v48  }
0x138: {  	v55 =	vld [tilespmem:s13+$0x14B90];
	[tilespmem:s13+$0x14B20] =	vst v3;
	v3 =	vmul.f32 v50, v48  }
0x139: {  	v56 =	vld [tilespmem:s13+$0x14BA0];
	[tilespmem:s13+$0x14B30] =	vst v2;
	v2 =	vmul.f32 v51, v48  }
0x13a: {  	v58 =	vld [tilespmem:s13+$0x14BB0];
	v57 =	vbroadcast v1, $0x9;
	[tilespmem:s13+$0x14B40] =	vst v3;
	v3 =	vmul.f32 v52, v48  }
0x13b: {  	v59 =	vld [tilespmem:s13+$0x14BC0];
	[tilespmem:s13+$0x14B50] =	vst v2;
	v2 =	vmul.f32 v53, v48  }
0x13c: {  	v60 =	vld [tilespmem:s13+$0x14BD0];
	[tilespmem:s13+$0x14B60] =	vst v3;
	v3 =	vmul.f32 v54, v57  }
0x13d: {  	v61 =	vld [tilespmem:s13+$0x14BE0];
	[tilespmem:s13+$0x14B70] =	vst v2;
	v2 =	vmul.f32 v55, v57  }
0x13e: {  	v62 =	vld [tilespmem:s13+$0x14BF0];
	[tilespmem:s13+$0x14B80] =	vst v3;
	v3 =	vmul.f32 v56, v57  }
0x13f: {  	v63 =	vld [tilespmem:s13+$0x14C00];
	[tilespmem:s13+$0x14B90] =	vst v2;
	v2 =	vmul.f32 v58, v57  }
0x140: {  	v12 =	vld [tilespmem:s13+$0x14C10];
	[tilespmem:s13+$0x14BA0] =	vst v3;
	v3 =	vmul.f32 v59, v57  }
0x141: {  	v13 =	vld [tilespmem:s13+$0x14C20];
	[tilespmem:s13+$0x14BB0] =	vst v2;
	v2 =	vmul.f32 v60, v57  }
0x142: {  	v15 =	vld [tilespmem:s13+$0x14C30];
	v14 =	vbroadcast v1, $0xA;
	[tilespmem:s13+$0x14BC0] =	vst v3;
	v3 =	vmul.f32 v61, v57  }
0x143: {  	v16 =	vld [tilespmem:s13+$0x14C40];
	[tilespmem:s13+$0x14BD0] =	vst v2;
	v2 =	vmul.f32 v62, v57  }
0x144: {  	v17 =	vld [tilespmem:s13+$0x14C50];
	[tilespmem:s13+$0x14BE0] =	vst v3;
	v3 =	vmul.f32 v63, v14  }
0x145: {  	v18 =	vld [tilespmem:s13+$0x14C60];
	[tilespmem:s13+$0x14BF0] =	vst v2;
	v2 =	vmul.f32 v12, v14  }
0x146: {  	v19 =	vld [tilespmem:s13+$0x14C70];
	[tilespmem:s13+$0x14C00] =	vst v3;
	v3 =	vmul.f32 v13, v14  }
0x147: {  	v20 =	vld [tilespmem:s13+$0x14C80];
	[tilespmem:s13+$0x14C10] =	vst v2;
	v2 =	vmul.f32 v15, v14  }
0x148: {  	v21 =	vld [tilespmem:s13+$0x14C90];
	[tilespmem:s13+$0x14C20] =	vst v3;
	v3 =	vmul.f32 v16, v14  }
0x149: {  	v22 =	vld [tilespmem:s13+$0x14CA0];
	[tilespmem:s13+$0x14C30] =	vst v2;
	v2 =	vmul.f32 v17, v14  }
0x14a: {  	v24 =	vld [tilespmem:s13+$0x14CB0];
	v23 =	vbroadcast v1, $0xB;
	[tilespmem:s13+$0x14C40] =	vst v3;
	v3 =	vmul.f32 v18, v14  }
0x14b: {  	v25 =	vld [tilespmem:s13+$0x14CC0];
	[tilespmem:s13+$0x14C50] =	vst v2;
	v2 =	vmul.f32 v19, v14  }
0x14c: {  	v26 =	vld [tilespmem:s13+$0x14CD0];
	[tilespmem:s13+$0x14C60] =	vst v3;
	v3 =	vmul.f32 v20, v23  }
0x14d: {  	v27 =	vld [tilespmem:s13+$0x14CE0];
	[tilespmem:s13+$0x14C70] =	vst v2;
	v2 =	vmul.f32 v21, v23  }
0x14e: {  	v28 =	vld [tilespmem:s13+$0x14CF0];
	[tilespmem:s13+$0x14C80] =	vst v3;
	v3 =	vmul.f32 v22, v23  }
0x14f: {  	v29 =	vld [tilespmem:s13+$0x14D00];
	[tilespmem:s13+$0x14C90] =	vst v2;
	v2 =	vmul.f32 v24, v23  }
0x150: {  	v30 =	vld [tilespmem:s13+$0x14D10];
	[tilespmem:s13+$0x14CA0] =	vst v3;
	v3 =	vmul.f32 v25, v23  }
0x151: {  	v31 =	vld [tilespmem:s13+$0x14D20];
	[tilespmem:s13+$0x14CB0] =	vst v2;
	v2 =	vmul.f32 v26, v23  }
0x152: {  	v33 =	vld [tilespmem:s13+$0x14D30];
	v32 =	vbroadcast v1, $0xC;
	[tilespmem:s13+$0x14CC0] =	vst v3;
	v3 =	vmul.f32 v27, v23  }
0x153: {  	v34 =	vld [tilespmem:s13+$0x14D40];
	[tilespmem:s13+$0x14CD0] =	vst v2;
	v2 =	vmul.f32 v28, v23  }
0x154: {  	v35 =	vld [tilespmem:s13+$0x14D50];
	[tilespmem:s13+$0x14CE0] =	vst v3;
	v3 =	vmul.f32 v29, v32  }
0x155: {  	v36 =	vld [tilespmem:s13+$0x14D60];
	[tilespmem:s13+$0x14CF0] =	vst v2;
	v2 =	vmul.f32 v30, v32  }
0x156: {  	v37 =	vld [tilespmem:s13+$0x14D70];
	[tilespmem:s13+$0x14D00] =	vst v3;
	v3 =	vmul.f32 v31, v32  }
0x157: {  	v38 =	vld [tilespmem:s13+$0x14D80];
	[tilespmem:s13+$0x14D10] =	vst v2;
	v2 =	vmul.f32 v33, v32  }
0x158: {  	v39 =	vld [tilespmem:s13+$0x14D90];
	[tilespmem:s13+$0x14D20] =	vst v3;
	v3 =	vmul.f32 v34, v32  }
0x159: {  	v40 =	vld [tilespmem:s13+$0x14DA0];
	[tilespmem:s13+$0x14D30] =	vst v2;
	v2 =	vmul.f32 v35, v32  }
0x15a: {  	v42 =	vld [tilespmem:s13+$0x14DB0];
	v41 =	vbroadcast v1, $0xD;
	[tilespmem:s13+$0x14D40] =	vst v3;
	v3 =	vmul.f32 v36, v32  }
0x15b: {  	v43 =	vld [tilespmem:s13+$0x14DC0];
	[tilespmem:s13+$0x14D50] =	vst v2;
	v2 =	vmul.f32 v37, v32  }
0x15c: {  	v44 =	vld [tilespmem:s13+$0x14DD0];
	[tilespmem:s13+$0x14D60] =	vst v3;
	v3 =	vmul.f32 v38, v41  }
0x15d: {  	v45 =	vld [tilespmem:s13+$0x14DE0];
	[tilespmem:s13+$0x14D70] =	vst v2;
	v2 =	vmul.f32 v39, v41  }
0x15e: {  	v46 =	vld [tilespmem:s13+$0x14DF0];
	[tilespmem:s13+$0x14D80] =	vst v3;
	v3 =	vmul.f32 v40, v41  }
0x15f: {  	v47 =	vld [tilespmem:s13+$0x14E00];
	[tilespmem:s13+$0x14D90] =	vst v2;
	v2 =	vmul.f32 v42, v41  }
0x160: {  	v48 =	vld [tilespmem:s13+$0x14E10];
	[tilespmem:s13+$0x14DA0] =	vst v3;
	v3 =	vmul.f32 v43, v41  }
0x161: {  	v49 =	vld [tilespmem:s13+$0x14E20];
	[tilespmem:s13+$0x14DB0] =	vst v2;
	v2 =	vmul.f32 v44, v41  }
0x162: {  	v51 =	vld [tilespmem:s13+$0x14E30];
	v50 =	vbroadcast v1, $0xE;
	[tilespmem:s13+$0x14DC0] =	vst v3;
	v3 =	vmul.f32 v45, v41  }
0x163: {  	v52 =	vld [tilespmem:s13+$0x14E40];
	[tilespmem:s13+$0x14DD0] =	vst v2;
	v2 =	vmul.f32 v46, v41  }
0x164: {  	v53 =	vld [tilespmem:s13+$0x14E50];
	[tilespmem:s13+$0x14DE0] =	vst v3;
	v3 =	vmul.f32 v47, v50  }
0x165: {  	v54 =	vld [tilespmem:s13+$0x14E60];
	[tilespmem:s13+$0x14DF0] =	vst v2;
	v2 =	vmul.f32 v48, v50  }
0x166: {  	v55 =	vld [tilespmem:s13+$0x14E70];
	[tilespmem:s13+$0x14E00] =	vst v3;
	v3 =	vmul.f32 v49, v50  }
0x167: {  	v56 =	vld [tilespmem:s13+$0x14E80];
	[tilespmem:s13+$0x14E10] =	vst v2;
	v2 =	vmul.f32 v51, v50  }
0x168: {  	v57 =	vld [tilespmem:s13+$0x14E90];
	[tilespmem:s13+$0x14E20] =	vst v3;
	v3 =	vmul.f32 v52, v50  }
0x169: {  	v58 =	vld [tilespmem:s13+$0x14EA0];
	[tilespmem:s13+$0x14E30] =	vst v2;
	v2 =	vmul.f32 v53, v50  }
0x16a: {  	v1 =	vbroadcast v1, $0xF;
	v59 =	vld [tilespmem:s13+$0x14EB0];
	[tilespmem:s13+$0x14E40] =	vst v3;
	v3 =	vmul.f32 v54, v50  }
0x16b: {  	v60 =	vld [tilespmem:s13+$0x14EC0];
	[tilespmem:s13+$0x14E50] =	vst v2;
	v2 =	vmul.f32 v55, v50  }
0x16c: {  	v61 =	vld [tilespmem:s13+$0x14ED0];
	[tilespmem:s13+$0x14E60] =	vst v3;
	v3 =	vmul.f32 v56, v1  }
0x16d: {  	v62 =	vld [tilespmem:s13+$0x14EE0];
	[tilespmem:s13+$0x14E70] =	vst v2;
	v2 =	vmul.f32 v57, v1  }
0x16e: {  	v63 =	vld [tilespmem:s13+$0x14EF0];
	[tilespmem:s13+$0x14E80] =	vst v3;
	v3 =	vmul.f32 v58, v1  }
0x16f: {  	[tilespmem:s13+$0x14E90] =	vst v2;
	v2 =	vmul.f32 v59, v1  }
0x170: {  	p0 =	slt.u32 s12, $0x6;
	[tilespmem:s13+$0x14EA0] =	vst v3;
	v3 =	vmul.f32 v60, v1  }
.Ltmp1:
0x171: {  	[tilespmem:s13+$0x14EB0] =	vst v2;
	v2 =	vmul.f32 v61, v1;
	(pc) =	sbr.rel @p0 .LBB2_5-.Ltmp1, $4  }
0x172: {  	[tilespmem:s13+$0x14EC0] =	vst v3;
	v3 =	vmul.f32 v62, v1  }
0x173: {  	[tilespmem:s13+$0x14ED0] =	vst v2;
	v1 =	vmul.f32 v63, v1  }
0x174: {  	s15 =	sadd.s32 $0x2, s12;
	[tilespmem:s13+$0x14EE0] =	vst v3  }
0x175: {  	s12 =	smov.u32 s15;
	[tilespmem:s13+$0x14EF0] =	vst v1  }
0x176: {  	[spmem:s4] =	stream.indirect.scatter.add.f32 [tilespmem:s20], [sflag:$0x3], $0x80, s22, s26, $0xb8;
	[tilespmem:$0x1BF00] =	vst v63  }
0x177: {  	p0 =	seq.s32 s10, $0x27  }
0x178: {  	s12 =	simm.s32 @!p0 $0x3  }
0x179: {  	s11 =	sadd.s32 @!p0 s11, s17;
	_ =	swait.ge @!p0 [sflag:s12], $0x4000  }
0x17a: {  	s13 =	simm.s32 @!p0 $0x0;
	s11 =	sshrl.u32 @!p0 s11, $0x3;
	[sflag:s12] =	ssyncset.done @!p0 $0x0  }
0x17b: {  	s14 =	simm.s32 @!p0 $0x13D00;
	[sflag:s12] =	ssyncadd.s32 @!p0 $0xFFFFC000;
	s12 =	sadd.s32 @!p0 s2, s11  }
0x17c: {  	[tilespmem:s14], [sflag:$0x5] =	stream.linear.gather @!p0 [hbm4b:s12+s13], $0x80, $0x38;
	[tilespmem:$0x1BF00] =	vst v63  }
0x17d: {  	s12 =	sadd.s32 @!p0 s3, s11;
	s14 =	simm.s32 @!p0 $0x13C00  }
0x17e: {  	[tilespmem:s14], [sflag:$0x5] =	stream.linear.gather @!p0 [hbm4b:s12+s13], $0x80, $0x38;
	[tilespmem:$0x1BF00] =	vst v63  }
0x17f: {  	s11 =	sadd.s32 @!p0 s7, s11;
	s12 =	simm.s32 @!p0 $0x13E00  }
0x180: {  	[tilespmem:s12], [sflag:$0x5] =	stream.linear.gather @!p0 [hbm4b:s11+s13], $0x80, $0x38;
	[tilespmem:$0x1BF00] =	vst v63  }
0x181: {  	s11 =	simm.s32 @!p0 $0x5  }
0x182: {  	_ =	swait.ge @!p0 [sflag:s11], $0x80  }
0x183: {  	[sflag:s11] =	ssyncset.done @!p0 $0x0  }
0x184: {  	[sflag:s11] =	ssyncadd.s32 @!p0 $0xFFFFFF80  }
0x185: {  	_ =	swait.ge @!p0 [sflag:s11], $0x80  }
0x186: {  	[sflag:s11] =	ssyncset.done @!p0 $0x0  }
0x187: {  	[sflag:s11] =	ssyncadd.s32 @!p0 $0xFFFFFF80  }
0x188: {  	_ =	swait.ge @!p0 [sflag:s11], $0x80  }
0x189: {  	[sflag:s11] =	ssyncset.done @!p0 $0x0  }
0x18a: {  	s12 =	simm.s32 @!p0 $0x13F00;
	[sflag:s11] =	ssyncadd.s32 @!p0 $0xFFFFFF80;
	s11 =	simm.s32 @!p0 $0x80  }
0x18b: {  	[tilespmem:s12], [sflag:$0x1] =	stream.indirect.gather @!p0 [hbm4b:s1+s11], $0x80, s14, s11, $0xb8;
	[tilespmem:$0x1BF00] =	vst v63  }
0x18c: {  	_ =	swait.ge [sflag:s24], $0x4000  }
0x18d: {  	[sflag:s24] =	ssyncset.done $0x0  }
0x18e: {  	s11 =	simm.s32 $0x0;
	[sflag:s24] =	ssyncadd.s32 $0xFFFFC000  }
.LBB2_7:
0x18f: {  	s13 =	sshll.u32 s11, $0x4  }
0x190: {  	s12 =	sand.u32 $0x3FFFFFF0, s13  }
0x191: {  	s14 =	sshll.u32 s11, $0xB;
	v2 =	vld [tilespmem:s12+$0x13E80]  }
0x192: {  	s12 =	sand.u32 $0x3FFFF800, s14  }
0x193: {  	v1 =	vld [tilespmem:s12+$0x17F00]  }
0x194: {  	v3 =	vld [tilespmem:s12+$0x17F10]  }
0x195: {  	v4 =	vld [tilespmem:s12+$0x17F20]  }
0x196: {  	v6 =	vld [tilespmem:s12+$0x17F30];
	v5 =	vbroadcast v2, $0x0  }
0x197: {  	v7 =	vld [tilespmem:s12+$0x17F40]  }
0x198: {  	v8 =	vld [tilespmem:s12+$0x17F50];
	v1 =	vmul.f32 v5, v1  }
0x199: {  	v9 =	vld [tilespmem:s12+$0x17F60];
	v3 =	vmul.f32 v3, v5  }
0x19a: {  	[tilespmem:s12+$0x17F00] =	vst v1;
	v1 =	vmul.f32 v4, v5  }
0x19b: {  	[tilespmem:s12+$0x17F10] =	vst v3;
	v3 =	vmul.f32 v6, v5  }
0x19c: {  	[tilespmem:s12+$0x17F20] =	vst v1;
	v1 =	vmul.f32 v7, v5  }
0x19d: {  	[tilespmem:s12+$0x17F30] =	vst v3;
	v3 =	vmul.f32 v8, v5  }
0x19e: {  	[tilespmem:s12+$0x17F40] =	vst v1;
	v1 =	vmul.f32 v9, v5  }
0x19f: {  	[tilespmem:s12+$0x17F50] =	vst v3  }
0x1a0: {  	[tilespmem:s12+$0x17F60] =	vst v1  }
0x1a1: {  	v1 =	vld [tilespmem:s12+$0x17F70]  }
0x1a2: {  	v3 =	vld [tilespmem:s12+$0x17F80]  }
0x1a3: {  	v46 =	vld [tilespmem:s12+$0x17F90]  }
0x1a4: {  	v47 =	vld [tilespmem:s12+$0x17FA0]  }
0x1a5: {  	v48 =	vld [tilespmem:s12+$0x17FB0]  }
0x1a6: {  	v49 =	vbroadcast v2, $0x1;
	v50 =	vld [tilespmem:s12+$0x17FC0]  }
0x1a7: {  	v51 =	vld [tilespmem:s12+$0x17FD0];
	v1 =	vmul.f32 v1, v5  }
0x1a8: {  	v10 =	vld [tilespmem:s12+$0x17FE0];
	v3 =	vmul.f32 v3, v49  }
0x1a9: {  	v52 =	vld [tilespmem:s12+$0x17FF0];
	[tilespmem:s12+$0x17F70] =	vst v1;
	v1 =	vmul.f32 v46, v49  }
0x1aa: {  	v53 =	vld [tilespmem:s12+$0x18000];
	[tilespmem:s12+$0x17F80] =	vst v3;
	v3 =	vmul.f32 v47, v49  }
0x1ab: {  	v54 =	vld [tilespmem:s12+$0x18010];
	[tilespmem:s12+$0x17F90] =	vst v1;
	v1 =	vmul.f32 v48, v49  }
0x1ac: {  	v55 =	vld [tilespmem:s12+$0x18020];
	[tilespmem:s12+$0x17FA0] =	vst v3;
	v3 =	vmul.f32 v50, v49  }
0x1ad: {  	v56 =	vld [tilespmem:s12+$0x18030];
	[tilespmem:s12+$0x17FB0] =	vst v1;
	v1 =	vmul.f32 v51, v49  }
0x1ae: {  	v57 =	vbroadcast v2, $0x2;
	v11 =	vld [tilespmem:s12+$0x18040];
	[tilespmem:s12+$0x17FC0] =	vst v3;
	v3 =	vmul.f32 v10, v49  }
0x1af: {  	v58 =	vld [tilespmem:s12+$0x18050];
	[tilespmem:s12+$0x17FD0] =	vst v1;
	v1 =	vmul.f32 v52, v49  }
0x1b0: {  	v59 =	vld [tilespmem:s12+$0x18060];
	[tilespmem:s12+$0x17FE0] =	vst v3;
	v3 =	vmul.f32 v53, v57  }
0x1b1: {  	v60 =	vld [tilespmem:s12+$0x18070];
	[tilespmem:s12+$0x17FF0] =	vst v1;
	v1 =	vmul.f32 v54, v57  }
0x1b2: {  	v61 =	vld [tilespmem:s12+$0x18080];
	[tilespmem:s12+$0x18000] =	vst v3;
	v3 =	vmul.f32 v55, v57  }
0x1b3: {  	v62 =	vld [tilespmem:s12+$0x18090];
	[tilespmem:s12+$0x18010] =	vst v1;
	v1 =	vmul.f32 v56, v57  }
0x1b4: {  	v63 =	vld [tilespmem:s12+$0x180A0];
	[tilespmem:s12+$0x18020] =	vst v3;
	v3 =	vmul.f32 v11, v57  }
0x1b5: {  	v12 =	vld [tilespmem:s12+$0x180B0];
	[tilespmem:s12+$0x18030] =	vst v1;
	v1 =	vmul.f32 v58, v57  }
0x1b6: {  	v13 =	vbroadcast v2, $0x3;
	v14 =	vld [tilespmem:s12+$0x180C0];
	[tilespmem:s12+$0x18040] =	vst v3;
	v3 =	vmul.f32 v59, v57  }
0x1b7: {  	v15 =	vld [tilespmem:s12+$0x180D0];
	[tilespmem:s12+$0x18050] =	vst v1;
	v1 =	vmul.f32 v60, v57  }
0x1b8: {  	v16 =	vld [tilespmem:s12+$0x180E0];
	[tilespmem:s12+$0x18060] =	vst v3;
	v3 =	vmul.f32 v61, v13  }
0x1b9: {  	v17 =	vld [tilespmem:s12+$0x180F0];
	[tilespmem:s12+$0x18070] =	vst v1;
	v1 =	vmul.f32 v62, v13  }
0x1ba: {  	v18 =	vld [tilespmem:s12+$0x18100];
	[tilespmem:s12+$0x18080] =	vst v3;
	v3 =	vmul.f32 v63, v13  }
0x1bb: {  	v19 =	vld [tilespmem:s12+$0x18110];
	[tilespmem:s12+$0x18090] =	vst v1;
	v1 =	vmul.f32 v12, v13  }
0x1bc: {  	v20 =	vld [tilespmem:s12+$0x18120];
	[tilespmem:s12+$0x180A0] =	vst v3;
	v3 =	vmul.f32 v14, v13  }
0x1bd: {  	v21 =	vld [tilespmem:s12+$0x18130];
	[tilespmem:s12+$0x180B0] =	vst v1;
	v1 =	vmul.f32 v15, v13  }
0x1be: {  	v22 =	vbroadcast v2, $0x4;
	v23 =	vld [tilespmem:s12+$0x18140];
	[tilespmem:s12+$0x180C0] =	vst v3;
	v3 =	vmul.f32 v16, v13  }
0x1bf: {  	v24 =	vld [tilespmem:s12+$0x18150];
	[tilespmem:s12+$0x180D0] =	vst v1;
	v1 =	vmul.f32 v17, v13  }
0x1c0: {  	v25 =	vld [tilespmem:s12+$0x18160];
	[tilespmem:s12+$0x180E0] =	vst v3;
	v3 =	vmul.f32 v18, v22  }
0x1c1: {  	v26 =	vld [tilespmem:s12+$0x18170];
	[tilespmem:s12+$0x180F0] =	vst v1;
	v1 =	vmul.f32 v19, v22  }
0x1c2: {  	v27 =	vld [tilespmem:s12+$0x18180];
	[tilespmem:s12+$0x18100] =	vst v3;
	v3 =	vmul.f32 v20, v22  }
0x1c3: {  	v28 =	vld [tilespmem:s12+$0x18190];
	[tilespmem:s12+$0x18110] =	vst v1;
	v1 =	vmul.f32 v21, v22  }
0x1c4: {  	v29 =	vld [tilespmem:s12+$0x181A0];
	[tilespmem:s12+$0x18120] =	vst v3;
	v3 =	vmul.f32 v23, v22  }
0x1c5: {  	v30 =	vld [tilespmem:s12+$0x181B0];
	[tilespmem:s12+$0x18130] =	vst v1;
	v1 =	vmul.f32 v24, v22  }
0x1c6: {  	v31 =	vbroadcast v2, $0x5;
	v32 =	vld [tilespmem:s12+$0x181C0];
	[tilespmem:s12+$0x18140] =	vst v3;
	v3 =	vmul.f32 v25, v22  }
0x1c7: {  	v33 =	vld [tilespmem:s12+$0x181D0];
	[tilespmem:s12+$0x18150] =	vst v1;
	v1 =	vmul.f32 v26, v22  }
0x1c8: {  	v34 =	vld [tilespmem:s12+$0x181E0];
	[tilespmem:s12+$0x18160] =	vst v3;
	v3 =	vmul.f32 v27, v31  }
0x1c9: {  	v35 =	vld [tilespmem:s12+$0x181F0];
	[tilespmem:s12+$0x18170] =	vst v1;
	v1 =	vmul.f32 v28, v31  }
0x1ca: {  	v36 =	vld [tilespmem:s12+$0x18200];
	[tilespmem:s12+$0x18180] =	vst v3;
	v3 =	vmul.f32 v29, v31  }
0x1cb: {  	v37 =	vld [tilespmem:s12+$0x18210];
	[tilespmem:s12+$0x18190] =	vst v1;
	v1 =	vmul.f32 v30, v31  }
0x1cc: {  	v38 =	vld [tilespmem:s12+$0x18220];
	[tilespmem:s12+$0x181A0] =	vst v3;
	v3 =	vmul.f32 v32, v31  }
0x1cd: {  	v39 =	vld [tilespmem:s12+$0x18230];
	[tilespmem:s12+$0x181B0] =	vst v1;
	v1 =	vmul.f32 v33, v31  }
0x1ce: {  	v40 =	vbroadcast v2, $0x6;
	v41 =	vld [tilespmem:s12+$0x18240];
	[tilespmem:s12+$0x181C0] =	vst v3;
	v3 =	vmul.f32 v34, v31  }
0x1cf: {  	v42 =	vld [tilespmem:s12+$0x18250];
	[tilespmem:s12+$0x181D0] =	vst v1;
	v1 =	vmul.f32 v35, v31  }
0x1d0: {  	v43 =	vld [tilespmem:s12+$0x18260];
	[tilespmem:s12+$0x181E0] =	vst v3;
	v3 =	vmul.f32 v36, v40  }
0x1d1: {  	v44 =	vld [tilespmem:s12+$0x18270];
	[tilespmem:s12+$0x181F0] =	vst v1;
	v1 =	vmul.f32 v37, v40  }
0x1d2: {  	v45 =	vld [tilespmem:s12+$0x18280];
	[tilespmem:s12+$0x18200] =	vst v3;
	v3 =	vmul.f32 v38, v40  }
0x1d3: {  	v46 =	vld [tilespmem:s12+$0x18290];
	[tilespmem:s12+$0x18210] =	vst v1;
	v1 =	vmul.f32 v39, v40  }
0x1d4: {  	v47 =	vld [tilespmem:s12+$0x182A0];
	[tilespmem:s12+$0x18220] =	vst v3;
	v3 =	vmul.f32 v41, v40  }
0x1d5: {  	v48 =	vld [tilespmem:s12+$0x182B0];
	[tilespmem:s12+$0x18230] =	vst v1;
	v1 =	vmul.f32 v42, v40  }
0x1d6: {  	v50 =	vld [tilespmem:s12+$0x182C0];
	v49 =	vbroadcast v2, $0x7;
	[tilespmem:s12+$0x18240] =	vst v3;
	v3 =	vmul.f32 v43, v40  }
0x1d7: {  	v51 =	vld [tilespmem:s12+$0x182D0];
	[tilespmem:s12+$0x18250] =	vst v1;
	v1 =	vmul.f32 v44, v40  }
0x1d8: {  	v52 =	vld [tilespmem:s12+$0x182E0];
	[tilespmem:s12+$0x18260] =	vst v3;
	v3 =	vmul.f32 v45, v49  }
0x1d9: {  	v53 =	vld [tilespmem:s12+$0x182F0];
	[tilespmem:s12+$0x18270] =	vst v1;
	v1 =	vmul.f32 v46, v49  }
0x1da: {  	v54 =	vld [tilespmem:s12+$0x18300];
	[tilespmem:s12+$0x18280] =	vst v3;
	v3 =	vmul.f32 v47, v49  }
0x1db: {  	v55 =	vld [tilespmem:s12+$0x18310];
	[tilespmem:s12+$0x18290] =	vst v1;
	v1 =	vmul.f32 v48, v49  }
0x1dc: {  	v56 =	vld [tilespmem:s12+$0x18320];
	[tilespmem:s12+$0x182A0] =	vst v3;
	v3 =	vmul.f32 v50, v49  }
0x1dd: {  	v59 =	vld [tilespmem:s12+$0x18340];
	[tilespmem:s12+$0x182B0] =	vst v1;
	v1 =	vmul.f32 v51, v49  }
0x1de: {  	v58 =	vbroadcast v2, $0x8;
	v57 =	vld [tilespmem:s12+$0x18330];
	[tilespmem:s12+$0x182C0] =	vst v3;
	v3 =	vmul.f32 v52, v49  }
0x1df: {  	v60 =	vld [tilespmem:s12+$0x18350];
	[tilespmem:s12+$0x182D0] =	vst v1;
	v1 =	vmul.f32 v53, v49  }
0x1e0: {  	v61 =	vld [tilespmem:s12+$0x18360];
	[tilespmem:s12+$0x182E0] =	vst v3;
	v3 =	vmul.f32 v54, v58  }
0x1e1: {  	v62 =	vld [tilespmem:s12+$0x18370];
	[tilespmem:s12+$0x182F0] =	vst v1;
	v1 =	vmul.f32 v55, v58  }
0x1e2: {  	v63 =	vld [tilespmem:s12+$0x18380];
	[tilespmem:s12+$0x18300] =	vst v3;
	v3 =	vmul.f32 v56, v58  }
0x1e3: {  	v12 =	vld [tilespmem:s12+$0x18390];
	[tilespmem:s12+$0x18310] =	vst v1;
	v1 =	vmul.f32 v57, v58  }
0x1e4: {  	v14 =	vld [tilespmem:s12+$0x183B0];
	[tilespmem:s12+$0x18320] =	vst v3;
	v3 =	vmul.f32 v59, v58  }
0x1e5: {  	v13 =	vld [tilespmem:s12+$0x183A0];
	[tilespmem:s12+$0x18330] =	vst v1;
	v1 =	vmul.f32 v60, v58  }
0x1e6: {  	v15 =	vbroadcast v2, $0x9;
	v16 =	vld [tilespmem:s12+$0x183C0];
	[tilespmem:s12+$0x18340] =	vst v3;
	v3 =	vmul.f32 v61, v58  }
0x1e7: {  	v17 =	vld [tilespmem:s12+$0x183D0];
	[tilespmem:s12+$0x18350] =	vst v1;
	v1 =	vmul.f32 v62, v58  }
0x1e8: {  	v18 =	vld [tilespmem:s12+$0x183E0];
	[tilespmem:s12+$0x18360] =	vst v3;
	v3 =	vmul.f32 v63, v15  }
0x1e9: {  	v19 =	vld [tilespmem:s12+$0x183F0];
	[tilespmem:s12+$0x18370] =	vst v1;
	v1 =	vmul.f32 v12, v15  }
0x1ea: {  	v20 =	vld [tilespmem:s12+$0x18400];
	[tilespmem:s12+$0x18380] =	vst v3;
	v3 =	vmul.f32 v13, v15  }
0x1eb: {  	v21 =	vld [tilespmem:s12+$0x18410];
	[tilespmem:s12+$0x18390] =	vst v1;
	v1 =	vmul.f32 v14, v15  }
0x1ec: {  	v23 =	vld [tilespmem:s12+$0x18430];
	[tilespmem:s12+$0x183A0] =	vst v3;
	v3 =	vmul.f32 v16, v15  }
0x1ed: {  	v22 =	vld [tilespmem:s12+$0x18420];
	[tilespmem:s12+$0x183B0] =	vst v1;
	v1 =	vmul.f32 v17, v15  }
0x1ee: {  	v24 =	vbroadcast v2, $0xA;
	v25 =	vld [tilespmem:s12+$0x18440];
	[tilespmem:s12+$0x183C0] =	vst v3;
	v3 =	vmul.f32 v18, v15  }
0x1ef: {  	v26 =	vld [tilespmem:s12+$0x18450];
	[tilespmem:s12+$0x183D0] =	vst v1;
	v1 =	vmul.f32 v19, v15  }
0x1f0: {  	v27 =	vld [tilespmem:s12+$0x18460];
	[tilespmem:s12+$0x183E0] =	vst v3;
	v3 =	vmul.f32 v20, v24  }
0x1f1: {  	v28 =	vld [tilespmem:s12+$0x18470];
	[tilespmem:s12+$0x183F0] =	vst v1;
	v1 =	vmul.f32 v21, v24  }
0x1f2: {  	v29 =	vld [tilespmem:s12+$0x18480];
	[tilespmem:s12+$0x18400] =	vst v3;
	v3 =	vmul.f32 v22, v24  }
0x1f3: {  	v30 =	vld [tilespmem:s12+$0x18490];
	[tilespmem:s12+$0x18410] =	vst v1;
	v1 =	vmul.f32 v23, v24  }
0x1f4: {  	v32 =	vld [tilespmem:s12+$0x184B0];
	[tilespmem:s12+$0x18420] =	vst v3;
	v3 =	vmul.f32 v25, v24  }
0x1f5: {  	v31 =	vld [tilespmem:s12+$0x184A0];
	[tilespmem:s12+$0x18430] =	vst v1;
	v1 =	vmul.f32 v26, v24  }
0x1f6: {  	v33 =	vbroadcast v2, $0xB;
	v34 =	vld [tilespmem:s12+$0x184C0];
	[tilespmem:s12+$0x18440] =	vst v3;
	v3 =	vmul.f32 v27, v24  }
0x1f7: {  	v35 =	vld [tilespmem:s12+$0x184D0];
	[tilespmem:s12+$0x18450] =	vst v1;
	v1 =	vmul.f32 v28, v24  }
0x1f8: {  	v36 =	vld [tilespmem:s12+$0x184E0];
	[tilespmem:s12+$0x18460] =	vst v3;
	v3 =	vmul.f32 v29, v33  }
0x1f9: {  	v37 =	vld [tilespmem:s12+$0x184F0];
	[tilespmem:s12+$0x18470] =	vst v1;
	v1 =	vmul.f32 v30, v33  }
0x1fa: {  	v38 =	vld [tilespmem:s12+$0x18500];
	[tilespmem:s12+$0x18480] =	vst v3;
	v3 =	vmul.f32 v31, v33  }
0x1fb: {  	v39 =	vld [tilespmem:s12+$0x18510];
	[tilespmem:s12+$0x18490] =	vst v1;
	v1 =	vmul.f32 v32, v33  }
0x1fc: {  	v41 =	vld [tilespmem:s12+$0x18530];
	[tilespmem:s12+$0x184A0] =	vst v3;
	v3 =	vmul.f32 v34, v33  }
0x1fd: {  	v40 =	vld [tilespmem:s12+$0x18520];
	[tilespmem:s12+$0x184B0] =	vst v1;
	v1 =	vmul.f32 v35, v33  }
0x1fe: {  	v42 =	vbroadcast v2, $0xC;
	v43 =	vld [tilespmem:s12+$0x18540];
	[tilespmem:s12+$0x184C0] =	vst v3;
	v3 =	vmul.f32 v36, v33  }
0x1ff: {  	v44 =	vld [tilespmem:s12+$0x18550];
	[tilespmem:s12+$0x184D0] =	vst v1;
	v1 =	vmul.f32 v37, v33  }
0x200: {  	v45 =	vld [tilespmem:s12+$0x18560];
	[tilespmem:s12+$0x184E0] =	vst v3;
	v3 =	vmul.f32 v38, v42  }
0x201: {  	v46 =	vld [tilespmem:s12+$0x18570];
	[tilespmem:s12+$0x184F0] =	vst v1;
	v1 =	vmul.f32 v39, v42  }
0x202: {  	v47 =	vld [tilespmem:s12+$0x18580];
	[tilespmem:s12+$0x18500] =	vst v3;
	v3 =	vmul.f32 v40, v42  }
0x203: {  	v48 =	vld [tilespmem:s12+$0x18590];
	[tilespmem:s12+$0x18510] =	vst v1;
	v1 =	vmul.f32 v41, v42  }
0x204: {  	v50 =	vld [tilespmem:s12+$0x185B0];
	[tilespmem:s12+$0x18520] =	vst v3;
	v3 =	vmul.f32 v43, v42  }
0x205: {  	v49 =	vld [tilespmem:s12+$0x185A0];
	[tilespmem:s12+$0x18530] =	vst v1;
	v1 =	vmul.f32 v44, v42  }
0x206: {  	v51 =	vbroadcast v2, $0xD;
	v52 =	vld [tilespmem:s12+$0x185C0];
	[tilespmem:s12+$0x18540] =	vst v3;
	v3 =	vmul.f32 v45, v42  }
0x207: {  	v53 =	vld [tilespmem:s12+$0x185D0];
	[tilespmem:s12+$0x18550] =	vst v1;
	v1 =	vmul.f32 v46, v42  }
0x208: {  	v54 =	vld [tilespmem:s12+$0x185E0];
	[tilespmem:s12+$0x18560] =	vst v3;
	v3 =	vmul.f32 v47, v51  }
0x209: {  	v55 =	vld [tilespmem:s12+$0x185F0];
	[tilespmem:s12+$0x18570] =	vst v1;
	v1 =	vmul.f32 v48, v51  }
0x20a: {  	v56 =	vld [tilespmem:s12+$0x18600];
	[tilespmem:s12+$0x18580] =	vst v3;
	v3 =	vmul.f32 v49, v51  }
0x20b: {  	v57 =	vld [tilespmem:s12+$0x18610];
	[tilespmem:s12+$0x18590] =	vst v1;
	v1 =	vmul.f32 v50, v51  }
0x20c: {  	v59 =	vld [tilespmem:s12+$0x18630];
	[tilespmem:s12+$0x185A0] =	vst v3;
	v3 =	vmul.f32 v52, v51  }
0x20d: {  	v58 =	vld [tilespmem:s12+$0x18620];
	[tilespmem:s12+$0x185B0] =	vst v1;
	v1 =	vmul.f32 v53, v51  }
0x20e: {  	v60 =	vbroadcast v2, $0xE;
	v61 =	vld [tilespmem:s12+$0x18640];
	[tilespmem:s12+$0x185C0] =	vst v3;
	v3 =	vmul.f32 v54, v51  }
0x20f: {  	v62 =	vld [tilespmem:s12+$0x18650];
	[tilespmem:s12+$0x185D0] =	vst v1;
	v1 =	vmul.f32 v55, v51  }
0x210: {  	v63 =	vld [tilespmem:s12+$0x18660];
	[tilespmem:s12+$0x185E0] =	vst v3;
	v3 =	vmul.f32 v56, v60  }
0x211: {  	v6 =	vmul.f32 v57, v60;
	v12 =	vld [tilespmem:s12+$0x18670];
	[tilespmem:s12+$0x185F0] =	vst v1  }
0x212: {  	s14 =	sor.u32 $0x800, s14;
	[tilespmem:s12+$0x18600] =	vst v3;
	v3 =	vmul.f32 v58, v60;
	v1 =	vld [tilespmem:s13+$0x13E90]  }
0x213: {  	v5 =	vmul.f32 v59, v60;
	v13 =	vld [tilespmem:s12+$0x18680];
	[tilespmem:s12+$0x18610] =	vst v6;
	s13 =	sand.u32 $0x3FFFF800, s14  }
0x214: {  	v14 =	vld [tilespmem:s13+$0x17F00];
	[tilespmem:s12+$0x18620] =	vst v3;
	v3 =	vmul.f32 v61, v60  }
0x215: {  	[tilespmem:s12+$0x18630] =	vst v5;
	v4 =	vmul.f32 v62, v60;
	v15 =	vld [tilespmem:s13+$0x17F10]  }
0x216: {  	v2 =	vbroadcast v2, $0xF;
	v16 =	vld [tilespmem:s13+$0x17F20];
	[tilespmem:s12+$0x18640] =	vst v3;
	v3 =	vmul.f32 v63, v60  }
0x217: {  	[tilespmem:s12+$0x18650] =	vst v4;
	v17 =	vmul.f32 v12, v60;
	v19 =	vld [tilespmem:s13+$0x17F30];
	v18 =	vbroadcast v1, $0x0  }
0x218: {  	v20 =	vld [tilespmem:s13+$0x17F40];
	[tilespmem:s12+$0x18660] =	vst v3;
	v3 =	vmul.f32 v13, v2  }
0x219: {  	[tilespmem:s12+$0x18670] =	vst v17;
	v22 =	vld [tilespmem:s13+$0x17F50];
	v21 =	vmul.f32 v18, v14  }
0x21a: {  	v23 =	vld [tilespmem:s13+$0x17F60];
	[tilespmem:s12+$0x18680] =	vst v3;
	v3 =	vmul.f32 v15, v18  }
0x21b: {  	v25 =	vld [tilespmem:s13+$0x17F70];
	v24 =	vmul.f32 v16, v18;
	[tilespmem:s13+$0x17F00] =	vst v21  }
0x21c: {  	v9 =	vmul.f32 v19, v18;
	[tilespmem:s13+$0x17F10] =	vst v3;
	v3 =	vld [tilespmem:s12+$0x18690]  }
0x21d: {  	v26 =	vld [tilespmem:s12+$0x186A0];
	v6 =	vmul.f32 v20, v18;
	[tilespmem:s13+$0x17F20] =	vst v24  }
0x21e: {  	v27 =	vld [tilespmem:s12+$0x186B0];
	v10 =	vmul.f32 v22, v18;
	[tilespmem:s13+$0x17F30] =	vst v9  }
0x21f: {  	v28 =	vld [tilespmem:s12+$0x186C0];
	v5 =	vmul.f32 v23, v18;
	[tilespmem:s13+$0x17F40] =	vst v6  }
0x220: {  	v29 =	vld [tilespmem:s12+$0x186D0];
	v7 =	vmul.f32 v25, v18;
	[tilespmem:s13+$0x17F50] =	vst v10  }
0x221: {  	v30 =	vld [tilespmem:s12+$0x186E0];
	[tilespmem:s13+$0x17F60] =	vst v5;
	v3 =	vmul.f32 v3, v2  }
0x222: {  	v31 =	vld [tilespmem:s12+$0x186F0];
	v4 =	vmul.f32 v26, v2;
	[tilespmem:s13+$0x17F70] =	vst v7  }
0x223: {  	v7 =	vld [tilespmem:s12+$0x18780];
	[tilespmem:s12+$0x18690] =	vst v3;
	v3 =	vmul.f32 v27, v2  }
0x224: {  	[tilespmem:s12+$0x186A0] =	vst v4;
	v32 =	vmul.f32 v28, v2;
	v33 =	vld [tilespmem:s12+$0x18790]  }
0x225: {  	v34 =	vld [tilespmem:s12+$0x187A0];
	[tilespmem:s12+$0x186B0] =	vst v3;
	v3 =	vmul.f32 v29, v2  }
0x226: {  	[tilespmem:s12+$0x186C0] =	vst v32;
	v35 =	vmul.f32 v30, v2;
	v36 =	vbroadcast v1, $0x1;
	v37 =	vld [tilespmem:s12+$0x187B0]  }
0x227: {  	v2 =	vmul.f32 v31, v2;
	[tilespmem:s12+$0x186D0] =	vst v3;
	v3 =	vld [tilespmem:s12+$0x187C0]  }
0x228: {  	[tilespmem:s12+$0x186E0] =	vst v35;
	v39 =	vld [tilespmem:s12+$0x187D0];
	v38 =	vmul.f32 v7, v36  }
0x229: {  	v40 =	vld [tilespmem:s12+$0x187E0];
	[tilespmem:s12+$0x186F0] =	vst v2;
	v2 =	vmul.f32 v33, v36  }
0x22a: {  	v42 =	vld [tilespmem:s12+$0x187F0];
	v41 =	vmul.f32 v34, v36;
	[tilespmem:s12+$0x18780] =	vst v38  }
0x22b: {  	v43 =	vld [tilespmem:s12+$0x18800];
	[tilespmem:s12+$0x18790] =	vst v2;
	v2 =	vmul.f32 v37, v36  }
0x22c: {  	v44 =	vld [tilespmem:s12+$0x18810];
	[tilespmem:s12+$0x187A0] =	vst v41;
	v3 =	vmul.f32 v3, v36  }
0x22d: {  	v45 =	vld [tilespmem:s12+$0x18820];
	[tilespmem:s12+$0x187B0] =	vst v2;
	v2 =	vmul.f32 v39, v36  }
0x22e: {  	v46 =	vbroadcast v1, $0x2;
	v47 =	vld [tilespmem:s12+$0x18830];
	[tilespmem:s12+$0x187C0] =	vst v3;
	v3 =	vmul.f32 v40, v36  }
0x22f: {  	v48 =	vld [tilespmem:s12+$0x18840];
	[tilespmem:s12+$0x187D0] =	vst v2;
	v2 =	vmul.f32 v42, v36  }
0x230: {  	v49 =	vld [tilespmem:s12+$0x18850];
	[tilespmem:s12+$0x187E0] =	vst v3;
	v3 =	vmul.f32 v43, v46  }
0x231: {  	v50 =	vld [tilespmem:s12+$0x18860];
	[tilespmem:s12+$0x187F0] =	vst v2;
	v2 =	vmul.f32 v44, v46  }
0x232: {  	v51 =	vld [tilespmem:s12+$0x18870];
	[tilespmem:s12+$0x18800] =	vst v3;
	v3 =	vmul.f32 v45, v46  }
0x233: {  	v52 =	vld [tilespmem:s12+$0x18880];
	[tilespmem:s12+$0x18810] =	vst v2;
	v2 =	vmul.f32 v47, v46  }
0x234: {  	v53 =	vld [tilespmem:s12+$0x18890];
	[tilespmem:s12+$0x18820] =	vst v3;
	v3 =	vmul.f32 v48, v46  }
0x235: {  	v54 =	vld [tilespmem:s12+$0x188A0];
	[tilespmem:s12+$0x18830] =	vst v2;
	v2 =	vmul.f32 v49, v46  }
0x236: {  	v55 =	vbroadcast v1, $0x3;
	v56 =	vld [tilespmem:s12+$0x188B0];
	[tilespmem:s12+$0x18840] =	vst v3;
	v3 =	vmul.f32 v50, v46  }
0x237: {  	v57 =	vld [tilespmem:s12+$0x188C0];
	[tilespmem:s12+$0x18850] =	vst v2;
	v2 =	vmul.f32 v51, v46  }
0x238: {  	v58 =	vld [tilespmem:s12+$0x188D0];
	[tilespmem:s12+$0x18860] =	vst v3;
	v3 =	vmul.f32 v52, v55  }
0x239: {  	v59 =	vld [tilespmem:s12+$0x188E0];
	[tilespmem:s12+$0x18870] =	vst v2;
	v2 =	vmul.f32 v53, v55  }
0x23a: {  	v60 =	vld [tilespmem:s12+$0x188F0];
	[tilespmem:s12+$0x18880] =	vst v3;
	v3 =	vmul.f32 v54, v55  }
0x23b: {  	v61 =	vld [tilespmem:s12+$0x18900];
	[tilespmem:s12+$0x18890] =	vst v2;
	v2 =	vmul.f32 v56, v55  }
0x23c: {  	v62 =	vld [tilespmem:s12+$0x18910];
	[tilespmem:s12+$0x188A0] =	vst v3;
	v3 =	vmul.f32 v57, v55  }
0x23d: {  	v63 =	vld [tilespmem:s12+$0x18920];
	[tilespmem:s12+$0x188B0] =	vst v2;
	v2 =	vmul.f32 v58, v55  }
0x23e: {  	v12 =	vbroadcast v1, $0x4;
	v13 =	vld [tilespmem:s12+$0x18930];
	[tilespmem:s12+$0x188C0] =	vst v3;
	v3 =	vmul.f32 v59, v55  }
0x23f: {  	v14 =	vld [tilespmem:s12+$0x18940];
	[tilespmem:s12+$0x188D0] =	vst v2;
	v2 =	vmul.f32 v60, v55  }
0x240: {  	v15 =	vld [tilespmem:s12+$0x18950];
	[tilespmem:s12+$0x188E0] =	vst v3;
	v3 =	vmul.f32 v61, v12  }
0x241: {  	v16 =	vld [tilespmem:s12+$0x18960];
	[tilespmem:s12+$0x188F0] =	vst v2;
	v2 =	vmul.f32 v62, v12  }
0x242: {  	v17 =	vld [tilespmem:s12+$0x18970];
	[tilespmem:s12+$0x18900] =	vst v3;
	v3 =	vmul.f32 v63, v12  }
0x243: {  	v18 =	vld [tilespmem:s12+$0x18980];
	[tilespmem:s12+$0x18910] =	vst v2;
	v2 =	vmul.f32 v13, v12  }
0x244: {  	v19 =	vld [tilespmem:s12+$0x18990];
	[tilespmem:s12+$0x18920] =	vst v3;
	v3 =	vmul.f32 v14, v12  }
0x245: {  	v20 =	vld [tilespmem:s12+$0x189A0];
	[tilespmem:s12+$0x18930] =	vst v2;
	v2 =	vmul.f32 v15, v12  }
0x246: {  	v21 =	vbroadcast v1, $0x5;
	v22 =	vld [tilespmem:s12+$0x189B0];
	[tilespmem:s12+$0x18940] =	vst v3;
	v3 =	vmul.f32 v16, v12  }
0x247: {  	v23 =	vld [tilespmem:s12+$0x189C0];
	[tilespmem:s12+$0x18950] =	vst v2;
	v2 =	vmul.f32 v17, v12  }
0x248: {  	v24 =	vld [tilespmem:s12+$0x189D0];
	[tilespmem:s12+$0x18960] =	vst v3;
	v3 =	vmul.f32 v18, v21  }
0x249: {  	v25 =	vld [tilespmem:s12+$0x189E0];
	[tilespmem:s12+$0x18970] =	vst v2;
	v2 =	vmul.f32 v19, v21  }
0x24a: {  	v26 =	vld [tilespmem:s12+$0x189F0];
	[tilespmem:s12+$0x18980] =	vst v3;
	v3 =	vmul.f32 v20, v21  }
0x24b: {  	v27 =	vld [tilespmem:s12+$0x18A00];
	[tilespmem:s12+$0x18990] =	vst v2;
	v2 =	vmul.f32 v22, v21  }
0x24c: {  	v28 =	vld [tilespmem:s12+$0x18A10];
	[tilespmem:s12+$0x189A0] =	vst v3;
	v3 =	vmul.f32 v23, v21  }
0x24d: {  	v29 =	vld [tilespmem:s12+$0x18A20];
	[tilespmem:s12+$0x189B0] =	vst v2;
	v2 =	vmul.f32 v24, v21  }
0x24e: {  	v30 =	vbroadcast v1, $0x6;
	v31 =	vld [tilespmem:s12+$0x18A30];
	[tilespmem:s12+$0x189C0] =	vst v3;
	v3 =	vmul.f32 v25, v21  }
0x24f: {  	v32 =	vld [tilespmem:s12+$0x18A40];
	[tilespmem:s12+$0x189D0] =	vst v2;
	v2 =	vmul.f32 v26, v21  }
0x250: {  	v33 =	vld [tilespmem:s12+$0x18A50];
	[tilespmem:s12+$0x189E0] =	vst v3;
	v3 =	vmul.f32 v27, v30  }
0x251: {  	v34 =	vld [tilespmem:s12+$0x18A60];
	[tilespmem:s12+$0x189F0] =	vst v2;
	v2 =	vmul.f32 v28, v30  }
0x252: {  	v35 =	vld [tilespmem:s12+$0x18A70];
	[tilespmem:s12+$0x18A00] =	vst v3;
	v3 =	vmul.f32 v29, v30  }
0x253: {  	v36 =	vld [tilespmem:s12+$0x18A80];
	[tilespmem:s12+$0x18A10] =	vst v2;
	v2 =	vmul.f32 v31, v30  }
0x254: {  	v37 =	vld [tilespmem:s12+$0x18A90];
	[tilespmem:s12+$0x18A20] =	vst v3;
	v3 =	vmul.f32 v32, v30  }
0x255: {  	v38 =	vld [tilespmem:s12+$0x18AA0];
	[tilespmem:s12+$0x18A30] =	vst v2;
	v2 =	vmul.f32 v33, v30  }
0x256: {  	v39 =	vbroadcast v1, $0x7;
	v40 =	vld [tilespmem:s12+$0x18AB0];
	[tilespmem:s12+$0x18A40] =	vst v3;
	v3 =	vmul.f32 v34, v30  }
0x257: {  	v41 =	vld [tilespmem:s12+$0x18AC0];
	[tilespmem:s12+$0x18A50] =	vst v2;
	v2 =	vmul.f32 v35, v30  }
0x258: {  	v42 =	vld [tilespmem:s12+$0x18AD0];
	[tilespmem:s12+$0x18A60] =	vst v3;
	v3 =	vmul.f32 v36, v39  }
0x259: {  	v43 =	vld [tilespmem:s12+$0x18AE0];
	[tilespmem:s12+$0x18A70] =	vst v2;
	v2 =	vmul.f32 v37, v39  }
0x25a: {  	v44 =	vld [tilespmem:s12+$0x18AF0];
	[tilespmem:s12+$0x18A80] =	vst v3;
	v3 =	vmul.f32 v38, v39  }
0x25b: {  	v45 =	vld [tilespmem:s12+$0x18B00];
	[tilespmem:s12+$0x18A90] =	vst v2;
	v2 =	vmul.f32 v40, v39  }
0x25c: {  	v46 =	vld [tilespmem:s12+$0x18B10];
	[tilespmem:s12+$0x18AA0] =	vst v3;
	v3 =	vmul.f32 v41, v39  }
0x25d: {  	v47 =	vld [tilespmem:s12+$0x18B20];
	[tilespmem:s12+$0x18AB0] =	vst v2;
	v2 =	vmul.f32 v42, v39  }
0x25e: {  	v49 =	vld [tilespmem:s12+$0x18B30];
	v48 =	vbroadcast v1, $0x8;
	[tilespmem:s12+$0x18AC0] =	vst v3;
	v3 =	vmul.f32 v43, v39  }
0x25f: {  	v50 =	vld [tilespmem:s12+$0x18B40];
	[tilespmem:s12+$0x18AD0] =	vst v2;
	v2 =	vmul.f32 v44, v39  }
0x260: {  	v51 =	vld [tilespmem:s12+$0x18B50];
	[tilespmem:s12+$0x18AE0] =	vst v3;
	v3 =	vmul.f32 v45, v48  }
0x261: {  	v52 =	vld [tilespmem:s12+$0x18B60];
	[tilespmem:s12+$0x18AF0] =	vst v2;
	v2 =	vmul.f32 v46, v48  }
0x262: {  	v53 =	vld [tilespmem:s12+$0x18B70];
	[tilespmem:s12+$0x18B00] =	vst v3;
	v3 =	vmul.f32 v47, v48  }
0x263: {  	v54 =	vld [tilespmem:s12+$0x18B80];
	[tilespmem:s12+$0x18B10] =	vst v2;
	v2 =	vmul.f32 v49, v48  }
0x264: {  	v55 =	vld [tilespmem:s12+$0x18B90];
	[tilespmem:s12+$0x18B20] =	vst v3;
	v3 =	vmul.f32 v50, v48  }
0x265: {  	v56 =	vld [tilespmem:s12+$0x18BA0];
	[tilespmem:s12+$0x18B30] =	vst v2;
	v2 =	vmul.f32 v51, v48  }
0x266: {  	v58 =	vld [tilespmem:s12+$0x18BB0];
	v57 =	vbroadcast v1, $0x9;
	[tilespmem:s12+$0x18B40] =	vst v3;
	v3 =	vmul.f32 v52, v48  }
0x267: {  	v59 =	vld [tilespmem:s12+$0x18BC0];
	[tilespmem:s12+$0x18B50] =	vst v2;
	v2 =	vmul.f32 v53, v48  }
0x268: {  	v60 =	vld [tilespmem:s12+$0x18BD0];
	[tilespmem:s12+$0x18B60] =	vst v3;
	v3 =	vmul.f32 v54, v57  }
0x269: {  	v61 =	vld [tilespmem:s12+$0x18BE0];
	[tilespmem:s12+$0x18B70] =	vst v2;
	v2 =	vmul.f32 v55, v57  }
0x26a: {  	v62 =	vld [tilespmem:s12+$0x18BF0];
	[tilespmem:s12+$0x18B80] =	vst v3;
	v3 =	vmul.f32 v56, v57  }
0x26b: {  	v63 =	vld [tilespmem:s12+$0x18C00];
	[tilespmem:s12+$0x18B90] =	vst v2;
	v2 =	vmul.f32 v58, v57  }
0x26c: {  	v12 =	vld [tilespmem:s12+$0x18C10];
	[tilespmem:s12+$0x18BA0] =	vst v3;
	v3 =	vmul.f32 v59, v57  }
0x26d: {  	v13 =	vld [tilespmem:s12+$0x18C20];
	[tilespmem:s12+$0x18BB0] =	vst v2;
	v2 =	vmul.f32 v60, v57  }
0x26e: {  	v15 =	vld [tilespmem:s12+$0x18C30];
	v14 =	vbroadcast v1, $0xA;
	[tilespmem:s12+$0x18BC0] =	vst v3;
	v3 =	vmul.f32 v61, v57  }
0x26f: {  	v16 =	vld [tilespmem:s12+$0x18C40];
	[tilespmem:s12+$0x18BD0] =	vst v2;
	v2 =	vmul.f32 v62, v57  }
0x270: {  	v17 =	vld [tilespmem:s12+$0x18C50];
	[tilespmem:s12+$0x18BE0] =	vst v3;
	v3 =	vmul.f32 v63, v14  }
0x271: {  	v18 =	vld [tilespmem:s12+$0x18C60];
	[tilespmem:s12+$0x18BF0] =	vst v2;
	v2 =	vmul.f32 v12, v14  }
0x272: {  	v19 =	vld [tilespmem:s12+$0x18C70];
	[tilespmem:s12+$0x18C00] =	vst v3;
	v3 =	vmul.f32 v13, v14  }
0x273: {  	v20 =	vld [tilespmem:s12+$0x18C80];
	[tilespmem:s12+$0x18C10] =	vst v2;
	v2 =	vmul.f32 v15, v14  }
0x274: {  	v21 =	vld [tilespmem:s12+$0x18C90];
	[tilespmem:s12+$0x18C20] =	vst v3;
	v3 =	vmul.f32 v16, v14  }
0x275: {  	v22 =	vld [tilespmem:s12+$0x18CA0];
	[tilespmem:s12+$0x18C30] =	vst v2;
	v2 =	vmul.f32 v17, v14  }
0x276: {  	v24 =	vld [tilespmem:s12+$0x18CB0];
	v23 =	vbroadcast v1, $0xB;
	[tilespmem:s12+$0x18C40] =	vst v3;
	v3 =	vmul.f32 v18, v14  }
0x277: {  	v25 =	vld [tilespmem:s12+$0x18CC0];
	[tilespmem:s12+$0x18C50] =	vst v2;
	v2 =	vmul.f32 v19, v14  }
0x278: {  	v26 =	vld [tilespmem:s12+$0x18CD0];
	[tilespmem:s12+$0x18C60] =	vst v3;
	v3 =	vmul.f32 v20, v23  }
0x279: {  	v27 =	vld [tilespmem:s12+$0x18CE0];
	[tilespmem:s12+$0x18C70] =	vst v2;
	v2 =	vmul.f32 v21, v23  }
0x27a: {  	v28 =	vld [tilespmem:s12+$0x18CF0];
	[tilespmem:s12+$0x18C80] =	vst v3;
	v3 =	vmul.f32 v22, v23  }
0x27b: {  	v29 =	vld [tilespmem:s12+$0x18D00];
	[tilespmem:s12+$0x18C90] =	vst v2;
	v2 =	vmul.f32 v24, v23  }
0x27c: {  	v30 =	vld [tilespmem:s12+$0x18D10];
	[tilespmem:s12+$0x18CA0] =	vst v3;
	v3 =	vmul.f32 v25, v23  }
0x27d: {  	v31 =	vld [tilespmem:s12+$0x18D20];
	[tilespmem:s12+$0x18CB0] =	vst v2;
	v2 =	vmul.f32 v26, v23  }
0x27e: {  	v33 =	vld [tilespmem:s12+$0x18D30];
	v32 =	vbroadcast v1, $0xC;
	[tilespmem:s12+$0x18CC0] =	vst v3;
	v3 =	vmul.f32 v27, v23  }
0x27f: {  	v34 =	vld [tilespmem:s12+$0x18D40];
	[tilespmem:s12+$0x18CD0] =	vst v2;
	v2 =	vmul.f32 v28, v23  }
0x280: {  	v35 =	vld [tilespmem:s12+$0x18D50];
	[tilespmem:s12+$0x18CE0] =	vst v3;
	v3 =	vmul.f32 v29, v32  }
0x281: {  	v36 =	vld [tilespmem:s12+$0x18D60];
	[tilespmem:s12+$0x18CF0] =	vst v2;
	v2 =	vmul.f32 v30, v32  }
0x282: {  	v37 =	vld [tilespmem:s12+$0x18D70];
	[tilespmem:s12+$0x18D00] =	vst v3;
	v3 =	vmul.f32 v31, v32  }
0x283: {  	v38 =	vld [tilespmem:s12+$0x18D80];
	[tilespmem:s12+$0x18D10] =	vst v2;
	v2 =	vmul.f32 v33, v32  }
0x284: {  	v39 =	vld [tilespmem:s12+$0x18D90];
	[tilespmem:s12+$0x18D20] =	vst v3;
	v3 =	vmul.f32 v34, v32  }
0x285: {  	v40 =	vld [tilespmem:s12+$0x18DA0];
	[tilespmem:s12+$0x18D30] =	vst v2;
	v2 =	vmul.f32 v35, v32  }
0x286: {  	v42 =	vld [tilespmem:s12+$0x18DB0];
	v41 =	vbroadcast v1, $0xD;
	[tilespmem:s12+$0x18D40] =	vst v3;
	v3 =	vmul.f32 v36, v32  }
0x287: {  	v43 =	vld [tilespmem:s12+$0x18DC0];
	[tilespmem:s12+$0x18D50] =	vst v2;
	v2 =	vmul.f32 v37, v32  }
0x288: {  	v44 =	vld [tilespmem:s12+$0x18DD0];
	[tilespmem:s12+$0x18D60] =	vst v3;
	v3 =	vmul.f32 v38, v41  }
0x289: {  	v45 =	vld [tilespmem:s12+$0x18DE0];
	[tilespmem:s12+$0x18D70] =	vst v2;
	v2 =	vmul.f32 v39, v41  }
0x28a: {  	v46 =	vld [tilespmem:s12+$0x18DF0];
	[tilespmem:s12+$0x18D80] =	vst v3;
	v3 =	vmul.f32 v40, v41  }
0x28b: {  	v47 =	vld [tilespmem:s12+$0x18E00];
	[tilespmem:s12+$0x18D90] =	vst v2;
	v2 =	vmul.f32 v42, v41  }
0x28c: {  	v48 =	vld [tilespmem:s12+$0x18E10];
	[tilespmem:s12+$0x18DA0] =	vst v3;
	v3 =	vmul.f32 v43, v41  }
0x28d: {  	v49 =	vld [tilespmem:s12+$0x18E20];
	[tilespmem:s12+$0x18DB0] =	vst v2;
	v2 =	vmul.f32 v44, v41  }
0x28e: {  	v51 =	vld [tilespmem:s12+$0x18E30];
	v50 =	vbroadcast v1, $0xE;
	[tilespmem:s12+$0x18DC0] =	vst v3;
	v3 =	vmul.f32 v45, v41  }
0x28f: {  	v52 =	vld [tilespmem:s12+$0x18E40];
	[tilespmem:s12+$0x18DD0] =	vst v2;
	v2 =	vmul.f32 v46, v41  }
0x290: {  	v53 =	vld [tilespmem:s12+$0x18E50];
	[tilespmem:s12+$0x18DE0] =	vst v3;
	v3 =	vmul.f32 v47, v50  }
0x291: {  	v54 =	vld [tilespmem:s12+$0x18E60];
	[tilespmem:s12+$0x18DF0] =	vst v2;
	v2 =	vmul.f32 v48, v50  }
0x292: {  	v55 =	vld [tilespmem:s12+$0x18E70];
	[tilespmem:s12+$0x18E00] =	vst v3;
	v3 =	vmul.f32 v49, v50  }
0x293: {  	v56 =	vld [tilespmem:s12+$0x18E80];
	[tilespmem:s12+$0x18E10] =	vst v2;
	v2 =	vmul.f32 v51, v50  }
0x294: {  	v57 =	vld [tilespmem:s12+$0x18E90];
	[tilespmem:s12+$0x18E20] =	vst v3;
	v3 =	vmul.f32 v52, v50  }
0x295: {  	v58 =	vld [tilespmem:s12+$0x18EA0];
	[tilespmem:s12+$0x18E30] =	vst v2;
	v2 =	vmul.f32 v53, v50  }
0x296: {  	v1 =	vbroadcast v1, $0xF;
	v59 =	vld [tilespmem:s12+$0x18EB0];
	[tilespmem:s12+$0x18E40] =	vst v3;
	v3 =	vmul.f32 v54, v50  }
0x297: {  	v60 =	vld [tilespmem:s12+$0x18EC0];
	[tilespmem:s12+$0x18E50] =	vst v2;
	v2 =	vmul.f32 v55, v50  }
0x298: {  	v61 =	vld [tilespmem:s12+$0x18ED0];
	[tilespmem:s12+$0x18E60] =	vst v3;
	v3 =	vmul.f32 v56, v1  }
0x299: {  	v62 =	vld [tilespmem:s12+$0x18EE0];
	[tilespmem:s12+$0x18E70] =	vst v2;
	v2 =	vmul.f32 v57, v1  }
0x29a: {  	v63 =	vld [tilespmem:s12+$0x18EF0];
	[tilespmem:s12+$0x18E80] =	vst v3;
	v3 =	vmul.f32 v58, v1  }
0x29b: {  	[tilespmem:s12+$0x18E90] =	vst v2;
	v2 =	vmul.f32 v59, v1  }
0x29c: {  	p0 =	slt.u32 s11, $0x6;
	[tilespmem:s12+$0x18EA0] =	vst v3;
	v3 =	vmul.f32 v60, v1  }
.Ltmp2:
0x29d: {  	[tilespmem:s12+$0x18EB0] =	vst v2;
	v2 =	vmul.f32 v61, v1;
	(pc) =	sbr.rel @p0 .LBB2_7-.Ltmp2, $4  }
0x29e: {  	[tilespmem:s12+$0x18EC0] =	vst v3;
	v3 =	vmul.f32 v62, v1  }
0x29f: {  	[tilespmem:s12+$0x18ED0] =	vst v2;
	v1 =	vmul.f32 v63, v1  }
0x2a0: {  	s15 =	sadd.s32 $0x2, s11;
	[tilespmem:s12+$0x18EE0] =	vst v3  }
0x2a1: {  	s11 =	smov.u32 s15;
	[tilespmem:s12+$0x18EF0] =	vst v1  }
0x2a2: {  	s10 =	sadd.s32 $0x1, s10  }
0x2a3: {  	p0 =	sne.s32 s10, $0x28  }
.Ltmp3:
0x2a4: {  	_ = 	snop;
	(pc) =	sbr.rel @p0 .LBB2_4-.Ltmp3, $2  }
0x2a5: {  	_ =	sdelay $0x2  }
0x2a6: {  	[spmem:s4] =	stream.indirect.scatter.add.f32 [tilespmem:s31], [sflag:$0x4], $0x80, s28, s26, $0xb8;
	[tilespmem:$0x1BF00] =	vst v63  }
0x2a7: {  	_ =	swait.ge [sflag:s5], $0x4000  }
0x2a8: {  	[sflag:s5] =	ssyncset.done $0x0  }
0x2a9: {  	[sflag:s5] =	ssyncadd.s32 $0xFFFFC000  }
0x2aa: {  	s9 =	stileid.u32;
	_ =	swait.ge [sflag:s23], $0x4000  }
0x2ab: {  	s10 =	sshrl.u32 s8, $0x3;
	s6 =	sadd.s32 $0x1, s6;
	[sflag:s23] =	ssyncset.done $0x0  }
0x2ac: {  	s9 =	sshll.u32 s9, $0x6;
	p0 =	sne.s32 s6, s19;
	[sflag:s23] =	ssyncadd.s32 $0xFFFFC000  }
.Ltmp4:
0x2ad: {  	s9 =	sor.u32 $0x1C06, s9;
	[bflag:$0x0] =	sbarrier.arrive $0xFFFF;
	(pc) =	sbr.rel @p0 .LBB2_1-.Ltmp4, $4  }
0x2ae: {  	[hbm:s18], [sflag:s9] =	dma.local [spmem:s10], $0x2780  }
0x2af: {  	_ =	swait.ge [sflag:s21], $0x2780  }
0x2b0: {  	[sflag:s21] =	ssyncset.done $0x0  }
0x2b1: {  	[sflag:s21] =	ssyncadd.s32 $0xFFFFD880  }
0x2b2: {  	_ =	sfence.sel $0x180000  }
0x2b3: {  	[bflag:$0x0] =	sbarrier.arrive $0xFFFF  }
0x2b4: {  	_ =	strace $0x90000047  }
0x2b5: {  	s0 =	stileid.u32;
	[bflag:$0x2] =	sbarrier.arrive $0xFFFF  }
0x2b6: {  	p0 =	sne.s32 s0, $0x0;
	s0 =	rddreg [dreg:$0x4]  }
0x2b7: {  	s0 =	sadd.s32 @!p0 $0x100000, s0  }
0x2b8: {  	[sflag:s0] =	ssyncadd.tile.s32 @!p0 $0x1;
	_ =	shalt  }
.Lfunc_end2:
_tile_overlayer_lowered:
.L_overlay_start_2:
0x2b9: {  	(tag) =	ssettag $0x2  }
0x2ba: {  	s0 =	rddreg [dreg:$0x0];
	s2 =	stileid.u32  }
0x2bb: {  	s1 =	rddreg [dreg:$0x1];
	p0 =	sne.s32 s2, $0x0  }
0x2bc: {  	s3 =	rddreg [dreg:$0x2];
	[bflag:$0x3] =	sbarrier.arrive $0xFFFF;
	s2 =	simm.s32 @!p0 $0x1C06  }
0x2bd: {  	[timem:s3], [sflag:s2] =	dma.local @!p0 [hbm:s0], s1  }
0x2be: {  	s0 =	simm.s32 @!p0 $0x6  }
0x2bf: {  	_ =	swait.ge @!p0 [sflag:s0], s1  }
0x2c0: {  	s1 =	ssub.s32 @!p0 $0x0, s1;
	[sflag:s0] =	ssyncset.done @!p0 $0x0  }
0x2c1: {  	[sflag:s0] =	ssyncadd.s32 @!p0 s1  }
0x2c2: {  	[bflag:$0x3] =	sbarrier.arrive $0xFFFF  }
0x2c3: {  	_ =	shalt  }

</sc_bundles>
